<compile_context>
chip_gen: v7x
topology: tpu7x:2x2x1
jax: 0.10.2.dev20260603
libtpu: 0.0.44.dev20260713+nightly
codegen_flags: <defaults>
</compile_context>

<pallas_src>
import functools

import jax
import jax.numpy as jnp
from jax import lax
from jax.experimental import pallas as pl
from jax.experimental.pallas import tpu as pltpu
from jax.experimental.pallas import tpu_sc as plsc

N = 10000
E = 160000
DIN = 128
DE = 16
DH = 128
DL = 64

NC = 2
NS = 16
NW = NC * NS
CK1 = 40
EPW = E // NW
NPAD = 10240
RPT = NPAD // NS

_SC_MESH = dict(core_axis_name="c", subcore_axis_name="s",
                num_cores=NC, num_subcores=NS)


def _zero_vmem_2d(ref, rows, cols):
    zv = jnp.zeros((16,), jnp.float32)

    def body(i, _):
        for j in range(cols // 16):
            ref[i, pl.ds(j * 16, 16)] = zv
        return 0

    lax.fori_loop(0, rows, body, 0, unroll=False)


def _copy_rows(src_at, dst_at, chunk):
    for k in range(RPT // chunk):
        pltpu.sync_copy(src_at(k * chunk, chunk), dst_at(k * chunk, chunk))


NCHUNK = EPW // CK1


def _sc_gather_pass(table, src_idx, dst3, width):
    mesh = plsc.VectorSubcoreMesh(**_SC_MESH)

    @functools.partial(
        pl.kernel,
        out_type=jax.ShapeDtypeStruct((NC, NPAD, width), jnp.float32),
        mesh=mesh,
        scratch_types=[
            pltpu.VMEM_SHARED((NPAD, width), jnp.float32),
            pltpu.VMEM((CK1, width), jnp.float32),
            pltpu.VMEM((CK1, width), jnp.float32),
            pltpu.VMEM((CK1, width), jnp.float32),
            pltpu.VMEM((CK1, width), jnp.float32),
            pltpu.VMEM((EPW,), jnp.int32),
            pltpu.VMEM((NCHUNK, CK1), jnp.int32),
            pltpu.SemaphoreType.DMA,
        ],
    )
    def run(t_hbm, si_hbm, d2_hbm, acc_out,
            acc, rows0, rows1, rows2, rows3, srcall, dstall, sem):
        c = lax.axis_index("c")
        s = lax.axis_index("s")
        wid = s * NC + c

        _zero_vmem_2d(rows0, CK1, width)

        r0 = s * RPT
        _copy_rows(lambda o, z: rows0.at[pl.ds(0, z), :],
                   lambda o, z: acc.at[pl.ds(r0 + o, z), :], CK1)

        pltpu.sync_copy(si_hbm.at[pl.ds(wid * EPW, EPW)], srcall)
        pltpu.sync_copy(d2_hbm.at[wid], dstall)
        plsc.subcore_barrier()

        bufs = (rows0, rows1, rows2, rows3)

        def start(i, buf):
            pltpu.async_copy(t_hbm.at[srcall.at[pl.ds(i * CK1, CK1)]],
                             buf, sem)

        def drain(buf):
            pltpu.make_async_copy(t_hbm.at[srcall.at[pl.ds(0, CK1)]],
                                  buf, sem).wait()

        def scatter(i, buf):
            drain(buf)
            pltpu.sync_copy(buf, acc.at[dstall.at[i]], add=True)

        for b in range(4):
            start(b, bufs[b])

        def quad_body(g, _):
            i = 4 * g
            for b in range(4):
                scatter(i + b, bufs[b])
                start(i + 4 + b, bufs[b])
            return 0

        lax.fori_loop(0, (NCHUNK - 5) // 4, quad_body, 0, unroll=False)
        base = NCHUNK - 5
        for b in range(4):
            scatter(base + b, bufs[b])
        start(NCHUNK - 1, bufs[0])
        scatter(NCHUNK - 1, bufs[0])
        plsc.subcore_barrier()

        _copy_rows(lambda o, z: acc.at[pl.ds(r0 + o, z), :],
                   lambda o, z: acc_out.at[c, pl.ds(r0 + o, z), :], CK1)

    return run(table, src_idx, dst3)


CKE = 40


def _sc_edge_passE(edge_attr, dst3):
    mesh = plsc.VectorSubcoreMesh(**_SC_MESH)

    @functools.partial(
        pl.kernel,
        out_type=jax.ShapeDtypeStruct((NC, NPAD, DIN), jnp.float32),
        mesh=mesh,
        scratch_types=[
            pltpu.VMEM_SHARED((NPAD, DIN), jnp.float32),
            pltpu.VMEM((CKE, DIN), jnp.float32),
            pltpu.VMEM((CKE, DE), jnp.float32),
            pltpu.VMEM((CKE, DE), jnp.float32),
            pltpu.VMEM((NCHUNK, CKE), jnp.int32),
            pltpu.SemaphoreType.DMA,
        ],
    )
    def run(ea_hbm, d2_hbm, q_out, acc_q, wide_v, eav0, eav1, dstall, sem):
        c = lax.axis_index("c")
        s = lax.axis_index("s")
        wid = s * NC + c

        _zero_vmem_2d(wide_v, CKE, DIN)

        r0 = s * RPT
        _copy_rows(lambda o, z: wide_v.at[pl.ds(0, z), :],
                   lambda o, z: acc_q.at[pl.ds(r0 + o, z), :], CKE)

        one = jnp.full((16,), 1.0, jnp.float32)

        def initrow(i, _):
            wide_v[i, pl.ds(DE, 16)] = one
            return 0

        lax.fori_loop(0, CKE, initrow, 0, unroll=False)
        pltpu.sync_copy(d2_hbm.at[wid], dstall)
        plsc.subcore_barrier()

        e0 = wid * EPW

        def start(i, buf):
            pltpu.async_copy(ea_hbm.at[pl.ds(e0 + i * CKE, CKE), :],
                             buf, sem)

        def consume(i, buf):
            pltpu.make_async_copy(ea_hbm.at[pl.ds(e0, CKE), :],
                                  buf, sem).wait()

            def repack(e, _):
                wide_v[e, pl.ds(0, DE)] = buf[e, pl.ds(0, DE)]
                return 0

            lax.fori_loop(0, CKE, repack, 0, unroll=False)
            pltpu.sync_copy(wide_v, acc_q.at[dstall.at[i]], add=True)

        start(0, eav0)

        def pair_body(g, _):
            i = 2 * g
            start(i + 1, eav1)
            consume(i, eav0)
            start(i + 2, eav0)
            consume(i + 1, eav1)
            return 0

        lax.fori_loop(0, NCHUNK // 2, pair_body, 0, unroll=False)
        consume(NCHUNK - 1, eav0)
        plsc.subcore_barrier()

        _copy_rows(lambda o, z: acc_q.at[pl.ds(r0 + o, z), :],
                   lambda o, z: q_out.at[c, pl.ds(r0 + o, z), :], CKE)

    return run(edge_attr, dst3)


_BM1 = 1000


def _tc_layer1(xs_p, q_p, Wn1, Wm1, We1, bn1, be1, bm1):

    def body(xs_ref, q_ref, wn1_ref, wm1_ref, we1_ref, bn1_ref,
             be1_ref, bm1_ref, out_ref):
        xs = xs_ref[0] + xs_ref[1]
        q = q_ref[0] + q_ref[1]
        ea = q[:, 0:DE]
        dg = q[:, DE:DE + 1]
        wm1 = wm1_ref[...]
        wt = wn1_ref[...] @ wm1
        we = we1_ref[...] @ wm1
        bt = (bn1_ref[...] + be1_ref[...]) @ wm1 + bm1_ref[...]
        sv = xs @ wt + ea @ we + dg * bt
        out_ref[...] = jnp.maximum(sv / jnp.clip(dg, 1.0, None), 0.0)

    grid = (N // _BM1,)
    return pl.pallas_call(
        body,
        grid=grid,
        in_specs=[
            pl.BlockSpec((NC, _BM1, DIN), lambda i: (0, i, 0)),
            pl.BlockSpec((NC, _BM1, DIN), lambda i: (0, i, 0)),
            pl.BlockSpec((DIN, DH), lambda i: (0, 0)),
            pl.BlockSpec((DH, DH), lambda i: (0, 0)),
            pl.BlockSpec((DE, DH), lambda i: (0, 0)),
            pl.BlockSpec((1, DH), lambda i: (0, 0)),
            pl.BlockSpec((1, DH), lambda i: (0, 0)),
            pl.BlockSpec((1, DH), lambda i: (0, 0)),
        ],
        out_specs=pl.BlockSpec((_BM1, DH), lambda i: (i, 0)),
        out_shape=jax.ShapeDtypeStruct((N, DH), jnp.float32),
    )(xs_p, q_p, Wn1, Wm1, We1, bn1, be1, bm1)


def _tc_z(s2_p, q_p, Wn2, bn2, We2, be2, Wm2, bm2):

    def body(s2_ref, q_ref, wn2_ref, bn2_ref, we2_ref, be2_ref,
             wm2_ref, bm2_ref, z_ref):
        s2 = s2_ref[0] + s2_ref[1]
        q = q_ref[0] + q_ref[1]
        ea = q[:, 0:DE]
        dg = q[:, DE:DE + 1]
        wm2 = wm2_ref[...]
        wn = wn2_ref[...] @ wm2
        we = we2_ref[...] @ wm2
        bt = (bn2_ref[...] + be2_ref[...]) @ wm2 + bm2_ref[...]
        sv = s2 @ wn + ea @ we + dg * bt
        z_ref[...] = sv / jnp.clip(dg, 1.0, None)

    grid = (N // _BM1,)
    return pl.pallas_call(
        body,
        grid=grid,
        in_specs=[
            pl.BlockSpec((NC, _BM1, DH), lambda i: (0, i, 0)),
            pl.BlockSpec((NC, _BM1, DIN), lambda i: (0, i, 0)),
            pl.BlockSpec((DH, DL), lambda i: (0, 0)),
            pl.BlockSpec((1, DL), lambda i: (0, 0)),
            pl.BlockSpec((DE, DL), lambda i: (0, 0)),
            pl.BlockSpec((1, DL), lambda i: (0, 0)),
            pl.BlockSpec((DL, DL), lambda i: (0, 0)),
            pl.BlockSpec((1, DL), lambda i: (0, 0)),
        ],
        out_specs=pl.BlockSpec((_BM1, DL), lambda i: (i, 0)),
        out_shape=jax.ShapeDtypeStruct((N, DL), jnp.float32),
    )(s2_p, q_p, Wn2, bn2, We2, be2, Wm2, bm2)


_BMA = 400


def _tc_adj(z):

    def body(zr_ref, zc_ref, out_ref):
        g = lax.dot_general(zr_ref[...], zc_ref[...],
                            (((1,), (1,)), ((), ())),
                            preferred_element_type=jnp.float32)
        out_ref[...] = jax.nn.sigmoid(g)

    grid = (N // _BMA,)
    return pl.pallas_call(
        body,
        grid=grid,
        in_specs=[
            pl.BlockSpec((_BMA, DL), lambda i: (i, 0)),
            pl.BlockSpec((N, DL), lambda i: (0, 0)),
        ],
        out_specs=pl.BlockSpec((_BMA, N), lambda i: (i, 0)),
        out_shape=jax.ShapeDtypeStruct((N, N), jnp.float32),
    )(z, z)


def kernel(x, edge_attr, edge_index, Wn1, bn1, We1, be1, Wm1, bm1,
           Wn2, bn2, We2, be2, Wm2, bm2):
    src_idx = edge_index[0]
    dst_idx = edge_index[1]
    dst3 = dst_idx.reshape(NW, NCHUNK, CK1)
    q_p = _sc_edge_passE(edge_attr, dst3)
    xs_p = _sc_gather_pass(x, src_idx, dst3, DIN)
    h1 = _tc_layer1(xs_p, q_p, Wn1, Wm1, We1,
                    bn1.reshape(1, DH), be1.reshape(1, DH),
                    bm1.reshape(1, DH))
    s2_p = _sc_gather_pass(h1, src_idx, dst3, DH)
    z = _tc_z(s2_p, q_p, Wn2, bn2.reshape(1, DL), We2,
              be2.reshape(1, DL), Wm2, bm2.reshape(1, DL))
    adj = _tc_adj(z)
    return (z, adj)

# --- scband reference (transcript-rebuilt; emitter-appended) ---
"""Pipeline reference for scband-graph-autoencoder-34230889349208 (READ-ONLY COPY).

The authoritative reference and input builder live on the scoring server;
editing this copy changes nothing except your own understanding.
"""

import jax, jax.numpy as jnp
import numpy as np

N = 10000
E = 160000
DIN = 128
DE = 16
DH = 128
DL = 64


def setup_inputs(seed: int = 0) -> dict:
    key = jax.random.key(seed)
    ks = jax.random.split(key, 16)
    x = jax.random.normal(ks[0], (N, DIN), dtype=jnp.float32)
    edge_attr = jax.random.normal(ks[1], (E, DE), dtype=jnp.float32)
    edge_index = jax.random.randint(ks[2], (2, E), 0, N, dtype=jnp.int32)

    def lin(k, fan_in, fan_out):
        kw, kb = jax.random.split(k)
        s = 1.0 / np.sqrt(fan_in)
        W = jax.random.uniform(kw, (fan_in, fan_out), jnp.float32, -s, s)
        b = jax.random.uniform(kb, (fan_out,), jnp.float32, -s, s)
        return W, b

    Wn1, bn1 = lin(ks[3], DIN, DH)
    We1, be1 = lin(ks[4], DE, DH)
    Wm1, bm1 = lin(ks[5], DH, DH)
    Wn2, bn2 = lin(ks[6], DH, DL)
    We2, be2 = lin(ks[7], DE, DL)
    Wm2, bm2 = lin(ks[8], DL, DL)
    return {
        "x": x, "edge_attr": edge_attr, "edge_index": edge_index,
        "Wn1": Wn1, "bn1": bn1, "We1": We1, "be1": be1, "Wm1": Wm1, "bm1": bm1,
        "Wn2": Wn2, "bn2": bn2, "We2": We2, "be2": be2, "Wm2": Wm2, "bm2": bm2,
    }


def _edge_gnn_layer(h, e_in, src, dst, Wn, bn, We, be, Wm, bm):
    hn = h @ Wn + bn                     # node_fc
    ee = e_in @ We + be                  # edge_fc
    msg = hn[src] + ee                   # u_add_e
    msg = msg @ Wm + bm                  # msg_fc
    s = jax.ops.segment_sum(msg, dst, num_segments=N)
    deg = jax.ops.segment_sum(jnp.ones((E,), jnp.float32), dst, num_segments=N)
    return s / jnp.clip(deg, 1.0, None)[:, None]   # mean aggregation (0 for isolated nodes)


def reference(x, edge_attr, edge_index, Wn1, bn1, We1, be1, Wm1, bm1,
              Wn2, bn2, We2, be2, Wm2, bm2):
    src = edge_index[0]
    dst = edge_index[1]
    h1 = jax.nn.relu(_edge_gnn_layer(x, edge_attr, src, dst, Wn1, bn1, We1, be1, Wm1, bm1))
    z = _edge_gnn_layer(h1, edge_attr, src, dst, Wn2, bn2, We2, be2, Wm2, bm2)
    adj_pred = jax.nn.sigmoid(z @ z.T)
    return (z, adj_pred)

if __name__ == "__main__":
    import jax
    _d = setup_inputs()
    print(jax.jit(kernel)(*tuple(_d.values())))

</pallas_src>

<mosaic_0001>
#map = affine_map<(d0, d1) -> (0, 0)>
#map1 = affine_map<(d0, d1) -> (0)>
#map2 = affine_map<(d0, d1) -> (0, 0, 0)>
module attributes {stable_mosaic.version = 14 : i64} {
  func.func @run(%arg0: i32, %arg1: i32, %arg2: memref<10000x128xf32, #tpu.memory_space<hbm>>, %arg3: memref<160000xi32, #tpu.memory_space<hbm>>, %arg4: memref<32x125x40xi32, #tpu.memory_space<hbm>>, %arg5: memref<2x10240x128xf32, #tpu.memory_space<hbm>>, %arg6: memref<10240x128xf32, #tpu.memory_space<vmem_shared>>, %arg7: memref<40x128xf32, #tpu.memory_space<vmem>>, %arg8: memref<40x128xf32, #tpu.memory_space<vmem>>, %arg9: memref<40x128xf32, #tpu.memory_space<vmem>>, %arg10: memref<40x128xf32, #tpu.memory_space<vmem>>, %arg11: memref<5000xi32, #tpu.memory_space<vmem>>, %arg12: memref<125x40xi32, #tpu.memory_space<vmem>>, %arg13: memref<!tpu.dma_semaphore, #tpu.memory_space<semaphore_mem>>) attributes {dimension_semantics = [#tpu.dimension_semantics<core_parallel>, #tpu.dimension_semantics<subcore_parallel>], iteration_bounds = array<i64: 2, 16>, scalar_prefetch = 0 : i64, scratch_operands = 8 : i64, tpu.core_type = #tpu.core_type<sc_vector_subcore>, window_params = [{transform_indices = #map}, {transform_indices = #map1}, {transform_indices = #map2}, {transform_indices = #map2}]} {
    %mul3A = arith.constant 2 : i32
    %mul3A_0 = arith.muli %arg1, %mul3A : i32
    %add3A = arith.addi %mul3A_0, %arg0 : i32
    %broadcast_in_dim3A = arith.constant 0.000000e+00 : f32
    %broadcast_in_dim3A_1 = vector.broadcast %broadcast_in_dim3A : f32 to vector<16xf32>
    %scan3A = arith.constant 0 : i32
    %scan3A_2 = arith.constant 0 : i32
    %scan3A_3 = arith.constant 40 : i32
    %scan3A_4 = arith.addi %scan3A_2, %scan3A_3 : i32
    %scan3A_5 = arith.constant 1 : i32
    %scan3A_6 = scf.for %scan3A_168 = %scan3A_2 to %scan3A_4 step %scan3A_5 iter_args(%scan3A_169 = %scan3A) -> (i32)  : i32 {
      %swap3A = arith.index_cast %scan3A_168 : i32 to index
      %swap3A_170 = arith.constant 0 : index
      %swap3A_171 = tpu.vector_load %arg7[%swap3A, %swap3A_170] {strides = array<i32>} : memref<40x128xf32, #tpu.memory_space<vmem>>, vector<1x16xf32>,
      %swap3A_172 = vector.shape_cast %swap3A_171 : vector<1x16xf32> to vector<16xf32>
      %swap3A_173 = vector.shape_cast %broadcast_in_dim3A_1 : vector<16xf32> to vector<1x16xf32>
      tpu.vector_store %arg7[%swap3A, %swap3A_170], %swap3A_173 {strides = array<i32>} : memref<40x128xf32, #tpu.memory_space<vmem>>, vector<1x16xf32>,
      %swap3A_174 = arith.index_cast %scan3A_168 : i32 to index
      %swap3A_175 = arith.constant 16 : index
      %swap3A_176 = tpu.vector_load %arg7[%swap3A_174, %swap3A_175] {strides = array<i32>} : memref<40x128xf32, #tpu.memory_space<vmem>>, vector<1x16xf32>,
      %swap3A_177 = vector.shape_cast %swap3A_176 : vector<1x16xf32> to vector<16xf32>
      %swap3A_178 = vector.shape_cast %broadcast_in_dim3A_1 : vector<16xf32> to vector<1x16xf32>
      tpu.vector_store %arg7[%swap3A_174, %swap3A_175], %swap3A_178 {strides = array<i32>} : memref<40x128xf32, #tpu.memory_space<vmem>>, vector<1x16xf32>,
      %swap3A_179 = arith.index_cast %scan3A_168 : i32 to index
      %swap3A_180 = arith.constant 32 : index
      %swap3A_181 = tpu.vector_load %arg7[%swap3A_179, %swap3A_180] {strides = array<i32>} : memref<40x128xf32, #tpu.memory_space<vmem>>, vector<1x16xf32>,
      %swap3A_182 = vector.shape_cast %swap3A_181 : vector<1x16xf32> to vector<16xf32>
      %swap3A_183 = vector.shape_cast %broadcast_in_dim3A_1 : vector<16xf32> to vector<1x16xf32>
      tpu.vector_store %arg7[%swap3A_179, %swap3A_180], %swap3A_183 {strides = array<i32>} : memref<40x128xf32, #tpu.memory_space<vmem>>, vector<1x16xf32>,
      %swap3A_184 = arith.index_cast %scan3A_168 : i32 to index
      %swap3A_185 = arith.constant 48 : index
      %swap3A_186 = tpu.vector_load %arg7[%swap3A_184, %swap3A_185] {strides = array<i32>} : memref<40x128xf32, #tpu.memory_space<vmem>>, vector<1x16xf32>,
      %swap3A_187 = vector.shape_cast %swap3A_186 : vector<1x16xf32> to vector<16xf32>
      %swap3A_188 = vector.shape_cast %broadcast_in_dim3A_1 : vector<16xf32> to vector<1x16xf32>
      tpu.vector_store %arg7[%swap3A_184, %swap3A_185], %swap3A_188 {strides = array<i32>} : memref<40x128xf32, #tpu.memory_space<vmem>>, vector<1x16xf32>,
      %swap3A_189 = arith.index_cast %scan3A_168 : i32 to index
      %swap3A_190 = arith.constant 64 : index
      %swap3A_191 = tpu.vector_load %arg7[%swap3A_189, %swap3A_190] {strides = array<i32>} : memref<40x128xf32, #tpu.memory_space<vmem>>, vector<1x16xf32>,
      %swap3A_192 = vector.shape_cast %swap3A_191 : vector<1x16xf32> to vector<16xf32>
      %swap3A_193 = vector.shape_cast %broadcast_in_dim3A_1 : vector<16xf32> to vector<1x16xf32>
      tpu.vector_store %arg7[%swap3A_189, %swap3A_190], %swap3A_193 {strides = array<i32>} : memref<40x128xf32, #tpu.memory_space<vmem>>, vector<1x16xf32>,
      %swap3A_194 = arith.index_cast %scan3A_168 : i32 to index
      %swap3A_195 = arith.constant 80 : index
      %swap3A_196 = tpu.vector_load %arg7[%swap3A_194, %swap3A_195] {strides = array<i32>} : memref<40x128xf32, #tpu.memory_space<vmem>>, vector<1x16xf32>,
      %swap3A_197 = vector.shape_cast %swap3A_196 : vector<1x16xf32> to vector<16xf32>
      %swap3A_198 = vector.shape_cast %broadcast_in_dim3A_1 : vector<16xf32> to vector<1x16xf32>
      tpu.vector_store %arg7[%swap3A_194, %swap3A_195], %swap3A_198 {strides = array<i32>} : memref<40x128xf32, #tpu.memory_space<vmem>>, vector<1x16xf32>,
      %swap3A_199 = arith.index_cast %scan3A_168 : i32 to index
      %swap3A_200 = arith.constant 96 : index
      %swap3A_201 = tpu.vector_load %arg7[%swap3A_199, %swap3A_200] {strides = array<i32>} : memref<40x128xf32, #tpu.memory_space<vmem>>, vector<1x16xf32>,
      %swap3A_202 = vector.shape_cast %swap3A_201 : vector<1x16xf32> to vector<16xf32>
      %swap3A_203 = vector.shape_cast %broadcast_in_dim3A_1 : vector<16xf32> to vector<1x16xf32>
      tpu.vector_store %arg7[%swap3A_199, %swap3A_200], %swap3A_203 {strides = array<i32>} : memref<40x128xf32, #tpu.memory_space<vmem>>, vector<1x16xf32>,
      %swap3A_204 = arith.index_cast %scan3A_168 : i32 to index
      %swap3A_205 = arith.constant 112 : index
      %swap3A_206 = tpu.vector_load %arg7[%swap3A_204, %swap3A_205] {strides = array<i32>} : memref<40x128xf32, #tpu.memory_space<vmem>>, vector<1x16xf32>,
      %swap3A_207 = vector.shape_cast %swap3A_206 : vector<1x16xf32> to vector<16xf32>
      %swap3A_208 = vector.shape_cast %broadcast_in_dim3A_1 : vector<16xf32> to vector<1x16xf32>
      tpu.vector_store %arg7[%swap3A_204, %swap3A_205], %swap3A_208 {strides = array<i32>} : memref<40x128xf32, #tpu.memory_space<vmem>>, vector<1x16xf32>,
      %scan3A_209 = arith.constant 0 : i32
      scf.yield %scan3A_209 : i32
    }
    %scan3A_7 = arith.constant 40 : i32
    %mul3A_8 = arith.constant 640 : i32
    %mul3A_9 = arith.muli %arg1, %mul3A_8 : i32
    %add3A_10 = arith.constant 0 : i32
    %add3A_11 = arith.addi %mul3A_9, %add3A_10 : i32
    "tpu.region"() ({
      %run_scoped3A_168 = tpu.sem_alloc : memref<!tpu.dma_semaphore, #tpu.memory_space<semaphore_mem>>
      %dma_start3A_169 = arith.constant 0 : i32
      %dma_start3A_170 = arith.constant 0 : i32
      %dma_start3A_171 = tpu.memref_slice %arg7[%dma_start3A_169, %dma_start3A_170] : memref<40x128xf32, #tpu.memory_space<vmem>> -> memref<40x128xf32, #tpu.memory_space<vmem>>
      %dma_start3A_172 = arith.constant 0 : i32
      %dma_start3A_173 = tpu.memref_slice %arg6[%add3A_11, %dma_start3A_172] : memref<10240x128xf32, #tpu.memory_space<vmem_shared>> -> memref<40x128xf32, #tpu.memory_space<vmem_shared>>
      %dma_start3A_174 = arith.constant 0 : i32
      %dma_start3A_175 = tpu.memref_slice %arg6[%add3A_11, %dma_start3A_174] : memref<10240x128xf32, #tpu.memory_space<vmem_shared>> -> memref<40x128xf32, #tpu.memory_space<vmem_shared>>
      %dma_start3A_176 = arith.constant 0 : i32
      %dma_start3A_177 = arith.constant 0 : i32
      %dma_start3A_178 = tpu.memref_slice %arg7[%dma_start3A_176, %dma_start3A_177] : memref<40x128xf32, #tpu.memory_space<vmem>> -> memref<40x128xf32, #tpu.memory_space<vmem>>
      tpu.enqueue_dma source(%dma_start3A_178 : memref<40x128xf32, #tpu.memory_space<vmem>>) target(%dma_start3A_175 : memref<40x128xf32, #tpu.memory_space<vmem_shared>>) target_semaphore(%run_scoped3A_168 : memref<!tpu.dma_semaphore, #tpu.memory_space<semaphore_mem>>)
      %dma_wait3A_179 = arith.constant 0 : i32
      %dma_wait3A_180 = arith.constant 0 : i32
      %dma_wait3A_181 = tpu.memref_slice %arg7[%dma_wait3A_179, %dma_wait3A_180] : memref<40x128xf32, #tpu.memory_space<vmem>> -> memref<40x128xf32, #tpu.memory_space<vmem>>
      %dma_wait3A_182 = arith.constant 0 : i32
      %dma_wait3A_183 = tpu.memref_slice %arg6[%add3A_11, %dma_wait3A_182] : memref<10240x128xf32, #tpu.memory_space<vmem_shared>> -> memref<40x128xf32, #tpu.memory_space<vmem_shared>>
      %dma_wait3A_184 = arith.constant 0 : i32
      %dma_wait3A_185 = tpu.memref_slice %arg6[%add3A_11, %dma_wait3A_184] : memref<10240x128xf32, #tpu.memory_space<vmem_shared>> -> memref<40x128xf32, #tpu.memory_space<vmem_shared>>
      %dma_wait3A_186 = arith.constant 0 : i32
      %dma_wait3A_187 = arith.constant 0 : i32
      %dma_wait3A_188 = tpu.memref_slice %arg7[%dma_wait3A_186, %dma_wait3A_187] : memref<40x128xf32, #tpu.memory_space<vmem>> -> memref<40x128xf32, #tpu.memory_space<vmem>>
      tpu.wait_dma2 semaphore(%run_scoped3A_168 : memref<!tpu.dma_semaphore, #tpu.memory_space<semaphore_mem>>) src(%dma_wait3A_188 : memref<40x128xf32, #tpu.memory_space<vmem>>) dst(%dma_wait3A_185 : memref<40x128xf32, #tpu.memory_space<vmem_shared>>)
      tpu.yield
    }) : () -> ()
    %add3A_12 = arith.constant 40 : i32
    %add3A_13 = arith.addi %mul3A_9, %add3A_12 : i32
    "tpu.region"() ({
      %run_scoped3A_168 = tpu.sem_alloc : memref<!tpu.dma_semaphore, #tpu.memory_space<semaphore_mem>>
      %dma_start3A_169 = arith.constant 0 : i32
      %dma_start3A_170 = arith.constant 0 : i32
      %dma_start3A_171 = tpu.memref_slice %arg7[%dma_start3A_169, %dma_start3A_170] : memref<40x128xf32, #tpu.memory_space<vmem>> -> memref<40x128xf32, #tpu.memory_space<vmem>>
      %dma_start3A_172 = arith.constant 0 : i32
      %dma_start3A_173 = tpu.memref_slice %arg6[%add3A_13, %dma_start3A_172] : memref<10240x128xf32, #tpu.memory_space<vmem_shared>> -> memref<40x128xf32, #tpu.memory_space<vmem_shared>>
      %dma_start3A_174 = arith.constant 0 : i32
      %dma_start3A_175 = tpu.memref_slice %arg6[%add3A_13, %dma_start3A_174] : memref<10240x128xf32, #tpu.memory_space<vmem_shared>> -> memref<40x128xf32, #tpu.memory_space<vmem_shared>>
      %dma_start3A_176 = arith.constant 0 : i32
      %dma_start3A_177 = arith.constant 0 : i32
      %dma_start3A_178 = tpu.memref_slice %arg7[%dma_start3A_176, %dma_start3A_177] : memref<40x128xf32, #tpu.memory_space<vmem>> -> memref<40x128xf32, #tpu.memory_space<vmem>>
      tpu.enqueue_dma source(%dma_start3A_178 : memref<40x128xf32, #tpu.memory_space<vmem>>) target(%dma_start3A_175 : memref<40x128xf32, #tpu.memory_space<vmem_shared>>) target_semaphore(%run_scoped3A_168 : memref<!tpu.dma_semaphore, #tpu.memory_space<semaphore_mem>>)
      %dma_wait3A_179 = arith.constant 0 : i32
      %dma_wait3A_180 = arith.constant 0 : i32
      %dma_wait3A_181 = tpu.memref_slice %arg7[%dma_wait3A_179, %dma_wait3A_180] : memref<40x128xf32, #tpu.memory_space<vmem>> -> memref<40x128xf32, #tpu.memory_space<vmem>>
      %dma_wait3A_182 = arith.constant 0 : i32
      %dma_wait3A_183 = tpu.memref_slice %arg6[%add3A_13, %dma_wait3A_182] : memref<10240x128xf32, #tpu.memory_space<vmem_shared>> -> memref<40x128xf32, #tpu.memory_space<vmem_shared>>
      %dma_wait3A_184 = arith.constant 0 : i32
      %dma_wait3A_185 = tpu.memref_slice %arg6[%add3A_13, %dma_wait3A_184] : memref<10240x128xf32, #tpu.memory_space<vmem_shared>> -> memref<40x128xf32, #tpu.memory_space<vmem_shared>>
      %dma_wait3A_186 = arith.constant 0 : i32
      %dma_wait3A_187 = arith.constant 0 : i32
      %dma_wait3A_188 = tpu.memref_slice %arg7[%dma_wait3A_186, %dma_wait3A_187] : memref<40x128xf32, #tpu.memory_space<vmem>> -> memref<40x128xf32, #tpu.memory_space<vmem>>
      tpu.wait_dma2 semaphore(%run_scoped3A_168 : memref<!tpu.dma_semaphore, #tpu.memory_space<semaphore_mem>>) src(%dma_wait3A_188 : memref<40x128xf32, #tpu.memory_space<vmem>>) dst(%dma_wait3A_185 : memref<40x128xf32, #tpu.memory_space<vmem_shared>>)
      tpu.yield
    }) : () -> ()
    %add3A_14 = arith.constant 80 : i32
    %add3A_15 = arith.addi %mul3A_9, %add3A_14 : i32
    "tpu.region"() ({
      %run_scoped3A_168 = tpu.sem_alloc : memref<!tpu.dma_semaphore, #tpu.memory_space<semaphore_mem>>
      %dma_start3A_169 = arith.constant 0 : i32
      %dma_start3A_170 = arith.constant 0 : i32
      %dma_start3A_171 = tpu.memref_slice %arg7[%dma_start3A_169, %dma_start3A_170] : memref<40x128xf32, #tpu.memory_space<vmem>> -> memref<40x128xf32, #tpu.memory_space<vmem>>
      %dma_start3A_172 = arith.constant 0 : i32
      %dma_start3A_173 = tpu.memref_slice %arg6[%add3A_15, %dma_start3A_172] : memref<10240x128xf32, #tpu.memory_space<vmem_shared>> -> memref<40x128xf32, #tpu.memory_space<vmem_shared>>
      %dma_start3A_174 = arith.constant 0 : i32
      %dma_start3A_175 = tpu.memref_slice %arg6[%add3A_15, %dma_start3A_174] : memref<10240x128xf32, #tpu.memory_space<vmem_shared>> -> memref<40x128xf32, #tpu.memory_space<vmem_shared>>
      %dma_start3A_176 = arith.constant 0 : i32
      %dma_start3A_177 = arith.constant 0 : i32
      %dma_start3A_178 = tpu.memref_slice %arg7[%dma_start3A_176, %dma_start3A_177] : memref<40x128xf32, #tpu.memory_space<vmem>> -> memref<40x128xf32, #tpu.memory_space<vmem>>
      tpu.enqueue_dma source(%dma_start3A_178 : memref<40x128xf32, #tpu.memory_space<vmem>>) target(%dma_start3A_175 : memref<40x128xf32, #tpu.memory_space<vmem_shared>>) target_semaphore(%run_scoped3A_168 : memref<!tpu.dma_semaphore, #tpu.memory_space<semaphore_mem>>)
      %dma_wait3A_179 = arith.constant 0 : i32
      %dma_wait3A_180 = arith.constant 0 : i32
      %dma_wait3A_181 = tpu.memref_slice %arg7[%dma_wait3A_179, %dma_wait3A_180] : memref<40x128xf32, #tpu.memory_space<vmem>> -> memref<40x128xf32, #tpu.memory_space<vmem>>
      %dma_wait3A_182 = arith.constant 0 : i32
      %dma_wait3A_183 = tpu.memref_slice %arg6[%add3A_15, %dma_wait3A_182] : memref<10240x128xf32, #tpu.memory_space<vmem_shared>> -> memref<40x128xf32, #tpu.memory_space<vmem_shared>>
      %dma_wait3A_184 = arith.constant 0 : i32
      %dma_wait3A_185 = tpu.memref_slice %arg6[%add3A_15, %dma_wait3A_184] : memref<10240x128xf32, #tpu.memory_space<vmem_shared>> -> memref<40x128xf32, #tpu.memory_space<vmem_shared>>
      %dma_wait3A_186 = arith.constant 0 : i32
      %dma_wait3A_187 = arith.constant 0 : i32
      %dma_wait3A_188 = tpu.memref_slice %arg7[%dma_wait3A_186, %dma_wait3A_187] : memref<40x128xf32, #tpu.memory_space<vmem>> -> memref<40x128xf32, #tpu.memory_space<vmem>>
      tpu.wait_dma2 semaphore(%run_scoped3A_168 : memref<!tpu.dma_semaphore, #tpu.memory_space<semaphore_mem>>) src(%dma_wait3A_188 : memref<40x128xf32, #tpu.memory_space<vmem>>) dst(%dma_wait3A_185 : memref<40x128xf32, #tpu.memory_space<vmem_shared>>)
      tpu.yield
    }) : () -> ()
    %add3A_16 = arith.constant 120 : i32
    %add3A_17 = arith.addi %mul3A_9, %add3A_16 : i32
    "tpu.region"() ({
      %run_scoped3A_168 = tpu.sem_alloc : memref<!tpu.dma_semaphore, #tpu.memory_space<semaphore_mem>>
      %dma_start3A_169 = arith.constant 0 : i32
      %dma_start3A_170 = arith.constant 0 : i32
      %dma_start3A_171 = tpu.memref_slice %arg7[%dma_start3A_169, %dma_start3A_170] : memref<40x128xf32, #tpu.memory_space<vmem>> -> memref<40x128xf32, #tpu.memory_space<vmem>>
      %dma_start3A_172 = arith.constant 0 : i32
      %dma_start3A_173 = tpu.memref_slice %arg6[%add3A_17, %dma_start3A_172] : memref<10240x128xf32, #tpu.memory_space<vmem_shared>> -> memref<40x128xf32, #tpu.memory_space<vmem_shared>>
      %dma_start3A_174 = arith.constant 0 : i32
      %dma_start3A_175 = tpu.memref_slice %arg6[%add3A_17, %dma_start3A_174] : memref<10240x128xf32, #tpu.memory_space<vmem_shared>> -> memref<40x128xf32, #tpu.memory_space<vmem_shared>>
      %dma_start3A_176 = arith.constant 0 : i32
      %dma_start3A_177 = arith.constant 0 : i32
      %dma_start3A_178 = tpu.memref_slice %arg7[%dma_start3A_176, %dma_start3A_177] : memref<40x128xf32, #tpu.memory_space<vmem>> -> memref<40x128xf32, #tpu.memory_space<vmem>>
      tpu.enqueue_dma source(%dma_start3A_178 : memref<40x128xf32, #tpu.memory_space<vmem>>) target(%dma_start3A_175 : memref<40x128xf32, #tpu.memory_space<vmem_shared>>) target_semaphore(%run_scoped3A_168 : memref<!tpu.dma_semaphore, #tpu.memory_space<semaphore_mem>>)
      %dma_wait3A_179 = arith.constant 0 : i32
      %dma_wait3A_180 = arith.constant 0 : i32
      %dma_wait3A_181 = tpu.memref_slice %arg7[%dma_wait3A_179, %dma_wait3A_180] : memref<40x128xf32, #tpu.memory_space<vmem>> -> memref<40x128xf32, #tpu.memory_space<vmem>>
      %dma_wait3A_182 = arith.constant 0 : i32
      %dma_wait3A_183 = tpu.memref_slice %arg6[%add3A_17, %dma_wait3A_182] : memref<10240x128xf32, #tpu.memory_space<vmem_shared>> -> memref<40x128xf32, #tpu.memory_space<vmem_shared>>
      %dma_wait3A_184 = arith.constant 0 : i32
      %dma_wait3A_185 = tpu.memref_slice %arg6[%add3A_17, %dma_wait3A_184] : memref<10240x128xf32, #tpu.memory_space<vmem_shared>> -> memref<40x128xf32, #tpu.memory_space<vmem_shared>>
      %dma_wait3A_186 = arith.constant 0 : i32
      %dma_wait3A_187 = arith.constant 0 : i32
      %dma_wait3A_188 = tpu.memref_slice %arg7[%dma_wait3A_186, %dma_wait3A_187] : memref<40x128xf32, #tpu.memory_space<vmem>> -> memref<40x128xf32, #tpu.memory_space<vmem>>
      tpu.wait_dma2 semaphore(%run_scoped3A_168 : memref<!tpu.dma_semaphore, #tpu.memory_space<semaphore_mem>>) src(%dma_wait3A_188 : memref<40x128xf32, #tpu.memory_space<vmem>>) dst(%dma_wait3A_185 : memref<40x128xf32, #tpu.memory_space<vmem_shared>>)
      tpu.yield
    }) : () -> ()
    %add3A_18 = arith.constant 160 : i32
    %add3A_19 = arith.addi %mul3A_9, %add3A_18 : i32
    "tpu.region"() ({
      %run_scoped3A_168 = tpu.sem_alloc : memref<!tpu.dma_semaphore, #tpu.memory_space<semaphore_mem>>
      %dma_start3A_169 = arith.constant 0 : i32
      %dma_start3A_170 = arith.constant 0 : i32
      %dma_start3A_171 = tpu.memref_slice %arg7[%dma_start3A_169, %dma_start3A_170] : memref<40x128xf32, #tpu.memory_space<vmem>> -> memref<40x128xf32, #tpu.memory_space<vmem>>
      %dma_start3A_172 = arith.constant 0 : i32
      %dma_start3A_173 = tpu.memref_slice %arg6[%add3A_19, %dma_start3A_172] : memref<10240x128xf32, #tpu.memory_space<vmem_shared>> -> memref<40x128xf32, #tpu.memory_space<vmem_shared>>
      %dma_start3A_174 = arith.constant 0 : i32
      %dma_start3A_175 = tpu.memref_slice %arg6[%add3A_19, %dma_start3A_174] : memref<10240x128xf32, #tpu.memory_space<vmem_shared>> -> memref<40x128xf32, #tpu.memory_space<vmem_shared>>
      %dma_start3A_176 = arith.constant 0 : i32
      %dma_start3A_177 = arith.constant 0 : i32
      %dma_start3A_178 = tpu.memref_slice %arg7[%dma_start3A_176, %dma_start3A_177] : memref<40x128xf32, #tpu.memory_space<vmem>> -> memref<40x128xf32, #tpu.memory_space<vmem>>
      tpu.enqueue_dma source(%dma_start3A_178 : memref<40x128xf32, #tpu.memory_space<vmem>>) target(%dma_start3A_175 : memref<40x128xf32, #tpu.memory_space<vmem_shared>>) target_semaphore(%run_scoped3A_168 : memref<!tpu.dma_semaphore, #tpu.memory_space<semaphore_mem>>)
      %dma_wait3A_179 = arith.constant 0 : i32
      %dma_wait3A_180 = arith.constant 0 : i32
      %dma_wait3A_181 = tpu.memref_slice %arg7[%dma_wait3A_179, %dma_wait3A_180] : memref<40x128xf32, #tpu.memory_space<vmem>> -> memref<40x128xf32, #tpu.memory_space<vmem>>
      %dma_wait3A_182 = arith.constant 0 : i32
      %dma_wait3A_183 = tpu.memref_slice %arg6[%add3A_19, %dma_wait3A_182] : memref<10240x128xf32, #tpu.memory_space<vmem_shared>> -> memref<40x128xf32, #tpu.memory_space<vmem_shared>>
      %dma_wait3A_184 = arith.constant 0 : i32
      %dma_wait3A_185 = tpu.memref_slice %arg6[%add3A_19, %dma_wait3A_184] : memref<10240x128xf32, #tpu.memory_space<vmem_shared>> -> memref<40x128xf32, #tpu.memory_space<vmem_shared>>
      %dma_wait3A_186 = arith.constant 0 : i32
      %dma_wait3A_187 = arith.constant 0 : i32
      %dma_wait3A_188 = tpu.memref_slice %arg7[%dma_wait3A_186, %dma_wait3A_187] : memref<40x128xf32, #tpu.memory_space<vmem>> -> memref<40x128xf32, #tpu.memory_space<vmem>>
      tpu.wait_dma2 semaphore(%run_scoped3A_168 : memref<!tpu.dma_semaphore, #tpu.memory_space<semaphore_mem>>) src(%dma_wait3A_188 : memref<40x128xf32, #tpu.memory_space<vmem>>) dst(%dma_wait3A_185 : memref<40x128xf32, #tpu.memory_space<vmem_shared>>)
      tpu.yield
    }) : () -> ()
    %add3A_20 = arith.constant 200 : i32
    %add3A_21 = arith.addi %mul3A_9, %add3A_20 : i32
    "tpu.region"() ({
      %run_scoped3A_168 = tpu.sem_alloc : memref<!tpu.dma_semaphore, #tpu.memory_space<semaphore_mem>>
      %dma_start3A_169 = arith.constant 0 : i32
      %dma_start3A_170 = arith.constant 0 : i32
      %dma_start3A_171 = tpu.memref_slice %arg7[%dma_start3A_169, %dma_start3A_170] : memref<40x128xf32, #tpu.memory_space<vmem>> -> memref<40x128xf32, #tpu.memory_space<vmem>>
      %dma_start3A_172 = arith.constant 0 : i32
      %dma_start3A_173 = tpu.memref_slice %arg6[%add3A_21, %dma_start3A_172] : memref<10240x128xf32, #tpu.memory_space<vmem_shared>> -> memref<40x128xf32, #tpu.memory_space<vmem_shared>>
      %dma_start3A_174 = arith.constant 0 : i32
      %dma_start3A_175 = tpu.memref_slice %arg6[%add3A_21, %dma_start3A_174] : memref<10240x128xf32, #tpu.memory_space<vmem_shared>> -> memref<40x128xf32, #tpu.memory_space<vmem_shared>>
      %dma_start3A_176 = arith.constant 0 : i32
      %dma_start3A_177 = arith.constant 0 : i32
      %dma_start3A_178 = tpu.memref_slice %arg7[%dma_start3A_176, %dma_start3A_177] : memref<40x128xf32, #tpu.memory_space<vmem>> -> memref<40x128xf32, #tpu.memory_space<vmem>>
      tpu.enqueue_dma source(%dma_start3A_178 : memref<40x128xf32, #tpu.memory_space<vmem>>) target(%dma_start3A_175 : memref<40x128xf32, #tpu.memory_space<vmem_shared>>) target_semaphore(%run_scoped3A_168 : memref<!tpu.dma_semaphore, #tpu.memory_space<semaphore_mem>>)
      %dma_wait3A_179 = arith.constant 0 : i32
      %dma_wait3A_180 = arith.constant 0 : i32
      %dma_wait3A_181 = tpu.memref_slice %arg7[%dma_wait3A_179, %dma_wait3A_180] : memref<40x128xf32, #tpu.memory_space<vmem>> -> memref<40x128xf32, #tpu.memory_space<vmem>>
      %dma_wait3A_182 = arith.constant 0 : i32
      %dma_wait3A_183 = tpu.memref_slice %arg6[%add3A_21, %dma_wait3A_182] : memref<10240x128xf32, #tpu.memory_space<vmem_shared>> -> memref<40x128xf32, #tpu.memory_space<vmem_shared>>
      %dma_wait3A_184 = arith.constant 0 : i32
      %dma_wait3A_185 = tpu.memref_slice %arg6[%add3A_21, %dma_wait3A_184] : memref<10240x128xf32, #tpu.memory_space<vmem_shared>> -> memref<40x128xf32, #tpu.memory_space<vmem_shared>>
      %dma_wait3A_186 = arith.constant 0 : i32
      %dma_wait3A_187 = arith.constant 0 : i32
      %dma_wait3A_188 = tpu.memref_slice %arg7[%dma_wait3A_186, %dma_wait3A_187] : memref<40x128xf32, #tpu.memory_space<vmem>> -> memref<40x128xf32, #tpu.memory_space<vmem>>
      tpu.wait_dma2 semaphore(%run_scoped3A_168 : memref<!tpu.dma_semaphore, #tpu.memory_space<semaphore_mem>>) src(%dma_wait3A_188 : memref<40x128xf32, #tpu.memory_space<vmem>>) dst(%dma_wait3A_185 : memref<40x128xf32, #tpu.memory_space<vmem_shared>>)
      tpu.yield
    }) : () -> ()
    %add3A_22 = arith.constant 240 : i32
    %add3A_23 = arith.addi %mul3A_9, %add3A_22 : i32
    "tpu.region"() ({
      %run_scoped3A_168 = tpu.sem_alloc : memref<!tpu.dma_semaphore, #tpu.memory_space<semaphore_mem>>
      %dma_start3A_169 = arith.constant 0 : i32
      %dma_start3A_170 = arith.constant 0 : i32
      %dma_start3A_171 = tpu.memref_slice %arg7[%dma_start3A_169, %dma_start3A_170] : memref<40x128xf32, #tpu.memory_space<vmem>> -> memref<40x128xf32, #tpu.memory_space<vmem>>
      %dma_start3A_172 = arith.constant 0 : i32
      %dma_start3A_173 = tpu.memref_slice %arg6[%add3A_23, %dma_start3A_172] : memref<10240x128xf32, #tpu.memory_space<vmem_shared>> -> memref<40x128xf32, #tpu.memory_space<vmem_shared>>
      %dma_start3A_174 = arith.constant 0 : i32
      %dma_start3A_175 = tpu.memref_slice %arg6[%add3A_23, %dma_start3A_174] : memref<10240x128xf32, #tpu.memory_space<vmem_shared>> -> memref<40x128xf32, #tpu.memory_space<vmem_shared>>
      %dma_start3A_176 = arith.constant 0 : i32
      %dma_start3A_177 = arith.constant 0 : i32
      %dma_start3A_178 = tpu.memref_slice %arg7[%dma_start3A_176, %dma_start3A_177] : memref<40x128xf32, #tpu.memory_space<vmem>> -> memref<40x128xf32, #tpu.memory_space<vmem>>
      tpu.enqueue_dma source(%dma_start3A_178 : memref<40x128xf32, #tpu.memory_space<vmem>>) target(%dma_start3A_175 : memref<40x128xf32, #tpu.memory_space<vmem_shared>>) target_semaphore(%run_scoped3A_168 : memref<!tpu.dma_semaphore, #tpu.memory_space<semaphore_mem>>)
      %dma_wait3A_179 = arith.constant 0 : i32
      %dma_wait3A_180 = arith.constant 0 : i32
      %dma_wait3A_181 = tpu.memref_slice %arg7[%dma_wait3A_179, %dma_wait3A_180] : memref<40x128xf32, #tpu.memory_space<vmem>> -> memref<40x128xf32, #tpu.memory_space<vmem>>
      %dma_wait3A_182 = arith.constant 0 : i32
      %dma_wait3A_183 = tpu.memref_slice %arg6[%add3A_23, %dma_wait3A_182] : memref<10240x128xf32, #tpu.memory_space<vmem_shared>> -> memref<40x128xf32, #tpu.memory_space<vmem_shared>>
      %dma_wait3A_184 = arith.constant 0 : i32
      %dma_wait3A_185 = tpu.memref_slice %arg6[%add3A_23, %dma_wait3A_184] : memref<10240x128xf32, #tpu.memory_space<vmem_shared>> -> memref<40x128xf32, #tpu.memory_space<vmem_shared>>
      %dma_wait3A_186 = arith.constant 0 : i32
      %dma_wait3A_187 = arith.constant 0 : i32
      %dma_wait3A_188 = tpu.memref_slice %arg7[%dma_wait3A_186, %dma_wait3A_187] : memref<40x128xf32, #tpu.memory_space<vmem>> -> memref<40x128xf32, #tpu.memory_space<vmem>>
      tpu.wait_dma2 semaphore(%run_scoped3A_168 : memref<!tpu.dma_semaphore, #tpu.memory_space<semaphore_mem>>) src(%dma_wait3A_188 : memref<40x128xf32, #tpu.memory_space<vmem>>) dst(%dma_wait3A_185 : memref<40x128xf32, #tpu.memory_space<vmem_shared>>)
      tpu.yield
    }) : () -> ()
    %add3A_24 = arith.constant 280 : i32
    %add3A_25 = arith.addi %mul3A_9, %add3A_24 : i32
    "tpu.region"() ({
      %run_scoped3A_168 = tpu.sem_alloc : memref<!tpu.dma_semaphore, #tpu.memory_space<semaphore_mem>>
      %dma_start3A_169 = arith.constant 0 : i32
      %dma_start3A_170 = arith.constant 0 : i32
      %dma_start3A_171 = tpu.memref_slice %arg7[%dma_start3A_169, %dma_start3A_170] : memref<40x128xf32, #tpu.memory_space<vmem>> -> memref<40x128xf32, #tpu.memory_space<vmem>>
      %dma_start3A_172 = arith.constant 0 : i32
      %dma_start3A_173 = tpu.memref_slice %arg6[%add3A_25, %dma_start3A_172] : memref<10240x128xf32, #tpu.memory_space<vmem_shared>> -> memref<40x128xf32, #tpu.memory_space<vmem_shared>>
      %dma_start3A_174 = arith.constant 0 : i32
      %dma_start3A_175 = tpu.memref_slice %arg6[%add3A_25, %dma_start3A_174] : memref<10240x128xf32, #tpu.memory_space<vmem_shared>> -> memref<40x128xf32, #tpu.memory_space<vmem_shared>>
      %dma_start3A_176 = arith.constant 0 : i32
      %dma_start3A_177 = arith.constant 0 : i32
      %dma_start3A_178 = tpu.memref_slice %arg7[%dma_start3A_176, %dma_start3A_177] : memref<40x128xf32, #tpu.memory_space<vmem>> -> memref<40x128xf32, #tpu.memory_space<vmem>>
      tpu.enqueue_dma source(%dma_start3A_178 : memref<40x128xf32, #tpu.memory_space<vmem>>) target(%dma_start3A_175 : memref<40x128xf32, #tpu.memory_space<vmem_shared>>) target_semaphore(%run_scoped3A_168 : memref<!tpu.dma_semaphore, #tpu.memory_space<semaphore_mem>>)
      %dma_wait3A_179 = arith.constant 0 : i32
      %dma_wait3A_180 = arith.constant 0 : i32
      %dma_wait3A_181 = tpu.memref_slice %arg7[%dma_wait3A_179, %dma_wait3A_180] : memref<40x128xf32, #tpu.memory_space<vmem>> -> memref<40x128xf32, #tpu.memory_space<vmem>>
      %dma_wait3A_182 = arith.constant 0 : i32
      %dma_wait3A_183 = tpu.memref_slice %arg6[%add3A_25, %dma_wait3A_182] : memref<10240x128xf32, #tpu.memory_space<vmem_shared>> -> memref<40x128xf32, #tpu.memory_space<vmem_shared>>
      %dma_wait3A_184 = arith.constant 0 : i32
      %dma_wait3A_185 = tpu.memref_slice %arg6[%add3A_25, %dma_wait3A_184] : memref<10240x128xf32, #tpu.memory_space<vmem_shared>> -> memref<40x128xf32, #tpu.memory_space<vmem_shared>>
      %dma_wait3A_186 = arith.constant 0 : i32
      %dma_wait3A_187 = arith.constant 0 : i32
      %dma_wait3A_188 = tpu.memref_slice %arg7[%dma_wait3A_186, %dma_wait3A_187] : memref<40x128xf32, #tpu.memory_space<vmem>> -> memref<40x128xf32, #tpu.memory_space<vmem>>
      tpu.wait_dma2 semaphore(%run_scoped3A_168 : memref<!tpu.dma_semaphore, #tpu.memory_space<semaphore_mem>>) src(%dma_wait3A_188 : memref<40x128xf32, #tpu.memory_space<vmem>>) dst(%dma_wait3A_185 : memref<40x128xf32, #tpu.memory_space<vmem_shared>>)
      tpu.yield
    }) : () -> ()
    %add3A_26 = arith.constant 320 : i32
    %add3A_27 = arith.addi %mul3A_9, %add3A_26 : i32
    "tpu.region"() ({
      %run_scoped3A_168 = tpu.sem_alloc : memref<!tpu.dma_semaphore, #tpu.memory_space<semaphore_mem>>
      %dma_start3A_169 = arith.constant 0 : i32
      %dma_start3A_170 = arith.constant 0 : i32
      %dma_start3A_171 = tpu.memref_slice %arg7[%dma_start3A_169, %dma_start3A_170] : memref<40x128xf32, #tpu.memory_space<vmem>> -> memref<40x128xf32, #tpu.memory_space<vmem>>
      %dma_start3A_172 = arith.constant 0 : i32
      %dma_start3A_173 = tpu.memref_slice %arg6[%add3A_27, %dma_start3A_172] : memref<10240x128xf32, #tpu.memory_space<vmem_shared>> -> memref<40x128xf32, #tpu.memory_space<vmem_shared>>
      %dma_start3A_174 = arith.constant 0 : i32
      %dma_start3A_175 = tpu.memref_slice %arg6[%add3A_27, %dma_start3A_174] : memref<10240x128xf32, #tpu.memory_space<vmem_shared>> -> memref<40x128xf32, #tpu.memory_space<vmem_shared>>
      %dma_start3A_176 = arith.constant 0 : i32
      %dma_start3A_177 = arith.constant 0 : i32
      %dma_start3A_178 = tpu.memref_slice %arg7[%dma_start3A_176, %dma_start3A_177] : memref<40x128xf32, #tpu.memory_space<vmem>> -> memref<40x128xf32, #tpu.memory_space<vmem>>
      tpu.enqueue_dma source(%dma_start3A_178 : memref<40x128xf32, #tpu.memory_space<vmem>>) target(%dma_start3A_175 : memref<40x128xf32, #tpu.memory_space<vmem_shared>>) target_semaphore(%run_scoped3A_168 : memref<!tpu.dma_semaphore, #tpu.memory_space<semaphore_mem>>)
      %dma_wait3A_179 = arith.constant 0 : i32
      %dma_wait3A_180 = arith.constant 0 : i32
      %dma_wait3A_181 = tpu.memref_slice %arg7[%dma_wait3A_179, %dma_wait3A_180] : memref<40x128xf32, #tpu.memory_space<vmem>> -> memref<40x128xf32, #tpu.memory_space<vmem>>
      %dma_wait3A_182 = arith.constant 0 : i32
      %dma_wait3A_183 = tpu.memref_slice %arg6[%add3A_27, %dma_wait3A_182] : memref<10240x128xf32, #tpu.memory_space<vmem_shared>> -> memref<40x128xf32, #tpu.memory_space<vmem_shared>>
      %dma_wait3A_184 = arith.constant 0 : i32
      %dma_wait3A_185 = tpu.memref_slice %arg6[%add3A_27, %dma_wait3A_184] : memref<10240x128xf32, #tpu.memory_space<vmem_shared>> -> memref<40x128xf32, #tpu.memory_space<vmem_shared>>
      %dma_wait3A_186 = arith.constant 0 : i32
      %dma_wait3A_187 = arith.constant 0 : i32
      %dma_wait3A_188 = tpu.memref_slice %arg7[%dma_wait3A_186, %dma_wait3A_187] : memref<40x128xf32, #tpu.memory_space<vmem>> -> memref<40x128xf32, #tpu.memory_space<vmem>>
      tpu.wait_dma2 semaphore(%run_scoped3A_168 : memref<!tpu.dma_semaphore, #tpu.memory_space<semaphore_mem>>) src(%dma_wait3A_188 : memref<40x128xf32, #tpu.memory_space<vmem>>) dst(%dma_wait3A_185 : memref<40x128xf32, #tpu.memory_space<vmem_shared>>)
      tpu.yield
    }) : () -> ()
    %add3A_28 = arith.constant 360 : i32
    %add3A_29 = arith.addi %mul3A_9, %add3A_28 : i32
    "tpu.region"() ({
      %run_scoped3A_168 = tpu.sem_alloc : memref<!tpu.dma_semaphore, #tpu.memory_space<semaphore_mem>>
      %dma_start3A_169 = arith.constant 0 : i32
      %dma_start3A_170 = arith.constant 0 : i32
      %dma_start3A_171 = tpu.memref_slice %arg7[%dma_start3A_169, %dma_start3A_170] : memref<40x128xf32, #tpu.memory_space<vmem>> -> memref<40x128xf32, #tpu.memory_space<vmem>>
      %dma_start3A_172 = arith.constant 0 : i32
      %dma_start3A_173 = tpu.memref_slice %arg6[%add3A_29, %dma_start3A_172] : memref<10240x128xf32, #tpu.memory_space<vmem_shared>> -> memref<40x128xf32, #tpu.memory_space<vmem_shared>>
      %dma_start3A_174 = arith.constant 0 : i32
      %dma_start3A_175 = tpu.memref_slice %arg6[%add3A_29, %dma_start3A_174] : memref<10240x128xf32, #tpu.memory_space<vmem_shared>> -> memref<40x128xf32, #tpu.memory_space<vmem_shared>>
      %dma_start3A_176 = arith.constant 0 : i32
      %dma_start3A_177 = arith.constant 0 : i32
      %dma_start3A_178 = tpu.memref_slice %arg7[%dma_start3A_176, %dma_start3A_177] : memref<40x128xf32, #tpu.memory_space<vmem>> -> memref<40x128xf32, #tpu.memory_space<vmem>>
      tpu.enqueue_dma source(%dma_start3A_178 : memref<40x128xf32, #tpu.memory_space<vmem>>) target(%dma_start3A_175 : memref<40x128xf32, #tpu.memory_space<vmem_shared>>) target_semaphore(%run_scoped3A_168 : memref<!tpu.dma_semaphore, #tpu.memory_space<semaphore_mem>>)
      %dma_wait3A_179 = arith.constant 0 : i32
      %dma_wait3A_180 = arith.constant 0 : i32
      %dma_wait3A_181 = tpu.memref_slice %arg7[%dma_wait3A_179, %dma_wait3A_180] : memref<40x128xf32, #tpu.memory_space<vmem>> -> memref<40x128xf32, #tpu.memory_space<vmem>>
      %dma_wait3A_182 = arith.constant 0 : i32
      %dma_wait3A_183 = tpu.memref_slice %arg6[%add3A_29, %dma_wait3A_182] : memref<10240x128xf32, #tpu.memory_space<vmem_shared>> -> memref<40x128xf32, #tpu.memory_space<vmem_shared>>
      %dma_wait3A_184 = arith.constant 0 : i32
      %dma_wait3A_185 = tpu.memref_slice %arg6[%add3A_29, %dma_wait3A_184] : memref<10240x128xf32, #tpu.memory_space<vmem_shared>> -> memref<40x128xf32, #tpu.memory_space<vmem_shared>>
      %dma_wait3A_186 = arith.constant 0 : i32
      %dma_wait3A_187 = arith.constant 0 : i32
      %dma_wait3A_188 = tpu.memref_slice %arg7[%dma_wait3A_186, %dma_wait3A_187] : memref<40x128xf32, #tpu.memory_space<vmem>> -> memref<40x128xf32, #tpu.memory_space<vmem>>
      tpu.wait_dma2 semaphore(%run_scoped3A_168 : memref<!tpu.dma_semaphore, #tpu.memory_space<semaphore_mem>>) src(%dma_wait3A_188 : memref<40x128xf32, #tpu.memory_space<vmem>>) dst(%dma_wait3A_185 : memref<40x128xf32, #tpu.memory_space<vmem_shared>>)
      tpu.yield
    }) : () -> ()
    %add3A_30 = arith.constant 400 : i32
    %add3A_31 = arith.addi %mul3A_9, %add3A_30 : i32
    "tpu.region"() ({
      %run_scoped3A_168 = tpu.sem_alloc : memref<!tpu.dma_semaphore, #tpu.memory_space<semaphore_mem>>
      %dma_start3A_169 = arith.constant 0 : i32
      %dma_start3A_170 = arith.constant 0 : i32
      %dma_start3A_171 = tpu.memref_slice %arg7[%dma_start3A_169, %dma_start3A_170] : memref<40x128xf32, #tpu.memory_space<vmem>> -> memref<40x128xf32, #tpu.memory_space<vmem>>
      %dma_start3A_172 = arith.constant 0 : i32
      %dma_start3A_173 = tpu.memref_slice %arg6[%add3A_31, %dma_start3A_172] : memref<10240x128xf32, #tpu.memory_space<vmem_shared>> -> memref<40x128xf32, #tpu.memory_space<vmem_shared>>
      %dma_start3A_174 = arith.constant 0 : i32
      %dma_start3A_175 = tpu.memref_slice %arg6[%add3A_31, %dma_start3A_174] : memref<10240x128xf32, #tpu.memory_space<vmem_shared>> -> memref<40x128xf32, #tpu.memory_space<vmem_shared>>
      %dma_start3A_176 = arith.constant 0 : i32
      %dma_start3A_177 = arith.constant 0 : i32
      %dma_start3A_178 = tpu.memref_slice %arg7[%dma_start3A_176, %dma_start3A_177] : memref<40x128xf32, #tpu.memory_space<vmem>> -> memref<40x128xf32, #tpu.memory_space<vmem>>
      tpu.enqueue_dma source(%dma_start3A_178 : memref<40x128xf32, #tpu.memory_space<vmem>>) target(%dma_start3A_175 : memref<40x128xf32, #tpu.memory_space<vmem_shared>>) target_semaphore(%run_scoped3A_168 : memref<!tpu.dma_semaphore, #tpu.memory_space<semaphore_mem>>)
      %dma_wait3A_179 = arith.constant 0 : i32
      %dma_wait3A_180 = arith.constant 0 : i32
      %dma_wait3A_181 = tpu.memref_slice %arg7[%dma_wait3A_179, %dma_wait3A_180] : memref<40x128xf32, #tpu.memory_space<vmem>> -> memref<40x128xf32, #tpu.memory_space<vmem>>
      %dma_wait3A_182 = arith.constant 0 : i32
      %dma_wait3A_183 = tpu.memref_slice %arg6[%add3A_31, %dma_wait3A_182] : memref<10240x128xf32, #tpu.memory_space<vmem_shared>> -> memref<40x128xf32, #tpu.memory_space<vmem_shared>>
      %dma_wait3A_184 = arith.constant 0 : i32
      %dma_wait3A_185 = tpu.memref_slice %arg6[%add3A_31, %dma_wait3A_184] : memref<10240x128xf32, #tpu.memory_space<vmem_shared>> -> memref<40x128xf32, #tpu.memory_space<vmem_shared>>
      %dma_wait3A_186 = arith.constant 0 : i32
      %dma_wait3A_187 = arith.constant 0 : i32
      %dma_wait3A_188 = tpu.memref_slice %arg7[%dma_wait3A_186, %dma_wait3A_187] : memref<40x128xf32, #tpu.memory_space<vmem>> -> memref<40x128xf32, #tpu.memory_space<vmem>>
      tpu.wait_dma2 semaphore(%run_scoped3A_168 : memref<!tpu.dma_semaphore, #tpu.memory_space<semaphore_mem>>) src(%dma_wait3A_188 : memref<40x128xf32, #tpu.memory_space<vmem>>) dst(%dma_wait3A_185 : memref<40x128xf32, #tpu.memory_space<vmem_shared>>)
      tpu.yield
    }) : () -> ()
    %add3A_32 = arith.constant 440 : i32
    %add3A_33 = arith.addi %mul3A_9, %add3A_32 : i32
    "tpu.region"() ({
      %run_scoped3A_168 = tpu.sem_alloc : memref<!tpu.dma_semaphore, #tpu.memory_space<semaphore_mem>>
      %dma_start3A_169 = arith.constant 0 : i32
      %dma_start3A_170 = arith.constant 0 : i32
      %dma_start3A_171 = tpu.memref_slice %arg7[%dma_start3A_169, %dma_start3A_170] : memref<40x128xf32, #tpu.memory_space<vmem>> -> memref<40x128xf32, #tpu.memory_space<vmem>>
      %dma_start3A_172 = arith.constant 0 : i32
      %dma_start3A_173 = tpu.memref_slice %arg6[%add3A_33, %dma_start3A_172] : memref<10240x128xf32, #tpu.memory_space<vmem_shared>> -> memref<40x128xf32, #tpu.memory_space<vmem_shared>>
      %dma_start3A_174 = arith.constant 0 : i32
      %dma_start3A_175 = tpu.memref_slice %arg6[%add3A_33, %dma_start3A_174] : memref<10240x128xf32, #tpu.memory_space<vmem_shared>> -> memref<40x128xf32, #tpu.memory_space<vmem_shared>>
      %dma_start3A_176 = arith.constant 0 : i32
      %dma_start3A_177 = arith.constant 0 : i32
      %dma_start3A_178 = tpu.memref_slice %arg7[%dma_start3A_176, %dma_start3A_177] : memref<40x128xf32, #tpu.memory_space<vmem>> -> memref<40x128xf32, #tpu.memory_space<vmem>>
      tpu.enqueue_dma source(%dma_start3A_178 : memref<40x128xf32, #tpu.memory_space<vmem>>) target(%dma_start3A_175 : memref<40x128xf32, #tpu.memory_space<vmem_shared>>) target_semaphore(%run_scoped3A_168 : memref<!tpu.dma_semaphore, #tpu.memory_space<semaphore_mem>>)
      %dma_wait3A_179 = arith.constant 0 : i32
      %dma_wait3A_180 = arith.constant 0 : i32
      %dma_wait3A_181 = tpu.memref_slice %arg7[%dma_wait3A_179, %dma_wait3A_180] : memref<40x128xf32, #tpu.memory_space<vmem>> -> memref<40x128xf32, #tpu.memory_space<vmem>>
      %dma_wait3A_182 = arith.constant 0 : i32
      %dma_wait3A_183 = tpu.memref_slice %arg6[%add3A_33, %dma_wait3A_182] : memref<10240x128xf32, #tpu.memory_space<vmem_shared>> -> memref<40x128xf32, #tpu.memory_space<vmem_shared>>
      %dma_wait3A_184 = arith.constant 0 : i32
      %dma_wait3A_185 = tpu.memref_slice %arg6[%add3A_33, %dma_wait3A_184] : memref<10240x128xf32, #tpu.memory_space<vmem_shared>> -> memref<40x128xf32, #tpu.memory_space<vmem_shared>>
      %dma_wait3A_186 = arith.constant 0 : i32
      %dma_wait3A_187 = arith.constant 0 : i32
      %dma_wait3A_188 = tpu.memref_slice %arg7[%dma_wait3A_186, %dma_wait3A_187] : memref<40x128xf32, #tpu.memory_space<vmem>> -> memref<40x128xf32, #tpu.memory_space<vmem>>
      tpu.wait_dma2 semaphore(%run_scoped3A_168 : memref<!tpu.dma_semaphore, #tpu.memory_space<semaphore_mem>>) src(%dma_wait3A_188 : memref<40x128xf32, #tpu.memory_space<vmem>>) dst(%dma_wait3A_185 : memref<40x128xf32, #tpu.memory_space<vmem_shared>>)
      tpu.yield
    }) : () -> ()
    %add3A_34 = arith.constant 480 : i32
    %add3A_35 = arith.addi %mul3A_9, %add3A_34 : i32
    "tpu.region"() ({
      %run_scoped3A_168 = tpu.sem_alloc : memref<!tpu.dma_semaphore, #tpu.memory_space<semaphore_mem>>
      %dma_start3A_169 = arith.constant 0 : i32
      %dma_start3A_170 = arith.constant 0 : i32
      %dma_start3A_171 = tpu.memref_slice %arg7[%dma_start3A_169, %dma_start3A_170] : memref<40x128xf32, #tpu.memory_space<vmem>> -> memref<40x128xf32, #tpu.memory_space<vmem>>
      %dma_start3A_172 = arith.constant 0 : i32
      %dma_start3A_173 = tpu.memref_slice %arg6[%add3A_35, %dma_start3A_172] : memref<10240x128xf32, #tpu.memory_space<vmem_shared>> -> memref<40x128xf32, #tpu.memory_space<vmem_shared>>
      %dma_start3A_174 = arith.constant 0 : i32
      %dma_start3A_175 = tpu.memref_slice %arg6[%add3A_35, %dma_start3A_174] : memref<10240x128xf32, #tpu.memory_space<vmem_shared>> -> memref<40x128xf32, #tpu.memory_space<vmem_shared>>
      %dma_start3A_176 = arith.constant 0 : i32
      %dma_start3A_177 = arith.constant 0 : i32
      %dma_start3A_178 = tpu.memref_slice %arg7[%dma_start3A_176, %dma_start3A_177] : memref<40x128xf32, #tpu.memory_space<vmem>> -> memref<40x128xf32, #tpu.memory_space<vmem>>
      tpu.enqueue_dma source(%dma_start3A_178 : memref<40x128xf32, #tpu.memory_space<vmem>>) target(%dma_start3A_175 : memref<40x128xf32, #tpu.memory_space<vmem_shared>>) target_semaphore(%run_scoped3A_168 : memref<!tpu.dma_semaphore, #tpu.memory_space<semaphore_mem>>)
      %dma_wait3A_179 = arith.constant 0 : i32
      %dma_wait3A_180 = arith.constant 0 : i32
      %dma_wait3A_181 = tpu.memref_slice %arg7[%dma_wait3A_179, %dma_wait3A_180] : memref<40x128xf32, #tpu.memory_space<vmem>> -> memref<40x128xf32, #tpu.memory_space<vmem>>
      %dma_wait3A_182 = arith.constant 0 : i32
      %dma_wait3A_183 = tpu.memref_slice %arg6[%add3A_35, %dma_wait3A_182] : memref<10240x128xf32, #tpu.memory_space<vmem_shared>> -> memref<40x128xf32, #tpu.memory_space<vmem_shared>>
      %dma_wait3A_184 = arith.constant 0 : i32
      %dma_wait3A_185 = tpu.memref_slice %arg6[%add3A_35, %dma_wait3A_184] : memref<10240x128xf32, #tpu.memory_space<vmem_shared>> -> memref<40x128xf32, #tpu.memory_space<vmem_shared>>
      %dma_wait3A_186 = arith.constant 0 : i32
      %dma_wait3A_187 = arith.constant 0 : i32
      %dma_wait3A_188 = tpu.memref_slice %arg7[%dma_wait3A_186, %dma_wait3A_187] : memref<40x128xf32, #tpu.memory_space<vmem>> -> memref<40x128xf32, #tpu.memory_space<vmem>>
      tpu.wait_dma2 semaphore(%run_scoped3A_168 : memref<!tpu.dma_semaphore, #tpu.memory_space<semaphore_mem>>) src(%dma_wait3A_188 : memref<40x128xf32, #tpu.memory_space<vmem>>) dst(%dma_wait3A_185 : memref<40x128xf32, #tpu.memory_space<vmem_shared>>)
      tpu.yield
    }) : () -> ()
    %add3A_36 = arith.constant 520 : i32
    %add3A_37 = arith.addi %mul3A_9, %add3A_36 : i32
    "tpu.region"() ({
      %run_scoped3A_168 = tpu.sem_alloc : memref<!tpu.dma_semaphore, #tpu.memory_space<semaphore_mem>>
      %dma_start3A_169 = arith.constant 0 : i32
      %dma_start3A_170 = arith.constant 0 : i32
      %dma_start3A_171 = tpu.memref_slice %arg7[%dma_start3A_169, %dma_start3A_170] : memref<40x128xf32, #tpu.memory_space<vmem>> -> memref<40x128xf32, #tpu.memory_space<vmem>>
      %dma_start3A_172 = arith.constant 0 : i32
      %dma_start3A_173 = tpu.memref_slice %arg6[%add3A_37, %dma_start3A_172] : memref<10240x128xf32, #tpu.memory_space<vmem_shared>> -> memref<40x128xf32, #tpu.memory_space<vmem_shared>>
      %dma_start3A_174 = arith.constant 0 : i32
      %dma_start3A_175 = tpu.memref_slice %arg6[%add3A_37, %dma_start3A_174] : memref<10240x128xf32, #tpu.memory_space<vmem_shared>> -> memref<40x128xf32, #tpu.memory_space<vmem_shared>>
      %dma_start3A_176 = arith.constant 0 : i32
      %dma_start3A_177 = arith.constant 0 : i32
      %dma_start3A_178 = tpu.memref_slice %arg7[%dma_start3A_176, %dma_start3A_177] : memref<40x128xf32, #tpu.memory_space<vmem>> -> memref<40x128xf32, #tpu.memory_space<vmem>>
      tpu.enqueue_dma source(%dma_start3A_178 : memref<40x128xf32, #tpu.memory_space<vmem>>) target(%dma_start3A_175 : memref<40x128xf32, #tpu.memory_space<vmem_shared>>) target_semaphore(%run_scoped3A_168 : memref<!tpu.dma_semaphore, #tpu.memory_space<semaphore_mem>>)
      %dma_wait3A_179 = arith.constant 0 : i32
      %dma_wait3A_180 = arith.constant 0 : i32
      %dma_wait3A_181 = tpu.memref_slice %arg7[%dma_wait3A_179, %dma_wait3A_180] : memref<40x128xf32, #tpu.memory_space<vmem>> -> memref<40x128xf32, #tpu.memory_space<vmem>>
      %dma_wait3A_182 = arith.constant 0 : i32
      %dma_wait3A_183 = tpu.memref_slice %arg6[%add3A_37, %dma_wait3A_182] : memref<10240x128xf32, #tpu.memory_space<vmem_shared>> -> memref<40x128xf32, #tpu.memory_space<vmem_shared>>
      %dma_wait3A_184 = arith.constant 0 : i32
      %dma_wait3A_185 = tpu.memref_slice %arg6[%add3A_37, %dma_wait3A_184] : memref<10240x128xf32, #tpu.memory_space<vmem_shared>> -> memref<40x128xf32, #tpu.memory_space<vmem_shared>>
      %dma_wait3A_186 = arith.constant 0 : i32
      %dma_wait3A_187 = arith.constant 0 : i32
      %dma_wait3A_188 = tpu.memref_slice %arg7[%dma_wait3A_186, %dma_wait3A_187] : memref<40x128xf32, #tpu.memory_space<vmem>> -> memref<40x128xf32, #tpu.memory_space<vmem>>
      tpu.wait_dma2 semaphore(%run_scoped3A_168 : memref<!tpu.dma_semaphore, #tpu.memory_space<semaphore_mem>>) src(%dma_wait3A_188 : memref<40x128xf32, #tpu.memory_space<vmem>>) dst(%dma_wait3A_185 : memref<40x128xf32, #tpu.memory_space<vmem_shared>>)
      tpu.yield
    }) : () -> ()
    %add3A_38 = arith.constant 560 : i32
    %add3A_39 = arith.addi %mul3A_9, %add3A_38 : i32
    "tpu.region"() ({
      %run_scoped3A_168 = tpu.sem_alloc : memref<!tpu.dma_semaphore, #tpu.memory_space<semaphore_mem>>
      %dma_start3A_169 = arith.constant 0 : i32
      %dma_start3A_170 = arith.constant 0 : i32
      %dma_start3A_171 = tpu.memref_slice %arg7[%dma_start3A_169, %dma_start3A_170] : memref<40x128xf32, #tpu.memory_space<vmem>> -> memref<40x128xf32, #tpu.memory_space<vmem>>
      %dma_start3A_172 = arith.constant 0 : i32
      %dma_start3A_173 = tpu.memref_slice %arg6[%add3A_39, %dma_start3A_172] : memref<10240x128xf32, #tpu.memory_space<vmem_shared>> -> memref<40x128xf32, #tpu.memory_space<vmem_shared>>
      %dma_start3A_174 = arith.constant 0 : i32
      %dma_start3A_175 = tpu.memref_slice %arg6[%add3A_39, %dma_start3A_174] : memref<10240x128xf32, #tpu.memory_space<vmem_shared>> -> memref<40x128xf32, #tpu.memory_space<vmem_shared>>
      %dma_start3A_176 = arith.constant 0 : i32
      %dma_start3A_177 = arith.constant 0 : i32
      %dma_start3A_178 = tpu.memref_slice %arg7[%dma_start3A_176, %dma_start3A_177] : memref<40x128xf32, #tpu.memory_space<vmem>> -> memref<40x128xf32, #tpu.memory_space<vmem>>
      tpu.enqueue_dma source(%dma_start3A_178 : memref<40x128xf32, #tpu.memory_space<vmem>>) target(%dma_start3A_175 : memref<40x128xf32, #tpu.memory_space<vmem_shared>>) target_semaphore(%run_scoped3A_168 : memref<!tpu.dma_semaphore, #tpu.memory_space<semaphore_mem>>)
      %dma_wait3A_179 = arith.constant 0 : i32
      %dma_wait3A_180 = arith.constant 0 : i32
      %dma_wait3A_181 = tpu.memref_slice %arg7[%dma_wait3A_179, %dma_wait3A_180] : memref<40x128xf32, #tpu.memory_space<vmem>> -> memref<40x128xf32, #tpu.memory_space<vmem>>
      %dma_wait3A_182 = arith.constant 0 : i32
      %dma_wait3A_183 = tpu.memref_slice %arg6[%add3A_39, %dma_wait3A_182] : memref<10240x128xf32, #tpu.memory_space<vmem_shared>> -> memref<40x128xf32, #tpu.memory_space<vmem_shared>>
      %dma_wait3A_184 = arith.constant 0 : i32
      %dma_wait3A_185 = tpu.memref_slice %arg6[%add3A_39, %dma_wait3A_184] : memref<10240x128xf32, #tpu.memory_space<vmem_shared>> -> memref<40x128xf32, #tpu.memory_space<vmem_shared>>
      %dma_wait3A_186 = arith.constant 0 : i32
      %dma_wait3A_187 = arith.constant 0 : i32
      %dma_wait3A_188 = tpu.memref_slice %arg7[%dma_wait3A_186, %dma_wait3A_187] : memref<40x128xf32, #tpu.memory_space<vmem>> -> memref<40x128xf32, #tpu.memory_space<vmem>>
      tpu.wait_dma2 semaphore(%run_scoped3A_168 : memref<!tpu.dma_semaphore, #tpu.memory_space<semaphore_mem>>) src(%dma_wait3A_188 : memref<40x128xf32, #tpu.memory_space<vmem>>) dst(%dma_wait3A_185 : memref<40x128xf32, #tpu.memory_space<vmem_shared>>)
      tpu.yield
    }) : () -> ()
    %add3A_40 = arith.constant 600 : i32
    %add3A_41 = arith.addi %mul3A_9, %add3A_40 : i32
    "tpu.region"() ({
      %run_scoped3A_168 = tpu.sem_alloc : memref<!tpu.dma_semaphore, #tpu.memory_space<semaphore_mem>>
      %dma_start3A_169 = arith.constant 0 : i32
      %dma_start3A_170 = arith.constant 0 : i32
      %dma_start3A_171 = tpu.memref_slice %arg7[%dma_start3A_169, %dma_start3A_170] : memref<40x128xf32, #tpu.memory_space<vmem>> -> memref<40x128xf32, #tpu.memory_space<vmem>>
      %dma_start3A_172 = arith.constant 0 : i32
      %dma_start3A_173 = tpu.memref_slice %arg6[%add3A_41, %dma_start3A_172] : memref<10240x128xf32, #tpu.memory_space<vmem_shared>> -> memref<40x128xf32, #tpu.memory_space<vmem_shared>>
      %dma_start3A_174 = arith.constant 0 : i32
      %dma_start3A_175 = tpu.memref_slice %arg6[%add3A_41, %dma_start3A_174] : memref<10240x128xf32, #tpu.memory_space<vmem_shared>> -> memref<40x128xf32, #tpu.memory_space<vmem_shared>>
      %dma_start3A_176 = arith.constant 0 : i32
      %dma_start3A_177 = arith.constant 0 : i32
      %dma_start3A_178 = tpu.memref_slice %arg7[%dma_start3A_176, %dma_start3A_177] : memref<40x128xf32, #tpu.memory_space<vmem>> -> memref<40x128xf32, #tpu.memory_space<vmem>>
      tpu.enqueue_dma source(%dma_start3A_178 : memref<40x128xf32, #tpu.memory_space<vmem>>) target(%dma_start3A_175 : memref<40x128xf32, #tpu.memory_space<vmem_shared>>) target_semaphore(%run_scoped3A_168 : memref<!tpu.dma_semaphore, #tpu.memory_space<semaphore_mem>>)
      %dma_wait3A_179 = arith.constant 0 : i32
      %dma_wait3A_180 = arith.constant 0 : i32
      %dma_wait3A_181 = tpu.memref_slice %arg7[%dma_wait3A_179, %dma_wait3A_180] : memref<40x128xf32, #tpu.memory_space<vmem>> -> memref<40x128xf32, #tpu.memory_space<vmem>>
      %dma_wait3A_182 = arith.constant 0 : i32
      %dma_wait3A_183 = tpu.memref_slice %arg6[%add3A_41, %dma_wait3A_182] : memref<10240x128xf32, #tpu.memory_space<vmem_shared>> -> memref<40x128xf32, #tpu.memory_space<vmem_shared>>
      %dma_wait3A_184 = arith.constant 0 : i32
      %dma_wait3A_185 = tpu.memref_slice %arg6[%add3A_41, %dma_wait3A_184] : memref<10240x128xf32, #tpu.memory_space<vmem_shared>> -> memref<40x128xf32, #tpu.memory_space<vmem_shared>>
      %dma_wait3A_186 = arith.constant 0 : i32
      %dma_wait3A_187 = arith.constant 0 : i32
      %dma_wait3A_188 = tpu.memref_slice %arg7[%dma_wait3A_186, %dma_wait3A_187] : memref<40x128xf32, #tpu.memory_space<vmem>> -> memref<40x128xf32, #tpu.memory_space<vmem>>
      tpu.wait_dma2 semaphore(%run_scoped3A_168 : memref<!tpu.dma_semaphore, #tpu.memory_space<semaphore_mem>>) src(%dma_wait3A_188 : memref<40x128xf32, #tpu.memory_space<vmem>>) dst(%dma_wait3A_185 : memref<40x128xf32, #tpu.memory_space<vmem_shared>>)
      tpu.yield
    }) : () -> ()
    %mul3A_42 = arith.constant 5000 : i32
    %mul3A_43 = arith.muli %add3A, %mul3A_42 : i32
    "tpu.region"() ({
      %run_scoped3A_168 = tpu.sem_alloc : memref<!tpu.dma_semaphore, #tpu.memory_space<semaphore_mem>>
      %dma_start3A_169 = tpu.memref_slice %arg3[%mul3A_43] : memref<160000xi32, #tpu.memory_space<hbm>> -> memref<5000xi32, #tpu.memory_space<hbm>>
      %dma_start3A_170 = tpu.memref_slice %arg3[%mul3A_43] : memref<160000xi32, #tpu.memory_space<hbm>> -> memref<5000xi32, #tpu.memory_space<hbm>>
      tpu.enqueue_dma source(%dma_start3A_170 : memref<5000xi32, #tpu.memory_space<hbm>>) target(%arg11 : memref<5000xi32, #tpu.memory_space<vmem>>) target_semaphore(%run_scoped3A_168 : memref<!tpu.dma_semaphore, #tpu.memory_space<semaphore_mem>>)
      %dma_wait3A_171 = tpu.memref_slice %arg3[%mul3A_43] : memref<160000xi32, #tpu.memory_space<hbm>> -> memref<5000xi32, #tpu.memory_space<hbm>>
      %dma_wait3A_172 = tpu.memref_slice %arg3[%mul3A_43] : memref<160000xi32, #tpu.memory_space<hbm>> -> memref<5000xi32, #tpu.memory_space<hbm>>
      tpu.wait_dma2 semaphore(%run_scoped3A_168 : memref<!tpu.dma_semaphore, #tpu.memory_space<semaphore_mem>>) src(%dma_wait3A_172 : memref<5000xi32, #tpu.memory_space<hbm>>) dst(%arg11 : memref<5000xi32, #tpu.memory_space<vmem>>)
      tpu.yield
    }) : () -> ()
    "tpu.region"() ({
      %run_scoped3A_168 = tpu.sem_alloc : memref<!tpu.dma_semaphore, #tpu.memory_space<semaphore_mem>>
      %dma_start3A_169 = arith.constant 0 : i32
      %dma_start3A_170 = arith.constant 0 : i32
      %dma_start3A_171 = tpu.memref_slice %arg4[%add3A, %dma_start3A_169, %dma_start3A_170] : memref<32x125x40xi32, #tpu.memory_space<hbm>> -> memref<1x125x40xi32, #tpu.memory_space<hbm>>
      %dma_start3A_172 = tpu.memref_squeeze %dma_start3A_171 : memref<1x125x40xi32, #tpu.memory_space<hbm>> -> memref<125x40xi32, #tpu.memory_space<hbm>>
      %dma_start3A_173 = arith.constant 0 : i32
      %dma_start3A_174 = arith.constant 0 : i32
      %dma_start3A_175 = tpu.memref_slice %arg4[%add3A, %dma_start3A_173, %dma_start3A_174] : memref<32x125x40xi32, #tpu.memory_space<hbm>> -> memref<1x125x40xi32, #tpu.memory_space<hbm>>
      %dma_start3A_176 = tpu.memref_squeeze %dma_start3A_175 : memref<1x125x40xi32, #tpu.memory_space<hbm>> -> memref<125x40xi32, #tpu.memory_space<hbm>>
      tpu.enqueue_dma source(%dma_start3A_176 : memref<125x40xi32, #tpu.memory_space<hbm>>) target(%arg12 : memref<125x40xi32, #tpu.memory_space<vmem>>) target_semaphore(%run_scoped3A_168 : memref<!tpu.dma_semaphore, #tpu.memory_space<semaphore_mem>>)
      %dma_wait3A_177 = arith.constant 0 : i32
      %dma_wait3A_178 = arith.constant 0 : i32
      %dma_wait3A_179 = tpu.memref_slice %arg4[%add3A, %dma_wait3A_177, %dma_wait3A_178] : memref<32x125x40xi32, #tpu.memory_space<hbm>> -> memref<1x125x40xi32, #tpu.memory_space<hbm>>
      %dma_wait3A_180 = tpu.memref_squeeze %dma_wait3A_179 : memref<1x125x40xi32, #tpu.memory_space<hbm>> -> memref<125x40xi32, #tpu.memory_space<hbm>>
      %dma_wait3A_181 = arith.constant 0 : i32
      %dma_wait3A_182 = arith.constant 0 : i32
      %dma_wait3A_183 = tpu.memref_slice %arg4[%add3A, %dma_wait3A_181, %dma_wait3A_182] : memref<32x125x40xi32, #tpu.memory_space<hbm>> -> memref<1x125x40xi32, #tpu.memory_space<hbm>>
      %dma_wait3A_184 = tpu.memref_squeeze %dma_wait3A_183 : memref<1x125x40xi32, #tpu.memory_space<hbm>> -> memref<125x40xi32, #tpu.memory_space<hbm>>
      tpu.wait_dma2 semaphore(%run_scoped3A_168 : memref<!tpu.dma_semaphore, #tpu.memory_space<semaphore_mem>>) src(%dma_wait3A_184 : memref<125x40xi32, #tpu.memory_space<hbm>>) dst(%arg12 : memref<125x40xi32, #tpu.memory_space<vmem>>)
      tpu.yield
    }) : () -> ()
    %barrier3A = arith.constant 0 : index
    tpu.barrier barrier_id(%barrier3A)
    %dma_start3A = arith.constant 0 : i32
    %dma_start3A_44 = tpu.memref_slice %arg11[%dma_start3A] : memref<5000xi32, #tpu.memory_space<vmem>> -> memref<40xi32, #tpu.memory_space<vmem>>
    %dma_start3A_45 = arith.constant 0 : i32
    %dma_start3A_46 = arith.constant 0 : i32
    %dma_start3A_47 = tpu.memref_slice %arg2[%dma_start3A_45, %dma_start3A_46] : memref<10000x128xf32, #tpu.memory_space<hbm>> -> memref<10000x128xf32, #tpu.memory_space<hbm>>
    tpu.enqueue_indirect_dma source(%dma_start3A_47 : memref<10000x128xf32, #tpu.memory_space<hbm>>) target(%arg7 : memref<40x128xf32, #tpu.memory_space<vmem>>) offsets(%dma_start3A_44 : memref<40xi32, #tpu.memory_space<vmem>>) semaphore(%arg13 : memref<!tpu.dma_semaphore, #tpu.memory_space<semaphore_mem>>)
    %dma_start3A_48 = arith.constant 40 : i32
    %dma_start3A_49 = tpu.memref_slice %arg11[%dma_start3A_48] : memref<5000xi32, #tpu.memory_space<vmem>> -> memref<40xi32, #tpu.memory_space<vmem>>
    %dma_start3A_50 = arith.constant 0 : i32
    %dma_start3A_51 = arith.constant 0 : i32
    %dma_start3A_52 = tpu.memref_slice %arg2[%dma_start3A_50, %dma_start3A_51] : memref<10000x128xf32, #tpu.memory_space<hbm>> -> memref<10000x128xf32, #tpu.memory_space<hbm>>
    tpu.enqueue_indirect_dma source(%dma_start3A_52 : memref<10000x128xf32, #tpu.memory_space<hbm>>) target(%arg8 : memref<40x128xf32, #tpu.memory_space<vmem>>) offsets(%dma_start3A_49 : memref<40xi32, #tpu.memory_space<vmem>>) semaphore(%arg13 : memref<!tpu.dma_semaphore, #tpu.memory_space<semaphore_mem>>)
    %dma_start3A_53 = arith.constant 80 : i32
    %dma_start3A_54 = tpu.memref_slice %arg11[%dma_start3A_53] : memref<5000xi32, #tpu.memory_space<vmem>> -> memref<40xi32, #tpu.memory_space<vmem>>
    %dma_start3A_55 = arith.constant 0 : i32
    %dma_start3A_56 = arith.constant 0 : i32
    %dma_start3A_57 = tpu.memref_slice %arg2[%dma_start3A_55, %dma_start3A_56] : memref<10000x128xf32, #tpu.memory_space<hbm>> -> memref<10000x128xf32, #tpu.memory_space<hbm>>
    tpu.enqueue_indirect_dma source(%dma_start3A_57 : memref<10000x128xf32, #tpu.memory_space<hbm>>) target(%arg9 : memref<40x128xf32, #tpu.memory_space<vmem>>) offsets(%dma_start3A_54 : memref<40xi32, #tpu.memory_space<vmem>>) semaphore(%arg13 : memref<!tpu.dma_semaphore, #tpu.memory_space<semaphore_mem>>)
    %dma_start3A_58 = arith.constant 120 : i32
    %dma_start3A_59 = tpu.memref_slice %arg11[%dma_start3A_58] : memref<5000xi32, #tpu.memory_space<vmem>> -> memref<40xi32, #tpu.memory_space<vmem>>
    %dma_start3A_60 = arith.constant 0 : i32
    %dma_start3A_61 = arith.constant 0 : i32
    %dma_start3A_62 = tpu.memref_slice %arg2[%dma_start3A_60, %dma_start3A_61] : memref<10000x128xf32, #tpu.memory_space<hbm>> -> memref<10000x128xf32, #tpu.memory_space<hbm>>
    tpu.enqueue_indirect_dma source(%dma_start3A_62 : memref<10000x128xf32, #tpu.memory_space<hbm>>) target(%arg10 : memref<40x128xf32, #tpu.memory_space<vmem>>) offsets(%dma_start3A_59 : memref<40xi32, #tpu.memory_space<vmem>>) semaphore(%arg13 : memref<!tpu.dma_semaphore, #tpu.memory_space<semaphore_mem>>)
    %scan3A_63 = arith.constant 0 : i32
    %scan3A_64 = arith.constant 0 : i32
    %scan3A_65 = arith.constant 30 : i32
    %scan3A_66 = arith.addi %scan3A_64, %scan3A_65 : i32
    %scan3A_67 = arith.constant 1 : i32
    %scan3A_68 = scf.for %scan3A_168 = %scan3A_64 to %scan3A_66 step %scan3A_67 iter_args(%scan3A_169 = %scan3A_63) -> (i32)  : i32 {
      %mul3A_170 = arith.constant 4 : i32
      %mul3A_171 = arith.muli %mul3A_170, %scan3A_168 : i32
      %add3A_172 = arith.constant 0 : i32
      %add3A_173 = arith.addi %mul3A_171, %add3A_172 : i32
      %dma_wait3A_174 = arith.constant 0 : i32
      %dma_wait3A_175 = tpu.memref_slice %arg11[%dma_wait3A_174] : memref<5000xi32, #tpu.memory_space<vmem>> -> memref<40xi32, #tpu.memory_space<vmem>>
      %dma_wait3A_176 = arith.constant 0 : i32
      %dma_wait3A_177 = arith.constant 0 : i32
      %dma_wait3A_178 = tpu.memref_slice %arg2[%dma_wait3A_176, %dma_wait3A_177] : memref<10000x128xf32, #tpu.memory_space<hbm>> -> memref<10000x128xf32, #tpu.memory_space<hbm>>
      tpu.wait_indirect_dma semaphore(%arg13 : memref<!tpu.dma_semaphore, #tpu.memory_space<semaphore_mem>>) src(%dma_wait3A_178 : memref<10000x128xf32, #tpu.memory_space<hbm>>) dst(%arg7 : memref<40x128xf32, #tpu.memory_space<vmem>>)
      "tpu.region"() ({
        %run_scoped3A_241 = tpu.sem_alloc : memref<!tpu.dma_semaphore, #tpu.memory_space<semaphore_mem>>
        %dma_start3A_242 = arith.constant 0 : i32
        %dma_start3A_243 = tpu.memref_slice %arg12[%add3A_173, %dma_start3A_242] : memref<125x40xi32, #tpu.memory_space<vmem>> -> memref<1x40xi32, #tpu.memory_space<vmem>>
        %dma_start3A_244 = tpu.memref_squeeze %dma_start3A_243 : memref<1x40xi32, #tpu.memory_space<vmem>> -> memref<40xi32, #tpu.memory_space<vmem>>
        %dma_start3A_245 = arith.constant 0 : i32
        %dma_start3A_246 = arith.constant 0 : i32
        %dma_start3A_247 = tpu.memref_slice %arg6[%dma_start3A_245, %dma_start3A_246] : memref<10240x128xf32, #tpu.memory_space<vmem_shared>> -> memref<10240x128xf32, #tpu.memory_space<vmem_shared>>
        tpu.enqueue_indirect_dma source(%arg7 : memref<40x128xf32, #tpu.memory_space<vmem>>) target(%dma_start3A_247 : memref<10240x128xf32, #tpu.memory_space<vmem_shared>>) offsets(%dma_start3A_244 : memref<40xi32, #tpu.memory_space<vmem>>) semaphore(%run_scoped3A_241 : memref<!tpu.dma_semaphore, #tpu.memory_space<semaphore_mem>>) {add = true}
        %dma_wait3A_248 = arith.constant 0 : i32
        %dma_wait3A_249 = tpu.memref_slice %arg12[%add3A_173, %dma_wait3A_248] : memref<125x40xi32, #tpu.memory_space<vmem>> -> memref<1x40xi32, #tpu.memory_space<vmem>>
        %dma_wait3A_250 = tpu.memref_squeeze %dma_wait3A_249 : memref<1x40xi32, #tpu.memory_space<vmem>> -> memref<40xi32, #tpu.memory_space<vmem>>
        %dma_wait3A_251 = arith.constant 0 : i32
        %dma_wait3A_252 = arith.constant 0 : i32
        %dma_wait3A_253 = tpu.memref_slice %arg6[%dma_wait3A_251, %dma_wait3A_252] : memref<10240x128xf32, #tpu.memory_space<vmem_shared>> -> memref<10240x128xf32, #tpu.memory_space<vmem_shared>>
        tpu.wait_indirect_dma semaphore(%run_scoped3A_241 : memref<!tpu.dma_semaphore, #tpu.memory_space<semaphore_mem>>) src(%arg7 : memref<40x128xf32, #tpu.memory_space<vmem>>) dst(%dma_wait3A_253 : memref<10240x128xf32, #tpu.memory_space<vmem_shared>>)
        tpu.yield
      }) : () -> ()
      %add3A_179 = arith.constant 4 : i32
      %add3A_180 = arith.addi %mul3A_171, %add3A_179 : i32
      %add3A_181 = arith.constant 0 : i32
      %add3A_182 = arith.addi %add3A_180, %add3A_181 : i32
      %mul3A_183 = arith.constant 40 : i32
      %mul3A_184 = arith.muli %add3A_182, %mul3A_183 : i32
      %dma_start3A_185 = tpu.memref_slice %arg11[%mul3A_184] : memref<5000xi32, #tpu.memory_space<vmem>> -> memref<40xi32, #tpu.memory_space<vmem>>
      %dma_start3A_186 = arith.constant 0 : i32
      %dma_start3A_187 = arith.constant 0 : i32
      %dma_start3A_188 = tpu.memref_slice %arg2[%dma_start3A_186, %dma_start3A_187] : memref<10000x128xf32, #tpu.memory_space<hbm>> -> memref<10000x128xf32, #tpu.memory_space<hbm>>
      tpu.enqueue_indirect_dma source(%dma_start3A_188 : memref<10000x128xf32, #tpu.memory_space<hbm>>) target(%arg7 : memref<40x128xf32, #tpu.memory_space<vmem>>) offsets(%dma_start3A_185 : memref<40xi32, #tpu.memory_space<vmem>>) semaphore(%arg13 : memref<!tpu.dma_semaphore, #tpu.memory_space<semaphore_mem>>)
      %add3A_189 = arith.constant 1 : i32
      %add3A_190 = arith.addi %mul3A_171, %add3A_189 : i32
      %dma_wait3A_191 = arith.constant 0 : i32
      %dma_wait3A_192 = tpu.memref_slice %arg11[%dma_wait3A_191] : memref<5000xi32, #tpu.memory_space<vmem>> -> memref<40xi32, #tpu.memory_space<vmem>>
      %dma_wait3A_193 = arith.constant 0 : i32
      %dma_wait3A_194 = arith.constant 0 : i32
      %dma_wait3A_195 = tpu.memref_slice %arg2[%dma_wait3A_193, %dma_wait3A_194] : memref<10000x128xf32, #tpu.memory_space<hbm>> -> memref<10000x128xf32, #tpu.memory_space<hbm>>
      tpu.wait_indirect_dma semaphore(%arg13 : memref<!tpu.dma_semaphore, #tpu.memory_space<semaphore_mem>>) src(%dma_wait3A_195 : memref<10000x128xf32, #tpu.memory_space<hbm>>) dst(%arg8 : memref<40x128xf32, #tpu.memory_space<vmem>>)
      "tpu.region"() ({
        %run_scoped3A_241 = tpu.sem_alloc : memref<!tpu.dma_semaphore, #tpu.memory_space<semaphore_mem>>
        %dma_start3A_242 = arith.constant 0 : i32
        %dma_start3A_243 = tpu.memref_slice %arg12[%add3A_190, %dma_start3A_242] : memref<125x40xi32, #tpu.memory_space<vmem>> -> memref<1x40xi32, #tpu.memory_space<vmem>>
        %dma_start3A_244 = tpu.memref_squeeze %dma_start3A_243 : memref<1x40xi32, #tpu.memory_space<vmem>> -> memref<40xi32, #tpu.memory_space<vmem>>
        %dma_start3A_245 = arith.constant 0 : i32
        %dma_start3A_246 = arith.constant 0 : i32
        %dma_start3A_247 = tpu.memref_slice %arg6[%dma_start3A_245, %dma_start3A_246] : memref<10240x128xf32, #tpu.memory_space<vmem_shared>> -> memref<10240x128xf32, #tpu.memory_space<vmem_shared>>
        tpu.enqueue_indirect_dma source(%arg8 : memref<40x128xf32, #tpu.memory_space<vmem>>) target(%dma_start3A_247 : memref<10240x128xf32, #tpu.memory_space<vmem_shared>>) offsets(%dma_start3A_244 : memref<40xi32, #tpu.memory_space<vmem>>) semaphore(%run_scoped3A_241 : memref<!tpu.dma_semaphore, #tpu.memory_space<semaphore_mem>>) {add = true}
        %dma_wait3A_248 = arith.constant 0 : i32
        %dma_wait3A_249 = tpu.memref_slice %arg12[%add3A_190, %dma_wait3A_248] : memref<125x40xi32, #tpu.memory_space<vmem>> -> memref<1x40xi32, #tpu.memory_space<vmem>>
        %dma_wait3A_250 = tpu.memref_squeeze %dma_wait3A_249 : memref<1x40xi32, #tpu.memory_space<vmem>> -> memref<40xi32, #tpu.memory_space<vmem>>
        %dma_wait3A_251 = arith.constant 0 : i32
        %dma_wait3A_252 = arith.constant 0 : i32
        %dma_wait3A_253 = tpu.memref_slice %arg6[%dma_wait3A_251, %dma_wait3A_252] : memref<10240x128xf32, #tpu.memory_space<vmem_shared>> -> memref<10240x128xf32, #tpu.memory_space<vmem_shared>>
        tpu.wait_indirect_dma semaphore(%run_scoped3A_241 : memref<!tpu.dma_semaphore, #tpu.memory_space<semaphore_mem>>) src(%arg8 : memref<40x128xf32, #tpu.memory_space<vmem>>) dst(%dma_wait3A_253 : memref<10240x128xf32, #tpu.memory_space<vmem_shared>>)
        tpu.yield
      }) : () -> ()
      %add3A_196 = arith.constant 4 : i32
      %add3A_197 = arith.addi %mul3A_171, %add3A_196 : i32
      %add3A_198 = arith.constant 1 : i32
      %add3A_199 = arith.addi %add3A_197, %add3A_198 : i32
      %mul3A_200 = arith.constant 40 : i32
      %mul3A_201 = arith.muli %add3A_199, %mul3A_200 : i32
      %dma_start3A_202 = tpu.memref_slice %arg11[%mul3A_201] : memref<5000xi32, #tpu.memory_space<vmem>> -> memref<40xi32, #tpu.memory_space<vmem>>
      %dma_start3A_203 = arith.constant 0 : i32
      %dma_start3A_204 = arith.constant 0 : i32
      %dma_start3A_205 = tpu.memref_slice %arg2[%dma_start3A_203, %dma_start3A_204] : memref<10000x128xf32, #tpu.memory_space<hbm>> -> memref<10000x128xf32, #tpu.memory_space<hbm>>
      tpu.enqueue_indirect_dma source(%dma_start3A_205 : memref<10000x128xf32, #tpu.memory_space<hbm>>) target(%arg8 : memref<40x128xf32, #tpu.memory_space<vmem>>) offsets(%dma_start3A_202 : memref<40xi32, #tpu.memory_space<vmem>>) semaphore(%arg13 : memref<!tpu.dma_semaphore, #tpu.memory_space<semaphore_mem>>)
      %add3A_206 = arith.constant 2 : i32
      %add3A_207 = arith.addi %mul3A_171, %add3A_206 : i32
      %dma_wait3A_208 = arith.constant 0 : i32
      %dma_wait3A_209 = tpu.memref_slice %arg11[%dma_wait3A_208] : memref<5000xi32, #tpu.memory_space<vmem>> -> memref<40xi32, #tpu.memory_space<vmem>>
      %dma_wait3A_210 = arith.constant 0 : i32
      %dma_wait3A_211 = arith.constant 0 : i32
      %dma_wait3A_212 = tpu.memref_slice %arg2[%dma_wait3A_210, %dma_wait3A_211] : memref<10000x128xf32, #tpu.memory_space<hbm>> -> memref<10000x128xf32, #tpu.memory_space<hbm>>
      tpu.wait_indirect_dma semaphore(%arg13 : memref<!tpu.dma_semaphore, #tpu.memory_space<semaphore_mem>>) src(%dma_wait3A_212 : memref<10000x128xf32, #tpu.memory_space<hbm>>) dst(%arg9 : memref<40x128xf32, #tpu.memory_space<vmem>>)
      "tpu.region"() ({
        %run_scoped3A_241 = tpu.sem_alloc : memref<!tpu.dma_semaphore, #tpu.memory_space<semaphore_mem>>
        %dma_start3A_242 = arith.constant 0 : i32
        %dma_start3A_243 = tpu.memref_slice %arg12[%add3A_207, %dma_start3A_242] : memref<125x40xi32, #tpu.memory_space<vmem>> -> memref<1x40xi32, #tpu.memory_space<vmem>>
        %dma_start3A_244 = tpu.memref_squeeze %dma_start3A_243 : memref<1x40xi32, #tpu.memory_space<vmem>> -> memref<40xi32, #tpu.memory_space<vmem>>
        %dma_start3A_245 = arith.constant 0 : i32
        %dma_start3A_246 = arith.constant 0 : i32
        %dma_start3A_247 = tpu.memref_slice %arg6[%dma_start3A_245, %dma_start3A_246] : memref<10240x128xf32, #tpu.memory_space<vmem_shared>> -> memref<10240x128xf32, #tpu.memory_space<vmem_shared>>
        tpu.enqueue_indirect_dma source(%arg9 : memref<40x128xf32, #tpu.memory_space<vmem>>) target(%dma_start3A_247 : memref<10240x128xf32, #tpu.memory_space<vmem_shared>>) offsets(%dma_start3A_244 : memref<40xi32, #tpu.memory_space<vmem>>) semaphore(%run_scoped3A_241 : memref<!tpu.dma_semaphore, #tpu.memory_space<semaphore_mem>>) {add = true}
        %dma_wait3A_248 = arith.constant 0 : i32
        %dma_wait3A_249 = tpu.memref_slice %arg12[%add3A_207, %dma_wait3A_248] : memref<125x40xi32, #tpu.memory_space<vmem>> -> memref<1x40xi32, #tpu.memory_space<vmem>>
        %dma_wait3A_250 = tpu.memref_squeeze %dma_wait3A_249 : memref<1x40xi32, #tpu.memory_space<vmem>> -> memref<40xi32, #tpu.memory_space<vmem>>
        %dma_wait3A_251 = arith.constant 0 : i32
        %dma_wait3A_252 = arith.constant 0 : i32
        %dma_wait3A_253 = tpu.memref_slice %arg6[%dma_wait3A_251, %dma_wait3A_252] : memref<10240x128xf32, #tpu.memory_space<vmem_shared>> -> memref<10240x128xf32, #tpu.memory_space<vmem_shared>>
        tpu.wait_indirect_dma semaphore(%run_scoped3A_241 : memref<!tpu.dma_semaphore, #tpu.memory_space<semaphore_mem>>) src(%arg9 : memref<40x128xf32, #tpu.memory_space<vmem>>) dst(%dma_wait3A_253 : memref<10240x128xf32, #tpu.memory_space<vmem_shared>>)
        tpu.yield
      }) : () -> ()
      %add3A_213 = arith.constant 4 : i32
      %add3A_214 = arith.addi %mul3A_171, %add3A_213 : i32
      %add3A_215 = arith.constant 2 : i32
      %add3A_216 = arith.addi %add3A_214, %add3A_215 : i32
      %mul3A_217 = arith.constant 40 : i32
      %mul3A_218 = arith.muli %add3A_216, %mul3A_217 : i32
      %dma_start3A_219 = tpu.memref_slice %arg11[%mul3A_218] : memref<5000xi32, #tpu.memory_space<vmem>> -> memref<40xi32, #tpu.memory_space<vmem>>
      %dma_start3A_220 = arith.constant 0 : i32
      %dma_start3A_221 = arith.constant 0 : i32
      %dma_start3A_222 = tpu.memref_slice %arg2[%dma_start3A_220, %dma_start3A_221] : memref<10000x128xf32, #tpu.memory_space<hbm>> -> memref<10000x128xf32, #tpu.memory_space<hbm>>
      tpu.enqueue_indirect_dma source(%dma_start3A_222 : memref<10000x128xf32, #tpu.memory_space<hbm>>) target(%arg9 : memref<40x128xf32, #tpu.memory_space<vmem>>) offsets(%dma_start3A_219 : memref<40xi32, #tpu.memory_space<vmem>>) semaphore(%arg13 : memref<!tpu.dma_semaphore, #tpu.memory_space<semaphore_mem>>)
      %add3A_223 = arith.constant 3 : i32
      %add3A_224 = arith.addi %mul3A_171, %add3A_223 : i32
      %dma_wait3A_225 = arith.constant 0 : i32
      %dma_wait3A_226 = tpu.memref_slice %arg11[%dma_wait3A_225] : memref<5000xi32, #tpu.memory_space<vmem>> -> memref<40xi32, #tpu.memory_space<vmem>>
      %dma_wait3A_227 = arith.constant 0 : i32
      %dma_wait3A_228 = arith.constant 0 : i32
      %dma_wait3A_229 = tpu.memref_slice %arg2[%dma_wait3A_227, %dma_wait3A_228] : memref<10000x128xf32, #tpu.memory_space<hbm>> -> memref<10000x128xf32, #tpu.memory_space<hbm>>
      tpu.wait_indirect_dma semaphore(%arg13 : memref<!tpu.dma_semaphore, #tpu.memory_space<semaphore_mem>>) src(%dma_wait3A_229 : memref<10000x128xf32, #tpu.memory_space<hbm>>) dst(%arg10 : memref<40x128xf32, #tpu.memory_space<vmem>>)
      "tpu.region"() ({
        %run_scoped3A_241 = tpu.sem_alloc : memref<!tpu.dma_semaphore, #tpu.memory_space<semaphore_mem>>
        %dma_start3A_242 = arith.constant 0 : i32
        %dma_start3A_243 = tpu.memref_slice %arg12[%add3A_224, %dma_start3A_242] : memref<125x40xi32, #tpu.memory_space<vmem>> -> memref<1x40xi32, #tpu.memory_space<vmem>>
        %dma_start3A_244 = tpu.memref_squeeze %dma_start3A_243 : memref<1x40xi32, #tpu.memory_space<vmem>> -> memref<40xi32, #tpu.memory_space<vmem>>
        %dma_start3A_245 = arith.constant 0 : i32
        %dma_start3A_246 = arith.constant 0 : i32
        %dma_start3A_247 = tpu.memref_slice %arg6[%dma_start3A_245, %dma_start3A_246] : memref<10240x128xf32, #tpu.memory_space<vmem_shared>> -> memref<10240x128xf32, #tpu.memory_space<vmem_shared>>
        tpu.enqueue_indirect_dma source(%arg10 : memref<40x128xf32, #tpu.memory_space<vmem>>) target(%dma_start3A_247 : memref<10240x128xf32, #tpu.memory_space<vmem_shared>>) offsets(%dma_start3A_244 : memref<40xi32, #tpu.memory_space<vmem>>) semaphore(%run_scoped3A_241 : memref<!tpu.dma_semaphore, #tpu.memory_space<semaphore_mem>>) {add = true}
        %dma_wait3A_248 = arith.constant 0 : i32
        %dma_wait3A_249 = tpu.memref_slice %arg12[%add3A_224, %dma_wait3A_248] : memref<125x40xi32, #tpu.memory_space<vmem>> -> memref<1x40xi32, #tpu.memory_space<vmem>>
        %dma_wait3A_250 = tpu.memref_squeeze %dma_wait3A_249 : memref<1x40xi32, #tpu.memory_space<vmem>> -> memref<40xi32, #tpu.memory_space<vmem>>
        %dma_wait3A_251 = arith.constant 0 : i32
        %dma_wait3A_252 = arith.constant 0 : i32
        %dma_wait3A_253 = tpu.memref_slice %arg6[%dma_wait3A_251, %dma_wait3A_252] : memref<10240x128xf32, #tpu.memory_space<vmem_shared>> -> memref<10240x128xf32, #tpu.memory_space<vmem_shared>>
        tpu.wait_indirect_dma semaphore(%run_scoped3A_241 : memref<!tpu.dma_semaphore, #tpu.memory_space<semaphore_mem>>) src(%arg10 : memref<40x128xf32, #tpu.memory_space<vmem>>) dst(%dma_wait3A_253 : memref<10240x128xf32, #tpu.memory_space<vmem_shared>>)
        tpu.yield
      }) : () -> ()
      %add3A_230 = arith.constant 4 : i32
      %add3A_231 = arith.addi %mul3A_171, %add3A_230 : i32
      %add3A_232 = arith.constant 3 : i32
      %add3A_233 = arith.addi %add3A_231, %add3A_232 : i32
      %mul3A_234 = arith.constant 40 : i32
      %mul3A_235 = arith.muli %add3A_233, %mul3A_234 : i32
      %dma_start3A_236 = tpu.memref_slice %arg11[%mul3A_235] : memref<5000xi32, #tpu.memory_space<vmem>> -> memref<40xi32, #tpu.memory_space<vmem>>
      %dma_start3A_237 = arith.constant 0 : i32
      %dma_start3A_238 = arith.constant 0 : i32
      %dma_start3A_239 = tpu.memref_slice %arg2[%dma_start3A_237, %dma_start3A_238] : memref<10000x128xf32, #tpu.memory_space<hbm>> -> memref<10000x128xf32, #tpu.memory_space<hbm>>
      tpu.enqueue_indirect_dma source(%dma_start3A_239 : memref<10000x128xf32, #tpu.memory_space<hbm>>) target(%arg10 : memref<40x128xf32, #tpu.memory_space<vmem>>) offsets(%dma_start3A_236 : memref<40xi32, #tpu.memory_space<vmem>>) semaphore(%arg13 : memref<!tpu.dma_semaphore, #tpu.memory_space<semaphore_mem>>)
      %scan3A_240 = arith.constant 0 : i32
      scf.yield %scan3A_240 : i32
    }
    %scan3A_69 = arith.constant 30 : i32
    %dma_wait3A = arith.constant 0 : i32
    %dma_wait3A_70 = tpu.memref_slice %arg11[%dma_wait3A] : memref<5000xi32, #tpu.memory_space<vmem>> -> memref<40xi32, #tpu.memory_space<vmem>>
    %dma_wait3A_71 = arith.constant 0 : i32
    %dma_wait3A_72 = arith.constant 0 : i32
    %dma_wait3A_73 = tpu.memref_slice %arg2[%dma_wait3A_71, %dma_wait3A_72] : memref<10000x128xf32, #tpu.memory_space<hbm>> -> memref<10000x128xf32, #tpu.memory_space<hbm>>
    tpu.wait_indirect_dma semaphore(%arg13 : memref<!tpu.dma_semaphore, #tpu.memory_space<semaphore_mem>>) src(%dma_wait3A_73 : memref<10000x128xf32, #tpu.memory_space<hbm>>) dst(%arg7 : memref<40x128xf32, #tpu.memory_space<vmem>>)
    %run_scoped3A = arith.constant 120 : i32
    "tpu.region"() ({
      %run_scoped3A_168 = tpu.sem_alloc : memref<!tpu.dma_semaphore, #tpu.memory_space<semaphore_mem>>
      %dma_start3A_169 = arith.constant 0 : i32
      %dma_start3A_170 = tpu.memref_slice %arg12[%run_scoped3A, %dma_start3A_169] : memref<125x40xi32, #tpu.memory_space<vmem>> -> memref<1x40xi32, #tpu.memory_space<vmem>>
      %dma_start3A_171 = tpu.memref_squeeze %dma_start3A_170 : memref<1x40xi32, #tpu.memory_space<vmem>> -> memref<40xi32, #tpu.memory_space<vmem>>
      %dma_start3A_172 = arith.constant 0 : i32
      %dma_start3A_173 = arith.constant 0 : i32
      %dma_start3A_174 = tpu.memref_slice %arg6[%dma_start3A_172, %dma_start3A_173] : memref<10240x128xf32, #tpu.memory_space<vmem_shared>> -> memref<10240x128xf32, #tpu.memory_space<vmem_shared>>
      tpu.enqueue_indirect_dma source(%arg7 : memref<40x128xf32, #tpu.memory_space<vmem>>) target(%dma_start3A_174 : memref<10240x128xf32, #tpu.memory_space<vmem_shared>>) offsets(%dma_start3A_171 : memref<40xi32, #tpu.memory_space<vmem>>) semaphore(%run_scoped3A_168 : memref<!tpu.dma_semaphore, #tpu.memory_space<semaphore_mem>>) {add = true}
      %dma_wait3A_175 = arith.constant 0 : i32
      %dma_wait3A_176 = tpu.memref_slice %arg12[%run_scoped3A, %dma_wait3A_175] : memref<125x40xi32, #tpu.memory_space<vmem>> -> memref<1x40xi32, #tpu.memory_space<vmem>>
      %dma_wait3A_177 = tpu.memref_squeeze %dma_wait3A_176 : memref<1x40xi32, #tpu.memory_space<vmem>> -> memref<40xi32, #tpu.memory_space<vmem>>
      %dma_wait3A_178 = arith.constant 0 : i32
      %dma_wait3A_179 = arith.constant 0 : i32
      %dma_wait3A_180 = tpu.memref_slice %arg6[%dma_wait3A_178, %dma_wait3A_179] : memref<10240x128xf32, #tpu.memory_space<vmem_shared>> -> memref<10240x128xf32, #tpu.memory_space<vmem_shared>>
      tpu.wait_indirect_dma semaphore(%run_scoped3A_168 : memref<!tpu.dma_semaphore, #tpu.memory_space<semaphore_mem>>) src(%arg7 : memref<40x128xf32, #tpu.memory_space<vmem>>) dst(%dma_wait3A_180 : memref<10240x128xf32, #tpu.memory_space<vmem_shared>>)
      tpu.yield
    }) : () -> ()
    %dma_wait3A_74 = arith.constant 0 : i32
    %dma_wait3A_75 = tpu.memref_slice %arg11[%dma_wait3A_74] : memref<5000xi32, #tpu.memory_space<vmem>> -> memref<40xi32, #tpu.memory_space<vmem>>
    %dma_wait3A_76 = arith.constant 0 : i32
    %dma_wait3A_77 = arith.constant 0 : i32
    %dma_wait3A_78 = tpu.memref_slice %arg2[%dma_wait3A_76, %dma_wait3A_77] : memref<10000x128xf32, #tpu.memory_space<hbm>> -> memref<10000x128xf32, #tpu.memory_space<hbm>>
    tpu.wait_indirect_dma semaphore(%arg13 : memref<!tpu.dma_semaphore, #tpu.memory_space<semaphore_mem>>) src(%dma_wait3A_78 : memref<10000x128xf32, #tpu.memory_space<hbm>>) dst(%arg8 : memref<40x128xf32, #tpu.memory_space<vmem>>)
    %run_scoped3A_79 = arith.constant 121 : i32
    "tpu.region"() ({
      %run_scoped3A_168 = tpu.sem_alloc : memref<!tpu.dma_semaphore, #tpu.memory_space<semaphore_mem>>
      %dma_start3A_169 = arith.constant 0 : i32
      %dma_start3A_170 = tpu.memref_slice %arg12[%run_scoped3A_79, %dma_start3A_169] : memref<125x40xi32, #tpu.memory_space<vmem>> -> memref<1x40xi32, #tpu.memory_space<vmem>>
      %dma_start3A_171 = tpu.memref_squeeze %dma_start3A_170 : memref<1x40xi32, #tpu.memory_space<vmem>> -> memref<40xi32, #tpu.memory_space<vmem>>
      %dma_start3A_172 = arith.constant 0 : i32
      %dma_start3A_173 = arith.constant 0 : i32
      %dma_start3A_174 = tpu.memref_slice %arg6[%dma_start3A_172, %dma_start3A_173] : memref<10240x128xf32, #tpu.memory_space<vmem_shared>> -> memref<10240x128xf32, #tpu.memory_space<vmem_shared>>
      tpu.enqueue_indirect_dma source(%arg8 : memref<40x128xf32, #tpu.memory_space<vmem>>) target(%dma_start3A_174 : memref<10240x128xf32, #tpu.memory_space<vmem_shared>>) offsets(%dma_start3A_171 : memref<40xi32, #tpu.memory_space<vmem>>) semaphore(%run_scoped3A_168 : memref<!tpu.dma_semaphore, #tpu.memory_space<semaphore_mem>>) {add = true}
      %dma_wait3A_175 = arith.constant 0 : i32
      %dma_wait3A_176 = tpu.memref_slice %arg12[%run_scoped3A_79, %dma_wait3A_175] : memref<125x40xi32, #tpu.memory_space<vmem>> -> memref<1x40xi32, #tpu.memory_space<vmem>>
      %dma_wait3A_177 = tpu.memref_squeeze %dma_wait3A_176 : memref<1x40xi32, #tpu.memory_space<vmem>> -> memref<40xi32, #tpu.memory_space<vmem>>
      %dma_wait3A_178 = arith.constant 0 : i32
      %dma_wait3A_179 = arith.constant 0 : i32
      %dma_wait3A_180 = tpu.memref_slice %arg6[%dma_wait3A_178, %dma_wait3A_179] : memref<10240x128xf32, #tpu.memory_space<vmem_shared>> -> memref<10240x128xf32, #tpu.memory_space<vmem_shared>>
      tpu.wait_indirect_dma semaphore(%run_scoped3A_168 : memref<!tpu.dma_semaphore, #tpu.memory_space<semaphore_mem>>) src(%arg8 : memref<40x128xf32, #tpu.memory_space<vmem>>) dst(%dma_wait3A_180 : memref<10240x128xf32, #tpu.memory_space<vmem_shared>>)
      tpu.yield
    }) : () -> ()
    %dma_wait3A_80 = arith.constant 0 : i32
    %dma_wait3A_81 = tpu.memref_slice %arg11[%dma_wait3A_80] : memref<5000xi32, #tpu.memory_space<vmem>> -> memref<40xi32, #tpu.memory_space<vmem>>
    %dma_wait3A_82 = arith.constant 0 : i32
    %dma_wait3A_83 = arith.constant 0 : i32
    %dma_wait3A_84 = tpu.memref_slice %arg2[%dma_wait3A_82, %dma_wait3A_83] : memref<10000x128xf32, #tpu.memory_space<hbm>> -> memref<10000x128xf32, #tpu.memory_space<hbm>>
    tpu.wait_indirect_dma semaphore(%arg13 : memref<!tpu.dma_semaphore, #tpu.memory_space<semaphore_mem>>) src(%dma_wait3A_84 : memref<10000x128xf32, #tpu.memory_space<hbm>>) dst(%arg9 : memref<40x128xf32, #tpu.memory_space<vmem>>)
    %run_scoped3A_85 = arith.constant 122 : i32
    "tpu.region"() ({
      %run_scoped3A_168 = tpu.sem_alloc : memref<!tpu.dma_semaphore, #tpu.memory_space<semaphore_mem>>
      %dma_start3A_169 = arith.constant 0 : i32
      %dma_start3A_170 = tpu.memref_slice %arg12[%run_scoped3A_85, %dma_start3A_169] : memref<125x40xi32, #tpu.memory_space<vmem>> -> memref<1x40xi32, #tpu.memory_space<vmem>>
      %dma_start3A_171 = tpu.memref_squeeze %dma_start3A_170 : memref<1x40xi32, #tpu.memory_space<vmem>> -> memref<40xi32, #tpu.memory_space<vmem>>
      %dma_start3A_172 = arith.constant 0 : i32
      %dma_start3A_173 = arith.constant 0 : i32
      %dma_start3A_174 = tpu.memref_slice %arg6[%dma_start3A_172, %dma_start3A_173] : memref<10240x128xf32, #tpu.memory_space<vmem_shared>> -> memref<10240x128xf32, #tpu.memory_space<vmem_shared>>
      tpu.enqueue_indirect_dma source(%arg9 : memref<40x128xf32, #tpu.memory_space<vmem>>) target(%dma_start3A_174 : memref<10240x128xf32, #tpu.memory_space<vmem_shared>>) offsets(%dma_start3A_171 : memref<40xi32, #tpu.memory_space<vmem>>) semaphore(%run_scoped3A_168 : memref<!tpu.dma_semaphore, #tpu.memory_space<semaphore_mem>>) {add = true}
      %dma_wait3A_175 = arith.constant 0 : i32
      %dma_wait3A_176 = tpu.memref_slice %arg12[%run_scoped3A_85, %dma_wait3A_175] : memref<125x40xi32, #tpu.memory_space<vmem>> -> memref<1x40xi32, #tpu.memory_space<vmem>>
      %dma_wait3A_177 = tpu.memref_squeeze %dma_wait3A_176 : memref<1x40xi32, #tpu.memory_space<vmem>> -> memref<40xi32, #tpu.memory_space<vmem>>
      %dma_wait3A_178 = arith.constant 0 : i32
      %dma_wait3A_179 = arith.constant 0 : i32
      %dma_wait3A_180 = tpu.memref_slice %arg6[%dma_wait3A_178, %dma_wait3A_179] : memref<10240x128xf32, #tpu.memory_space<vmem_shared>> -> memref<10240x128xf32, #tpu.memory_space<vmem_shared>>
      tpu.wait_indirect_dma semaphore(%run_scoped3A_168 : memref<!tpu.dma_semaphore, #tpu.memory_space<semaphore_mem>>) src(%arg9 : memref<40x128xf32, #tpu.memory_space<vmem>>) dst(%dma_wait3A_180 : memref<10240x128xf32, #tpu.memory_space<vmem_shared>>)
      tpu.yield
    }) : () -> ()
    %dma_wait3A_86 = arith.constant 0 : i32
    %dma_wait3A_87 = tpu.memref_slice %arg11[%dma_wait3A_86] : memref<5000xi32, #tpu.memory_space<vmem>> -> memref<40xi32, #tpu.memory_space<vmem>>
    %dma_wait3A_88 = arith.constant 0 : i32
    %dma_wait3A_89 = arith.constant 0 : i32
    %dma_wait3A_90 = tpu.memref_slice %arg2[%dma_wait3A_88, %dma_wait3A_89] : memref<10000x128xf32, #tpu.memory_space<hbm>> -> memref<10000x128xf32, #tpu.memory_space<hbm>>
    tpu.wait_indirect_dma semaphore(%arg13 : memref<!tpu.dma_semaphore, #tpu.memory_space<semaphore_mem>>) src(%dma_wait3A_90 : memref<10000x128xf32, #tpu.memory_space<hbm>>) dst(%arg10 : memref<40x128xf32, #tpu.memory_space<vmem>>)
    %run_scoped3A_91 = arith.constant 123 : i32
    "tpu.region"() ({
      %run_scoped3A_168 = tpu.sem_alloc : memref<!tpu.dma_semaphore, #tpu.memory_space<semaphore_mem>>
      %dma_start3A_169 = arith.constant 0 : i32
      %dma_start3A_170 = tpu.memref_slice %arg12[%run_scoped3A_91, %dma_start3A_169] : memref<125x40xi32, #tpu.memory_space<vmem>> -> memref<1x40xi32, #tpu.memory_space<vmem>>
      %dma_start3A_171 = tpu.memref_squeeze %dma_start3A_170 : memref<1x40xi32, #tpu.memory_space<vmem>> -> memref<40xi32, #tpu.memory_space<vmem>>
      %dma_start3A_172 = arith.constant 0 : i32
      %dma_start3A_173 = arith.constant 0 : i32
      %dma_start3A_174 = tpu.memref_slice %arg6[%dma_start3A_172, %dma_start3A_173] : memref<10240x128xf32, #tpu.memory_space<vmem_shared>> -> memref<10240x128xf32, #tpu.memory_space<vmem_shared>>
      tpu.enqueue_indirect_dma source(%arg10 : memref<40x128xf32, #tpu.memory_space<vmem>>) target(%dma_start3A_174 : memref<10240x128xf32, #tpu.memory_space<vmem_shared>>) offsets(%dma_start3A_171 : memref<40xi32, #tpu.memory_space<vmem>>) semaphore(%run_scoped3A_168 : memref<!tpu.dma_semaphore, #tpu.memory_space<semaphore_mem>>) {add = true}
      %dma_wait3A_175 = arith.constant 0 : i32
      %dma_wait3A_176 = tpu.memref_slice %arg12[%run_scoped3A_91, %dma_wait3A_175] : memref<125x40xi32, #tpu.memory_space<vmem>> -> memref<1x40xi32, #tpu.memory_space<vmem>>
      %dma_wait3A_177 = tpu.memref_squeeze %dma_wait3A_176 : memref<1x40xi32, #tpu.memory_space<vmem>> -> memref<40xi32, #tpu.memory_space<vmem>>
      %dma_wait3A_178 = arith.constant 0 : i32
      %dma_wait3A_179 = arith.constant 0 : i32
      %dma_wait3A_180 = tpu.memref_slice %arg6[%dma_wait3A_178, %dma_wait3A_179] : memref<10240x128xf32, #tpu.memory_space<vmem_shared>> -> memref<10240x128xf32, #tpu.memory_space<vmem_shared>>
      tpu.wait_indirect_dma semaphore(%run_scoped3A_168 : memref<!tpu.dma_semaphore, #tpu.memory_space<semaphore_mem>>) src(%arg10 : memref<40x128xf32, #tpu.memory_space<vmem>>) dst(%dma_wait3A_180 : memref<10240x128xf32, #tpu.memory_space<vmem_shared>>)
      tpu.yield
    }) : () -> ()
    %dma_start3A_92 = arith.constant 4960 : i32
    %dma_start3A_93 = tpu.memref_slice %arg11[%dma_start3A_92] : memref<5000xi32, #tpu.memory_space<vmem>> -> memref<40xi32, #tpu.memory_space<vmem>>
    %dma_start3A_94 = arith.constant 0 : i32
    %dma_start3A_95 = arith.constant 0 : i32
    %dma_start3A_96 = tpu.memref_slice %arg2[%dma_start3A_94, %dma_start3A_95] : memref<10000x128xf32, #tpu.memory_space<hbm>> -> memref<10000x128xf32, #tpu.memory_space<hbm>>
    tpu.enqueue_indirect_dma source(%dma_start3A_96 : memref<10000x128xf32, #tpu.memory_space<hbm>>) target(%arg7 : memref<40x128xf32, #tpu.memory_space<vmem>>) offsets(%dma_start3A_93 : memref<40xi32, #tpu.memory_space<vmem>>) semaphore(%arg13 : memref<!tpu.dma_semaphore, #tpu.memory_space<semaphore_mem>>)
    %dma_wait3A_97 = arith.constant 0 : i32
    %dma_wait3A_98 = tpu.memref_slice %arg11[%dma_wait3A_97] : memref<5000xi32, #tpu.memory_space<vmem>> -> memref<40xi32, #tpu.memory_space<vmem>>
    %dma_wait3A_99 = arith.constant 0 : i32
    %dma_wait3A_100 = arith.constant 0 : i32
    %dma_wait3A_101 = tpu.memref_slice %arg2[%dma_wait3A_99, %dma_wait3A_100] : memref<10000x128xf32, #tpu.memory_space<hbm>> -> memref<10000x128xf32, #tpu.memory_space<hbm>>
    tpu.wait_indirect_dma semaphore(%arg13 : memref<!tpu.dma_semaphore, #tpu.memory_space<semaphore_mem>>) src(%dma_wait3A_101 : memref<10000x128xf32, #tpu.memory_space<hbm>>) dst(%arg7 : memref<40x128xf32, #tpu.memory_space<vmem>>)
    %run_scoped3A_102 = arith.constant 124 : i32
    "tpu.region"() ({
      %run_scoped3A_168 = tpu.sem_alloc : memref<!tpu.dma_semaphore, #tpu.memory_space<semaphore_mem>>
      %dma_start3A_169 = arith.constant 0 : i32
      %dma_start3A_170 = tpu.memref_slice %arg12[%run_scoped3A_102, %dma_start3A_169] : memref<125x40xi32, #tpu.memory_space<vmem>> -> memref<1x40xi32, #tpu.memory_space<vmem>>
      %dma_start3A_171 = tpu.memref_squeeze %dma_start3A_170 : memref<1x40xi32, #tpu.memory_space<vmem>> -> memref<40xi32, #tpu.memory_space<vmem>>
      %dma_start3A_172 = arith.constant 0 : i32
      %dma_start3A_173 = arith.constant 0 : i32
      %dma_start3A_174 = tpu.memref_slice %arg6[%dma_start3A_172, %dma_start3A_173] : memref<10240x128xf32, #tpu.memory_space<vmem_shared>> -> memref<10240x128xf32, #tpu.memory_space<vmem_shared>>
      tpu.enqueue_indirect_dma source(%arg7 : memref<40x128xf32, #tpu.memory_space<vmem>>) target(%dma_start3A_174 : memref<10240x128xf32, #tpu.memory_space<vmem_shared>>) offsets(%dma_start3A_171 : memref<40xi32, #tpu.memory_space<vmem>>) semaphore(%run_scoped3A_168 : memref<!tpu.dma_semaphore, #tpu.memory_space<semaphore_mem>>) {add = true}
      %dma_wait3A_175 = arith.constant 0 : i32
      %dma_wait3A_176 = tpu.memref_slice %arg12[%run_scoped3A_102, %dma_wait3A_175] : memref<125x40xi32, #tpu.memory_space<vmem>> -> memref<1x40xi32, #tpu.memory_space<vmem>>
      %dma_wait3A_177 = tpu.memref_squeeze %dma_wait3A_176 : memref<1x40xi32, #tpu.memory_space<vmem>> -> memref<40xi32, #tpu.memory_space<vmem>>
      %dma_wait3A_178 = arith.constant 0 : i32
      %dma_wait3A_179 = arith.constant 0 : i32
      %dma_wait3A_180 = tpu.memref_slice %arg6[%dma_wait3A_178, %dma_wait3A_179] : memref<10240x128xf32, #tpu.memory_space<vmem_shared>> -> memref<10240x128xf32, #tpu.memory_space<vmem_shared>>
      tpu.wait_indirect_dma semaphore(%run_scoped3A_168 : memref<!tpu.dma_semaphore, #tpu.memory_space<semaphore_mem>>) src(%arg7 : memref<40x128xf32, #tpu.memory_space<vmem>>) dst(%dma_wait3A_180 : memref<10240x128xf32, #tpu.memory_space<vmem_shared>>)
      tpu.yield
    }) : () -> ()
    %barrier3A_103 = arith.constant 0 : index
    tpu.barrier barrier_id(%barrier3A_103)
    %add3A_104 = arith.constant 0 : i32
    %add3A_105 = arith.addi %mul3A_9, %add3A_104 : i32
    %add3A_106 = arith.constant 0 : i32
    %add3A_107 = arith.addi %mul3A_9, %add3A_106 : i32
    "tpu.region"() ({
      %run_scoped3A_168 = tpu.sem_alloc : memref<!tpu.dma_semaphore, #tpu.memory_space<semaphore_mem>>
      %dma_start3A_169 = arith.constant 0 : i32
      %dma_start3A_170 = tpu.memref_slice %arg5[%arg0, %add3A_107, %dma_start3A_169] : memref<2x10240x128xf32, #tpu.memory_space<hbm>> -> memref<1x40x128xf32, #tpu.memory_space<hbm>>
      %dma_start3A_171 = tpu.memref_squeeze %dma_start3A_170 : memref<1x40x128xf32, #tpu.memory_space<hbm>> -> memref<40x128xf32, #tpu.memory_space<hbm>>
      %dma_start3A_172 = arith.constant 0 : i32
      %dma_start3A_173 = tpu.memref_slice %arg6[%add3A_105, %dma_start3A_172] : memref<10240x128xf32, #tpu.memory_space<vmem_shared>> -> memref<40x128xf32, #tpu.memory_space<vmem_shared>>
      tpu.enqueue_dma source(%dma_start3A_173 : memref<40x128xf32, #tpu.memory_space<vmem_shared>>) target(%dma_start3A_171 : memref<40x128xf32, #tpu.memory_space<hbm>>) target_semaphore(%run_scoped3A_168 : memref<!tpu.dma_semaphore, #tpu.memory_space<semaphore_mem>>)
      %dma_wait3A_174 = arith.constant 0 : i32
      %dma_wait3A_175 = tpu.memref_slice %arg5[%arg0, %add3A_107, %dma_wait3A_174] : memref<2x10240x128xf32, #tpu.memory_space<hbm>> -> memref<1x40x128xf32, #tpu.memory_space<hbm>>
      %dma_wait3A_176 = tpu.memref_squeeze %dma_wait3A_175 : memref<1x40x128xf32, #tpu.memory_space<hbm>> -> memref<40x128xf32, #tpu.memory_space<hbm>>
      %dma_wait3A_177 = arith.constant 0 : i32
      %dma_wait3A_178 = tpu.memref_slice %arg6[%add3A_105, %dma_wait3A_177] : memref<10240x128xf32, #tpu.memory_space<vmem_shared>> -> memref<40x128xf32, #tpu.memory_space<vmem_shared>>
      tpu.wait_dma2 semaphore(%run_scoped3A_168 : memref<!tpu.dma_semaphore, #tpu.memory_space<semaphore_mem>>) src(%dma_wait3A_178 : memref<40x128xf32, #tpu.memory_space<vmem_shared>>) dst(%dma_wait3A_176 : memref<40x128xf32, #tpu.memory_space<hbm>>)
      tpu.yield
    }) : () -> ()
    %add3A_108 = arith.constant 40 : i32
    %add3A_109 = arith.addi %mul3A_9, %add3A_108 : i32
    %add3A_110 = arith.constant 40 : i32
    %add3A_111 = arith.addi %mul3A_9, %add3A_110 : i32
    "tpu.region"() ({
      %run_scoped3A_168 = tpu.sem_alloc : memref<!tpu.dma_semaphore, #tpu.memory_space<semaphore_mem>>
      %dma_start3A_169 = arith.constant 0 : i32
      %dma_start3A_170 = tpu.memref_slice %arg5[%arg0, %add3A_111, %dma_start3A_169] : memref<2x10240x128xf32, #tpu.memory_space<hbm>> -> memref<1x40x128xf32, #tpu.memory_space<hbm>>
      %dma_start3A_171 = tpu.memref_squeeze %dma_start3A_170 : memref<1x40x128xf32, #tpu.memory_space<hbm>> -> memref<40x128xf32, #tpu.memory_space<hbm>>
      %dma_start3A_172 = arith.constant 0 : i32
      %dma_start3A_173 = tpu.memref_slice %arg6[%add3A_109, %dma_start3A_172] : memref<10240x128xf32, #tpu.memory_space<vmem_shared>> -> memref<40x128xf32, #tpu.memory_space<vmem_shared>>
      tpu.enqueue_dma source(%dma_start3A_173 : memref<40x128xf32, #tpu.memory_space<vmem_shared>>) target(%dma_start3A_171 : memref<40x128xf32, #tpu.memory_space<hbm>>) target_semaphore(%run_scoped3A_168 : memref<!tpu.dma_semaphore, #tpu.memory_space<semaphore_mem>>)
      %dma_wait3A_174 = arith.constant 0 : i32
      %dma_wait3A_175 = tpu.memref_slice %arg5[%arg0, %add3A_111, %dma_wait3A_174] : memref<2x10240x128xf32, #tpu.memory_space<hbm>> -> memref<1x40x128xf32, #tpu.memory_space<hbm>>
      %dma_wait3A_176 = tpu.memref_squeeze %dma_wait3A_175 : memref<1x40x128xf32, #tpu.memory_space<hbm>> -> memref<40x128xf32, #tpu.memory_space<hbm>>
      %dma_wait3A_177 = arith.constant 0 : i32
      %dma_wait3A_178 = tpu.memref_slice %arg6[%add3A_109, %dma_wait3A_177] : memref<10240x128xf32, #tpu.memory_space<vmem_shared>> -> memref<40x128xf32, #tpu.memory_space<vmem_shared>>
      tpu.wait_dma2 semaphore(%run_scoped3A_168 : memref<!tpu.dma_semaphore, #tpu.memory_space<semaphore_mem>>) src(%dma_wait3A_178 : memref<40x128xf32, #tpu.memory_space<vmem_shared>>) dst(%dma_wait3A_176 : memref<40x128xf32, #tpu.memory_space<hbm>>)
      tpu.yield
    }) : () -> ()
    %add3A_112 = arith.constant 80 : i32
    %add3A_113 = arith.addi %mul3A_9, %add3A_112 : i32
    %add3A_114 = arith.constant 80 : i32
    %add3A_115 = arith.addi %mul3A_9, %add3A_114 : i32
    "tpu.region"() ({
      %run_scoped3A_168 = tpu.sem_alloc : memref<!tpu.dma_semaphore, #tpu.memory_space<semaphore_mem>>
      %dma_start3A_169 = arith.constant 0 : i32
      %dma_start3A_170 = tpu.memref_slice %arg5[%arg0, %add3A_115, %dma_start3A_169] : memref<2x10240x128xf32, #tpu.memory_space<hbm>> -> memref<1x40x128xf32, #tpu.memory_space<hbm>>
      %dma_start3A_171 = tpu.memref_squeeze %dma_start3A_170 : memref<1x40x128xf32, #tpu.memory_space<hbm>> -> memref<40x128xf32, #tpu.memory_space<hbm>>
      %dma_start3A_172 = arith.constant 0 : i32
      %dma_start3A_173 = tpu.memref_slice %arg6[%add3A_113, %dma_start3A_172] : memref<10240x128xf32, #tpu.memory_space<vmem_shared>> -> memref<40x128xf32, #tpu.memory_space<vmem_shared>>
      tpu.enqueue_dma source(%dma_start3A_173 : memref<40x128xf32, #tpu.memory_space<vmem_shared>>) target(%dma_start3A_171 : memref<40x128xf32, #tpu.memory_space<hbm>>) target_semaphore(%run_scoped3A_168 : memref<!tpu.dma_semaphore, #tpu.memory_space<semaphore_mem>>)
      %dma_wait3A_174 = arith.constant 0 : i32
      %dma_wait3A_175 = tpu.memref_slice %arg5[%arg0, %add3A_115, %dma_wait3A_174] : memref<2x10240x128xf32, #tpu.memory_space<hbm>> -> memref<1x40x128xf32, #tpu.memory_space<hbm>>
      %dma_wait3A_176 = tpu.memref_squeeze %dma_wait3A_175 : memref<1x40x128xf32, #tpu.memory_space<hbm>> -> memref<40x128xf32, #tpu.memory_space<hbm>>
      %dma_wait3A_177 = arith.constant 0 : i32
      %dma_wait3A_178 = tpu.memref_slice %arg6[%add3A_113, %dma_wait3A_177] : memref<10240x128xf32, #tpu.memory_space<vmem_shared>> -> memref<40x128xf32, #tpu.memory_space<vmem_shared>>
      tpu.wait_dma2 semaphore(%run_scoped3A_168 : memref<!tpu.dma_semaphore, #tpu.memory_space<semaphore_mem>>) src(%dma_wait3A_178 : memref<40x128xf32, #tpu.memory_space<vmem_shared>>) dst(%dma_wait3A_176 : memref<40x128xf32, #tpu.memory_space<hbm>>)
      tpu.yield
    }) : () -> ()
    %add3A_116 = arith.constant 120 : i32
    %add3A_117 = arith.addi %mul3A_9, %add3A_116 : i32
    %add3A_118 = arith.constant 120 : i32
    %add3A_119 = arith.addi %mul3A_9, %add3A_118 : i32
    "tpu.region"() ({
      %run_scoped3A_168 = tpu.sem_alloc : memref<!tpu.dma_semaphore, #tpu.memory_space<semaphore_mem>>
      %dma_start3A_169 = arith.constant 0 : i32
      %dma_start3A_170 = tpu.memref_slice %arg5[%arg0, %add3A_119, %dma_start3A_169] : memref<2x10240x128xf32, #tpu.memory_space<hbm>> -> memref<1x40x128xf32, #tpu.memory_space<hbm>>
      %dma_start3A_171 = tpu.memref_squeeze %dma_start3A_170 : memref<1x40x128xf32, #tpu.memory_space<hbm>> -> memref<40x128xf32, #tpu.memory_space<hbm>>
      %dma_start3A_172 = arith.constant 0 : i32
      %dma_start3A_173 = tpu.memref_slice %arg6[%add3A_117, %dma_start3A_172] : memref<10240x128xf32, #tpu.memory_space<vmem_shared>> -> memref<40x128xf32, #tpu.memory_space<vmem_shared>>
      tpu.enqueue_dma source(%dma_start3A_173 : memref<40x128xf32, #tpu.memory_space<vmem_shared>>) target(%dma_start3A_171 : memref<40x128xf32, #tpu.memory_space<hbm>>) target_semaphore(%run_scoped3A_168 : memref<!tpu.dma_semaphore, #tpu.memory_space<semaphore_mem>>)
      %dma_wait3A_174 = arith.constant 0 : i32
      %dma_wait3A_175 = tpu.memref_slice %arg5[%arg0, %add3A_119, %dma_wait3A_174] : memref<2x10240x128xf32, #tpu.memory_space<hbm>> -> memref<1x40x128xf32, #tpu.memory_space<hbm>>
      %dma_wait3A_176 = tpu.memref_squeeze %dma_wait3A_175 : memref<1x40x128xf32, #tpu.memory_space<hbm>> -> memref<40x128xf32, #tpu.memory_space<hbm>>
      %dma_wait3A_177 = arith.constant 0 : i32
      %dma_wait3A_178 = tpu.memref_slice %arg6[%add3A_117, %dma_wait3A_177] : memref<10240x128xf32, #tpu.memory_space<vmem_shared>> -> memref<40x128xf32, #tpu.memory_space<vmem_shared>>
      tpu.wait_dma2 semaphore(%run_scoped3A_168 : memref<!tpu.dma_semaphore, #tpu.memory_space<semaphore_mem>>) src(%dma_wait3A_178 : memref<40x128xf32, #tpu.memory_space<vmem_shared>>) dst(%dma_wait3A_176 : memref<40x128xf32, #tpu.memory_space<hbm>>)
      tpu.yield
    }) : () -> ()
    %add3A_120 = arith.constant 160 : i32
    %add3A_121 = arith.addi %mul3A_9, %add3A_120 : i32
    %add3A_122 = arith.constant 160 : i32
    %add3A_123 = arith.addi %mul3A_9, %add3A_122 : i32
    "tpu.region"() ({
      %run_scoped3A_168 = tpu.sem_alloc : memref<!tpu.dma_semaphore, #tpu.memory_space<semaphore_mem>>
      %dma_start3A_169 = arith.constant 0 : i32
      %dma_start3A_170 = tpu.memref_slice %arg5[%arg0, %add3A_123, %dma_start3A_169] : memref<2x10240x128xf32, #tpu.memory_space<hbm>> -> memref<1x40x128xf32, #tpu.memory_space<hbm>>
      %dma_start3A_171 = tpu.memref_squeeze %dma_start3A_170 : memref<1x40x128xf32, #tpu.memory_space<hbm>> -> memref<40x128xf32, #tpu.memory_space<hbm>>
      %dma_start3A_172 = arith.constant 0 : i32
      %dma_start3A_173 = tpu.memref_slice %arg6[%add3A_121, %dma_start3A_172] : memref<10240x128xf32, #tpu.memory_space<vmem_shared>> -> memref<40x128xf32, #tpu.memory_space<vmem_shared>>
      tpu.enqueue_dma source(%dma_start3A_173 : memref<40x128xf32, #tpu.memory_space<vmem_shared>>) target(%dma_start3A_171 : memref<40x128xf32, #tpu.memory_space<hbm>>) target_semaphore(%run_scoped3A_168 : memref<!tpu.dma_semaphore, #tpu.memory_space<semaphore_mem>>)
      %dma_wait3A_174 = arith.constant 0 : i32
      %dma_wait3A_175 = tpu.memref_slice %arg5[%arg0, %add3A_123, %dma_wait3A_174] : memref<2x10240x128xf32, #tpu.memory_space<hbm>> -> memref<1x40x128xf32, #tpu.memory_space<hbm>>
      %dma_wait3A_176 = tpu.memref_squeeze %dma_wait3A_175 : memref<1x40x128xf32, #tpu.memory_space<hbm>> -> memref<40x128xf32, #tpu.memory_space<hbm>>
      %dma_wait3A_177 = arith.constant 0 : i32
      %dma_wait3A_178 = tpu.memref_slice %arg6[%add3A_121, %dma_wait3A_177] : memref<10240x128xf32, #tpu.memory_space<vmem_shared>> -> memref<40x128xf32, #tpu.memory_space<vmem_shared>>
      tpu.wait_dma2 semaphore(%run_scoped3A_168 : memref<!tpu.dma_semaphore, #tpu.memory_space<semaphore_mem>>) src(%dma_wait3A_178 : memref<40x128xf32, #tpu.memory_space<vmem_shared>>) dst(%dma_wait3A_176 : memref<40x128xf32, #tpu.memory_space<hbm>>)
      tpu.yield
    }) : () -> ()
    %add3A_124 = arith.constant 200 : i32
    %add3A_125 = arith.addi %mul3A_9, %add3A_124 : i32
    %add3A_126 = arith.constant 200 : i32
    %add3A_127 = arith.addi %mul3A_9, %add3A_126 : i32
    "tpu.region"() ({
      %run_scoped3A_168 = tpu.sem_alloc : memref<!tpu.dma_semaphore, #tpu.memory_space<semaphore_mem>>
      %dma_start3A_169 = arith.constant 0 : i32
      %dma_start3A_170 = tpu.memref_slice %arg5[%arg0, %add3A_127, %dma_start3A_169] : memref<2x10240x128xf32, #tpu.memory_space<hbm>> -> memref<1x40x128xf32, #tpu.memory_space<hbm>>
      %dma_start3A_171 = tpu.memref_squeeze %dma_start3A_170 : memref<1x40x128xf32, #tpu.memory_space<hbm>> -> memref<40x128xf32, #tpu.memory_space<hbm>>
      %dma_start3A_172 = arith.constant 0 : i32
      %dma_start3A_173 = tpu.memref_slice %arg6[%add3A_125, %dma_start3A_172] : memref<10240x128xf32, #tpu.memory_space<vmem_shared>> -> memref<40x128xf32, #tpu.memory_space<vmem_shared>>
      tpu.enqueue_dma source(%dma_start3A_173 : memref<40x128xf32, #tpu.memory_space<vmem_shared>>) target(%dma_start3A_171 : memref<40x128xf32, #tpu.memory_space<hbm>>) target_semaphore(%run_scoped3A_168 : memref<!tpu.dma_semaphore, #tpu.memory_space<semaphore_mem>>)
      %dma_wait3A_174 = arith.constant 0 : i32
      %dma_wait3A_175 = tpu.memref_slice %arg5[%arg0, %add3A_127, %dma_wait3A_174] : memref<2x10240x128xf32, #tpu.memory_space<hbm>> -> memref<1x40x128xf32, #tpu.memory_space<hbm>>
      %dma_wait3A_176 = tpu.memref_squeeze %dma_wait3A_175 : memref<1x40x128xf32, #tpu.memory_space<hbm>> -> memref<40x128xf32, #tpu.memory_space<hbm>>
      %dma_wait3A_177 = arith.constant 0 : i32
      %dma_wait3A_178 = tpu.memref_slice %arg6[%add3A_125, %dma_wait3A_177] : memref<10240x128xf32, #tpu.memory_space<vmem_shared>> -> memref<40x128xf32, #tpu.memory_space<vmem_shared>>
      tpu.wait_dma2 semaphore(%run_scoped3A_168 : memref<!tpu.dma_semaphore, #tpu.memory_space<semaphore_mem>>) src(%dma_wait3A_178 : memref<40x128xf32, #tpu.memory_space<vmem_shared>>) dst(%dma_wait3A_176 : memref<40x128xf32, #tpu.memory_space<hbm>>)
      tpu.yield
    }) : () -> ()
    %add3A_128 = arith.constant 240 : i32
    %add3A_129 = arith.addi %mul3A_9, %add3A_128 : i32
    %add3A_130 = arith.constant 240 : i32
    %add3A_131 = arith.addi %mul3A_9, %add3A_130 : i32
    "tpu.region"() ({
      %run_scoped3A_168 = tpu.sem_alloc : memref<!tpu.dma_semaphore, #tpu.memory_space<semaphore_mem>>
      %dma_start3A_169 = arith.constant 0 : i32
      %dma_start3A_170 = tpu.memref_slice %arg5[%arg0, %add3A_131, %dma_start3A_169] : memref<2x10240x128xf32, #tpu.memory_space<hbm>> -> memref<1x40x128xf32, #tpu.memory_space<hbm>>
      %dma_start3A_171 = tpu.memref_squeeze %dma_start3A_170 : memref<1x40x128xf32, #tpu.memory_space<hbm>> -> memref<40x128xf32, #tpu.memory_space<hbm>>
      %dma_start3A_172 = arith.constant 0 : i32
      %dma_start3A_173 = tpu.memref_slice %arg6[%add3A_129, %dma_start3A_172] : memref<10240x128xf32, #tpu.memory_space<vmem_shared>> -> memref<40x128xf32, #tpu.memory_space<vmem_shared>>
      tpu.enqueue_dma source(%dma_start3A_173 : memref<40x128xf32, #tpu.memory_space<vmem_shared>>) target(%dma_start3A_171 : memref<40x128xf32, #tpu.memory_space<hbm>>) target_semaphore(%run_scoped3A_168 : memref<!tpu.dma_semaphore, #tpu.memory_space<semaphore_mem>>)
      %dma_wait3A_174 = arith.constant 0 : i32
      %dma_wait3A_175 = tpu.memref_slice %arg5[%arg0, %add3A_131, %dma_wait3A_174] : memref<2x10240x128xf32, #tpu.memory_space<hbm>> -> memref<1x40x128xf32, #tpu.memory_space<hbm>>
      %dma_wait3A_176 = tpu.memref_squeeze %dma_wait3A_175 : memref<1x40x128xf32, #tpu.memory_space<hbm>> -> memref<40x128xf32, #tpu.memory_space<hbm>>
      %dma_wait3A_177 = arith.constant 0 : i32
      %dma_wait3A_178 = tpu.memref_slice %arg6[%add3A_129, %dma_wait3A_177] : memref<10240x128xf32, #tpu.memory_space<vmem_shared>> -> memref<40x128xf32, #tpu.memory_space<vmem_shared>>
      tpu.wait_dma2 semaphore(%run_scoped3A_168 : memref<!tpu.dma_semaphore, #tpu.memory_space<semaphore_mem>>) src(%dma_wait3A_178 : memref<40x128xf32, #tpu.memory_space<vmem_shared>>) dst(%dma_wait3A_176 : memref<40x128xf32, #tpu.memory_space<hbm>>)
      tpu.yield
    }) : () -> ()
    %add3A_132 = arith.constant 280 : i32
    %add3A_133 = arith.addi %mul3A_9, %add3A_132 : i32
    %add3A_134 = arith.constant 280 : i32
    %add3A_135 = arith.addi %mul3A_9, %add3A_134 : i32
    "tpu.region"() ({
      %run_scoped3A_168 = tpu.sem_alloc : memref<!tpu.dma_semaphore, #tpu.memory_space<semaphore_mem>>
      %dma_start3A_169 = arith.constant 0 : i32
      %dma_start3A_170 = tpu.memref_slice %arg5[%arg0, %add3A_135, %dma_start3A_169] : memref<2x10240x128xf32, #tpu.memory_space<hbm>> -> memref<1x40x128xf32, #tpu.memory_space<hbm>>
      %dma_start3A_171 = tpu.memref_squeeze %dma_start3A_170 : memref<1x40x128xf32, #tpu.memory_space<hbm>> -> memref<40x128xf32, #tpu.memory_space<hbm>>
      %dma_start3A_172 = arith.constant 0 : i32
      %dma_start3A_173 = tpu.memref_slice %arg6[%add3A_133, %dma_start3A_172] : memref<10240x128xf32, #tpu.memory_space<vmem_shared>> -> memref<40x128xf32, #tpu.memory_space<vmem_shared>>
      tpu.enqueue_dma source(%dma_start3A_173 : memref<40x128xf32, #tpu.memory_space<vmem_shared>>) target(%dma_start3A_171 : memref<40x128xf32, #tpu.memory_space<hbm>>) target_semaphore(%run_scoped3A_168 : memref<!tpu.dma_semaphore, #tpu.memory_space<semaphore_mem>>)
      %dma_wait3A_174 = arith.constant 0 : i32
      %dma_wait3A_175 = tpu.memref_slice %arg5[%arg0, %add3A_135, %dma_wait3A_174] : memref<2x10240x128xf32, #tpu.memory_space<hbm>> -> memref<1x40x128xf32, #tpu.memory_space<hbm>>
      %dma_wait3A_176 = tpu.memref_squeeze %dma_wait3A_175 : memref<1x40x128xf32, #tpu.memory_space<hbm>> -> memref<40x128xf32, #tpu.memory_space<hbm>>
      %dma_wait3A_177 = arith.constant 0 : i32
      %dma_wait3A_178 = tpu.memref_slice %arg6[%add3A_133, %dma_wait3A_177] : memref<10240x128xf32, #tpu.memory_space<vmem_shared>> -> memref<40x128xf32, #tpu.memory_space<vmem_shared>>
      tpu.wait_dma2 semaphore(%run_scoped3A_168 : memref<!tpu.dma_semaphore, #tpu.memory_space<semaphore_mem>>) src(%dma_wait3A_178 : memref<40x128xf32, #tpu.memory_space<vmem_shared>>) dst(%dma_wait3A_176 : memref<40x128xf32, #tpu.memory_space<hbm>>)
      tpu.yield
    }) : () -> ()
    %add3A_136 = arith.constant 320 : i32
    %add3A_137 = arith.addi %mul3A_9, %add3A_136 : i32
    %add3A_138 = arith.constant 320 : i32
    %add3A_139 = arith.addi %mul3A_9, %add3A_138 : i32
    "tpu.region"() ({
      %run_scoped3A_168 = tpu.sem_alloc : memref<!tpu.dma_semaphore, #tpu.memory_space<semaphore_mem>>
      %dma_start3A_169 = arith.constant 0 : i32
      %dma_start3A_170 = tpu.memref_slice %arg5[%arg0, %add3A_139, %dma_start3A_169] : memref<2x10240x128xf32, #tpu.memory_space<hbm>> -> memref<1x40x128xf32, #tpu.memory_space<hbm>>
      %dma_start3A_171 = tpu.memref_squeeze %dma_start3A_170 : memref<1x40x128xf32, #tpu.memory_space<hbm>> -> memref<40x128xf32, #tpu.memory_space<hbm>>
      %dma_start3A_172 = arith.constant 0 : i32
      %dma_start3A_173 = tpu.memref_slice %arg6[%add3A_137, %dma_start3A_172] : memref<10240x128xf32, #tpu.memory_space<vmem_shared>> -> memref<40x128xf32, #tpu.memory_space<vmem_shared>>
      tpu.enqueue_dma source(%dma_start3A_173 : memref<40x128xf32, #tpu.memory_space<vmem_shared>>) target(%dma_start3A_171 : memref<40x128xf32, #tpu.memory_space<hbm>>) target_semaphore(%run_scoped3A_168 : memref<!tpu.dma_semaphore, #tpu.memory_space<semaphore_mem>>)
      %dma_wait3A_174 = arith.constant 0 : i32
      %dma_wait3A_175 = tpu.memref_slice %arg5[%arg0, %add3A_139, %dma_wait3A_174] : memref<2x10240x128xf32, #tpu.memory_space<hbm>> -> memref<1x40x128xf32, #tpu.memory_space<hbm>>
      %dma_wait3A_176 = tpu.memref_squeeze %dma_wait3A_175 : memref<1x40x128xf32, #tpu.memory_space<hbm>> -> memref<40x128xf32, #tpu.memory_space<hbm>>
      %dma_wait3A_177 = arith.constant 0 : i32
      %dma_wait3A_178 = tpu.memref_slice %arg6[%add3A_137, %dma_wait3A_177] : memref<10240x128xf32, #tpu.memory_space<vmem_shared>> -> memref<40x128xf32, #tpu.memory_space<vmem_shared>>
      tpu.wait_dma2 semaphore(%run_scoped3A_168 : memref<!tpu.dma_semaphore, #tpu.memory_space<semaphore_mem>>) src(%dma_wait3A_178 : memref<40x128xf32, #tpu.memory_space<vmem_shared>>) dst(%dma_wait3A_176 : memref<40x128xf32, #tpu.memory_space<hbm>>)
      tpu.yield
    }) : () -> ()
    %add3A_140 = arith.constant 360 : i32
    %add3A_141 = arith.addi %mul3A_9, %add3A_140 : i32
    %add3A_142 = arith.constant 360 : i32
    %add3A_143 = arith.addi %mul3A_9, %add3A_142 : i32
    "tpu.region"() ({
      %run_scoped3A_168 = tpu.sem_alloc : memref<!tpu.dma_semaphore, #tpu.memory_space<semaphore_mem>>
      %dma_start3A_169 = arith.constant 0 : i32
      %dma_start3A_170 = tpu.memref_slice %arg5[%arg0, %add3A_143, %dma_start3A_169] : memref<2x10240x128xf32, #tpu.memory_space<hbm>> -> memref<1x40x128xf32, #tpu.memory_space<hbm>>
      %dma_start3A_171 = tpu.memref_squeeze %dma_start3A_170 : memref<1x40x128xf32, #tpu.memory_space<hbm>> -> memref<40x128xf32, #tpu.memory_space<hbm>>
      %dma_start3A_172 = arith.constant 0 : i32
      %dma_start3A_173 = tpu.memref_slice %arg6[%add3A_141, %dma_start3A_172] : memref<10240x128xf32, #tpu.memory_space<vmem_shared>> -> memref<40x128xf32, #tpu.memory_space<vmem_shared>>
      tpu.enqueue_dma source(%dma_start3A_173 : memref<40x128xf32, #tpu.memory_space<vmem_shared>>) target(%dma_start3A_171 : memref<40x128xf32, #tpu.memory_space<hbm>>) target_semaphore(%run_scoped3A_168 : memref<!tpu.dma_semaphore, #tpu.memory_space<semaphore_mem>>)
      %dma_wait3A_174 = arith.constant 0 : i32
      %dma_wait3A_175 = tpu.memref_slice %arg5[%arg0, %add3A_143, %dma_wait3A_174] : memref<2x10240x128xf32, #tpu.memory_space<hbm>> -> memref<1x40x128xf32, #tpu.memory_space<hbm>>
      %dma_wait3A_176 = tpu.memref_squeeze %dma_wait3A_175 : memref<1x40x128xf32, #tpu.memory_space<hbm>> -> memref<40x128xf32, #tpu.memory_space<hbm>>
      %dma_wait3A_177 = arith.constant 0 : i32
      %dma_wait3A_178 = tpu.memref_slice %arg6[%add3A_141, %dma_wait3A_177] : memref<10240x128xf32, #tpu.memory_space<vmem_shared>> -> memref<40x128xf32, #tpu.memory_space<vmem_shared>>
      tpu.wait_dma2 semaphore(%run_scoped3A_168 : memref<!tpu.dma_semaphore, #tpu.memory_space<semaphore_mem>>) src(%dma_wait3A_178 : memref<40x128xf32, #tpu.memory_space<vmem_shared>>) dst(%dma_wait3A_176 : memref<40x128xf32, #tpu.memory_space<hbm>>)
      tpu.yield
    }) : () -> ()
    %add3A_144 = arith.constant 400 : i32
    %add3A_145 = arith.addi %mul3A_9, %add3A_144 : i32
    %add3A_146 = arith.constant 400 : i32
    %add3A_147 = arith.addi %mul3A_9, %add3A_146 : i32
    "tpu.region"() ({
      %run_scoped3A_168 = tpu.sem_alloc : memref<!tpu.dma_semaphore, #tpu.memory_space<semaphore_mem>>
      %dma_start3A_169 = arith.constant 0 : i32
      %dma_start3A_170 = tpu.memref_slice %arg5[%arg0, %add3A_147, %dma_start3A_169] : memref<2x10240x128xf32, #tpu.memory_space<hbm>> -> memref<1x40x128xf32, #tpu.memory_space<hbm>>
      %dma_start3A_171 = tpu.memref_squeeze %dma_start3A_170 : memref<1x40x128xf32, #tpu.memory_space<hbm>> -> memref<40x128xf32, #tpu.memory_space<hbm>>
      %dma_start3A_172 = arith.constant 0 : i32
      %dma_start3A_173 = tpu.memref_slice %arg6[%add3A_145, %dma_start3A_172] : memref<10240x128xf32, #tpu.memory_space<vmem_shared>> -> memref<40x128xf32, #tpu.memory_space<vmem_shared>>
      tpu.enqueue_dma source(%dma_start3A_173 : memref<40x128xf32, #tpu.memory_space<vmem_shared>>) target(%dma_start3A_171 : memref<40x128xf32, #tpu.memory_space<hbm>>) target_semaphore(%run_scoped3A_168 : memref<!tpu.dma_semaphore, #tpu.memory_space<semaphore_mem>>)
      %dma_wait3A_174 = arith.constant 0 : i32
      %dma_wait3A_175 = tpu.memref_slice %arg5[%arg0, %add3A_147, %dma_wait3A_174] : memref<2x10240x128xf32, #tpu.memory_space<hbm>> -> memref<1x40x128xf32, #tpu.memory_space<hbm>>
      %dma_wait3A_176 = tpu.memref_squeeze %dma_wait3A_175 : memref<1x40x128xf32, #tpu.memory_space<hbm>> -> memref<40x128xf32, #tpu.memory_space<hbm>>
      %dma_wait3A_177 = arith.constant 0 : i32
      %dma_wait3A_178 = tpu.memref_slice %arg6[%add3A_145, %dma_wait3A_177] : memref<10240x128xf32, #tpu.memory_space<vmem_shared>> -> memref<40x128xf32, #tpu.memory_space<vmem_shared>>
      tpu.wait_dma2 semaphore(%run_scoped3A_168 : memref<!tpu.dma_semaphore, #tpu.memory_space<semaphore_mem>>) src(%dma_wait3A_178 : memref<40x128xf32, #tpu.memory_space<vmem_shared>>) dst(%dma_wait3A_176 : memref<40x128xf32, #tpu.memory_space<hbm>>)
      tpu.yield
    }) : () -> ()
    %add3A_148 = arith.constant 440 : i32
    %add3A_149 = arith.addi %mul3A_9, %add3A_148 : i32
    %add3A_150 = arith.constant 440 : i32
    %add3A_151 = arith.addi %mul3A_9, %add3A_150 : i32
    "tpu.region"() ({
      %run_scoped3A_168 = tpu.sem_alloc : memref<!tpu.dma_semaphore, #tpu.memory_space<semaphore_mem>>
      %dma_start3A_169 = arith.constant 0 : i32
      %dma_start3A_170 = tpu.memref_slice %arg5[%arg0, %add3A_151, %dma_start3A_169] : memref<2x10240x128xf32, #tpu.memory_space<hbm>> -> memref<1x40x128xf32, #tpu.memory_space<hbm>>
      %dma_start3A_171 = tpu.memref_squeeze %dma_start3A_170 : memref<1x40x128xf32, #tpu.memory_space<hbm>> -> memref<40x128xf32, #tpu.memory_space<hbm>>
      %dma_start3A_172 = arith.constant 0 : i32
      %dma_start3A_173 = tpu.memref_slice %arg6[%add3A_149, %dma_start3A_172] : memref<10240x128xf32, #tpu.memory_space<vmem_shared>> -> memref<40x128xf32, #tpu.memory_space<vmem_shared>>
      tpu.enqueue_dma source(%dma_start3A_173 : memref<40x128xf32, #tpu.memory_space<vmem_shared>>) target(%dma_start3A_171 : memref<40x128xf32, #tpu.memory_space<hbm>>) target_semaphore(%run_scoped3A_168 : memref<!tpu.dma_semaphore, #tpu.memory_space<semaphore_mem>>)
      %dma_wait3A_174 = arith.constant 0 : i32
      %dma_wait3A_175 = tpu.memref_slice %arg5[%arg0, %add3A_151, %dma_wait3A_174] : memref<2x10240x128xf32, #tpu.memory_space<hbm>> -> memref<1x40x128xf32, #tpu.memory_space<hbm>>
      %dma_wait3A_176 = tpu.memref_squeeze %dma_wait3A_175 : memref<1x40x128xf32, #tpu.memory_space<hbm>> -> memref<40x128xf32, #tpu.memory_space<hbm>>
      %dma_wait3A_177 = arith.constant 0 : i32
      %dma_wait3A_178 = tpu.memref_slice %arg6[%add3A_149, %dma_wait3A_177] : memref<10240x128xf32, #tpu.memory_space<vmem_shared>> -> memref<40x128xf32, #tpu.memory_space<vmem_shared>>
      tpu.wait_dma2 semaphore(%run_scoped3A_168 : memref<!tpu.dma_semaphore, #tpu.memory_space<semaphore_mem>>) src(%dma_wait3A_178 : memref<40x128xf32, #tpu.memory_space<vmem_shared>>) dst(%dma_wait3A_176 : memref<40x128xf32, #tpu.memory_space<hbm>>)
      tpu.yield
    }) : () -> ()
    %add3A_152 = arith.constant 480 : i32
    %add3A_153 = arith.addi %mul3A_9, %add3A_152 : i32
    %add3A_154 = arith.constant 480 : i32
    %add3A_155 = arith.addi %mul3A_9, %add3A_154 : i32
    "tpu.region"() ({
      %run_scoped3A_168 = tpu.sem_alloc : memref<!tpu.dma_semaphore, #tpu.memory_space<semaphore_mem>>
      %dma_start3A_169 = arith.constant 0 : i32
      %dma_start3A_170 = tpu.memref_slice %arg5[%arg0, %add3A_155, %dma_start3A_169] : memref<2x10240x128xf32, #tpu.memory_space<hbm>> -> memref<1x40x128xf32, #tpu.memory_space<hbm>>
      %dma_start3A_171 = tpu.memref_squeeze %dma_start3A_170 : memref<1x40x128xf32, #tpu.memory_space<hbm>> -> memref<40x128xf32, #tpu.memory_space<hbm>>
      %dma_start3A_172 = arith.constant 0 : i32
      %dma_start3A_173 = tpu.memref_slice %arg6[%add3A_153, %dma_start3A_172] : memref<10240x128xf32, #tpu.memory_space<vmem_shared>> -> memref<40x128xf32, #tpu.memory_space<vmem_shared>>
      tpu.enqueue_dma source(%dma_start3A_173 : memref<40x128xf32, #tpu.memory_space<vmem_shared>>) target(%dma_start3A_171 : memref<40x128xf32, #tpu.memory_space<hbm>>) target_semaphore(%run_scoped3A_168 : memref<!tpu.dma_semaphore, #tpu.memory_space<semaphore_mem>>)
      %dma_wait3A_174 = arith.constant 0 : i32
      %dma_wait3A_175 = tpu.memref_slice %arg5[%arg0, %add3A_155, %dma_wait3A_174] : memref<2x10240x128xf32, #tpu.memory_space<hbm>> -> memref<1x40x128xf32, #tpu.memory_space<hbm>>
      %dma_wait3A_176 = tpu.memref_squeeze %dma_wait3A_175 : memref<1x40x128xf32, #tpu.memory_space<hbm>> -> memref<40x128xf32, #tpu.memory_space<hbm>>
      %dma_wait3A_177 = arith.constant 0 : i32
      %dma_wait3A_178 = tpu.memref_slice %arg6[%add3A_153, %dma_wait3A_177] : memref<10240x128xf32, #tpu.memory_space<vmem_shared>> -> memref<40x128xf32, #tpu.memory_space<vmem_shared>>
      tpu.wait_dma2 semaphore(%run_scoped3A_168 : memref<!tpu.dma_semaphore, #tpu.memory_space<semaphore_mem>>) src(%dma_wait3A_178 : memref<40x128xf32, #tpu.memory_space<vmem_shared>>) dst(%dma_wait3A_176 : memref<40x128xf32, #tpu.memory_space<hbm>>)
      tpu.yield
    }) : () -> ()
    %add3A_156 = arith.constant 520 : i32
    %add3A_157 = arith.addi %mul3A_9, %add3A_156 : i32
    %add3A_158 = arith.constant 520 : i32
    %add3A_159 = arith.addi %mul3A_9, %add3A_158 : i32
    "tpu.region"() ({
      %run_scoped3A_168 = tpu.sem_alloc : memref<!tpu.dma_semaphore, #tpu.memory_space<semaphore_mem>>
      %dma_start3A_169 = arith.constant 0 : i32
      %dma_start3A_170 = tpu.memref_slice %arg5[%arg0, %add3A_159, %dma_start3A_169] : memref<2x10240x128xf32, #tpu.memory_space<hbm>> -> memref<1x40x128xf32, #tpu.memory_space<hbm>>
      %dma_start3A_171 = tpu.memref_squeeze %dma_start3A_170 : memref<1x40x128xf32, #tpu.memory_space<hbm>> -> memref<40x128xf32, #tpu.memory_space<hbm>>
      %dma_start3A_172 = arith.constant 0 : i32
      %dma_start3A_173 = tpu.memref_slice %arg6[%add3A_157, %dma_start3A_172] : memref<10240x128xf32, #tpu.memory_space<vmem_shared>> -> memref<40x128xf32, #tpu.memory_space<vmem_shared>>
      tpu.enqueue_dma source(%dma_start3A_173 : memref<40x128xf32, #tpu.memory_space<vmem_shared>>) target(%dma_start3A_171 : memref<40x128xf32, #tpu.memory_space<hbm>>) target_semaphore(%run_scoped3A_168 : memref<!tpu.dma_semaphore, #tpu.memory_space<semaphore_mem>>)
      %dma_wait3A_174 = arith.constant 0 : i32
      %dma_wait3A_175 = tpu.memref_slice %arg5[%arg0, %add3A_159, %dma_wait3A_174] : memref<2x10240x128xf32, #tpu.memory_space<hbm>> -> memref<1x40x128xf32, #tpu.memory_space<hbm>>
      %dma_wait3A_176 = tpu.memref_squeeze %dma_wait3A_175 : memref<1x40x128xf32, #tpu.memory_space<hbm>> -> memref<40x128xf32, #tpu.memory_space<hbm>>
      %dma_wait3A_177 = arith.constant 0 : i32
      %dma_wait3A_178 = tpu.memref_slice %arg6[%add3A_157, %dma_wait3A_177] : memref<10240x128xf32, #tpu.memory_space<vmem_shared>> -> memref<40x128xf32, #tpu.memory_space<vmem_shared>>
      tpu.wait_dma2 semaphore(%run_scoped3A_168 : memref<!tpu.dma_semaphore, #tpu.memory_space<semaphore_mem>>) src(%dma_wait3A_178 : memref<40x128xf32, #tpu.memory_space<vmem_shared>>) dst(%dma_wait3A_176 : memref<40x128xf32, #tpu.memory_space<hbm>>)
      tpu.yield
    }) : () -> ()
    %add3A_160 = arith.constant 560 : i32
    %add3A_161 = arith.addi %mul3A_9, %add3A_160 : i32
    %add3A_162 = arith.constant 560 : i32
    %add3A_163 = arith.addi %mul3A_9, %add3A_162 : i32
    "tpu.region"() ({
      %run_scoped3A_168 = tpu.sem_alloc : memref<!tpu.dma_semaphore, #tpu.memory_space<semaphore_mem>>
      %dma_start3A_169 = arith.constant 0 : i32
      %dma_start3A_170 = tpu.memref_slice %arg5[%arg0, %add3A_163, %dma_start3A_169] : memref<2x10240x128xf32, #tpu.memory_space<hbm>> -> memref<1x40x128xf32, #tpu.memory_space<hbm>>
      %dma_start3A_171 = tpu.memref_squeeze %dma_start3A_170 : memref<1x40x128xf32, #tpu.memory_space<hbm>> -> memref<40x128xf32, #tpu.memory_space<hbm>>
      %dma_start3A_172 = arith.constant 0 : i32
      %dma_start3A_173 = tpu.memref_slice %arg6[%add3A_161, %dma_start3A_172] : memref<10240x128xf32, #tpu.memory_space<vmem_shared>> -> memref<40x128xf32, #tpu.memory_space<vmem_shared>>
      tpu.enqueue_dma source(%dma_start3A_173 : memref<40x128xf32, #tpu.memory_space<vmem_shared>>) target(%dma_start3A_171 : memref<40x128xf32, #tpu.memory_space<hbm>>) target_semaphore(%run_scoped3A_168 : memref<!tpu.dma_semaphore, #tpu.memory_space<semaphore_mem>>)
      %dma_wait3A_174 = arith.constant 0 : i32
      %dma_wait3A_175 = tpu.memref_slice %arg5[%arg0, %add3A_163, %dma_wait3A_174] : memref<2x10240x128xf32, #tpu.memory_space<hbm>> -> memref<1x40x128xf32, #tpu.memory_space<hbm>>
      %dma_wait3A_176 = tpu.memref_squeeze %dma_wait3A_175 : memref<1x40x128xf32, #tpu.memory_space<hbm>> -> memref<40x128xf32, #tpu.memory_space<hbm>>
      %dma_wait3A_177 = arith.constant 0 : i32
      %dma_wait3A_178 = tpu.memref_slice %arg6[%add3A_161, %dma_wait3A_177] : memref<10240x128xf32, #tpu.memory_space<vmem_shared>> -> memref<40x128xf32, #tpu.memory_space<vmem_shared>>
      tpu.wait_dma2 semaphore(%run_scoped3A_168 : memref<!tpu.dma_semaphore, #tpu.memory_space<semaphore_mem>>) src(%dma_wait3A_178 : memref<40x128xf32, #tpu.memory_space<vmem_shared>>) dst(%dma_wait3A_176 : memref<40x128xf32, #tpu.memory_space<hbm>>)
      tpu.yield
    }) : () -> ()
    %add3A_164 = arith.constant 600 : i32
    %add3A_165 = arith.addi %mul3A_9, %add3A_164 : i32
    %add3A_166 = arith.constant 600 : i32
    %add3A_167 = arith.addi %mul3A_9, %add3A_166 : i32
    "tpu.region"() ({
      %run_scoped3A_168 = tpu.sem_alloc : memref<!tpu.dma_semaphore, #tpu.memory_space<semaphore_mem>>
      %dma_start3A_169 = arith.constant 0 : i32
      %dma_start3A_170 = tpu.memref_slice %arg5[%arg0, %add3A_167, %dma_start3A_169] : memref<2x10240x128xf32, #tpu.memory_space<hbm>> -> memref<1x40x128xf32, #tpu.memory_space<hbm>>
      %dma_start3A_171 = tpu.memref_squeeze %dma_start3A_170 : memref<1x40x128xf32, #tpu.memory_space<hbm>> -> memref<40x128xf32, #tpu.memory_space<hbm>>
      %dma_start3A_172 = arith.constant 0 : i32
      %dma_start3A_173 = tpu.memref_slice %arg6[%add3A_165, %dma_start3A_172] : memref<10240x128xf32, #tpu.memory_space<vmem_shared>> -> memref<40x128xf32, #tpu.memory_space<vmem_shared>>
      tpu.enqueue_dma source(%dma_start3A_173 : memref<40x128xf32, #tpu.memory_space<vmem_shared>>) target(%dma_start3A_171 : memref<40x128xf32, #tpu.memory_space<hbm>>) target_semaphore(%run_scoped3A_168 : memref<!tpu.dma_semaphore, #tpu.memory_space<semaphore_mem>>)
      %dma_wait3A_174 = arith.constant 0 : i32
      %dma_wait3A_175 = tpu.memref_slice %arg5[%arg0, %add3A_167, %dma_wait3A_174] : memref<2x10240x128xf32, #tpu.memory_space<hbm>> -> memref<1x40x128xf32, #tpu.memory_space<hbm>>
      %dma_wait3A_176 = tpu.memref_squeeze %dma_wait3A_175 : memref<1x40x128xf32, #tpu.memory_space<hbm>> -> memref<40x128xf32, #tpu.memory_space<hbm>>
      %dma_wait3A_177 = arith.constant 0 : i32
      %dma_wait3A_178 = tpu.memref_slice %arg6[%add3A_165, %dma_wait3A_177] : memref<10240x128xf32, #tpu.memory_space<vmem_shared>> -> memref<40x128xf32, #tpu.memory_space<vmem_shared>>
      tpu.wait_dma2 semaphore(%run_scoped3A_168 : memref<!tpu.dma_semaphore, #tpu.memory_space<semaphore_mem>>) src(%dma_wait3A_178 : memref<40x128xf32, #tpu.memory_space<vmem_shared>>) dst(%dma_wait3A_176 : memref<40x128xf32, #tpu.memory_space<hbm>>)
      tpu.yield
    }) : () -> ()
    return
  }
}

#map = affine_map<(d0, d1) -> (0, 0)>
#map1 = affine_map<(d0, d1) -> (0, 0, 0)>
module attributes {stable_mosaic.version = 14 : i64} {
  func.func @run(%arg0: i32, %arg1: i32, %arg2: memref<160000x16xf32, #tpu.memory_space<hbm>>, %arg3: memref<32x125x40xi32, #tpu.memory_space<hbm>>, %arg4: memref<2x10240x128xf32, #tpu.memory_space<hbm>>, %arg5: memref<10240x128xf32, #tpu.memory_space<vmem_shared>>, %arg6: memref<40x128xf32, #tpu.memory_space<vmem>>, %arg7: memref<40x16xf32, #tpu.memory_space<vmem>>, %arg8: memref<40x16xf32, #tpu.memory_space<vmem>>, %arg9: memref<125x40xi32, #tpu.memory_space<vmem>>, %arg10: memref<!tpu.dma_semaphore, #tpu.memory_space<semaphore_mem>>) attributes {dimension_semantics = [#tpu.dimension_semantics<core_parallel>, #tpu.dimension_semantics<subcore_parallel>], iteration_bounds = array<i64: 2, 16>, scalar_prefetch = 0 : i64, scratch_operands = 6 : i64, tpu.core_type = #tpu.core_type<sc_vector_subcore>, window_params = [{transform_indices = #map}, {transform_indices = #map1}, {transform_indices = #map1}]} {
    %mul3A = arith.constant 2 : i32
    %mul3A_0 = arith.muli %arg1, %mul3A : i32
    %add3A = arith.addi %mul3A_0, %arg0 : i32
    %broadcast_in_dim3A = arith.constant 0.000000e+00 : f32
    %broadcast_in_dim3A_1 = vector.broadcast %broadcast_in_dim3A : f32 to vector<16xf32>
    %scan3A = arith.constant 0 : i32
    %scan3A_2 = arith.constant 0 : i32
    %scan3A_3 = arith.constant 40 : i32
    %scan3A_4 = arith.addi %scan3A_2, %scan3A_3 : i32
    %scan3A_5 = arith.constant 1 : i32
    %scan3A_6 = scf.for %scan3A_140 = %scan3A_2 to %scan3A_4 step %scan3A_5 iter_args(%scan3A_141 = %scan3A) -> (i32)  : i32 {
      %swap3A = arith.index_cast %scan3A_140 : i32 to index
      %swap3A_142 = arith.constant 0 : index
      %swap3A_143 = tpu.vector_load %arg6[%swap3A, %swap3A_142] {strides = array<i32>} : memref<40x128xf32, #tpu.memory_space<vmem>>, vector<1x16xf32>,
      %swap3A_144 = vector.shape_cast %swap3A_143 : vector<1x16xf32> to vector<16xf32>
      %swap3A_145 = vector.shape_cast %broadcast_in_dim3A_1 : vector<16xf32> to vector<1x16xf32>
      tpu.vector_store %arg6[%swap3A, %swap3A_142], %swap3A_145 {strides = array<i32>} : memref<40x128xf32, #tpu.memory_space<vmem>>, vector<1x16xf32>,
      %swap3A_146 = arith.index_cast %scan3A_140 : i32 to index
      %swap3A_147 = arith.constant 16 : index
      %swap3A_148 = tpu.vector_load %arg6[%swap3A_146, %swap3A_147] {strides = array<i32>} : memref<40x128xf32, #tpu.memory_space<vmem>>, vector<1x16xf32>,
      %swap3A_149 = vector.shape_cast %swap3A_148 : vector<1x16xf32> to vector<16xf32>
      %swap3A_150 = vector.shape_cast %broadcast_in_dim3A_1 : vector<16xf32> to vector<1x16xf32>
      tpu.vector_store %arg6[%swap3A_146, %swap3A_147], %swap3A_150 {strides = array<i32>} : memref<40x128xf32, #tpu.memory_space<vmem>>, vector<1x16xf32>,
      %swap3A_151 = arith.index_cast %scan3A_140 : i32 to index
      %swap3A_152 = arith.constant 32 : index
      %swap3A_153 = tpu.vector_load %arg6[%swap3A_151, %swap3A_152] {strides = array<i32>} : memref<40x128xf32, #tpu.memory_space<vmem>>, vector<1x16xf32>,
      %swap3A_154 = vector.shape_cast %swap3A_153 : vector<1x16xf32> to vector<16xf32>
      %swap3A_155 = vector.shape_cast %broadcast_in_dim3A_1 : vector<16xf32> to vector<1x16xf32>
      tpu.vector_store %arg6[%swap3A_151, %swap3A_152], %swap3A_155 {strides = array<i32>} : memref<40x128xf32, #tpu.memory_space<vmem>>, vector<1x16xf32>,
      %swap3A_156 = arith.index_cast %scan3A_140 : i32 to index
      %swap3A_157 = arith.constant 48 : index
      %swap3A_158 = tpu.vector_load %arg6[%swap3A_156, %swap3A_157] {strides = array<i32>} : memref<40x128xf32, #tpu.memory_space<vmem>>, vector<1x16xf32>,
      %swap3A_159 = vector.shape_cast %swap3A_158 : vector<1x16xf32> to vector<16xf32>
      %swap3A_160 = vector.shape_cast %broadcast_in_dim3A_1 : vector<16xf32> to vector<1x16xf32>
      tpu.vector_store %arg6[%swap3A_156, %swap3A_157], %swap3A_160 {strides = array<i32>} : memref<40x128xf32, #tpu.memory_space<vmem>>, vector<1x16xf32>,
      %swap3A_161 = arith.index_cast %scan3A_140 : i32 to index
      %swap3A_162 = arith.constant 64 : index
      %swap3A_163 = tpu.vector_load %arg6[%swap3A_161, %swap3A_162] {strides = array<i32>} : memref<40x128xf32, #tpu.memory_space<vmem>>, vector<1x16xf32>,
      %swap3A_164 = vector.shape_cast %swap3A_163 : vector<1x16xf32> to vector<16xf32>
      %swap3A_165 = vector.shape_cast %broadcast_in_dim3A_1 : vector<16xf32> to vector<1x16xf32>
      tpu.vector_store %arg6[%swap3A_161, %swap3A_162], %swap3A_165 {strides = array<i32>} : memref<40x128xf32, #tpu.memory_space<vmem>>, vector<1x16xf32>,
      %swap3A_166 = arith.index_cast %scan3A_140 : i32 to index
      %swap3A_167 = arith.constant 80 : index
      %swap3A_168 = tpu.vector_load %arg6[%swap3A_166, %swap3A_167] {strides = array<i32>} : memref<40x128xf32, #tpu.memory_space<vmem>>, vector<1x16xf32>,
      %swap3A_169 = vector.shape_cast %swap3A_168 : vector<1x16xf32> to vector<16xf32>
      %swap3A_170 = vector.shape_cast %broadcast_in_dim3A_1 : vector<16xf32> to vector<1x16xf32>
      tpu.vector_store %arg6[%swap3A_166, %swap3A_167], %swap3A_170 {strides = array<i32>} : memref<40x128xf32, #tpu.memory_space<vmem>>, vector<1x16xf32>,
      %swap3A_171 = arith.index_cast %scan3A_140 : i32 to index
      %swap3A_172 = arith.constant 96 : index
      %swap3A_173 = tpu.vector_load %arg6[%swap3A_171, %swap3A_172] {strides = array<i32>} : memref<40x128xf32, #tpu.memory_space<vmem>>, vector<1x16xf32>,
      %swap3A_174 = vector.shape_cast %swap3A_173 : vector<1x16xf32> to vector<16xf32>
      %swap3A_175 = vector.shape_cast %broadcast_in_dim3A_1 : vector<16xf32> to vector<1x16xf32>
      tpu.vector_store %arg6[%swap3A_171, %swap3A_172], %swap3A_175 {strides = array<i32>} : memref<40x128xf32, #tpu.memory_space<vmem>>, vector<1x16xf32>,
      %swap3A_176 = arith.index_cast %scan3A_140 : i32 to index
      %swap3A_177 = arith.constant 112 : index
      %swap3A_178 = tpu.vector_load %arg6[%swap3A_176, %swap3A_177] {strides = array<i32>} : memref<40x128xf32, #tpu.memory_space<vmem>>, vector<1x16xf32>,
      %swap3A_179 = vector.shape_cast %swap3A_178 : vector<1x16xf32> to vector<16xf32>
      %swap3A_180 = vector.shape_cast %broadcast_in_dim3A_1 : vector<16xf32> to vector<1x16xf32>
      tpu.vector_store %arg6[%swap3A_176, %swap3A_177], %swap3A_180 {strides = array<i32>} : memref<40x128xf32, #tpu.memory_space<vmem>>, vector<1x16xf32>,
      %scan3A_181 = arith.constant 0 : i32
      scf.yield %scan3A_181 : i32
    }
    %scan3A_7 = arith.constant 40 : i32
    %mul3A_8 = arith.constant 640 : i32
    %mul3A_9 = arith.muli %arg1, %mul3A_8 : i32
    %add3A_10 = arith.constant 0 : i32
    %add3A_11 = arith.addi %mul3A_9, %add3A_10 : i32
    "tpu.region"() ({
      %run_scoped3A_140 = tpu.sem_alloc : memref<!tpu.dma_semaphore, #tpu.memory_space<semaphore_mem>>
      %dma_start3A_141 = arith.constant 0 : i32
      %dma_start3A_142 = arith.constant 0 : i32
      %dma_start3A_143 = tpu.memref_slice %arg6[%dma_start3A_141, %dma_start3A_142] : memref<40x128xf32, #tpu.memory_space<vmem>> -> memref<40x128xf32, #tpu.memory_space<vmem>>
      %dma_start3A_144 = arith.constant 0 : i32
      %dma_start3A_145 = tpu.memref_slice %arg5[%add3A_11, %dma_start3A_144] : memref<10240x128xf32, #tpu.memory_space<vmem_shared>> -> memref<40x128xf32, #tpu.memory_space<vmem_shared>>
      %dma_start3A_146 = arith.constant 0 : i32
      %dma_start3A_147 = tpu.memref_slice %arg5[%add3A_11, %dma_start3A_146] : memref<10240x128xf32, #tpu.memory_space<vmem_shared>> -> memref<40x128xf32, #tpu.memory_space<vmem_shared>>
      %dma_start3A_148 = arith.constant 0 : i32
      %dma_start3A_149 = arith.constant 0 : i32
      %dma_start3A_150 = tpu.memref_slice %arg6[%dma_start3A_148, %dma_start3A_149] : memref<40x128xf32, #tpu.memory_space<vmem>> -> memref<40x128xf32, #tpu.memory_space<vmem>>
      tpu.enqueue_dma source(%dma_start3A_150 : memref<40x128xf32, #tpu.memory_space<vmem>>) target(%dma_start3A_147 : memref<40x128xf32, #tpu.memory_space<vmem_shared>>) target_semaphore(%run_scoped3A_140 : memref<!tpu.dma_semaphore, #tpu.memory_space<semaphore_mem>>)
      %dma_wait3A_151 = arith.constant 0 : i32
      %dma_wait3A_152 = arith.constant 0 : i32
      %dma_wait3A_153 = tpu.memref_slice %arg6[%dma_wait3A_151, %dma_wait3A_152] : memref<40x128xf32, #tpu.memory_space<vmem>> -> memref<40x128xf32, #tpu.memory_space<vmem>>
      %dma_wait3A_154 = arith.constant 0 : i32
      %dma_wait3A_155 = tpu.memref_slice %arg5[%add3A_11, %dma_wait3A_154] : memref<10240x128xf32, #tpu.memory_space<vmem_shared>> -> memref<40x128xf32, #tpu.memory_space<vmem_shared>>
      %dma_wait3A_156 = arith.constant 0 : i32
      %dma_wait3A_157 = tpu.memref_slice %arg5[%add3A_11, %dma_wait3A_156] : memref<10240x128xf32, #tpu.memory_space<vmem_shared>> -> memref<40x128xf32, #tpu.memory_space<vmem_shared>>
      %dma_wait3A_158 = arith.constant 0 : i32
      %dma_wait3A_159 = arith.constant 0 : i32
      %dma_wait3A_160 = tpu.memref_slice %arg6[%dma_wait3A_158, %dma_wait3A_159] : memref<40x128xf32, #tpu.memory_space<vmem>> -> memref<40x128xf32, #tpu.memory_space<vmem>>
      tpu.wait_dma2 semaphore(%run_scoped3A_140 : memref<!tpu.dma_semaphore, #tpu.memory_space<semaphore_mem>>) src(%dma_wait3A_160 : memref<40x128xf32, #tpu.memory_space<vmem>>) dst(%dma_wait3A_157 : memref<40x128xf32, #tpu.memory_space<vmem_shared>>)
      tpu.yield
    }) : () -> ()
    %add3A_12 = arith.constant 40 : i32
    %add3A_13 = arith.addi %mul3A_9, %add3A_12 : i32
    "tpu.region"() ({
      %run_scoped3A_140 = tpu.sem_alloc : memref<!tpu.dma_semaphore, #tpu.memory_space<semaphore_mem>>
      %dma_start3A_141 = arith.constant 0 : i32
      %dma_start3A_142 = arith.constant 0 : i32
      %dma_start3A_143 = tpu.memref_slice %arg6[%dma_start3A_141, %dma_start3A_142] : memref<40x128xf32, #tpu.memory_space<vmem>> -> memref<40x128xf32, #tpu.memory_space<vmem>>
      %dma_start3A_144 = arith.constant 0 : i32
      %dma_start3A_145 = tpu.memref_slice %arg5[%add3A_13, %dma_start3A_144] : memref<10240x128xf32, #tpu.memory_space<vmem_shared>> -> memref<40x128xf32, #tpu.memory_space<vmem_shared>>
      %dma_start3A_146 = arith.constant 0 : i32
      %dma_start3A_147 = tpu.memref_slice %arg5[%add3A_13, %dma_start3A_146] : memref<10240x128xf32, #tpu.memory_space<vmem_shared>> -> memref<40x128xf32, #tpu.memory_space<vmem_shared>>
      %dma_start3A_148 = arith.constant 0 : i32
      %dma_start3A_149 = arith.constant 0 : i32
      %dma_start3A_150 = tpu.memref_slice %arg6[%dma_start3A_148, %dma_start3A_149] : memref<40x128xf32, #tpu.memory_space<vmem>> -> memref<40x128xf32, #tpu.memory_space<vmem>>
      tpu.enqueue_dma source(%dma_start3A_150 : memref<40x128xf32, #tpu.memory_space<vmem>>) target(%dma_start3A_147 : memref<40x128xf32, #tpu.memory_space<vmem_shared>>) target_semaphore(%run_scoped3A_140 : memref<!tpu.dma_semaphore, #tpu.memory_space<semaphore_mem>>)
      %dma_wait3A_151 = arith.constant 0 : i32
      %dma_wait3A_152 = arith.constant 0 : i32
      %dma_wait3A_153 = tpu.memref_slice %arg6[%dma_wait3A_151, %dma_wait3A_152] : memref<40x128xf32, #tpu.memory_space<vmem>> -> memref<40x128xf32, #tpu.memory_space<vmem>>
      %dma_wait3A_154 = arith.constant 0 : i32
      %dma_wait3A_155 = tpu.memref_slice %arg5[%add3A_13, %dma_wait3A_154] : memref<10240x128xf32, #tpu.memory_space<vmem_shared>> -> memref<40x128xf32, #tpu.memory_space<vmem_shared>>
      %dma_wait3A_156 = arith.constant 0 : i32
      %dma_wait3A_157 = tpu.memref_slice %arg5[%add3A_13, %dma_wait3A_156] : memref<10240x128xf32, #tpu.memory_space<vmem_shared>> -> memref<40x128xf32, #tpu.memory_space<vmem_shared>>
      %dma_wait3A_158 = arith.constant 0 : i32
      %dma_wait3A_159 = arith.constant 0 : i32
      %dma_wait3A_160 = tpu.memref_slice %arg6[%dma_wait3A_158, %dma_wait3A_159] : memref<40x128xf32, #tpu.memory_space<vmem>> -> memref<40x128xf32, #tpu.memory_space<vmem>>
      tpu.wait_dma2 semaphore(%run_scoped3A_140 : memref<!tpu.dma_semaphore, #tpu.memory_space<semaphore_mem>>) src(%dma_wait3A_160 : memref<40x128xf32, #tpu.memory_space<vmem>>) dst(%dma_wait3A_157 : memref<40x128xf32, #tpu.memory_space<vmem_shared>>)
      tpu.yield
    }) : () -> ()
    %add3A_14 = arith.constant 80 : i32
    %add3A_15 = arith.addi %mul3A_9, %add3A_14 : i32
    "tpu.region"() ({
      %run_scoped3A_140 = tpu.sem_alloc : memref<!tpu.dma_semaphore, #tpu.memory_space<semaphore_mem>>
      %dma_start3A_141 = arith.constant 0 : i32
      %dma_start3A_142 = arith.constant 0 : i32
      %dma_start3A_143 = tpu.memref_slice %arg6[%dma_start3A_141, %dma_start3A_142] : memref<40x128xf32, #tpu.memory_space<vmem>> -> memref<40x128xf32, #tpu.memory_space<vmem>>
      %dma_start3A_144 = arith.constant 0 : i32
      %dma_start3A_145 = tpu.memref_slice %arg5[%add3A_15, %dma_start3A_144] : memref<10240x128xf32, #tpu.memory_space<vmem_shared>> -> memref<40x128xf32, #tpu.memory_space<vmem_shared>>
      %dma_start3A_146 = arith.constant 0 : i32
      %dma_start3A_147 = tpu.memref_slice %arg5[%add3A_15, %dma_start3A_146] : memref<10240x128xf32, #tpu.memory_space<vmem_shared>> -> memref<40x128xf32, #tpu.memory_space<vmem_shared>>
      %dma_start3A_148 = arith.constant 0 : i32
      %dma_start3A_149 = arith.constant 0 : i32
      %dma_start3A_150 = tpu.memref_slice %arg6[%dma_start3A_148, %dma_start3A_149] : memref<40x128xf32, #tpu.memory_space<vmem>> -> memref<40x128xf32, #tpu.memory_space<vmem>>
      tpu.enqueue_dma source(%dma_start3A_150 : memref<40x128xf32, #tpu.memory_space<vmem>>) target(%dma_start3A_147 : memref<40x128xf32, #tpu.memory_space<vmem_shared>>) target_semaphore(%run_scoped3A_140 : memref<!tpu.dma_semaphore, #tpu.memory_space<semaphore_mem>>)
      %dma_wait3A_151 = arith.constant 0 : i32
      %dma_wait3A_152 = arith.constant 0 : i32
      %dma_wait3A_153 = tpu.memref_slice %arg6[%dma_wait3A_151, %dma_wait3A_152] : memref<40x128xf32, #tpu.memory_space<vmem>> -> memref<40x128xf32, #tpu.memory_space<vmem>>
      %dma_wait3A_154 = arith.constant 0 : i32
      %dma_wait3A_155 = tpu.memref_slice %arg5[%add3A_15, %dma_wait3A_154] : memref<10240x128xf32, #tpu.memory_space<vmem_shared>> -> memref<40x128xf32, #tpu.memory_space<vmem_shared>>
      %dma_wait3A_156 = arith.constant 0 : i32
      %dma_wait3A_157 = tpu.memref_slice %arg5[%add3A_15, %dma_wait3A_156] : memref<10240x128xf32, #tpu.memory_space<vmem_shared>> -> memref<40x128xf32, #tpu.memory_space<vmem_shared>>
      %dma_wait3A_158 = arith.constant 0 : i32
      %dma_wait3A_159 = arith.constant 0 : i32
      %dma_wait3A_160 = tpu.memref_slice %arg6[%dma_wait3A_158, %dma_wait3A_159] : memref<40x128xf32, #tpu.memory_space<vmem>> -> memref<40x128xf32, #tpu.memory_space<vmem>>
      tpu.wait_dma2 semaphore(%run_scoped3A_140 : memref<!tpu.dma_semaphore, #tpu.memory_space<semaphore_mem>>) src(%dma_wait3A_160 : memref<40x128xf32, #tpu.memory_space<vmem>>) dst(%dma_wait3A_157 : memref<40x128xf32, #tpu.memory_space<vmem_shared>>)
      tpu.yield
    }) : () -> ()
    %add3A_16 = arith.constant 120 : i32
    %add3A_17 = arith.addi %mul3A_9, %add3A_16 : i32
    "tpu.region"() ({
      %run_scoped3A_140 = tpu.sem_alloc : memref<!tpu.dma_semaphore, #tpu.memory_space<semaphore_mem>>
      %dma_start3A_141 = arith.constant 0 : i32
      %dma_start3A_142 = arith.constant 0 : i32
      %dma_start3A_143 = tpu.memref_slice %arg6[%dma_start3A_141, %dma_start3A_142] : memref<40x128xf32, #tpu.memory_space<vmem>> -> memref<40x128xf32, #tpu.memory_space<vmem>>
      %dma_start3A_144 = arith.constant 0 : i32
      %dma_start3A_145 = tpu.memref_slice %arg5[%add3A_17, %dma_start3A_144] : memref<10240x128xf32, #tpu.memory_space<vmem_shared>> -> memref<40x128xf32, #tpu.memory_space<vmem_shared>>
      %dma_start3A_146 = arith.constant 0 : i32
      %dma_start3A_147 = tpu.memref_slice %arg5[%add3A_17, %dma_start3A_146] : memref<10240x128xf32, #tpu.memory_space<vmem_shared>> -> memref<40x128xf32, #tpu.memory_space<vmem_shared>>
      %dma_start3A_148 = arith.constant 0 : i32
      %dma_start3A_149 = arith.constant 0 : i32
      %dma_start3A_150 = tpu.memref_slice %arg6[%dma_start3A_148, %dma_start3A_149] : memref<40x128xf32, #tpu.memory_space<vmem>> -> memref<40x128xf32, #tpu.memory_space<vmem>>
      tpu.enqueue_dma source(%dma_start3A_150 : memref<40x128xf32, #tpu.memory_space<vmem>>) target(%dma_start3A_147 : memref<40x128xf32, #tpu.memory_space<vmem_shared>>) target_semaphore(%run_scoped3A_140 : memref<!tpu.dma_semaphore, #tpu.memory_space<semaphore_mem>>)
      %dma_wait3A_151 = arith.constant 0 : i32
      %dma_wait3A_152 = arith.constant 0 : i32
      %dma_wait3A_153 = tpu.memref_slice %arg6[%dma_wait3A_151, %dma_wait3A_152] : memref<40x128xf32, #tpu.memory_space<vmem>> -> memref<40x128xf32, #tpu.memory_space<vmem>>
      %dma_wait3A_154 = arith.constant 0 : i32
      %dma_wait3A_155 = tpu.memref_slice %arg5[%add3A_17, %dma_wait3A_154] : memref<10240x128xf32, #tpu.memory_space<vmem_shared>> -> memref<40x128xf32, #tpu.memory_space<vmem_shared>>
      %dma_wait3A_156 = arith.constant 0 : i32
      %dma_wait3A_157 = tpu.memref_slice %arg5[%add3A_17, %dma_wait3A_156] : memref<10240x128xf32, #tpu.memory_space<vmem_shared>> -> memref<40x128xf32, #tpu.memory_space<vmem_shared>>
      %dma_wait3A_158 = arith.constant 0 : i32
      %dma_wait3A_159 = arith.constant 0 : i32
      %dma_wait3A_160 = tpu.memref_slice %arg6[%dma_wait3A_158, %dma_wait3A_159] : memref<40x128xf32, #tpu.memory_space<vmem>> -> memref<40x128xf32, #tpu.memory_space<vmem>>
      tpu.wait_dma2 semaphore(%run_scoped3A_140 : memref<!tpu.dma_semaphore, #tpu.memory_space<semaphore_mem>>) src(%dma_wait3A_160 : memref<40x128xf32, #tpu.memory_space<vmem>>) dst(%dma_wait3A_157 : memref<40x128xf32, #tpu.memory_space<vmem_shared>>)
      tpu.yield
    }) : () -> ()
    %add3A_18 = arith.constant 160 : i32
    %add3A_19 = arith.addi %mul3A_9, %add3A_18 : i32
    "tpu.region"() ({
      %run_scoped3A_140 = tpu.sem_alloc : memref<!tpu.dma_semaphore, #tpu.memory_space<semaphore_mem>>
      %dma_start3A_141 = arith.constant 0 : i32
      %dma_start3A_142 = arith.constant 0 : i32
      %dma_start3A_143 = tpu.memref_slice %arg6[%dma_start3A_141, %dma_start3A_142] : memref<40x128xf32, #tpu.memory_space<vmem>> -> memref<40x128xf32, #tpu.memory_space<vmem>>
      %dma_start3A_144 = arith.constant 0 : i32
      %dma_start3A_145 = tpu.memref_slice %arg5[%add3A_19, %dma_start3A_144] : memref<10240x128xf32, #tpu.memory_space<vmem_shared>> -> memref<40x128xf32, #tpu.memory_space<vmem_shared>>
      %dma_start3A_146 = arith.constant 0 : i32
      %dma_start3A_147 = tpu.memref_slice %arg5[%add3A_19, %dma_start3A_146] : memref<10240x128xf32, #tpu.memory_space<vmem_shared>> -> memref<40x128xf32, #tpu.memory_space<vmem_shared>>
      %dma_start3A_148 = arith.constant 0 : i32
      %dma_start3A_149 = arith.constant 0 : i32
      %dma_start3A_150 = tpu.memref_slice %arg6[%dma_start3A_148, %dma_start3A_149] : memref<40x128xf32, #tpu.memory_space<vmem>> -> memref<40x128xf32, #tpu.memory_space<vmem>>
      tpu.enqueue_dma source(%dma_start3A_150 : memref<40x128xf32, #tpu.memory_space<vmem>>) target(%dma_start3A_147 : memref<40x128xf32, #tpu.memory_space<vmem_shared>>) target_semaphore(%run_scoped3A_140 : memref<!tpu.dma_semaphore, #tpu.memory_space<semaphore_mem>>)
      %dma_wait3A_151 = arith.constant 0 : i32
      %dma_wait3A_152 = arith.constant 0 : i32
      %dma_wait3A_153 = tpu.memref_slice %arg6[%dma_wait3A_151, %dma_wait3A_152] : memref<40x128xf32, #tpu.memory_space<vmem>> -> memref<40x128xf32, #tpu.memory_space<vmem>>
      %dma_wait3A_154 = arith.constant 0 : i32
      %dma_wait3A_155 = tpu.memref_slice %arg5[%add3A_19, %dma_wait3A_154] : memref<10240x128xf32, #tpu.memory_space<vmem_shared>> -> memref<40x128xf32, #tpu.memory_space<vmem_shared>>
      %dma_wait3A_156 = arith.constant 0 : i32
      %dma_wait3A_157 = tpu.memref_slice %arg5[%add3A_19, %dma_wait3A_156] : memref<10240x128xf32, #tpu.memory_space<vmem_shared>> -> memref<40x128xf32, #tpu.memory_space<vmem_shared>>
      %dma_wait3A_158 = arith.constant 0 : i32
      %dma_wait3A_159 = arith.constant 0 : i32
      %dma_wait3A_160 = tpu.memref_slice %arg6[%dma_wait3A_158, %dma_wait3A_159] : memref<40x128xf32, #tpu.memory_space<vmem>> -> memref<40x128xf32, #tpu.memory_space<vmem>>
      tpu.wait_dma2 semaphore(%run_scoped3A_140 : memref<!tpu.dma_semaphore, #tpu.memory_space<semaphore_mem>>) src(%dma_wait3A_160 : memref<40x128xf32, #tpu.memory_space<vmem>>) dst(%dma_wait3A_157 : memref<40x128xf32, #tpu.memory_space<vmem_shared>>)
      tpu.yield
    }) : () -> ()
    %add3A_20 = arith.constant 200 : i32
    %add3A_21 = arith.addi %mul3A_9, %add3A_20 : i32
    "tpu.region"() ({
      %run_scoped3A_140 = tpu.sem_alloc : memref<!tpu.dma_semaphore, #tpu.memory_space<semaphore_mem>>
      %dma_start3A_141 = arith.constant 0 : i32
      %dma_start3A_142 = arith.constant 0 : i32
      %dma_start3A_143 = tpu.memref_slice %arg6[%dma_start3A_141, %dma_start3A_142] : memref<40x128xf32, #tpu.memory_space<vmem>> -> memref<40x128xf32, #tpu.memory_space<vmem>>
      %dma_start3A_144 = arith.constant 0 : i32
      %dma_start3A_145 = tpu.memref_slice %arg5[%add3A_21, %dma_start3A_144] : memref<10240x128xf32, #tpu.memory_space<vmem_shared>> -> memref<40x128xf32, #tpu.memory_space<vmem_shared>>
      %dma_start3A_146 = arith.constant 0 : i32
      %dma_start3A_147 = tpu.memref_slice %arg5[%add3A_21, %dma_start3A_146] : memref<10240x128xf32, #tpu.memory_space<vmem_shared>> -> memref<40x128xf32, #tpu.memory_space<vmem_shared>>
      %dma_start3A_148 = arith.constant 0 : i32
      %dma_start3A_149 = arith.constant 0 : i32
      %dma_start3A_150 = tpu.memref_slice %arg6[%dma_start3A_148, %dma_start3A_149] : memref<40x128xf32, #tpu.memory_space<vmem>> -> memref<40x128xf32, #tpu.memory_space<vmem>>
      tpu.enqueue_dma source(%dma_start3A_150 : memref<40x128xf32, #tpu.memory_space<vmem>>) target(%dma_start3A_147 : memref<40x128xf32, #tpu.memory_space<vmem_shared>>) target_semaphore(%run_scoped3A_140 : memref<!tpu.dma_semaphore, #tpu.memory_space<semaphore_mem>>)
      %dma_wait3A_151 = arith.constant 0 : i32
      %dma_wait3A_152 = arith.constant 0 : i32
      %dma_wait3A_153 = tpu.memref_slice %arg6[%dma_wait3A_151, %dma_wait3A_152] : memref<40x128xf32, #tpu.memory_space<vmem>> -> memref<40x128xf32, #tpu.memory_space<vmem>>
      %dma_wait3A_154 = arith.constant 0 : i32
      %dma_wait3A_155 = tpu.memref_slice %arg5[%add3A_21, %dma_wait3A_154] : memref<10240x128xf32, #tpu.memory_space<vmem_shared>> -> memref<40x128xf32, #tpu.memory_space<vmem_shared>>
      %dma_wait3A_156 = arith.constant 0 : i32
      %dma_wait3A_157 = tpu.memref_slice %arg5[%add3A_21, %dma_wait3A_156] : memref<10240x128xf32, #tpu.memory_space<vmem_shared>> -> memref<40x128xf32, #tpu.memory_space<vmem_shared>>
      %dma_wait3A_158 = arith.constant 0 : i32
      %dma_wait3A_159 = arith.constant 0 : i32
      %dma_wait3A_160 = tpu.memref_slice %arg6[%dma_wait3A_158, %dma_wait3A_159] : memref<40x128xf32, #tpu.memory_space<vmem>> -> memref<40x128xf32, #tpu.memory_space<vmem>>
      tpu.wait_dma2 semaphore(%run_scoped3A_140 : memref<!tpu.dma_semaphore, #tpu.memory_space<semaphore_mem>>) src(%dma_wait3A_160 : memref<40x128xf32, #tpu.memory_space<vmem>>) dst(%dma_wait3A_157 : memref<40x128xf32, #tpu.memory_space<vmem_shared>>)
      tpu.yield
    }) : () -> ()
    %add3A_22 = arith.constant 240 : i32
    %add3A_23 = arith.addi %mul3A_9, %add3A_22 : i32
    "tpu.region"() ({
      %run_scoped3A_140 = tpu.sem_alloc : memref<!tpu.dma_semaphore, #tpu.memory_space<semaphore_mem>>
      %dma_start3A_141 = arith.constant 0 : i32
      %dma_start3A_142 = arith.constant 0 : i32
      %dma_start3A_143 = tpu.memref_slice %arg6[%dma_start3A_141, %dma_start3A_142] : memref<40x128xf32, #tpu.memory_space<vmem>> -> memref<40x128xf32, #tpu.memory_space<vmem>>
      %dma_start3A_144 = arith.constant 0 : i32
      %dma_start3A_145 = tpu.memref_slice %arg5[%add3A_23, %dma_start3A_144] : memref<10240x128xf32, #tpu.memory_space<vmem_shared>> -> memref<40x128xf32, #tpu.memory_space<vmem_shared>>
      %dma_start3A_146 = arith.constant 0 : i32
      %dma_start3A_147 = tpu.memref_slice %arg5[%add3A_23, %dma_start3A_146] : memref<10240x128xf32, #tpu.memory_space<vmem_shared>> -> memref<40x128xf32, #tpu.memory_space<vmem_shared>>
      %dma_start3A_148 = arith.constant 0 : i32
      %dma_start3A_149 = arith.constant 0 : i32
      %dma_start3A_150 = tpu.memref_slice %arg6[%dma_start3A_148, %dma_start3A_149] : memref<40x128xf32, #tpu.memory_space<vmem>> -> memref<40x128xf32, #tpu.memory_space<vmem>>
      tpu.enqueue_dma source(%dma_start3A_150 : memref<40x128xf32, #tpu.memory_space<vmem>>) target(%dma_start3A_147 : memref<40x128xf32, #tpu.memory_space<vmem_shared>>) target_semaphore(%run_scoped3A_140 : memref<!tpu.dma_semaphore, #tpu.memory_space<semaphore_mem>>)
      %dma_wait3A_151 = arith.constant 0 : i32
      %dma_wait3A_152 = arith.constant 0 : i32
      %dma_wait3A_153 = tpu.memref_slice %arg6[%dma_wait3A_151, %dma_wait3A_152] : memref<40x128xf32, #tpu.memory_space<vmem>> -> memref<40x128xf32, #tpu.memory_space<vmem>>
      %dma_wait3A_154 = arith.constant 0 : i32
      %dma_wait3A_155 = tpu.memref_slice %arg5[%add3A_23, %dma_wait3A_154] : memref<10240x128xf32, #tpu.memory_space<vmem_shared>> -> memref<40x128xf32, #tpu.memory_space<vmem_shared>>
      %dma_wait3A_156 = arith.constant 0 : i32
      %dma_wait3A_157 = tpu.memref_slice %arg5[%add3A_23, %dma_wait3A_156] : memref<10240x128xf32, #tpu.memory_space<vmem_shared>> -> memref<40x128xf32, #tpu.memory_space<vmem_shared>>
      %dma_wait3A_158 = arith.constant 0 : i32
      %dma_wait3A_159 = arith.constant 0 : i32
      %dma_wait3A_160 = tpu.memref_slice %arg6[%dma_wait3A_158, %dma_wait3A_159] : memref<40x128xf32, #tpu.memory_space<vmem>> -> memref<40x128xf32, #tpu.memory_space<vmem>>
      tpu.wait_dma2 semaphore(%run_scoped3A_140 : memref<!tpu.dma_semaphore, #tpu.memory_space<semaphore_mem>>) src(%dma_wait3A_160 : memref<40x128xf32, #tpu.memory_space<vmem>>) dst(%dma_wait3A_157 : memref<40x128xf32, #tpu.memory_space<vmem_shared>>)
      tpu.yield
    }) : () -> ()
    %add3A_24 = arith.constant 280 : i32
    %add3A_25 = arith.addi %mul3A_9, %add3A_24 : i32
    "tpu.region"() ({
      %run_scoped3A_140 = tpu.sem_alloc : memref<!tpu.dma_semaphore, #tpu.memory_space<semaphore_mem>>
      %dma_start3A_141 = arith.constant 0 : i32
      %dma_start3A_142 = arith.constant 0 : i32
      %dma_start3A_143 = tpu.memref_slice %arg6[%dma_start3A_141, %dma_start3A_142] : memref<40x128xf32, #tpu.memory_space<vmem>> -> memref<40x128xf32, #tpu.memory_space<vmem>>
      %dma_start3A_144 = arith.constant 0 : i32
      %dma_start3A_145 = tpu.memref_slice %arg5[%add3A_25, %dma_start3A_144] : memref<10240x128xf32, #tpu.memory_space<vmem_shared>> -> memref<40x128xf32, #tpu.memory_space<vmem_shared>>
      %dma_start3A_146 = arith.constant 0 : i32
      %dma_start3A_147 = tpu.memref_slice %arg5[%add3A_25, %dma_start3A_146] : memref<10240x128xf32, #tpu.memory_space<vmem_shared>> -> memref<40x128xf32, #tpu.memory_space<vmem_shared>>
      %dma_start3A_148 = arith.constant 0 : i32
      %dma_start3A_149 = arith.constant 0 : i32
      %dma_start3A_150 = tpu.memref_slice %arg6[%dma_start3A_148, %dma_start3A_149] : memref<40x128xf32, #tpu.memory_space<vmem>> -> memref<40x128xf32, #tpu.memory_space<vmem>>
      tpu.enqueue_dma source(%dma_start3A_150 : memref<40x128xf32, #tpu.memory_space<vmem>>) target(%dma_start3A_147 : memref<40x128xf32, #tpu.memory_space<vmem_shared>>) target_semaphore(%run_scoped3A_140 : memref<!tpu.dma_semaphore, #tpu.memory_space<semaphore_mem>>)
      %dma_wait3A_151 = arith.constant 0 : i32
      %dma_wait3A_152 = arith.constant 0 : i32
      %dma_wait3A_153 = tpu.memref_slice %arg6[%dma_wait3A_151, %dma_wait3A_152] : memref<40x128xf32, #tpu.memory_space<vmem>> -> memref<40x128xf32, #tpu.memory_space<vmem>>
      %dma_wait3A_154 = arith.constant 0 : i32
      %dma_wait3A_155 = tpu.memref_slice %arg5[%add3A_25, %dma_wait3A_154] : memref<10240x128xf32, #tpu.memory_space<vmem_shared>> -> memref<40x128xf32, #tpu.memory_space<vmem_shared>>
      %dma_wait3A_156 = arith.constant 0 : i32
      %dma_wait3A_157 = tpu.memref_slice %arg5[%add3A_25, %dma_wait3A_156] : memref<10240x128xf32, #tpu.memory_space<vmem_shared>> -> memref<40x128xf32, #tpu.memory_space<vmem_shared>>
      %dma_wait3A_158 = arith.constant 0 : i32
      %dma_wait3A_159 = arith.constant 0 : i32
      %dma_wait3A_160 = tpu.memref_slice %arg6[%dma_wait3A_158, %dma_wait3A_159] : memref<40x128xf32, #tpu.memory_space<vmem>> -> memref<40x128xf32, #tpu.memory_space<vmem>>
      tpu.wait_dma2 semaphore(%run_scoped3A_140 : memref<!tpu.dma_semaphore, #tpu.memory_space<semaphore_mem>>) src(%dma_wait3A_160 : memref<40x128xf32, #tpu.memory_space<vmem>>) dst(%dma_wait3A_157 : memref<40x128xf32, #tpu.memory_space<vmem_shared>>)
      tpu.yield
    }) : () -> ()
    %add3A_26 = arith.constant 320 : i32
    %add3A_27 = arith.addi %mul3A_9, %add3A_26 : i32
    "tpu.region"() ({
      %run_scoped3A_140 = tpu.sem_alloc : memref<!tpu.dma_semaphore, #tpu.memory_space<semaphore_mem>>
      %dma_start3A_141 = arith.constant 0 : i32
      %dma_start3A_142 = arith.constant 0 : i32
      %dma_start3A_143 = tpu.memref_slice %arg6[%dma_start3A_141, %dma_start3A_142] : memref<40x128xf32, #tpu.memory_space<vmem>> -> memref<40x128xf32, #tpu.memory_space<vmem>>
      %dma_start3A_144 = arith.constant 0 : i32
      %dma_start3A_145 = tpu.memref_slice %arg5[%add3A_27, %dma_start3A_144] : memref<10240x128xf32, #tpu.memory_space<vmem_shared>> -> memref<40x128xf32, #tpu.memory_space<vmem_shared>>
      %dma_start3A_146 = arith.constant 0 : i32
      %dma_start3A_147 = tpu.memref_slice %arg5[%add3A_27, %dma_start3A_146] : memref<10240x128xf32, #tpu.memory_space<vmem_shared>> -> memref<40x128xf32, #tpu.memory_space<vmem_shared>>
      %dma_start3A_148 = arith.constant 0 : i32
      %dma_start3A_149 = arith.constant 0 : i32
      %dma_start3A_150 = tpu.memref_slice %arg6[%dma_start3A_148, %dma_start3A_149] : memref<40x128xf32, #tpu.memory_space<vmem>> -> memref<40x128xf32, #tpu.memory_space<vmem>>
      tpu.enqueue_dma source(%dma_start3A_150 : memref<40x128xf32, #tpu.memory_space<vmem>>) target(%dma_start3A_147 : memref<40x128xf32, #tpu.memory_space<vmem_shared>>) target_semaphore(%run_scoped3A_140 : memref<!tpu.dma_semaphore, #tpu.memory_space<semaphore_mem>>)
      %dma_wait3A_151 = arith.constant 0 : i32
      %dma_wait3A_152 = arith.constant 0 : i32
      %dma_wait3A_153 = tpu.memref_slice %arg6[%dma_wait3A_151, %dma_wait3A_152] : memref<40x128xf32, #tpu.memory_space<vmem>> -> memref<40x128xf32, #tpu.memory_space<vmem>>
      %dma_wait3A_154 = arith.constant 0 : i32
      %dma_wait3A_155 = tpu.memref_slice %arg5[%add3A_27, %dma_wait3A_154] : memref<10240x128xf32, #tpu.memory_space<vmem_shared>> -> memref<40x128xf32, #tpu.memory_space<vmem_shared>>
      %dma_wait3A_156 = arith.constant 0 : i32
      %dma_wait3A_157 = tpu.memref_slice %arg5[%add3A_27, %dma_wait3A_156] : memref<10240x128xf32, #tpu.memory_space<vmem_shared>> -> memref<40x128xf32, #tpu.memory_space<vmem_shared>>
      %dma_wait3A_158 = arith.constant 0 : i32
      %dma_wait3A_159 = arith.constant 0 : i32
      %dma_wait3A_160 = tpu.memref_slice %arg6[%dma_wait3A_158, %dma_wait3A_159] : memref<40x128xf32, #tpu.memory_space<vmem>> -> memref<40x128xf32, #tpu.memory_space<vmem>>
      tpu.wait_dma2 semaphore(%run_scoped3A_140 : memref<!tpu.dma_semaphore, #tpu.memory_space<semaphore_mem>>) src(%dma_wait3A_160 : memref<40x128xf32, #tpu.memory_space<vmem>>) dst(%dma_wait3A_157 : memref<40x128xf32, #tpu.memory_space<vmem_shared>>)
      tpu.yield
    }) : () -> ()
    %add3A_28 = arith.constant 360 : i32
    %add3A_29 = arith.addi %mul3A_9, %add3A_28 : i32
    "tpu.region"() ({
      %run_scoped3A_140 = tpu.sem_alloc : memref<!tpu.dma_semaphore, #tpu.memory_space<semaphore_mem>>
      %dma_start3A_141 = arith.constant 0 : i32
      %dma_start3A_142 = arith.constant 0 : i32
      %dma_start3A_143 = tpu.memref_slice %arg6[%dma_start3A_141, %dma_start3A_142] : memref<40x128xf32, #tpu.memory_space<vmem>> -> memref<40x128xf32, #tpu.memory_space<vmem>>
      %dma_start3A_144 = arith.constant 0 : i32
      %dma_start3A_145 = tpu.memref_slice %arg5[%add3A_29, %dma_start3A_144] : memref<10240x128xf32, #tpu.memory_space<vmem_shared>> -> memref<40x128xf32, #tpu.memory_space<vmem_shared>>
      %dma_start3A_146 = arith.constant 0 : i32
      %dma_start3A_147 = tpu.memref_slice %arg5[%add3A_29, %dma_start3A_146] : memref<10240x128xf32, #tpu.memory_space<vmem_shared>> -> memref<40x128xf32, #tpu.memory_space<vmem_shared>>
      %dma_start3A_148 = arith.constant 0 : i32
      %dma_start3A_149 = arith.constant 0 : i32
      %dma_start3A_150 = tpu.memref_slice %arg6[%dma_start3A_148, %dma_start3A_149] : memref<40x128xf32, #tpu.memory_space<vmem>> -> memref<40x128xf32, #tpu.memory_space<vmem>>
      tpu.enqueue_dma source(%dma_start3A_150 : memref<40x128xf32, #tpu.memory_space<vmem>>) target(%dma_start3A_147 : memref<40x128xf32, #tpu.memory_space<vmem_shared>>) target_semaphore(%run_scoped3A_140 : memref<!tpu.dma_semaphore, #tpu.memory_space<semaphore_mem>>)
      %dma_wait3A_151 = arith.constant 0 : i32
      %dma_wait3A_152 = arith.constant 0 : i32
      %dma_wait3A_153 = tpu.memref_slice %arg6[%dma_wait3A_151, %dma_wait3A_152] : memref<40x128xf32, #tpu.memory_space<vmem>> -> memref<40x128xf32, #tpu.memory_space<vmem>>
      %dma_wait3A_154 = arith.constant 0 : i32
      %dma_wait3A_155 = tpu.memref_slice %arg5[%add3A_29, %dma_wait3A_154] : memref<10240x128xf32, #tpu.memory_space<vmem_shared>> -> memref<40x128xf32, #tpu.memory_space<vmem_shared>>
      %dma_wait3A_156 = arith.constant 0 : i32
      %dma_wait3A_157 = tpu.memref_slice %arg5[%add3A_29, %dma_wait3A_156] : memref<10240x128xf32, #tpu.memory_space<vmem_shared>> -> memref<40x128xf32, #tpu.memory_space<vmem_shared>>
      %dma_wait3A_158 = arith.constant 0 : i32
      %dma_wait3A_159 = arith.constant 0 : i32
      %dma_wait3A_160 = tpu.memref_slice %arg6[%dma_wait3A_158, %dma_wait3A_159] : memref<40x128xf32, #tpu.memory_space<vmem>> -> memref<40x128xf32, #tpu.memory_space<vmem>>
      tpu.wait_dma2 semaphore(%run_scoped3A_140 : memref<!tpu.dma_semaphore, #tpu.memory_space<semaphore_mem>>) src(%dma_wait3A_160 : memref<40x128xf32, #tpu.memory_space<vmem>>) dst(%dma_wait3A_157 : memref<40x128xf32, #tpu.memory_space<vmem_shared>>)
      tpu.yield
    }) : () -> ()
    %add3A_30 = arith.constant 400 : i32
    %add3A_31 = arith.addi %mul3A_9, %add3A_30 : i32
    "tpu.region"() ({
      %run_scoped3A_140 = tpu.sem_alloc : memref<!tpu.dma_semaphore, #tpu.memory_space<semaphore_mem>>
      %dma_start3A_141 = arith.constant 0 : i32
      %dma_start3A_142 = arith.constant 0 : i32
      %dma_start3A_143 = tpu.memref_slice %arg6[%dma_start3A_141, %dma_start3A_142] : memref<40x128xf32, #tpu.memory_space<vmem>> -> memref<40x128xf32, #tpu.memory_space<vmem>>
      %dma_start3A_144 = arith.constant 0 : i32
      %dma_start3A_145 = tpu.memref_slice %arg5[%add3A_31, %dma_start3A_144] : memref<10240x128xf32, #tpu.memory_space<vmem_shared>> -> memref<40x128xf32, #tpu.memory_space<vmem_shared>>
      %dma_start3A_146 = arith.constant 0 : i32
      %dma_start3A_147 = tpu.memref_slice %arg5[%add3A_31, %dma_start3A_146] : memref<10240x128xf32, #tpu.memory_space<vmem_shared>> -> memref<40x128xf32, #tpu.memory_space<vmem_shared>>
      %dma_start3A_148 = arith.constant 0 : i32
      %dma_start3A_149 = arith.constant 0 : i32
      %dma_start3A_150 = tpu.memref_slice %arg6[%dma_start3A_148, %dma_start3A_149] : memref<40x128xf32, #tpu.memory_space<vmem>> -> memref<40x128xf32, #tpu.memory_space<vmem>>
      tpu.enqueue_dma source(%dma_start3A_150 : memref<40x128xf32, #tpu.memory_space<vmem>>) target(%dma_start3A_147 : memref<40x128xf32, #tpu.memory_space<vmem_shared>>) target_semaphore(%run_scoped3A_140 : memref<!tpu.dma_semaphore, #tpu.memory_space<semaphore_mem>>)
      %dma_wait3A_151 = arith.constant 0 : i32
      %dma_wait3A_152 = arith.constant 0 : i32
      %dma_wait3A_153 = tpu.memref_slice %arg6[%dma_wait3A_151, %dma_wait3A_152] : memref<40x128xf32, #tpu.memory_space<vmem>> -> memref<40x128xf32, #tpu.memory_space<vmem>>
      %dma_wait3A_154 = arith.constant 0 : i32
      %dma_wait3A_155 = tpu.memref_slice %arg5[%add3A_31, %dma_wait3A_154] : memref<10240x128xf32, #tpu.memory_space<vmem_shared>> -> memref<40x128xf32, #tpu.memory_space<vmem_shared>>
      %dma_wait3A_156 = arith.constant 0 : i32
      %dma_wait3A_157 = tpu.memref_slice %arg5[%add3A_31, %dma_wait3A_156] : memref<10240x128xf32, #tpu.memory_space<vmem_shared>> -> memref<40x128xf32, #tpu.memory_space<vmem_shared>>
      %dma_wait3A_158 = arith.constant 0 : i32
      %dma_wait3A_159 = arith.constant 0 : i32
      %dma_wait3A_160 = tpu.memref_slice %arg6[%dma_wait3A_158, %dma_wait3A_159] : memref<40x128xf32, #tpu.memory_space<vmem>> -> memref<40x128xf32, #tpu.memory_space<vmem>>
      tpu.wait_dma2 semaphore(%run_scoped3A_140 : memref<!tpu.dma_semaphore, #tpu.memory_space<semaphore_mem>>) src(%dma_wait3A_160 : memref<40x128xf32, #tpu.memory_space<vmem>>) dst(%dma_wait3A_157 : memref<40x128xf32, #tpu.memory_space<vmem_shared>>)
      tpu.yield
    }) : () -> ()
    %add3A_32 = arith.constant 440 : i32
    %add3A_33 = arith.addi %mul3A_9, %add3A_32 : i32
    "tpu.region"() ({
      %run_scoped3A_140 = tpu.sem_alloc : memref<!tpu.dma_semaphore, #tpu.memory_space<semaphore_mem>>
      %dma_start3A_141 = arith.constant 0 : i32
      %dma_start3A_142 = arith.constant 0 : i32
      %dma_start3A_143 = tpu.memref_slice %arg6[%dma_start3A_141, %dma_start3A_142] : memref<40x128xf32, #tpu.memory_space<vmem>> -> memref<40x128xf32, #tpu.memory_space<vmem>>
      %dma_start3A_144 = arith.constant 0 : i32
      %dma_start3A_145 = tpu.memref_slice %arg5[%add3A_33, %dma_start3A_144] : memref<10240x128xf32, #tpu.memory_space<vmem_shared>> -> memref<40x128xf32, #tpu.memory_space<vmem_shared>>
      %dma_start3A_146 = arith.constant 0 : i32
      %dma_start3A_147 = tpu.memref_slice %arg5[%add3A_33, %dma_start3A_146] : memref<10240x128xf32, #tpu.memory_space<vmem_shared>> -> memref<40x128xf32, #tpu.memory_space<vmem_shared>>
      %dma_start3A_148 = arith.constant 0 : i32
      %dma_start3A_149 = arith.constant 0 : i32
      %dma_start3A_150 = tpu.memref_slice %arg6[%dma_start3A_148, %dma_start3A_149] : memref<40x128xf32, #tpu.memory_space<vmem>> -> memref<40x128xf32, #tpu.memory_space<vmem>>
      tpu.enqueue_dma source(%dma_start3A_150 : memref<40x128xf32, #tpu.memory_space<vmem>>) target(%dma_start3A_147 : memref<40x128xf32, #tpu.memory_space<vmem_shared>>) target_semaphore(%run_scoped3A_140 : memref<!tpu.dma_semaphore, #tpu.memory_space<semaphore_mem>>)
      %dma_wait3A_151 = arith.constant 0 : i32
      %dma_wait3A_152 = arith.constant 0 : i32
      %dma_wait3A_153 = tpu.memref_slice %arg6[%dma_wait3A_151, %dma_wait3A_152] : memref<40x128xf32, #tpu.memory_space<vmem>> -> memref<40x128xf32, #tpu.memory_space<vmem>>
      %dma_wait3A_154 = arith.constant 0 : i32
      %dma_wait3A_155 = tpu.memref_slice %arg5[%add3A_33, %dma_wait3A_154] : memref<10240x128xf32, #tpu.memory_space<vmem_shared>> -> memref<40x128xf32, #tpu.memory_space<vmem_shared>>
      %dma_wait3A_156 = arith.constant 0 : i32
      %dma_wait3A_157 = tpu.memref_slice %arg5[%add3A_33, %dma_wait3A_156] : memref<10240x128xf32, #tpu.memory_space<vmem_shared>> -> memref<40x128xf32, #tpu.memory_space<vmem_shared>>
      %dma_wait3A_158 = arith.constant 0 : i32
      %dma_wait3A_159 = arith.constant 0 : i32
      %dma_wait3A_160 = tpu.memref_slice %arg6[%dma_wait3A_158, %dma_wait3A_159] : memref<40x128xf32, #tpu.memory_space<vmem>> -> memref<40x128xf32, #tpu.memory_space<vmem>>
      tpu.wait_dma2 semaphore(%run_scoped3A_140 : memref<!tpu.dma_semaphore, #tpu.memory_space<semaphore_mem>>) src(%dma_wait3A_160 : memref<40x128xf32, #tpu.memory_space<vmem>>) dst(%dma_wait3A_157 : memref<40x128xf32, #tpu.memory_space<vmem_shared>>)
      tpu.yield
    }) : () -> ()
    %add3A_34 = arith.constant 480 : i32
    %add3A_35 = arith.addi %mul3A_9, %add3A_34 : i32
    "tpu.region"() ({
      %run_scoped3A_140 = tpu.sem_alloc : memref<!tpu.dma_semaphore, #tpu.memory_space<semaphore_mem>>
      %dma_start3A_141 = arith.constant 0 : i32
      %dma_start3A_142 = arith.constant 0 : i32
      %dma_start3A_143 = tpu.memref_slice %arg6[%dma_start3A_141, %dma_start3A_142] : memref<40x128xf32, #tpu.memory_space<vmem>> -> memref<40x128xf32, #tpu.memory_space<vmem>>
      %dma_start3A_144 = arith.constant 0 : i32
      %dma_start3A_145 = tpu.memref_slice %arg5[%add3A_35, %dma_start3A_144] : memref<10240x128xf32, #tpu.memory_space<vmem_shared>> -> memref<40x128xf32, #tpu.memory_space<vmem_shared>>
      %dma_start3A_146 = arith.constant 0 : i32
      %dma_start3A_147 = tpu.memref_slice %arg5[%add3A_35, %dma_start3A_146] : memref<10240x128xf32, #tpu.memory_space<vmem_shared>> -> memref<40x128xf32, #tpu.memory_space<vmem_shared>>
      %dma_start3A_148 = arith.constant 0 : i32
      %dma_start3A_149 = arith.constant 0 : i32
      %dma_start3A_150 = tpu.memref_slice %arg6[%dma_start3A_148, %dma_start3A_149] : memref<40x128xf32, #tpu.memory_space<vmem>> -> memref<40x128xf32, #tpu.memory_space<vmem>>
      tpu.enqueue_dma source(%dma_start3A_150 : memref<40x128xf32, #tpu.memory_space<vmem>>) target(%dma_start3A_147 : memref<40x128xf32, #tpu.memory_space<vmem_shared>>) target_semaphore(%run_scoped3A_140 : memref<!tpu.dma_semaphore, #tpu.memory_space<semaphore_mem>>)
      %dma_wait3A_151 = arith.constant 0 : i32
      %dma_wait3A_152 = arith.constant 0 : i32
      %dma_wait3A_153 = tpu.memref_slice %arg6[%dma_wait3A_151, %dma_wait3A_152] : memref<40x128xf32, #tpu.memory_space<vmem>> -> memref<40x128xf32, #tpu.memory_space<vmem>>
      %dma_wait3A_154 = arith.constant 0 : i32
      %dma_wait3A_155 = tpu.memref_slice %arg5[%add3A_35, %dma_wait3A_154] : memref<10240x128xf32, #tpu.memory_space<vmem_shared>> -> memref<40x128xf32, #tpu.memory_space<vmem_shared>>
      %dma_wait3A_156 = arith.constant 0 : i32
      %dma_wait3A_157 = tpu.memref_slice %arg5[%add3A_35, %dma_wait3A_156] : memref<10240x128xf32, #tpu.memory_space<vmem_shared>> -> memref<40x128xf32, #tpu.memory_space<vmem_shared>>
      %dma_wait3A_158 = arith.constant 0 : i32
      %dma_wait3A_159 = arith.constant 0 : i32
      %dma_wait3A_160 = tpu.memref_slice %arg6[%dma_wait3A_158, %dma_wait3A_159] : memref<40x128xf32, #tpu.memory_space<vmem>> -> memref<40x128xf32, #tpu.memory_space<vmem>>
      tpu.wait_dma2 semaphore(%run_scoped3A_140 : memref<!tpu.dma_semaphore, #tpu.memory_space<semaphore_mem>>) src(%dma_wait3A_160 : memref<40x128xf32, #tpu.memory_space<vmem>>) dst(%dma_wait3A_157 : memref<40x128xf32, #tpu.memory_space<vmem_shared>>)
      tpu.yield
    }) : () -> ()
    %add3A_36 = arith.constant 520 : i32
    %add3A_37 = arith.addi %mul3A_9, %add3A_36 : i32
    "tpu.region"() ({
      %run_scoped3A_140 = tpu.sem_alloc : memref<!tpu.dma_semaphore, #tpu.memory_space<semaphore_mem>>
      %dma_start3A_141 = arith.constant 0 : i32
      %dma_start3A_142 = arith.constant 0 : i32
      %dma_start3A_143 = tpu.memref_slice %arg6[%dma_start3A_141, %dma_start3A_142] : memref<40x128xf32, #tpu.memory_space<vmem>> -> memref<40x128xf32, #tpu.memory_space<vmem>>
      %dma_start3A_144 = arith.constant 0 : i32
      %dma_start3A_145 = tpu.memref_slice %arg5[%add3A_37, %dma_start3A_144] : memref<10240x128xf32, #tpu.memory_space<vmem_shared>> -> memref<40x128xf32, #tpu.memory_space<vmem_shared>>
      %dma_start3A_146 = arith.constant 0 : i32
      %dma_start3A_147 = tpu.memref_slice %arg5[%add3A_37, %dma_start3A_146] : memref<10240x128xf32, #tpu.memory_space<vmem_shared>> -> memref<40x128xf32, #tpu.memory_space<vmem_shared>>
      %dma_start3A_148 = arith.constant 0 : i32
      %dma_start3A_149 = arith.constant 0 : i32
      %dma_start3A_150 = tpu.memref_slice %arg6[%dma_start3A_148, %dma_start3A_149] : memref<40x128xf32, #tpu.memory_space<vmem>> -> memref<40x128xf32, #tpu.memory_space<vmem>>
      tpu.enqueue_dma source(%dma_start3A_150 : memref<40x128xf32, #tpu.memory_space<vmem>>) target(%dma_start3A_147 : memref<40x128xf32, #tpu.memory_space<vmem_shared>>) target_semaphore(%run_scoped3A_140 : memref<!tpu.dma_semaphore, #tpu.memory_space<semaphore_mem>>)
      %dma_wait3A_151 = arith.constant 0 : i32
      %dma_wait3A_152 = arith.constant 0 : i32
      %dma_wait3A_153 = tpu.memref_slice %arg6[%dma_wait3A_151, %dma_wait3A_152] : memref<40x128xf32, #tpu.memory_space<vmem>> -> memref<40x128xf32, #tpu.memory_space<vmem>>
      %dma_wait3A_154 = arith.constant 0 : i32
      %dma_wait3A_155 = tpu.memref_slice %arg5[%add3A_37, %dma_wait3A_154] : memref<10240x128xf32, #tpu.memory_space<vmem_shared>> -> memref<40x128xf32, #tpu.memory_space<vmem_shared>>
      %dma_wait3A_156 = arith.constant 0 : i32
      %dma_wait3A_157 = tpu.memref_slice %arg5[%add3A_37, %dma_wait3A_156] : memref<10240x128xf32, #tpu.memory_space<vmem_shared>> -> memref<40x128xf32, #tpu.memory_space<vmem_shared>>
      %dma_wait3A_158 = arith.constant 0 : i32
      %dma_wait3A_159 = arith.constant 0 : i32
      %dma_wait3A_160 = tpu.memref_slice %arg6[%dma_wait3A_158, %dma_wait3A_159] : memref<40x128xf32, #tpu.memory_space<vmem>> -> memref<40x128xf32, #tpu.memory_space<vmem>>
      tpu.wait_dma2 semaphore(%run_scoped3A_140 : memref<!tpu.dma_semaphore, #tpu.memory_space<semaphore_mem>>) src(%dma_wait3A_160 : memref<40x128xf32, #tpu.memory_space<vmem>>) dst(%dma_wait3A_157 : memref<40x128xf32, #tpu.memory_space<vmem_shared>>)
      tpu.yield
    }) : () -> ()
    %add3A_38 = arith.constant 560 : i32
    %add3A_39 = arith.addi %mul3A_9, %add3A_38 : i32
    "tpu.region"() ({
      %run_scoped3A_140 = tpu.sem_alloc : memref<!tpu.dma_semaphore, #tpu.memory_space<semaphore_mem>>
      %dma_start3A_141 = arith.constant 0 : i32
      %dma_start3A_142 = arith.constant 0 : i32
      %dma_start3A_143 = tpu.memref_slice %arg6[%dma_start3A_141, %dma_start3A_142] : memref<40x128xf32, #tpu.memory_space<vmem>> -> memref<40x128xf32, #tpu.memory_space<vmem>>
      %dma_start3A_144 = arith.constant 0 : i32
      %dma_start3A_145 = tpu.memref_slice %arg5[%add3A_39, %dma_start3A_144] : memref<10240x128xf32, #tpu.memory_space<vmem_shared>> -> memref<40x128xf32, #tpu.memory_space<vmem_shared>>
      %dma_start3A_146 = arith.constant 0 : i32
      %dma_start3A_147 = tpu.memref_slice %arg5[%add3A_39, %dma_start3A_146] : memref<10240x128xf32, #tpu.memory_space<vmem_shared>> -> memref<40x128xf32, #tpu.memory_space<vmem_shared>>
      %dma_start3A_148 = arith.constant 0 : i32
      %dma_start3A_149 = arith.constant 0 : i32
      %dma_start3A_150 = tpu.memref_slice %arg6[%dma_start3A_148, %dma_start3A_149] : memref<40x128xf32, #tpu.memory_space<vmem>> -> memref<40x128xf32, #tpu.memory_space<vmem>>
      tpu.enqueue_dma source(%dma_start3A_150 : memref<40x128xf32, #tpu.memory_space<vmem>>) target(%dma_start3A_147 : memref<40x128xf32, #tpu.memory_space<vmem_shared>>) target_semaphore(%run_scoped3A_140 : memref<!tpu.dma_semaphore, #tpu.memory_space<semaphore_mem>>)
      %dma_wait3A_151 = arith.constant 0 : i32
      %dma_wait3A_152 = arith.constant 0 : i32
      %dma_wait3A_153 = tpu.memref_slice %arg6[%dma_wait3A_151, %dma_wait3A_152] : memref<40x128xf32, #tpu.memory_space<vmem>> -> memref<40x128xf32, #tpu.memory_space<vmem>>
      %dma_wait3A_154 = arith.constant 0 : i32
      %dma_wait3A_155 = tpu.memref_slice %arg5[%add3A_39, %dma_wait3A_154] : memref<10240x128xf32, #tpu.memory_space<vmem_shared>> -> memref<40x128xf32, #tpu.memory_space<vmem_shared>>
      %dma_wait3A_156 = arith.constant 0 : i32
      %dma_wait3A_157 = tpu.memref_slice %arg5[%add3A_39, %dma_wait3A_156] : memref<10240x128xf32, #tpu.memory_space<vmem_shared>> -> memref<40x128xf32, #tpu.memory_space<vmem_shared>>
      %dma_wait3A_158 = arith.constant 0 : i32
      %dma_wait3A_159 = arith.constant 0 : i32
      %dma_wait3A_160 = tpu.memref_slice %arg6[%dma_wait3A_158, %dma_wait3A_159] : memref<40x128xf32, #tpu.memory_space<vmem>> -> memref<40x128xf32, #tpu.memory_space<vmem>>
      tpu.wait_dma2 semaphore(%run_scoped3A_140 : memref<!tpu.dma_semaphore, #tpu.memory_space<semaphore_mem>>) src(%dma_wait3A_160 : memref<40x128xf32, #tpu.memory_space<vmem>>) dst(%dma_wait3A_157 : memref<40x128xf32, #tpu.memory_space<vmem_shared>>)
      tpu.yield
    }) : () -> ()
    %add3A_40 = arith.constant 600 : i32
    %add3A_41 = arith.addi %mul3A_9, %add3A_40 : i32
    "tpu.region"() ({
      %run_scoped3A_140 = tpu.sem_alloc : memref<!tpu.dma_semaphore, #tpu.memory_space<semaphore_mem>>
      %dma_start3A_141 = arith.constant 0 : i32
      %dma_start3A_142 = arith.constant 0 : i32
      %dma_start3A_143 = tpu.memref_slice %arg6[%dma_start3A_141, %dma_start3A_142] : memref<40x128xf32, #tpu.memory_space<vmem>> -> memref<40x128xf32, #tpu.memory_space<vmem>>
      %dma_start3A_144 = arith.constant 0 : i32
      %dma_start3A_145 = tpu.memref_slice %arg5[%add3A_41, %dma_start3A_144] : memref<10240x128xf32, #tpu.memory_space<vmem_shared>> -> memref<40x128xf32, #tpu.memory_space<vmem_shared>>
      %dma_start3A_146 = arith.constant 0 : i32
      %dma_start3A_147 = tpu.memref_slice %arg5[%add3A_41, %dma_start3A_146] : memref<10240x128xf32, #tpu.memory_space<vmem_shared>> -> memref<40x128xf32, #tpu.memory_space<vmem_shared>>
      %dma_start3A_148 = arith.constant 0 : i32
      %dma_start3A_149 = arith.constant 0 : i32
      %dma_start3A_150 = tpu.memref_slice %arg6[%dma_start3A_148, %dma_start3A_149] : memref<40x128xf32, #tpu.memory_space<vmem>> -> memref<40x128xf32, #tpu.memory_space<vmem>>
      tpu.enqueue_dma source(%dma_start3A_150 : memref<40x128xf32, #tpu.memory_space<vmem>>) target(%dma_start3A_147 : memref<40x128xf32, #tpu.memory_space<vmem_shared>>) target_semaphore(%run_scoped3A_140 : memref<!tpu.dma_semaphore, #tpu.memory_space<semaphore_mem>>)
      %dma_wait3A_151 = arith.constant 0 : i32
      %dma_wait3A_152 = arith.constant 0 : i32
      %dma_wait3A_153 = tpu.memref_slice %arg6[%dma_wait3A_151, %dma_wait3A_152] : memref<40x128xf32, #tpu.memory_space<vmem>> -> memref<40x128xf32, #tpu.memory_space<vmem>>
      %dma_wait3A_154 = arith.constant 0 : i32
      %dma_wait3A_155 = tpu.memref_slice %arg5[%add3A_41, %dma_wait3A_154] : memref<10240x128xf32, #tpu.memory_space<vmem_shared>> -> memref<40x128xf32, #tpu.memory_space<vmem_shared>>
      %dma_wait3A_156 = arith.constant 0 : i32
      %dma_wait3A_157 = tpu.memref_slice %arg5[%add3A_41, %dma_wait3A_156] : memref<10240x128xf32, #tpu.memory_space<vmem_shared>> -> memref<40x128xf32, #tpu.memory_space<vmem_shared>>
      %dma_wait3A_158 = arith.constant 0 : i32
      %dma_wait3A_159 = arith.constant 0 : i32
      %dma_wait3A_160 = tpu.memref_slice %arg6[%dma_wait3A_158, %dma_wait3A_159] : memref<40x128xf32, #tpu.memory_space<vmem>> -> memref<40x128xf32, #tpu.memory_space<vmem>>
      tpu.wait_dma2 semaphore(%run_scoped3A_140 : memref<!tpu.dma_semaphore, #tpu.memory_space<semaphore_mem>>) src(%dma_wait3A_160 : memref<40x128xf32, #tpu.memory_space<vmem>>) dst(%dma_wait3A_157 : memref<40x128xf32, #tpu.memory_space<vmem_shared>>)
      tpu.yield
    }) : () -> ()
    %broadcast_in_dim3A_42 = arith.constant 1.000000e+00 : f32
    %broadcast_in_dim3A_43 = vector.broadcast %broadcast_in_dim3A_42 : f32 to vector<16xf32>
    %scan3A_44 = arith.constant 0 : i32
    %scan3A_45 = arith.constant 0 : i32
    %scan3A_46 = arith.constant 40 : i32
    %scan3A_47 = arith.addi %scan3A_45, %scan3A_46 : i32
    %scan3A_48 = arith.constant 1 : i32
    %scan3A_49 = scf.for %scan3A_140 = %scan3A_45 to %scan3A_47 step %scan3A_48 iter_args(%scan3A_141 = %scan3A_44) -> (i32)  : i32 {
      %swap3A = arith.index_cast %scan3A_140 : i32 to index
      %swap3A_142 = arith.constant 16 : index
      %swap3A_143 = tpu.vector_load %arg6[%swap3A, %swap3A_142] {strides = array<i32>} : memref<40x128xf32, #tpu.memory_space<vmem>>, vector<1x16xf32>,
      %swap3A_144 = vector.shape_cast %swap3A_143 : vector<1x16xf32> to vector<16xf32>
      %swap3A_145 = vector.shape_cast %broadcast_in_dim3A_43 : vector<16xf32> to vector<1x16xf32>
      tpu.vector_store %arg6[%swap3A, %swap3A_142], %swap3A_145 {strides = array<i32>} : memref<40x128xf32, #tpu.memory_space<vmem>>, vector<1x16xf32>,
      %scan3A_146 = arith.constant 0 : i32
      scf.yield %scan3A_146 : i32
    }
    %scan3A_50 = arith.constant 40 : i32
    "tpu.region"() ({
      %run_scoped3A_140 = tpu.sem_alloc : memref<!tpu.dma_semaphore, #tpu.memory_space<semaphore_mem>>
      %dma_start3A_141 = arith.constant 0 : i32
      %dma_start3A_142 = arith.constant 0 : i32
      %dma_start3A_143 = tpu.memref_slice %arg3[%add3A, %dma_start3A_141, %dma_start3A_142] : memref<32x125x40xi32, #tpu.memory_space<hbm>> -> memref<1x125x40xi32, #tpu.memory_space<hbm>>
      %dma_start3A_144 = tpu.memref_squeeze %dma_start3A_143 : memref<1x125x40xi32, #tpu.memory_space<hbm>> -> memref<125x40xi32, #tpu.memory_space<hbm>>
      %dma_start3A_145 = arith.constant 0 : i32
      %dma_start3A_146 = arith.constant 0 : i32
      %dma_start3A_147 = tpu.memref_slice %arg3[%add3A, %dma_start3A_145, %dma_start3A_146] : memref<32x125x40xi32, #tpu.memory_space<hbm>> -> memref<1x125x40xi32, #tpu.memory_space<hbm>>
      %dma_start3A_148 = tpu.memref_squeeze %dma_start3A_147 : memref<1x125x40xi32, #tpu.memory_space<hbm>> -> memref<125x40xi32, #tpu.memory_space<hbm>>
      tpu.enqueue_dma source(%dma_start3A_148 : memref<125x40xi32, #tpu.memory_space<hbm>>) target(%arg9 : memref<125x40xi32, #tpu.memory_space<vmem>>) target_semaphore(%run_scoped3A_140 : memref<!tpu.dma_semaphore, #tpu.memory_space<semaphore_mem>>)
      %dma_wait3A_149 = arith.constant 0 : i32
      %dma_wait3A_150 = arith.constant 0 : i32
      %dma_wait3A_151 = tpu.memref_slice %arg3[%add3A, %dma_wait3A_149, %dma_wait3A_150] : memref<32x125x40xi32, #tpu.memory_space<hbm>> -> memref<1x125x40xi32, #tpu.memory_space<hbm>>
      %dma_wait3A_152 = tpu.memref_squeeze %dma_wait3A_151 : memref<1x125x40xi32, #tpu.memory_space<hbm>> -> memref<125x40xi32, #tpu.memory_space<hbm>>
      %dma_wait3A_153 = arith.constant 0 : i32
      %dma_wait3A_154 = arith.constant 0 : i32
      %dma_wait3A_155 = tpu.memref_slice %arg3[%add3A, %dma_wait3A_153, %dma_wait3A_154] : memref<32x125x40xi32, #tpu.memory_space<hbm>> -> memref<1x125x40xi32, #tpu.memory_space<hbm>>
      %dma_wait3A_156 = tpu.memref_squeeze %dma_wait3A_155 : memref<1x125x40xi32, #tpu.memory_space<hbm>> -> memref<125x40xi32, #tpu.memory_space<hbm>>
      tpu.wait_dma2 semaphore(%run_scoped3A_140 : memref<!tpu.dma_semaphore, #tpu.memory_space<semaphore_mem>>) src(%dma_wait3A_156 : memref<125x40xi32, #tpu.memory_space<hbm>>) dst(%arg9 : memref<125x40xi32, #tpu.memory_space<vmem>>)
      tpu.yield
    }) : () -> ()
    %barrier3A = arith.constant 0 : index
    tpu.barrier barrier_id(%barrier3A)
    %mul3A_51 = arith.constant 5000 : i32
    %mul3A_52 = arith.muli %add3A, %mul3A_51 : i32
    %add3A_53 = arith.constant 0 : i32
    %add3A_54 = arith.addi %mul3A_52, %add3A_53 : i32
    %dma_start3A = arith.constant 0 : i32
    %dma_start3A_55 = tpu.memref_slice %arg2[%add3A_54, %dma_start3A] : memref<160000x16xf32, #tpu.memory_space<hbm>> -> memref<40x16xf32, #tpu.memory_space<hbm>>
    %dma_start3A_56 = arith.constant 0 : i32
    %dma_start3A_57 = tpu.memref_slice %arg2[%add3A_54, %dma_start3A_56] : memref<160000x16xf32, #tpu.memory_space<hbm>> -> memref<40x16xf32, #tpu.memory_space<hbm>>
    tpu.enqueue_dma source(%dma_start3A_57 : memref<40x16xf32, #tpu.memory_space<hbm>>) target(%arg7 : memref<40x16xf32, #tpu.memory_space<vmem>>) target_semaphore(%arg10 : memref<!tpu.dma_semaphore, #tpu.memory_space<semaphore_mem>>)
    %scan3A_58 = arith.constant 0 : i32
    %scan3A_59 = arith.constant 0 : i32
    %scan3A_60 = arith.constant 62 : i32
    %scan3A_61 = arith.addi %scan3A_59, %scan3A_60 : i32
    %scan3A_62 = arith.constant 1 : i32
    %scan3A_63 = scf.for %scan3A_140 = %scan3A_59 to %scan3A_61 step %scan3A_62 iter_args(%scan3A_141 = %scan3A_58) -> (i32)  : i32 {
      %mul3A_142 = arith.constant 2 : i32
      %mul3A_143 = arith.muli %mul3A_142, %scan3A_140 : i32
      %add3A_144 = arith.constant 1 : i32
      %add3A_145 = arith.addi %mul3A_143, %add3A_144 : i32
      %mul3A_146 = arith.constant 40 : i32
      %mul3A_147 = arith.muli %add3A_145, %mul3A_146 : i32
      %add3A_148 = arith.addi %mul3A_52, %mul3A_147 : i32
      %dma_start3A_149 = arith.constant 0 : i32
      %dma_start3A_150 = tpu.memref_slice %arg2[%add3A_148, %dma_start3A_149] : memref<160000x16xf32, #tpu.memory_space<hbm>> -> memref<40x16xf32, #tpu.memory_space<hbm>>
      %dma_start3A_151 = arith.constant 0 : i32
      %dma_start3A_152 = tpu.memref_slice %arg2[%add3A_148, %dma_start3A_151] : memref<160000x16xf32, #tpu.memory_space<hbm>> -> memref<40x16xf32, #tpu.memory_space<hbm>>
      tpu.enqueue_dma source(%dma_start3A_152 : memref<40x16xf32, #tpu.memory_space<hbm>>) target(%arg8 : memref<40x16xf32, #tpu.memory_space<vmem>>) target_semaphore(%arg10 : memref<!tpu.dma_semaphore, #tpu.memory_space<semaphore_mem>>)
      %dma_wait3A_153 = arith.constant 0 : i32
      %dma_wait3A_154 = tpu.memref_slice %arg2[%mul3A_52, %dma_wait3A_153] : memref<160000x16xf32, #tpu.memory_space<hbm>> -> memref<40x16xf32, #tpu.memory_space<hbm>>
      %dma_wait3A_155 = arith.constant 0 : i32
      %dma_wait3A_156 = tpu.memref_slice %arg2[%mul3A_52, %dma_wait3A_155] : memref<160000x16xf32, #tpu.memory_space<hbm>> -> memref<40x16xf32, #tpu.memory_space<hbm>>
      tpu.wait_dma2 semaphore(%arg10 : memref<!tpu.dma_semaphore, #tpu.memory_space<semaphore_mem>>) src(%dma_wait3A_156 : memref<40x16xf32, #tpu.memory_space<hbm>>) dst(%arg7 : memref<40x16xf32, #tpu.memory_space<vmem>>)
      %scan3A_157 = arith.constant 0 : i32
      %scan3A_158 = arith.constant 0 : i32
      %scan3A_159 = arith.constant 40 : i32
      %scan3A_160 = arith.addi %scan3A_158, %scan3A_159 : i32
      %scan3A_161 = arith.constant 1 : i32
      %scan3A_162 = scf.for %scan3A_187 = %scan3A_158 to %scan3A_160 step %scan3A_161 iter_args(%scan3A_188 = %scan3A_157) -> (i32)  : i32 {
        %get3A = arith.index_cast %scan3A_187 : i32 to index
        %get3A_189 = arith.constant 0 : index
        %get3A_190 = tpu.vector_load %arg7[%get3A, %get3A_189] {strides = array<i32>} : memref<40x16xf32, #tpu.memory_space<vmem>>, vector<1x16xf32>,
        %get3A_191 = vector.shape_cast %get3A_190 : vector<1x16xf32> to vector<16xf32>
        %swap3A = arith.index_cast %scan3A_187 : i32 to index
        %swap3A_192 = arith.constant 0 : index
        %swap3A_193 = tpu.vector_load %arg6[%swap3A, %swap3A_192] {strides = array<i32>} : memref<40x128xf32, #tpu.memory_space<vmem>>, vector<1x16xf32>,
        %swap3A_194 = vector.shape_cast %swap3A_193 : vector<1x16xf32> to vector<16xf32>
        %swap3A_195 = vector.shape_cast %get3A_191 : vector<16xf32> to vector<1x16xf32>
        tpu.vector_store %arg6[%swap3A, %swap3A_192], %swap3A_195 {strides = array<i32>} : memref<40x128xf32, #tpu.memory_space<vmem>>, vector<1x16xf32>,
        %scan3A_196 = arith.constant 0 : i32
        scf.yield %scan3A_196 : i32
      }
      %scan3A_163 = arith.constant 40 : i32
      "tpu.region"() ({
        %run_scoped3A_187 = tpu.sem_alloc : memref<!tpu.dma_semaphore, #tpu.memory_space<semaphore_mem>>
        %dma_start3A_188 = arith.constant 0 : i32
        %dma_start3A_189 = tpu.memref_slice %arg9[%mul3A_143, %dma_start3A_188] : memref<125x40xi32, #tpu.memory_space<vmem>> -> memref<1x40xi32, #tpu.memory_space<vmem>>
        %dma_start3A_190 = tpu.memref_squeeze %dma_start3A_189 : memref<1x40xi32, #tpu.memory_space<vmem>> -> memref<40xi32, #tpu.memory_space<vmem>>
        %dma_start3A_191 = arith.constant 0 : i32
        %dma_start3A_192 = arith.constant 0 : i32
        %dma_start3A_193 = tpu.memref_slice %arg5[%dma_start3A_191, %dma_start3A_192] : memref<10240x128xf32, #tpu.memory_space<vmem_shared>> -> memref<10240x128xf32, #tpu.memory_space<vmem_shared>>
        tpu.enqueue_indirect_dma source(%arg6 : memref<40x128xf32, #tpu.memory_space<vmem>>) target(%dma_start3A_193 : memref<10240x128xf32, #tpu.memory_space<vmem_shared>>) offsets(%dma_start3A_190 : memref<40xi32, #tpu.memory_space<vmem>>) semaphore(%run_scoped3A_187 : memref<!tpu.dma_semaphore, #tpu.memory_space<semaphore_mem>>) {add = true}
        %dma_wait3A_194 = arith.constant 0 : i32
        %dma_wait3A_195 = tpu.memref_slice %arg9[%mul3A_143, %dma_wait3A_194] : memref<125x40xi32, #tpu.memory_space<vmem>> -> memref<1x40xi32, #tpu.memory_space<vmem>>
        %dma_wait3A_196 = tpu.memref_squeeze %dma_wait3A_195 : memref<1x40xi32, #tpu.memory_space<vmem>> -> memref<40xi32, #tpu.memory_space<vmem>>
        %dma_wait3A_197 = arith.constant 0 : i32
        %dma_wait3A_198 = arith.constant 0 : i32
        %dma_wait3A_199 = tpu.memref_slice %arg5[%dma_wait3A_197, %dma_wait3A_198] : memref<10240x128xf32, #tpu.memory_space<vmem_shared>> -> memref<10240x128xf32, #tpu.memory_space<vmem_shared>>
        tpu.wait_indirect_dma semaphore(%run_scoped3A_187 : memref<!tpu.dma_semaphore, #tpu.memory_space<semaphore_mem>>) src(%arg6 : memref<40x128xf32, #tpu.memory_space<vmem>>) dst(%dma_wait3A_199 : memref<10240x128xf32, #tpu.memory_space<vmem_shared>>)
        tpu.yield
      }) : () -> ()
      %add3A_164 = arith.constant 2 : i32
      %add3A_165 = arith.addi %mul3A_143, %add3A_164 : i32
      %mul3A_166 = arith.constant 40 : i32
      %mul3A_167 = arith.muli %add3A_165, %mul3A_166 : i32
      %add3A_168 = arith.addi %mul3A_52, %mul3A_167 : i32
      %dma_start3A_169 = arith.constant 0 : i32
      %dma_start3A_170 = tpu.memref_slice %arg2[%add3A_168, %dma_start3A_169] : memref<160000x16xf32, #tpu.memory_space<hbm>> -> memref<40x16xf32, #tpu.memory_space<hbm>>
      %dma_start3A_171 = arith.constant 0 : i32
      %dma_start3A_172 = tpu.memref_slice %arg2[%add3A_168, %dma_start3A_171] : memref<160000x16xf32, #tpu.memory_space<hbm>> -> memref<40x16xf32, #tpu.memory_space<hbm>>
      tpu.enqueue_dma source(%dma_start3A_172 : memref<40x16xf32, #tpu.memory_space<hbm>>) target(%arg7 : memref<40x16xf32, #tpu.memory_space<vmem>>) target_semaphore(%arg10 : memref<!tpu.dma_semaphore, #tpu.memory_space<semaphore_mem>>)
      %add3A_173 = arith.constant 1 : i32
      %add3A_174 = arith.addi %mul3A_143, %add3A_173 : i32
      %dma_wait3A_175 = arith.constant 0 : i32
      %dma_wait3A_176 = tpu.memref_slice %arg2[%mul3A_52, %dma_wait3A_175] : memref<160000x16xf32, #tpu.memory_space<hbm>> -> memref<40x16xf32, #tpu.memory_space<hbm>>
      %dma_wait3A_177 = arith.constant 0 : i32
      %dma_wait3A_178 = tpu.memref_slice %arg2[%mul3A_52, %dma_wait3A_177] : memref<160000x16xf32, #tpu.memory_space<hbm>> -> memref<40x16xf32, #tpu.memory_space<hbm>>
      tpu.wait_dma2 semaphore(%arg10 : memref<!tpu.dma_semaphore, #tpu.memory_space<semaphore_mem>>) src(%dma_wait3A_178 : memref<40x16xf32, #tpu.memory_space<hbm>>) dst(%arg8 : memref<40x16xf32, #tpu.memory_space<vmem>>)
      %scan3A_179 = arith.constant 0 : i32
      %scan3A_180 = arith.constant 0 : i32
      %scan3A_181 = arith.constant 40 : i32
      %scan3A_182 = arith.addi %scan3A_180, %scan3A_181 : i32
      %scan3A_183 = arith.constant 1 : i32
      %scan3A_184 = scf.for %scan3A_187 = %scan3A_180 to %scan3A_182 step %scan3A_183 iter_args(%scan3A_188 = %scan3A_179) -> (i32)  : i32 {
        %get3A = arith.index_cast %scan3A_187 : i32 to index
        %get3A_189 = arith.constant 0 : index
        %get3A_190 = tpu.vector_load %arg8[%get3A, %get3A_189] {strides = array<i32>} : memref<40x16xf32, #tpu.memory_space<vmem>>, vector<1x16xf32>,
        %get3A_191 = vector.shape_cast %get3A_190 : vector<1x16xf32> to vector<16xf32>
        %swap3A = arith.index_cast %scan3A_187 : i32 to index
        %swap3A_192 = arith.constant 0 : index
        %swap3A_193 = tpu.vector_load %arg6[%swap3A, %swap3A_192] {strides = array<i32>} : memref<40x128xf32, #tpu.memory_space<vmem>>, vector<1x16xf32>,
        %swap3A_194 = vector.shape_cast %swap3A_193 : vector<1x16xf32> to vector<16xf32>
        %swap3A_195 = vector.shape_cast %get3A_191 : vector<16xf32> to vector<1x16xf32>
        tpu.vector_store %arg6[%swap3A, %swap3A_192], %swap3A_195 {strides = array<i32>} : memref<40x128xf32, #tpu.memory_space<vmem>>, vector<1x16xf32>,
        %scan3A_196 = arith.constant 0 : i32
        scf.yield %scan3A_196 : i32
      }
      %scan3A_185 = arith.constant 40 : i32
      "tpu.region"() ({
        %run_scoped3A_187 = tpu.sem_alloc : memref<!tpu.dma_semaphore, #tpu.memory_space<semaphore_mem>>
        %dma_start3A_188 = arith.constant 0 : i32
        %dma_start3A_189 = tpu.memref_slice %arg9[%add3A_174, %dma_start3A_188] : memref<125x40xi32, #tpu.memory_space<vmem>> -> memref<1x40xi32, #tpu.memory_space<vmem>>
        %dma_start3A_190 = tpu.memref_squeeze %dma_start3A_189 : memref<1x40xi32, #tpu.memory_space<vmem>> -> memref<40xi32, #tpu.memory_space<vmem>>
        %dma_start3A_191 = arith.constant 0 : i32
        %dma_start3A_192 = arith.constant 0 : i32
        %dma_start3A_193 = tpu.memref_slice %arg5[%dma_start3A_191, %dma_start3A_192] : memref<10240x128xf32, #tpu.memory_space<vmem_shared>> -> memref<10240x128xf32, #tpu.memory_space<vmem_shared>>
        tpu.enqueue_indirect_dma source(%arg6 : memref<40x128xf32, #tpu.memory_space<vmem>>) target(%dma_start3A_193 : memref<10240x128xf32, #tpu.memory_space<vmem_shared>>) offsets(%dma_start3A_190 : memref<40xi32, #tpu.memory_space<vmem>>) semaphore(%run_scoped3A_187 : memref<!tpu.dma_semaphore, #tpu.memory_space<semaphore_mem>>) {add = true}
        %dma_wait3A_194 = arith.constant 0 : i32
        %dma_wait3A_195 = tpu.memref_slice %arg9[%add3A_174, %dma_wait3A_194] : memref<125x40xi32, #tpu.memory_space<vmem>> -> memref<1x40xi32, #tpu.memory_space<vmem>>
        %dma_wait3A_196 = tpu.memref_squeeze %dma_wait3A_195 : memref<1x40xi32, #tpu.memory_space<vmem>> -> memref<40xi32, #tpu.memory_space<vmem>>
        %dma_wait3A_197 = arith.constant 0 : i32
        %dma_wait3A_198 = arith.constant 0 : i32
        %dma_wait3A_199 = tpu.memref_slice %arg5[%dma_wait3A_197, %dma_wait3A_198] : memref<10240x128xf32, #tpu.memory_space<vmem_shared>> -> memref<10240x128xf32, #tpu.memory_space<vmem_shared>>
        tpu.wait_indirect_dma semaphore(%run_scoped3A_187 : memref<!tpu.dma_semaphore, #tpu.memory_space<semaphore_mem>>) src(%arg6 : memref<40x128xf32, #tpu.memory_space<vmem>>) dst(%dma_wait3A_199 : memref<10240x128xf32, #tpu.memory_space<vmem_shared>>)
        tpu.yield
      }) : () -> ()
      %scan3A_186 = arith.constant 0 : i32
      scf.yield %scan3A_186 : i32
    }
    %scan3A_64 = arith.constant 62 : i32
    %dma_wait3A = arith.constant 0 : i32
    %dma_wait3A_65 = tpu.memref_slice %arg2[%mul3A_52, %dma_wait3A] : memref<160000x16xf32, #tpu.memory_space<hbm>> -> memref<40x16xf32, #tpu.memory_space<hbm>>
    %dma_wait3A_66 = arith.constant 0 : i32
    %dma_wait3A_67 = tpu.memref_slice %arg2[%mul3A_52, %dma_wait3A_66] : memref<160000x16xf32, #tpu.memory_space<hbm>> -> memref<40x16xf32, #tpu.memory_space<hbm>>
    tpu.wait_dma2 semaphore(%arg10 : memref<!tpu.dma_semaphore, #tpu.memory_space<semaphore_mem>>) src(%dma_wait3A_67 : memref<40x16xf32, #tpu.memory_space<hbm>>) dst(%arg7 : memref<40x16xf32, #tpu.memory_space<vmem>>)
    %scan3A_68 = arith.constant 0 : i32
    %scan3A_69 = arith.constant 0 : i32
    %scan3A_70 = arith.constant 40 : i32
    %scan3A_71 = arith.addi %scan3A_69, %scan3A_70 : i32
    %scan3A_72 = arith.constant 1 : i32
    %scan3A_73 = scf.for %scan3A_140 = %scan3A_69 to %scan3A_71 step %scan3A_72 iter_args(%scan3A_141 = %scan3A_68) -> (i32)  : i32 {
      %get3A = arith.index_cast %scan3A_140 : i32 to index
      %get3A_142 = arith.constant 0 : index
      %get3A_143 = tpu.vector_load %arg7[%get3A, %get3A_142] {strides = array<i32>} : memref<40x16xf32, #tpu.memory_space<vmem>>, vector<1x16xf32>,
      %get3A_144 = vector.shape_cast %get3A_143 : vector<1x16xf32> to vector<16xf32>
      %swap3A = arith.index_cast %scan3A_140 : i32 to index
      %swap3A_145 = arith.constant 0 : index
      %swap3A_146 = tpu.vector_load %arg6[%swap3A, %swap3A_145] {strides = array<i32>} : memref<40x128xf32, #tpu.memory_space<vmem>>, vector<1x16xf32>,
      %swap3A_147 = vector.shape_cast %swap3A_146 : vector<1x16xf32> to vector<16xf32>
      %swap3A_148 = vector.shape_cast %get3A_144 : vector<16xf32> to vector<1x16xf32>
      tpu.vector_store %arg6[%swap3A, %swap3A_145], %swap3A_148 {strides = array<i32>} : memref<40x128xf32, #tpu.memory_space<vmem>>, vector<1x16xf32>,
      %scan3A_149 = arith.constant 0 : i32
      scf.yield %scan3A_149 : i32
    }
    %scan3A_74 = arith.constant 40 : i32
    %run_scoped3A = arith.constant 124 : i32
    "tpu.region"() ({
      %run_scoped3A_140 = tpu.sem_alloc : memref<!tpu.dma_semaphore, #tpu.memory_space<semaphore_mem>>
      %dma_start3A_141 = arith.constant 0 : i32
      %dma_start3A_142 = tpu.memref_slice %arg9[%run_scoped3A, %dma_start3A_141] : memref<125x40xi32, #tpu.memory_space<vmem>> -> memref<1x40xi32, #tpu.memory_space<vmem>>
      %dma_start3A_143 = tpu.memref_squeeze %dma_start3A_142 : memref<1x40xi32, #tpu.memory_space<vmem>> -> memref<40xi32, #tpu.memory_space<vmem>>
      %dma_start3A_144 = arith.constant 0 : i32
      %dma_start3A_145 = arith.constant 0 : i32
      %dma_start3A_146 = tpu.memref_slice %arg5[%dma_start3A_144, %dma_start3A_145] : memref<10240x128xf32, #tpu.memory_space<vmem_shared>> -> memref<10240x128xf32, #tpu.memory_space<vmem_shared>>
      tpu.enqueue_indirect_dma source(%arg6 : memref<40x128xf32, #tpu.memory_space<vmem>>) target(%dma_start3A_146 : memref<10240x128xf32, #tpu.memory_space<vmem_shared>>) offsets(%dma_start3A_143 : memref<40xi32, #tpu.memory_space<vmem>>) semaphore(%run_scoped3A_140 : memref<!tpu.dma_semaphore, #tpu.memory_space<semaphore_mem>>) {add = true}
      %dma_wait3A_147 = arith.constant 0 : i32
      %dma_wait3A_148 = tpu.memref_slice %arg9[%run_scoped3A, %dma_wait3A_147] : memref<125x40xi32, #tpu.memory_space<vmem>> -> memref<1x40xi32, #tpu.memory_space<vmem>>
      %dma_wait3A_149 = tpu.memref_squeeze %dma_wait3A_148 : memref<1x40xi32, #tpu.memory_space<vmem>> -> memref<40xi32, #tpu.memory_space<vmem>>
      %dma_wait3A_150 = arith.constant 0 : i32
      %dma_wait3A_151 = arith.constant 0 : i32
      %dma_wait3A_152 = tpu.memref_slice %arg5[%dma_wait3A_150, %dma_wait3A_151] : memref<10240x128xf32, #tpu.memory_space<vmem_shared>> -> memref<10240x128xf32, #tpu.memory_space<vmem_shared>>
      tpu.wait_indirect_dma semaphore(%run_scoped3A_140 : memref<!tpu.dma_semaphore, #tpu.memory_space<semaphore_mem>>) src(%arg6 : memref<40x128xf32, #tpu.memory_space<vmem>>) dst(%dma_wait3A_152 : memref<10240x128xf32, #tpu.memory_space<vmem_shared>>)
      tpu.yield
    }) : () -> ()
    %barrier3A_75 = arith.constant 0 : index
    tpu.barrier barrier_id(%barrier3A_75)
    %add3A_76 = arith.constant 0 : i32
    %add3A_77 = arith.addi %mul3A_9, %add3A_76 : i32
    %add3A_78 = arith.constant 0 : i32
    %add3A_79 = arith.addi %mul3A_9, %add3A_78 : i32
    "tpu.region"() ({
      %run_scoped3A_140 = tpu.sem_alloc : memref<!tpu.dma_semaphore, #tpu.memory_space<semaphore_mem>>
      %dma_start3A_141 = arith.constant 0 : i32
      %dma_start3A_142 = tpu.memref_slice %arg4[%arg0, %add3A_79, %dma_start3A_141] : memref<2x10240x128xf32, #tpu.memory_space<hbm>> -> memref<1x40x128xf32, #tpu.memory_space<hbm>>
      %dma_start3A_143 = tpu.memref_squeeze %dma_start3A_142 : memref<1x40x128xf32, #tpu.memory_space<hbm>> -> memref<40x128xf32, #tpu.memory_space<hbm>>
      %dma_start3A_144 = arith.constant 0 : i32
      %dma_start3A_145 = tpu.memref_slice %arg5[%add3A_77, %dma_start3A_144] : memref<10240x128xf32, #tpu.memory_space<vmem_shared>> -> memref<40x128xf32, #tpu.memory_space<vmem_shared>>
      tpu.enqueue_dma source(%dma_start3A_145 : memref<40x128xf32, #tpu.memory_space<vmem_shared>>) target(%dma_start3A_143 : memref<40x128xf32, #tpu.memory_space<hbm>>) target_semaphore(%run_scoped3A_140 : memref<!tpu.dma_semaphore, #tpu.memory_space<semaphore_mem>>)
      %dma_wait3A_146 = arith.constant 0 : i32
      %dma_wait3A_147 = tpu.memref_slice %arg4[%arg0, %add3A_79, %dma_wait3A_146] : memref<2x10240x128xf32, #tpu.memory_space<hbm>> -> memref<1x40x128xf32, #tpu.memory_space<hbm>>
      %dma_wait3A_148 = tpu.memref_squeeze %dma_wait3A_147 : memref<1x40x128xf32, #tpu.memory_space<hbm>> -> memref<40x128xf32, #tpu.memory_space<hbm>>
      %dma_wait3A_149 = arith.constant 0 : i32
      %dma_wait3A_150 = tpu.memref_slice %arg5[%add3A_77, %dma_wait3A_149] : memref<10240x128xf32, #tpu.memory_space<vmem_shared>> -> memref<40x128xf32, #tpu.memory_space<vmem_shared>>
      tpu.wait_dma2 semaphore(%run_scoped3A_140 : memref<!tpu.dma_semaphore, #tpu.memory_space<semaphore_mem>>) src(%dma_wait3A_150 : memref<40x128xf32, #tpu.memory_space<vmem_shared>>) dst(%dma_wait3A_148 : memref<40x128xf32, #tpu.memory_space<hbm>>)
      tpu.yield
    }) : () -> ()
    %add3A_80 = arith.constant 40 : i32
    %add3A_81 = arith.addi %mul3A_9, %add3A_80 : i32
    %add3A_82 = arith.constant 40 : i32
    %add3A_83 = arith.addi %mul3A_9, %add3A_82 : i32
    "tpu.region"() ({
      %run_scoped3A_140 = tpu.sem_alloc : memref<!tpu.dma_semaphore, #tpu.memory_space<semaphore_mem>>
      %dma_start3A_141 = arith.constant 0 : i32
      %dma_start3A_142 = tpu.memref_slice %arg4[%arg0, %add3A_83, %dma_start3A_141] : memref<2x10240x128xf32, #tpu.memory_space<hbm>> -> memref<1x40x128xf32, #tpu.memory_space<hbm>>
      %dma_start3A_143 = tpu.memref_squeeze %dma_start3A_142 : memref<1x40x128xf32, #tpu.memory_space<hbm>> -> memref<40x128xf32, #tpu.memory_space<hbm>>
      %dma_start3A_144 = arith.constant 0 : i32
      %dma_start3A_145 = tpu.memref_slice %arg5[%add3A_81, %dma_start3A_144] : memref<10240x128xf32, #tpu.memory_space<vmem_shared>> -> memref<40x128xf32, #tpu.memory_space<vmem_shared>>
      tpu.enqueue_dma source(%dma_start3A_145 : memref<40x128xf32, #tpu.memory_space<vmem_shared>>) target(%dma_start3A_143 : memref<40x128xf32, #tpu.memory_space<hbm>>) target_semaphore(%run_scoped3A_140 : memref<!tpu.dma_semaphore, #tpu.memory_space<semaphore_mem>>)
      %dma_wait3A_146 = arith.constant 0 : i32
      %dma_wait3A_147 = tpu.memref_slice %arg4[%arg0, %add3A_83, %dma_wait3A_146] : memref<2x10240x128xf32, #tpu.memory_space<hbm>> -> memref<1x40x128xf32, #tpu.memory_space<hbm>>
      %dma_wait3A_148 = tpu.memref_squeeze %dma_wait3A_147 : memref<1x40x128xf32, #tpu.memory_space<hbm>> -> memref<40x128xf32, #tpu.memory_space<hbm>>
      %dma_wait3A_149 = arith.constant 0 : i32
      %dma_wait3A_150 = tpu.memref_slice %arg5[%add3A_81, %dma_wait3A_149] : memref<10240x128xf32, #tpu.memory_space<vmem_shared>> -> memref<40x128xf32, #tpu.memory_space<vmem_shared>>
      tpu.wait_dma2 semaphore(%run_scoped3A_140 : memref<!tpu.dma_semaphore, #tpu.memory_space<semaphore_mem>>) src(%dma_wait3A_150 : memref<40x128xf32, #tpu.memory_space<vmem_shared>>) dst(%dma_wait3A_148 : memref<40x128xf32, #tpu.memory_space<hbm>>)
      tpu.yield
    }) : () -> ()
    %add3A_84 = arith.constant 80 : i32
    %add3A_85 = arith.addi %mul3A_9, %add3A_84 : i32
    %add3A_86 = arith.constant 80 : i32
    %add3A_87 = arith.addi %mul3A_9, %add3A_86 : i32
    "tpu.region"() ({
      %run_scoped3A_140 = tpu.sem_alloc : memref<!tpu.dma_semaphore, #tpu.memory_space<semaphore_mem>>
      %dma_start3A_141 = arith.constant 0 : i32
      %dma_start3A_142 = tpu.memref_slice %arg4[%arg0, %add3A_87, %dma_start3A_141] : memref<2x10240x128xf32, #tpu.memory_space<hbm>> -> memref<1x40x128xf32, #tpu.memory_space<hbm>>
      %dma_start3A_143 = tpu.memref_squeeze %dma_start3A_142 : memref<1x40x128xf32, #tpu.memory_space<hbm>> -> memref<40x128xf32, #tpu.memory_space<hbm>>
      %dma_start3A_144 = arith.constant 0 : i32
      %dma_start3A_145 = tpu.memref_slice %arg5[%add3A_85, %dma_start3A_144] : memref<10240x128xf32, #tpu.memory_space<vmem_shared>> -> memref<40x128xf32, #tpu.memory_space<vmem_shared>>
      tpu.enqueue_dma source(%dma_start3A_145 : memref<40x128xf32, #tpu.memory_space<vmem_shared>>) target(%dma_start3A_143 : memref<40x128xf32, #tpu.memory_space<hbm>>) target_semaphore(%run_scoped3A_140 : memref<!tpu.dma_semaphore, #tpu.memory_space<semaphore_mem>>)
      %dma_wait3A_146 = arith.constant 0 : i32
      %dma_wait3A_147 = tpu.memref_slice %arg4[%arg0, %add3A_87, %dma_wait3A_146] : memref<2x10240x128xf32, #tpu.memory_space<hbm>> -> memref<1x40x128xf32, #tpu.memory_space<hbm>>
      %dma_wait3A_148 = tpu.memref_squeeze %dma_wait3A_147 : memref<1x40x128xf32, #tpu.memory_space<hbm>> -> memref<40x128xf32, #tpu.memory_space<hbm>>
      %dma_wait3A_149 = arith.constant 0 : i32
      %dma_wait3A_150 = tpu.memref_slice %arg5[%add3A_85, %dma_wait3A_149] : memref<10240x128xf32, #tpu.memory_space<vmem_shared>> -> memref<40x128xf32, #tpu.memory_space<vmem_shared>>
      tpu.wait_dma2 semaphore(%run_scoped3A_140 : memref<!tpu.dma_semaphore, #tpu.memory_space<semaphore_mem>>) src(%dma_wait3A_150 : memref<40x128xf32, #tpu.memory_space<vmem_shared>>) dst(%dma_wait3A_148 : memref<40x128xf32, #tpu.memory_space<hbm>>)
      tpu.yield
    }) : () -> ()
    %add3A_88 = arith.constant 120 : i32
    %add3A_89 = arith.addi %mul3A_9, %add3A_88 : i32
    %add3A_90 = arith.constant 120 : i32
    %add3A_91 = arith.addi %mul3A_9, %add3A_90 : i32
    "tpu.region"() ({
      %run_scoped3A_140 = tpu.sem_alloc : memref<!tpu.dma_semaphore, #tpu.memory_space<semaphore_mem>>
      %dma_start3A_141 = arith.constant 0 : i32
      %dma_start3A_142 = tpu.memref_slice %arg4[%arg0, %add3A_91, %dma_start3A_141] : memref<2x10240x128xf32, #tpu.memory_space<hbm>> -> memref<1x40x128xf32, #tpu.memory_space<hbm>>
      %dma_start3A_143 = tpu.memref_squeeze %dma_start3A_142 : memref<1x40x128xf32, #tpu.memory_space<hbm>> -> memref<40x128xf32, #tpu.memory_space<hbm>>
      %dma_start3A_144 = arith.constant 0 : i32
      %dma_start3A_145 = tpu.memref_slice %arg5[%add3A_89, %dma_start3A_144] : memref<10240x128xf32, #tpu.memory_space<vmem_shared>> -> memref<40x128xf32, #tpu.memory_space<vmem_shared>>
      tpu.enqueue_dma source(%dma_start3A_145 : memref<40x128xf32, #tpu.memory_space<vmem_shared>>) target(%dma_start3A_143 : memref<40x128xf32, #tpu.memory_space<hbm>>) target_semaphore(%run_scoped3A_140 : memref<!tpu.dma_semaphore, #tpu.memory_space<semaphore_mem>>)
      %dma_wait3A_146 = arith.constant 0 : i32
      %dma_wait3A_147 = tpu.memref_slice %arg4[%arg0, %add3A_91, %dma_wait3A_146] : memref<2x10240x128xf32, #tpu.memory_space<hbm>> -> memref<1x40x128xf32, #tpu.memory_space<hbm>>
      %dma_wait3A_148 = tpu.memref_squeeze %dma_wait3A_147 : memref<1x40x128xf32, #tpu.memory_space<hbm>> -> memref<40x128xf32, #tpu.memory_space<hbm>>
      %dma_wait3A_149 = arith.constant 0 : i32
      %dma_wait3A_150 = tpu.memref_slice %arg5[%add3A_89, %dma_wait3A_149] : memref<10240x128xf32, #tpu.memory_space<vmem_shared>> -> memref<40x128xf32, #tpu.memory_space<vmem_shared>>
      tpu.wait_dma2 semaphore(%run_scoped3A_140 : memref<!tpu.dma_semaphore, #tpu.memory_space<semaphore_mem>>) src(%dma_wait3A_150 : memref<40x128xf32, #tpu.memory_space<vmem_shared>>) dst(%dma_wait3A_148 : memref<40x128xf32, #tpu.memory_space<hbm>>)
      tpu.yield
    }) : () -> ()
    %add3A_92 = arith.constant 160 : i32
    %add3A_93 = arith.addi %mul3A_9, %add3A_92 : i32
    %add3A_94 = arith.constant 160 : i32
    %add3A_95 = arith.addi %mul3A_9, %add3A_94 : i32
    "tpu.region"() ({
      %run_scoped3A_140 = tpu.sem_alloc : memref<!tpu.dma_semaphore, #tpu.memory_space<semaphore_mem>>
      %dma_start3A_141 = arith.constant 0 : i32
      %dma_start3A_142 = tpu.memref_slice %arg4[%arg0, %add3A_95, %dma_start3A_141] : memref<2x10240x128xf32, #tpu.memory_space<hbm>> -> memref<1x40x128xf32, #tpu.memory_space<hbm>>
      %dma_start3A_143 = tpu.memref_squeeze %dma_start3A_142 : memref<1x40x128xf32, #tpu.memory_space<hbm>> -> memref<40x128xf32, #tpu.memory_space<hbm>>
      %dma_start3A_144 = arith.constant 0 : i32
      %dma_start3A_145 = tpu.memref_slice %arg5[%add3A_93, %dma_start3A_144] : memref<10240x128xf32, #tpu.memory_space<vmem_shared>> -> memref<40x128xf32, #tpu.memory_space<vmem_shared>>
      tpu.enqueue_dma source(%dma_start3A_145 : memref<40x128xf32, #tpu.memory_space<vmem_shared>>) target(%dma_start3A_143 : memref<40x128xf32, #tpu.memory_space<hbm>>) target_semaphore(%run_scoped3A_140 : memref<!tpu.dma_semaphore, #tpu.memory_space<semaphore_mem>>)
      %dma_wait3A_146 = arith.constant 0 : i32
      %dma_wait3A_147 = tpu.memref_slice %arg4[%arg0, %add3A_95, %dma_wait3A_146] : memref<2x10240x128xf32, #tpu.memory_space<hbm>> -> memref<1x40x128xf32, #tpu.memory_space<hbm>>
      %dma_wait3A_148 = tpu.memref_squeeze %dma_wait3A_147 : memref<1x40x128xf32, #tpu.memory_space<hbm>> -> memref<40x128xf32, #tpu.memory_space<hbm>>
      %dma_wait3A_149 = arith.constant 0 : i32
      %dma_wait3A_150 = tpu.memref_slice %arg5[%add3A_93, %dma_wait3A_149] : memref<10240x128xf32, #tpu.memory_space<vmem_shared>> -> memref<40x128xf32, #tpu.memory_space<vmem_shared>>
      tpu.wait_dma2 semaphore(%run_scoped3A_140 : memref<!tpu.dma_semaphore, #tpu.memory_space<semaphore_mem>>) src(%dma_wait3A_150 : memref<40x128xf32, #tpu.memory_space<vmem_shared>>) dst(%dma_wait3A_148 : memref<40x128xf32, #tpu.memory_space<hbm>>)
      tpu.yield
    }) : () -> ()
    %add3A_96 = arith.constant 200 : i32
    %add3A_97 = arith.addi %mul3A_9, %add3A_96 : i32
    %add3A_98 = arith.constant 200 : i32
    %add3A_99 = arith.addi %mul3A_9, %add3A_98 : i32
    "tpu.region"() ({
      %run_scoped3A_140 = tpu.sem_alloc : memref<!tpu.dma_semaphore, #tpu.memory_space<semaphore_mem>>
      %dma_start3A_141 = arith.constant 0 : i32
      %dma_start3A_142 = tpu.memref_slice %arg4[%arg0, %add3A_99, %dma_start3A_141] : memref<2x10240x128xf32, #tpu.memory_space<hbm>> -> memref<1x40x128xf32, #tpu.memory_space<hbm>>
      %dma_start3A_143 = tpu.memref_squeeze %dma_start3A_142 : memref<1x40x128xf32, #tpu.memory_space<hbm>> -> memref<40x128xf32, #tpu.memory_space<hbm>>
      %dma_start3A_144 = arith.constant 0 : i32
      %dma_start3A_145 = tpu.memref_slice %arg5[%add3A_97, %dma_start3A_144] : memref<10240x128xf32, #tpu.memory_space<vmem_shared>> -> memref<40x128xf32, #tpu.memory_space<vmem_shared>>
      tpu.enqueue_dma source(%dma_start3A_145 : memref<40x128xf32, #tpu.memory_space<vmem_shared>>) target(%dma_start3A_143 : memref<40x128xf32, #tpu.memory_space<hbm>>) target_semaphore(%run_scoped3A_140 : memref<!tpu.dma_semaphore, #tpu.memory_space<semaphore_mem>>)
      %dma_wait3A_146 = arith.constant 0 : i32
      %dma_wait3A_147 = tpu.memref_slice %arg4[%arg0, %add3A_99, %dma_wait3A_146] : memref<2x10240x128xf32, #tpu.memory_space<hbm>> -> memref<1x40x128xf32, #tpu.memory_space<hbm>>
      %dma_wait3A_148 = tpu.memref_squeeze %dma_wait3A_147 : memref<1x40x128xf32, #tpu.memory_space<hbm>> -> memref<40x128xf32, #tpu.memory_space<hbm>>
      %dma_wait3A_149 = arith.constant 0 : i32
      %dma_wait3A_150 = tpu.memref_slice %arg5[%add3A_97, %dma_wait3A_149] : memref<10240x128xf32, #tpu.memory_space<vmem_shared>> -> memref<40x128xf32, #tpu.memory_space<vmem_shared>>
      tpu.wait_dma2 semaphore(%run_scoped3A_140 : memref<!tpu.dma_semaphore, #tpu.memory_space<semaphore_mem>>) src(%dma_wait3A_150 : memref<40x128xf32, #tpu.memory_space<vmem_shared>>) dst(%dma_wait3A_148 : memref<40x128xf32, #tpu.memory_space<hbm>>)
      tpu.yield
    }) : () -> ()
    %add3A_100 = arith.constant 240 : i32
    %add3A_101 = arith.addi %mul3A_9, %add3A_100 : i32
    %add3A_102 = arith.constant 240 : i32
    %add3A_103 = arith.addi %mul3A_9, %add3A_102 : i32
    "tpu.region"() ({
      %run_scoped3A_140 = tpu.sem_alloc : memref<!tpu.dma_semaphore, #tpu.memory_space<semaphore_mem>>
      %dma_start3A_141 = arith.constant 0 : i32
      %dma_start3A_142 = tpu.memref_slice %arg4[%arg0, %add3A_103, %dma_start3A_141] : memref<2x10240x128xf32, #tpu.memory_space<hbm>> -> memref<1x40x128xf32, #tpu.memory_space<hbm>>
      %dma_start3A_143 = tpu.memref_squeeze %dma_start3A_142 : memref<1x40x128xf32, #tpu.memory_space<hbm>> -> memref<40x128xf32, #tpu.memory_space<hbm>>
      %dma_start3A_144 = arith.constant 0 : i32
      %dma_start3A_145 = tpu.memref_slice %arg5[%add3A_101, %dma_start3A_144] : memref<10240x128xf32, #tpu.memory_space<vmem_shared>> -> memref<40x128xf32, #tpu.memory_space<vmem_shared>>
      tpu.enqueue_dma source(%dma_start3A_145 : memref<40x128xf32, #tpu.memory_space<vmem_shared>>) target(%dma_start3A_143 : memref<40x128xf32, #tpu.memory_space<hbm>>) target_semaphore(%run_scoped3A_140 : memref<!tpu.dma_semaphore, #tpu.memory_space<semaphore_mem>>)
      %dma_wait3A_146 = arith.constant 0 : i32
      %dma_wait3A_147 = tpu.memref_slice %arg4[%arg0, %add3A_103, %dma_wait3A_146] : memref<2x10240x128xf32, #tpu.memory_space<hbm>> -> memref<1x40x128xf32, #tpu.memory_space<hbm>>
      %dma_wait3A_148 = tpu.memref_squeeze %dma_wait3A_147 : memref<1x40x128xf32, #tpu.memory_space<hbm>> -> memref<40x128xf32, #tpu.memory_space<hbm>>
      %dma_wait3A_149 = arith.constant 0 : i32
      %dma_wait3A_150 = tpu.memref_slice %arg5[%add3A_101, %dma_wait3A_149] : memref<10240x128xf32, #tpu.memory_space<vmem_shared>> -> memref<40x128xf32, #tpu.memory_space<vmem_shared>>
      tpu.wait_dma2 semaphore(%run_scoped3A_140 : memref<!tpu.dma_semaphore, #tpu.memory_space<semaphore_mem>>) src(%dma_wait3A_150 : memref<40x128xf32, #tpu.memory_space<vmem_shared>>) dst(%dma_wait3A_148 : memref<40x128xf32, #tpu.memory_space<hbm>>)
      tpu.yield
    }) : () -> ()
    %add3A_104 = arith.constant 280 : i32
    %add3A_105 = arith.addi %mul3A_9, %add3A_104 : i32
    %add3A_106 = arith.constant 280 : i32
    %add3A_107 = arith.addi %mul3A_9, %add3A_106 : i32
    "tpu.region"() ({
      %run_scoped3A_140 = tpu.sem_alloc : memref<!tpu.dma_semaphore, #tpu.memory_space<semaphore_mem>>
      %dma_start3A_141 = arith.constant 0 : i32
      %dma_start3A_142 = tpu.memref_slice %arg4[%arg0, %add3A_107, %dma_start3A_141] : memref<2x10240x128xf32, #tpu.memory_space<hbm>> -> memref<1x40x128xf32, #tpu.memory_space<hbm>>
      %dma_start3A_143 = tpu.memref_squeeze %dma_start3A_142 : memref<1x40x128xf32, #tpu.memory_space<hbm>> -> memref<40x128xf32, #tpu.memory_space<hbm>>
      %dma_start3A_144 = arith.constant 0 : i32
      %dma_start3A_145 = tpu.memref_slice %arg5[%add3A_105, %dma_start3A_144] : memref<10240x128xf32, #tpu.memory_space<vmem_shared>> -> memref<40x128xf32, #tpu.memory_space<vmem_shared>>
      tpu.enqueue_dma source(%dma_start3A_145 : memref<40x128xf32, #tpu.memory_space<vmem_shared>>) target(%dma_start3A_143 : memref<40x128xf32, #tpu.memory_space<hbm>>) target_semaphore(%run_scoped3A_140 : memref<!tpu.dma_semaphore, #tpu.memory_space<semaphore_mem>>)
      %dma_wait3A_146 = arith.constant 0 : i32
      %dma_wait3A_147 = tpu.memref_slice %arg4[%arg0, %add3A_107, %dma_wait3A_146] : memref<2x10240x128xf32, #tpu.memory_space<hbm>> -> memref<1x40x128xf32, #tpu.memory_space<hbm>>
      %dma_wait3A_148 = tpu.memref_squeeze %dma_wait3A_147 : memref<1x40x128xf32, #tpu.memory_space<hbm>> -> memref<40x128xf32, #tpu.memory_space<hbm>>
      %dma_wait3A_149 = arith.constant 0 : i32
      %dma_wait3A_150 = tpu.memref_slice %arg5[%add3A_105, %dma_wait3A_149] : memref<10240x128xf32, #tpu.memory_space<vmem_shared>> -> memref<40x128xf32, #tpu.memory_space<vmem_shared>>
      tpu.wait_dma2 semaphore(%run_scoped3A_140 : memref<!tpu.dma_semaphore, #tpu.memory_space<semaphore_mem>>) src(%dma_wait3A_150 : memref<40x128xf32, #tpu.memory_space<vmem_shared>>) dst(%dma_wait3A_148 : memref<40x128xf32, #tpu.memory_space<hbm>>)
      tpu.yield
    }) : () -> ()
    %add3A_108 = arith.constant 320 : i32
    %add3A_109 = arith.addi %mul3A_9, %add3A_108 : i32
    %add3A_110 = arith.constant 320 : i32
    %add3A_111 = arith.addi %mul3A_9, %add3A_110 : i32
    "tpu.region"() ({
      %run_scoped3A_140 = tpu.sem_alloc : memref<!tpu.dma_semaphore, #tpu.memory_space<semaphore_mem>>
      %dma_start3A_141 = arith.constant 0 : i32
      %dma_start3A_142 = tpu.memref_slice %arg4[%arg0, %add3A_111, %dma_start3A_141] : memref<2x10240x128xf32, #tpu.memory_space<hbm>> -> memref<1x40x128xf32, #tpu.memory_space<hbm>>
      %dma_start3A_143 = tpu.memref_squeeze %dma_start3A_142 : memref<1x40x128xf32, #tpu.memory_space<hbm>> -> memref<40x128xf32, #tpu.memory_space<hbm>>
      %dma_start3A_144 = arith.constant 0 : i32
      %dma_start3A_145 = tpu.memref_slice %arg5[%add3A_109, %dma_start3A_144] : memref<10240x128xf32, #tpu.memory_space<vmem_shared>> -> memref<40x128xf32, #tpu.memory_space<vmem_shared>>
      tpu.enqueue_dma source(%dma_start3A_145 : memref<40x128xf32, #tpu.memory_space<vmem_shared>>) target(%dma_start3A_143 : memref<40x128xf32, #tpu.memory_space<hbm>>) target_semaphore(%run_scoped3A_140 : memref<!tpu.dma_semaphore, #tpu.memory_space<semaphore_mem>>)
      %dma_wait3A_146 = arith.constant 0 : i32
      %dma_wait3A_147 = tpu.memref_slice %arg4[%arg0, %add3A_111, %dma_wait3A_146] : memref<2x10240x128xf32, #tpu.memory_space<hbm>> -> memref<1x40x128xf32, #tpu.memory_space<hbm>>
      %dma_wait3A_148 = tpu.memref_squeeze %dma_wait3A_147 : memref<1x40x128xf32, #tpu.memory_space<hbm>> -> memref<40x128xf32, #tpu.memory_space<hbm>>
      %dma_wait3A_149 = arith.constant 0 : i32
      %dma_wait3A_150 = tpu.memref_slice %arg5[%add3A_109, %dma_wait3A_149] : memref<10240x128xf32, #tpu.memory_space<vmem_shared>> -> memref<40x128xf32, #tpu.memory_space<vmem_shared>>
      tpu.wait_dma2 semaphore(%run_scoped3A_140 : memref<!tpu.dma_semaphore, #tpu.memory_space<semaphore_mem>>) src(%dma_wait3A_150 : memref<40x128xf32, #tpu.memory_space<vmem_shared>>) dst(%dma_wait3A_148 : memref<40x128xf32, #tpu.memory_space<hbm>>)
      tpu.yield
    }) : () -> ()
    %add3A_112 = arith.constant 360 : i32
    %add3A_113 = arith.addi %mul3A_9, %add3A_112 : i32
    %add3A_114 = arith.constant 360 : i32
    %add3A_115 = arith.addi %mul3A_9, %add3A_114 : i32
    "tpu.region"() ({
      %run_scoped3A_140 = tpu.sem_alloc : memref<!tpu.dma_semaphore, #tpu.memory_space<semaphore_mem>>
      %dma_start3A_141 = arith.constant 0 : i32
      %dma_start3A_142 = tpu.memref_slice %arg4[%arg0, %add3A_115, %dma_start3A_141] : memref<2x10240x128xf32, #tpu.memory_space<hbm>> -> memref<1x40x128xf32, #tpu.memory_space<hbm>>
      %dma_start3A_143 = tpu.memref_squeeze %dma_start3A_142 : memref<1x40x128xf32, #tpu.memory_space<hbm>> -> memref<40x128xf32, #tpu.memory_space<hbm>>
      %dma_start3A_144 = arith.constant 0 : i32
      %dma_start3A_145 = tpu.memref_slice %arg5[%add3A_113, %dma_start3A_144] : memref<10240x128xf32, #tpu.memory_space<vmem_shared>> -> memref<40x128xf32, #tpu.memory_space<vmem_shared>>
      tpu.enqueue_dma source(%dma_start3A_145 : memref<40x128xf32, #tpu.memory_space<vmem_shared>>) target(%dma_start3A_143 : memref<40x128xf32, #tpu.memory_space<hbm>>) target_semaphore(%run_scoped3A_140 : memref<!tpu.dma_semaphore, #tpu.memory_space<semaphore_mem>>)
      %dma_wait3A_146 = arith.constant 0 : i32
      %dma_wait3A_147 = tpu.memref_slice %arg4[%arg0, %add3A_115, %dma_wait3A_146] : memref<2x10240x128xf32, #tpu.memory_space<hbm>> -> memref<1x40x128xf32, #tpu.memory_space<hbm>>
      %dma_wait3A_148 = tpu.memref_squeeze %dma_wait3A_147 : memref<1x40x128xf32, #tpu.memory_space<hbm>> -> memref<40x128xf32, #tpu.memory_space<hbm>>
      %dma_wait3A_149 = arith.constant 0 : i32
      %dma_wait3A_150 = tpu.memref_slice %arg5[%add3A_113, %dma_wait3A_149] : memref<10240x128xf32, #tpu.memory_space<vmem_shared>> -> memref<40x128xf32, #tpu.memory_space<vmem_shared>>
      tpu.wait_dma2 semaphore(%run_scoped3A_140 : memref<!tpu.dma_semaphore, #tpu.memory_space<semaphore_mem>>) src(%dma_wait3A_150 : memref<40x128xf32, #tpu.memory_space<vmem_shared>>) dst(%dma_wait3A_148 : memref<40x128xf32, #tpu.memory_space<hbm>>)
      tpu.yield
    }) : () -> ()
    %add3A_116 = arith.constant 400 : i32
    %add3A_117 = arith.addi %mul3A_9, %add3A_116 : i32
    %add3A_118 = arith.constant 400 : i32
    %add3A_119 = arith.addi %mul3A_9, %add3A_118 : i32
    "tpu.region"() ({
      %run_scoped3A_140 = tpu.sem_alloc : memref<!tpu.dma_semaphore, #tpu.memory_space<semaphore_mem>>
      %dma_start3A_141 = arith.constant 0 : i32
      %dma_start3A_142 = tpu.memref_slice %arg4[%arg0, %add3A_119, %dma_start3A_141] : memref<2x10240x128xf32, #tpu.memory_space<hbm>> -> memref<1x40x128xf32, #tpu.memory_space<hbm>>
      %dma_start3A_143 = tpu.memref_squeeze %dma_start3A_142 : memref<1x40x128xf32, #tpu.memory_space<hbm>> -> memref<40x128xf32, #tpu.memory_space<hbm>>
      %dma_start3A_144 = arith.constant 0 : i32
      %dma_start3A_145 = tpu.memref_slice %arg5[%add3A_117, %dma_start3A_144] : memref<10240x128xf32, #tpu.memory_space<vmem_shared>> -> memref<40x128xf32, #tpu.memory_space<vmem_shared>>
      tpu.enqueue_dma source(%dma_start3A_145 : memref<40x128xf32, #tpu.memory_space<vmem_shared>>) target(%dma_start3A_143 : memref<40x128xf32, #tpu.memory_space<hbm>>) target_semaphore(%run_scoped3A_140 : memref<!tpu.dma_semaphore, #tpu.memory_space<semaphore_mem>>)
      %dma_wait3A_146 = arith.constant 0 : i32
      %dma_wait3A_147 = tpu.memref_slice %arg4[%arg0, %add3A_119, %dma_wait3A_146] : memref<2x10240x128xf32, #tpu.memory_space<hbm>> -> memref<1x40x128xf32, #tpu.memory_space<hbm>>
      %dma_wait3A_148 = tpu.memref_squeeze %dma_wait3A_147 : memref<1x40x128xf32, #tpu.memory_space<hbm>> -> memref<40x128xf32, #tpu.memory_space<hbm>>
      %dma_wait3A_149 = arith.constant 0 : i32
      %dma_wait3A_150 = tpu.memref_slice %arg5[%add3A_117, %dma_wait3A_149] : memref<10240x128xf32, #tpu.memory_space<vmem_shared>> -> memref<40x128xf32, #tpu.memory_space<vmem_shared>>
      tpu.wait_dma2 semaphore(%run_scoped3A_140 : memref<!tpu.dma_semaphore, #tpu.memory_space<semaphore_mem>>) src(%dma_wait3A_150 : memref<40x128xf32, #tpu.memory_space<vmem_shared>>) dst(%dma_wait3A_148 : memref<40x128xf32, #tpu.memory_space<hbm>>)
      tpu.yield
    }) : () -> ()
    %add3A_120 = arith.constant 440 : i32
    %add3A_121 = arith.addi %mul3A_9, %add3A_120 : i32
    %add3A_122 = arith.constant 440 : i32
    %add3A_123 = arith.addi %mul3A_9, %add3A_122 : i32
    "tpu.region"() ({
      %run_scoped3A_140 = tpu.sem_alloc : memref<!tpu.dma_semaphore, #tpu.memory_space<semaphore_mem>>
      %dma_start3A_141 = arith.constant 0 : i32
      %dma_start3A_142 = tpu.memref_slice %arg4[%arg0, %add3A_123, %dma_start3A_141] : memref<2x10240x128xf32, #tpu.memory_space<hbm>> -> memref<1x40x128xf32, #tpu.memory_space<hbm>>
      %dma_start3A_143 = tpu.memref_squeeze %dma_start3A_142 : memref<1x40x128xf32, #tpu.memory_space<hbm>> -> memref<40x128xf32, #tpu.memory_space<hbm>>
      %dma_start3A_144 = arith.constant 0 : i32
      %dma_start3A_145 = tpu.memref_slice %arg5[%add3A_121, %dma_start3A_144] : memref<10240x128xf32, #tpu.memory_space<vmem_shared>> -> memref<40x128xf32, #tpu.memory_space<vmem_shared>>
      tpu.enqueue_dma source(%dma_start3A_145 : memref<40x128xf32, #tpu.memory_space<vmem_shared>>) target(%dma_start3A_143 : memref<40x128xf32, #tpu.memory_space<hbm>>) target_semaphore(%run_scoped3A_140 : memref<!tpu.dma_semaphore, #tpu.memory_space<semaphore_mem>>)
      %dma_wait3A_146 = arith.constant 0 : i32
      %dma_wait3A_147 = tpu.memref_slice %arg4[%arg0, %add3A_123, %dma_wait3A_146] : memref<2x10240x128xf32, #tpu.memory_space<hbm>> -> memref<1x40x128xf32, #tpu.memory_space<hbm>>
      %dma_wait3A_148 = tpu.memref_squeeze %dma_wait3A_147 : memref<1x40x128xf32, #tpu.memory_space<hbm>> -> memref<40x128xf32, #tpu.memory_space<hbm>>
      %dma_wait3A_149 = arith.constant 0 : i32
      %dma_wait3A_150 = tpu.memref_slice %arg5[%add3A_121, %dma_wait3A_149] : memref<10240x128xf32, #tpu.memory_space<vmem_shared>> -> memref<40x128xf32, #tpu.memory_space<vmem_shared>>
      tpu.wait_dma2 semaphore(%run_scoped3A_140 : memref<!tpu.dma_semaphore, #tpu.memory_space<semaphore_mem>>) src(%dma_wait3A_150 : memref<40x128xf32, #tpu.memory_space<vmem_shared>>) dst(%dma_wait3A_148 : memref<40x128xf32, #tpu.memory_space<hbm>>)
      tpu.yield
    }) : () -> ()
    %add3A_124 = arith.constant 480 : i32
    %add3A_125 = arith.addi %mul3A_9, %add3A_124 : i32
    %add3A_126 = arith.constant 480 : i32
    %add3A_127 = arith.addi %mul3A_9, %add3A_126 : i32
    "tpu.region"() ({
      %run_scoped3A_140 = tpu.sem_alloc : memref<!tpu.dma_semaphore, #tpu.memory_space<semaphore_mem>>
      %dma_start3A_141 = arith.constant 0 : i32
      %dma_start3A_142 = tpu.memref_slice %arg4[%arg0, %add3A_127, %dma_start3A_141] : memref<2x10240x128xf32, #tpu.memory_space<hbm>> -> memref<1x40x128xf32, #tpu.memory_space<hbm>>
      %dma_start3A_143 = tpu.memref_squeeze %dma_start3A_142 : memref<1x40x128xf32, #tpu.memory_space<hbm>> -> memref<40x128xf32, #tpu.memory_space<hbm>>
      %dma_start3A_144 = arith.constant 0 : i32
      %dma_start3A_145 = tpu.memref_slice %arg5[%add3A_125, %dma_start3A_144] : memref<10240x128xf32, #tpu.memory_space<vmem_shared>> -> memref<40x128xf32, #tpu.memory_space<vmem_shared>>
      tpu.enqueue_dma source(%dma_start3A_145 : memref<40x128xf32, #tpu.memory_space<vmem_shared>>) target(%dma_start3A_143 : memref<40x128xf32, #tpu.memory_space<hbm>>) target_semaphore(%run_scoped3A_140 : memref<!tpu.dma_semaphore, #tpu.memory_space<semaphore_mem>>)
      %dma_wait3A_146 = arith.constant 0 : i32
      %dma_wait3A_147 = tpu.memref_slice %arg4[%arg0, %add3A_127, %dma_wait3A_146] : memref<2x10240x128xf32, #tpu.memory_space<hbm>> -> memref<1x40x128xf32, #tpu.memory_space<hbm>>
      %dma_wait3A_148 = tpu.memref_squeeze %dma_wait3A_147 : memref<1x40x128xf32, #tpu.memory_space<hbm>> -> memref<40x128xf32, #tpu.memory_space<hbm>>
      %dma_wait3A_149 = arith.constant 0 : i32
      %dma_wait3A_150 = tpu.memref_slice %arg5[%add3A_125, %dma_wait3A_149] : memref<10240x128xf32, #tpu.memory_space<vmem_shared>> -> memref<40x128xf32, #tpu.memory_space<vmem_shared>>
      tpu.wait_dma2 semaphore(%run_scoped3A_140 : memref<!tpu.dma_semaphore, #tpu.memory_space<semaphore_mem>>) src(%dma_wait3A_150 : memref<40x128xf32, #tpu.memory_space<vmem_shared>>) dst(%dma_wait3A_148 : memref<40x128xf32, #tpu.memory_space<hbm>>)
      tpu.yield
    }) : () -> ()
    %add3A_128 = arith.constant 520 : i32
    %add3A_129 = arith.addi %mul3A_9, %add3A_128 : i32
    %add3A_130 = arith.constant 520 : i32
    %add3A_131 = arith.addi %mul3A_9, %add3A_130 : i32
    "tpu.region"() ({
      %run_scoped3A_140 = tpu.sem_alloc : memref<!tpu.dma_semaphore, #tpu.memory_space<semaphore_mem>>
      %dma_start3A_141 = arith.constant 0 : i32
      %dma_start3A_142 = tpu.memref_slice %arg4[%arg0, %add3A_131, %dma_start3A_141] : memref<2x10240x128xf32, #tpu.memory_space<hbm>> -> memref<1x40x128xf32, #tpu.memory_space<hbm>>
      %dma_start3A_143 = tpu.memref_squeeze %dma_start3A_142 : memref<1x40x128xf32, #tpu.memory_space<hbm>> -> memref<40x128xf32, #tpu.memory_space<hbm>>
      %dma_start3A_144 = arith.constant 0 : i32
      %dma_start3A_145 = tpu.memref_slice %arg5[%add3A_129, %dma_start3A_144] : memref<10240x128xf32, #tpu.memory_space<vmem_shared>> -> memref<40x128xf32, #tpu.memory_space<vmem_shared>>
      tpu.enqueue_dma source(%dma_start3A_145 : memref<40x128xf32, #tpu.memory_space<vmem_shared>>) target(%dma_start3A_143 : memref<40x128xf32, #tpu.memory_space<hbm>>) target_semaphore(%run_scoped3A_140 : memref<!tpu.dma_semaphore, #tpu.memory_space<semaphore_mem>>)
      %dma_wait3A_146 = arith.constant 0 : i32
      %dma_wait3A_147 = tpu.memref_slice %arg4[%arg0, %add3A_131, %dma_wait3A_146] : memref<2x10240x128xf32, #tpu.memory_space<hbm>> -> memref<1x40x128xf32, #tpu.memory_space<hbm>>
      %dma_wait3A_148 = tpu.memref_squeeze %dma_wait3A_147 : memref<1x40x128xf32, #tpu.memory_space<hbm>> -> memref<40x128xf32, #tpu.memory_space<hbm>>
      %dma_wait3A_149 = arith.constant 0 : i32
      %dma_wait3A_150 = tpu.memref_slice %arg5[%add3A_129, %dma_wait3A_149] : memref<10240x128xf32, #tpu.memory_space<vmem_shared>> -> memref<40x128xf32, #tpu.memory_space<vmem_shared>>
      tpu.wait_dma2 semaphore(%run_scoped3A_140 : memref<!tpu.dma_semaphore, #tpu.memory_space<semaphore_mem>>) src(%dma_wait3A_150 : memref<40x128xf32, #tpu.memory_space<vmem_shared>>) dst(%dma_wait3A_148 : memref<40x128xf32, #tpu.memory_space<hbm>>)
      tpu.yield
    }) : () -> ()
    %add3A_132 = arith.constant 560 : i32
    %add3A_133 = arith.addi %mul3A_9, %add3A_132 : i32
    %add3A_134 = arith.constant 560 : i32
    %add3A_135 = arith.addi %mul3A_9, %add3A_134 : i32
    "tpu.region"() ({
      %run_scoped3A_140 = tpu.sem_alloc : memref<!tpu.dma_semaphore, #tpu.memory_space<semaphore_mem>>
      %dma_start3A_141 = arith.constant 0 : i32
      %dma_start3A_142 = tpu.memref_slice %arg4[%arg0, %add3A_135, %dma_start3A_141] : memref<2x10240x128xf32, #tpu.memory_space<hbm>> -> memref<1x40x128xf32, #tpu.memory_space<hbm>>
      %dma_start3A_143 = tpu.memref_squeeze %dma_start3A_142 : memref<1x40x128xf32, #tpu.memory_space<hbm>> -> memref<40x128xf32, #tpu.memory_space<hbm>>
      %dma_start3A_144 = arith.constant 0 : i32
      %dma_start3A_145 = tpu.memref_slice %arg5[%add3A_133, %dma_start3A_144] : memref<10240x128xf32, #tpu.memory_space<vmem_shared>> -> memref<40x128xf32, #tpu.memory_space<vmem_shared>>
      tpu.enqueue_dma source(%dma_start3A_145 : memref<40x128xf32, #tpu.memory_space<vmem_shared>>) target(%dma_start3A_143 : memref<40x128xf32, #tpu.memory_space<hbm>>) target_semaphore(%run_scoped3A_140 : memref<!tpu.dma_semaphore, #tpu.memory_space<semaphore_mem>>)
      %dma_wait3A_146 = arith.constant 0 : i32
      %dma_wait3A_147 = tpu.memref_slice %arg4[%arg0, %add3A_135, %dma_wait3A_146] : memref<2x10240x128xf32, #tpu.memory_space<hbm>> -> memref<1x40x128xf32, #tpu.memory_space<hbm>>
      %dma_wait3A_148 = tpu.memref_squeeze %dma_wait3A_147 : memref<1x40x128xf32, #tpu.memory_space<hbm>> -> memref<40x128xf32, #tpu.memory_space<hbm>>
      %dma_wait3A_149 = arith.constant 0 : i32
      %dma_wait3A_150 = tpu.memref_slice %arg5[%add3A_133, %dma_wait3A_149] : memref<10240x128xf32, #tpu.memory_space<vmem_shared>> -> memref<40x128xf32, #tpu.memory_space<vmem_shared>>
      tpu.wait_dma2 semaphore(%run_scoped3A_140 : memref<!tpu.dma_semaphore, #tpu.memory_space<semaphore_mem>>) src(%dma_wait3A_150 : memref<40x128xf32, #tpu.memory_space<vmem_shared>>) dst(%dma_wait3A_148 : memref<40x128xf32, #tpu.memory_space<hbm>>)
      tpu.yield
    }) : () -> ()
    %add3A_136 = arith.constant 600 : i32
    %add3A_137 = arith.addi %mul3A_9, %add3A_136 : i32
    %add3A_138 = arith.constant 600 : i32
    %add3A_139 = arith.addi %mul3A_9, %add3A_138 : i32
    "tpu.region"() ({
      %run_scoped3A_140 = tpu.sem_alloc : memref<!tpu.dma_semaphore, #tpu.memory_space<semaphore_mem>>
      %dma_start3A_141 = arith.constant 0 : i32
      %dma_start3A_142 = tpu.memref_slice %arg4[%arg0, %add3A_139, %dma_start3A_141] : memref<2x10240x128xf32, #tpu.memory_space<hbm>> -> memref<1x40x128xf32, #tpu.memory_space<hbm>>
      %dma_start3A_143 = tpu.memref_squeeze %dma_start3A_142 : memref<1x40x128xf32, #tpu.memory_space<hbm>> -> memref<40x128xf32, #tpu.memory_space<hbm>>
      %dma_start3A_144 = arith.constant 0 : i32
      %dma_start3A_145 = tpu.memref_slice %arg5[%add3A_137, %dma_start3A_144] : memref<10240x128xf32, #tpu.memory_space<vmem_shared>> -> memref<40x128xf32, #tpu.memory_space<vmem_shared>>
      tpu.enqueue_dma source(%dma_start3A_145 : memref<40x128xf32, #tpu.memory_space<vmem_shared>>) target(%dma_start3A_143 : memref<40x128xf32, #tpu.memory_space<hbm>>) target_semaphore(%run_scoped3A_140 : memref<!tpu.dma_semaphore, #tpu.memory_space<semaphore_mem>>)
      %dma_wait3A_146 = arith.constant 0 : i32
      %dma_wait3A_147 = tpu.memref_slice %arg4[%arg0, %add3A_139, %dma_wait3A_146] : memref<2x10240x128xf32, #tpu.memory_space<hbm>> -> memref<1x40x128xf32, #tpu.memory_space<hbm>>
      %dma_wait3A_148 = tpu.memref_squeeze %dma_wait3A_147 : memref<1x40x128xf32, #tpu.memory_space<hbm>> -> memref<40x128xf32, #tpu.memory_space<hbm>>
      %dma_wait3A_149 = arith.constant 0 : i32
      %dma_wait3A_150 = tpu.memref_slice %arg5[%add3A_137, %dma_wait3A_149] : memref<10240x128xf32, #tpu.memory_space<vmem_shared>> -> memref<40x128xf32, #tpu.memory_space<vmem_shared>>
      tpu.wait_dma2 semaphore(%run_scoped3A_140 : memref<!tpu.dma_semaphore, #tpu.memory_space<semaphore_mem>>) src(%dma_wait3A_150 : memref<40x128xf32, #tpu.memory_space<vmem_shared>>) dst(%dma_wait3A_148 : memref<40x128xf32, #tpu.memory_space<hbm>>)
      tpu.yield
    }) : () -> ()
    return
  }
}

#map = affine_map<(d0, d1) -> (0, 0)>
#map1 = affine_map<(d0, d1) -> (0)>
#map2 = affine_map<(d0, d1) -> (0, 0, 0)>
module attributes {stable_mosaic.version = 14 : i64} {
  func.func @run(%arg0: i32, %arg1: i32, %arg2: memref<10000x128xf32, #tpu.memory_space<hbm>>, %arg3: memref<160000xi32, #tpu.memory_space<hbm>>, %arg4: memref<32x125x40xi32, #tpu.memory_space<hbm>>, %arg5: memref<2x10240x128xf32, #tpu.memory_space<hbm>>, %arg6: memref<10240x128xf32, #tpu.memory_space<vmem_shared>>, %arg7: memref<40x128xf32, #tpu.memory_space<vmem>>, %arg8: memref<40x128xf32, #tpu.memory_space<vmem>>, %arg9: memref<40x128xf32, #tpu.memory_space<vmem>>, %arg10: memref<40x128xf32, #tpu.memory_space<vmem>>, %arg11: memref<5000xi32, #tpu.memory_space<vmem>>, %arg12: memref<125x40xi32, #tpu.memory_space<vmem>>, %arg13: memref<!tpu.dma_semaphore, #tpu.memory_space<semaphore_mem>>) attributes {dimension_semantics = [#tpu.dimension_semantics<core_parallel>, #tpu.dimension_semantics<subcore_parallel>], iteration_bounds = array<i64: 2, 16>, scalar_prefetch = 0 : i64, scratch_operands = 8 : i64, tpu.core_type = #tpu.core_type<sc_vector_subcore>, window_params = [{transform_indices = #map}, {transform_indices = #map1}, {transform_indices = #map2}, {transform_indices = #map2}]} {
    %mul3A = arith.constant 2 : i32
    %mul3A_0 = arith.muli %arg1, %mul3A : i32
    %add3A = arith.addi %mul3A_0, %arg0 : i32
    %broadcast_in_dim3A = arith.constant 0.000000e+00 : f32
    %broadcast_in_dim3A_1 = vector.broadcast %broadcast_in_dim3A : f32 to vector<16xf32>
    %scan3A = arith.constant 0 : i32
    %scan3A_2 = arith.constant 0 : i32
    %scan3A_3 = arith.constant 40 : i32
    %scan3A_4 = arith.addi %scan3A_2, %scan3A_3 : i32
    %scan3A_5 = arith.constant 1 : i32
    %scan3A_6 = scf.for %scan3A_168 = %scan3A_2 to %scan3A_4 step %scan3A_5 iter_args(%scan3A_169 = %scan3A) -> (i32)  : i32 {
      %swap3A = arith.index_cast %scan3A_168 : i32 to index
      %swap3A_170 = arith.constant 0 : index
      %swap3A_171 = tpu.vector_load %arg7[%swap3A, %swap3A_170] {strides = array<i32>} : memref<40x128xf32, #tpu.memory_space<vmem>>, vector<1x16xf32>,
      %swap3A_172 = vector.shape_cast %swap3A_171 : vector<1x16xf32> to vector<16xf32>
      %swap3A_173 = vector.shape_cast %broadcast_in_dim3A_1 : vector<16xf32> to vector<1x16xf32>
      tpu.vector_store %arg7[%swap3A, %swap3A_170], %swap3A_173 {strides = array<i32>} : memref<40x128xf32, #tpu.memory_space<vmem>>, vector<1x16xf32>,
      %swap3A_174 = arith.index_cast %scan3A_168 : i32 to index
      %swap3A_175 = arith.constant 16 : index
      %swap3A_176 = tpu.vector_load %arg7[%swap3A_174, %swap3A_175] {strides = array<i32>} : memref<40x128xf32, #tpu.memory_space<vmem>>, vector<1x16xf32>,
      %swap3A_177 = vector.shape_cast %swap3A_176 : vector<1x16xf32> to vector<16xf32>
      %swap3A_178 = vector.shape_cast %broadcast_in_dim3A_1 : vector<16xf32> to vector<1x16xf32>
      tpu.vector_store %arg7[%swap3A_174, %swap3A_175], %swap3A_178 {strides = array<i32>} : memref<40x128xf32, #tpu.memory_space<vmem>>, vector<1x16xf32>,
      %swap3A_179 = arith.index_cast %scan3A_168 : i32 to index
      %swap3A_180 = arith.constant 32 : index
      %swap3A_181 = tpu.vector_load %arg7[%swap3A_179, %swap3A_180] {strides = array<i32>} : memref<40x128xf32, #tpu.memory_space<vmem>>, vector<1x16xf32>,
      %swap3A_182 = vector.shape_cast %swap3A_181 : vector<1x16xf32> to vector<16xf32>
      %swap3A_183 = vector.shape_cast %broadcast_in_dim3A_1 : vector<16xf32> to vector<1x16xf32>
      tpu.vector_store %arg7[%swap3A_179, %swap3A_180], %swap3A_183 {strides = array<i32>} : memref<40x128xf32, #tpu.memory_space<vmem>>, vector<1x16xf32>,
      %swap3A_184 = arith.index_cast %scan3A_168 : i32 to index
      %swap3A_185 = arith.constant 48 : index
      %swap3A_186 = tpu.vector_load %arg7[%swap3A_184, %swap3A_185] {strides = array<i32>} : memref<40x128xf32, #tpu.memory_space<vmem>>, vector<1x16xf32>,
      %swap3A_187 = vector.shape_cast %swap3A_186 : vector<1x16xf32> to vector<16xf32>
      %swap3A_188 = vector.shape_cast %broadcast_in_dim3A_1 : vector<16xf32> to vector<1x16xf32>
      tpu.vector_store %arg7[%swap3A_184, %swap3A_185], %swap3A_188 {strides = array<i32>} : memref<40x128xf32, #tpu.memory_space<vmem>>, vector<1x16xf32>,
      %swap3A_189 = arith.index_cast %scan3A_168 : i32 to index
      %swap3A_190 = arith.constant 64 : index
      %swap3A_191 = tpu.vector_load %arg7[%swap3A_189, %swap3A_190] {strides = array<i32>} : memref<40x128xf32, #tpu.memory_space<vmem>>, vector<1x16xf32>,
      %swap3A_192 = vector.shape_cast %swap3A_191 : vector<1x16xf32> to vector<16xf32>
      %swap3A_193 = vector.shape_cast %broadcast_in_dim3A_1 : vector<16xf32> to vector<1x16xf32>
      tpu.vector_store %arg7[%swap3A_189, %swap3A_190], %swap3A_193 {strides = array<i32>} : memref<40x128xf32, #tpu.memory_space<vmem>>, vector<1x16xf32>,
      %swap3A_194 = arith.index_cast %scan3A_168 : i32 to index
      %swap3A_195 = arith.constant 80 : index
      %swap3A_196 = tpu.vector_load %arg7[%swap3A_194, %swap3A_195] {strides = array<i32>} : memref<40x128xf32, #tpu.memory_space<vmem>>, vector<1x16xf32>,
      %swap3A_197 = vector.shape_cast %swap3A_196 : vector<1x16xf32> to vector<16xf32>
      %swap3A_198 = vector.shape_cast %broadcast_in_dim3A_1 : vector<16xf32> to vector<1x16xf32>
      tpu.vector_store %arg7[%swap3A_194, %swap3A_195], %swap3A_198 {strides = array<i32>} : memref<40x128xf32, #tpu.memory_space<vmem>>, vector<1x16xf32>,
      %swap3A_199 = arith.index_cast %scan3A_168 : i32 to index
      %swap3A_200 = arith.constant 96 : index
      %swap3A_201 = tpu.vector_load %arg7[%swap3A_199, %swap3A_200] {strides = array<i32>} : memref<40x128xf32, #tpu.memory_space<vmem>>, vector<1x16xf32>,
      %swap3A_202 = vector.shape_cast %swap3A_201 : vector<1x16xf32> to vector<16xf32>
      %swap3A_203 = vector.shape_cast %broadcast_in_dim3A_1 : vector<16xf32> to vector<1x16xf32>
      tpu.vector_store %arg7[%swap3A_199, %swap3A_200], %swap3A_203 {strides = array<i32>} : memref<40x128xf32, #tpu.memory_space<vmem>>, vector<1x16xf32>,
      %swap3A_204 = arith.index_cast %scan3A_168 : i32 to index
      %swap3A_205 = arith.constant 112 : index
      %swap3A_206 = tpu.vector_load %arg7[%swap3A_204, %swap3A_205] {strides = array<i32>} : memref<40x128xf32, #tpu.memory_space<vmem>>, vector<1x16xf32>,
      %swap3A_207 = vector.shape_cast %swap3A_206 : vector<1x16xf32> to vector<16xf32>
      %swap3A_208 = vector.shape_cast %broadcast_in_dim3A_1 : vector<16xf32> to vector<1x16xf32>
      tpu.vector_store %arg7[%swap3A_204, %swap3A_205], %swap3A_208 {strides = array<i32>} : memref<40x128xf32, #tpu.memory_space<vmem>>, vector<1x16xf32>,
      %scan3A_209 = arith.constant 0 : i32
      scf.yield %scan3A_209 : i32
    }
    %scan3A_7 = arith.constant 40 : i32
    %mul3A_8 = arith.constant 640 : i32
    %mul3A_9 = arith.muli %arg1, %mul3A_8 : i32
    %add3A_10 = arith.constant 0 : i32
    %add3A_11 = arith.addi %mul3A_9, %add3A_10 : i32
    "tpu.region"() ({
      %run_scoped3A_168 = tpu.sem_alloc : memref<!tpu.dma_semaphore, #tpu.memory_space<semaphore_mem>>
      %dma_start3A_169 = arith.constant 0 : i32
      %dma_start3A_170 = arith.constant 0 : i32
      %dma_start3A_171 = tpu.memref_slice %arg7[%dma_start3A_169, %dma_start3A_170] : memref<40x128xf32, #tpu.memory_space<vmem>> -> memref<40x128xf32, #tpu.memory_space<vmem>>
      %dma_start3A_172 = arith.constant 0 : i32
      %dma_start3A_173 = tpu.memref_slice %arg6[%add3A_11, %dma_start3A_172] : memref<10240x128xf32, #tpu.memory_space<vmem_shared>> -> memref<40x128xf32, #tpu.memory_space<vmem_shared>>
      %dma_start3A_174 = arith.constant 0 : i32
      %dma_start3A_175 = tpu.memref_slice %arg6[%add3A_11, %dma_start3A_174] : memref<10240x128xf32, #tpu.memory_space<vmem_shared>> -> memref<40x128xf32, #tpu.memory_space<vmem_shared>>
      %dma_start3A_176 = arith.constant 0 : i32
      %dma_start3A_177 = arith.constant 0 : i32
      %dma_start3A_178 = tpu.memref_slice %arg7[%dma_start3A_176, %dma_start3A_177] : memref<40x128xf32, #tpu.memory_space<vmem>> -> memref<40x128xf32, #tpu.memory_space<vmem>>
      tpu.enqueue_dma source(%dma_start3A_178 : memref<40x128xf32, #tpu.memory_space<vmem>>) target(%dma_start3A_175 : memref<40x128xf32, #tpu.memory_space<vmem_shared>>) target_semaphore(%run_scoped3A_168 : memref<!tpu.dma_semaphore, #tpu.memory_space<semaphore_mem>>)
      %dma_wait3A_179 = arith.constant 0 : i32
      %dma_wait3A_180 = arith.constant 0 : i32
      %dma_wait3A_181 = tpu.memref_slice %arg7[%dma_wait3A_179, %dma_wait3A_180] : memref<40x128xf32, #tpu.memory_space<vmem>> -> memref<40x128xf32, #tpu.memory_space<vmem>>
      %dma_wait3A_182 = arith.constant 0 : i32
      %dma_wait3A_183 = tpu.memref_slice %arg6[%add3A_11, %dma_wait3A_182] : memref<10240x128xf32, #tpu.memory_space<vmem_shared>> -> memref<40x128xf32, #tpu.memory_space<vmem_shared>>
      %dma_wait3A_184 = arith.constant 0 : i32
      %dma_wait3A_185 = tpu.memref_slice %arg6[%add3A_11, %dma_wait3A_184] : memref<10240x128xf32, #tpu.memory_space<vmem_shared>> -> memref<40x128xf32, #tpu.memory_space<vmem_shared>>
      %dma_wait3A_186 = arith.constant 0 : i32
      %dma_wait3A_187 = arith.constant 0 : i32
      %dma_wait3A_188 = tpu.memref_slice %arg7[%dma_wait3A_186, %dma_wait3A_187] : memref<40x128xf32, #tpu.memory_space<vmem>> -> memref<40x128xf32, #tpu.memory_space<vmem>>
      tpu.wait_dma2 semaphore(%run_scoped3A_168 : memref<!tpu.dma_semaphore, #tpu.memory_space<semaphore_mem>>) src(%dma_wait3A_188 : memref<40x128xf32, #tpu.memory_space<vmem>>) dst(%dma_wait3A_185 : memref<40x128xf32, #tpu.memory_space<vmem_shared>>)
      tpu.yield
    }) : () -> ()
    %add3A_12 = arith.constant 40 : i32
    %add3A_13 = arith.addi %mul3A_9, %add3A_12 : i32
    "tpu.region"() ({
      %run_scoped3A_168 = tpu.sem_alloc : memref<!tpu.dma_semaphore, #tpu.memory_space<semaphore_mem>>
      %dma_start3A_169 = arith.constant 0 : i32
      %dma_start3A_170 = arith.constant 0 : i32
      %dma_start3A_171 = tpu.memref_slice %arg7[%dma_start3A_169, %dma_start3A_170] : memref<40x128xf32, #tpu.memory_space<vmem>> -> memref<40x128xf32, #tpu.memory_space<vmem>>
      %dma_start3A_172 = arith.constant 0 : i32
      %dma_start3A_173 = tpu.memref_slice %arg6[%add3A_13, %dma_start3A_172] : memref<10240x128xf32, #tpu.memory_space<vmem_shared>> -> memref<40x128xf32, #tpu.memory_space<vmem_shared>>
      %dma_start3A_174 = arith.constant 0 : i32
      %dma_start3A_175 = tpu.memref_slice %arg6[%add3A_13, %dma_start3A_174] : memref<10240x128xf32, #tpu.memory_space<vmem_shared>> -> memref<40x128xf32, #tpu.memory_space<vmem_shared>>
      %dma_start3A_176 = arith.constant 0 : i32
      %dma_start3A_177 = arith.constant 0 : i32
      %dma_start3A_178 = tpu.memref_slice %arg7[%dma_start3A_176, %dma_start3A_177] : memref<40x128xf32, #tpu.memory_space<vmem>> -> memref<40x128xf32, #tpu.memory_space<vmem>>
      tpu.enqueue_dma source(%dma_start3A_178 : memref<40x128xf32, #tpu.memory_space<vmem>>) target(%dma_start3A_175 : memref<40x128xf32, #tpu.memory_space<vmem_shared>>) target_semaphore(%run_scoped3A_168 : memref<!tpu.dma_semaphore, #tpu.memory_space<semaphore_mem>>)
      %dma_wait3A_179 = arith.constant 0 : i32
      %dma_wait3A_180 = arith.constant 0 : i32
      %dma_wait3A_181 = tpu.memref_slice %arg7[%dma_wait3A_179, %dma_wait3A_180] : memref<40x128xf32, #tpu.memory_space<vmem>> -> memref<40x128xf32, #tpu.memory_space<vmem>>
      %dma_wait3A_182 = arith.constant 0 : i32
      %dma_wait3A_183 = tpu.memref_slice %arg6[%add3A_13, %dma_wait3A_182] : memref<10240x128xf32, #tpu.memory_space<vmem_shared>> -> memref<40x128xf32, #tpu.memory_space<vmem_shared>>
      %dma_wait3A_184 = arith.constant 0 : i32
      %dma_wait3A_185 = tpu.memref_slice %arg6[%add3A_13, %dma_wait3A_184] : memref<10240x128xf32, #tpu.memory_space<vmem_shared>> -> memref<40x128xf32, #tpu.memory_space<vmem_shared>>
      %dma_wait3A_186 = arith.constant 0 : i32
      %dma_wait3A_187 = arith.constant 0 : i32
      %dma_wait3A_188 = tpu.memref_slice %arg7[%dma_wait3A_186, %dma_wait3A_187] : memref<40x128xf32, #tpu.memory_space<vmem>> -> memref<40x128xf32, #tpu.memory_space<vmem>>
      tpu.wait_dma2 semaphore(%run_scoped3A_168 : memref<!tpu.dma_semaphore, #tpu.memory_space<semaphore_mem>>) src(%dma_wait3A_188 : memref<40x128xf32, #tpu.memory_space<vmem>>) dst(%dma_wait3A_185 : memref<40x128xf32, #tpu.memory_space<vmem_shared>>)
      tpu.yield
    }) : () -> ()
    %add3A_14 = arith.constant 80 : i32
    %add3A_15 = arith.addi %mul3A_9, %add3A_14 : i32
    "tpu.region"() ({
      %run_scoped3A_168 = tpu.sem_alloc : memref<!tpu.dma_semaphore, #tpu.memory_space<semaphore_mem>>
      %dma_start3A_169 = arith.constant 0 : i32
      %dma_start3A_170 = arith.constant 0 : i32
      %dma_start3A_171 = tpu.memref_slice %arg7[%dma_start3A_169, %dma_start3A_170] : memref<40x128xf32, #tpu.memory_space<vmem>> -> memref<40x128xf32, #tpu.memory_space<vmem>>
      %dma_start3A_172 = arith.constant 0 : i32
      %dma_start3A_173 = tpu.memref_slice %arg6[%add3A_15, %dma_start3A_172] : memref<10240x128xf32, #tpu.memory_space<vmem_shared>> -> memref<40x128xf32, #tpu.memory_space<vmem_shared>>
      %dma_start3A_174 = arith.constant 0 : i32
      %dma_start3A_175 = tpu.memref_slice %arg6[%add3A_15, %dma_start3A_174] : memref<10240x128xf32, #tpu.memory_space<vmem_shared>> -> memref<40x128xf32, #tpu.memory_space<vmem_shared>>
      %dma_start3A_176 = arith.constant 0 : i32
      %dma_start3A_177 = arith.constant 0 : i32
      %dma_start3A_178 = tpu.memref_slice %arg7[%dma_start3A_176, %dma_start3A_177] : memref<40x128xf32, #tpu.memory_space<vmem>> -> memref<40x128xf32, #tpu.memory_space<vmem>>
      tpu.enqueue_dma source(%dma_start3A_178 : memref<40x128xf32, #tpu.memory_space<vmem>>) target(%dma_start3A_175 : memref<40x128xf32, #tpu.memory_space<vmem_shared>>) target_semaphore(%run_scoped3A_168 : memref<!tpu.dma_semaphore, #tpu.memory_space<semaphore_mem>>)
      %dma_wait3A_179 = arith.constant 0 : i32
      %dma_wait3A_180 = arith.constant 0 : i32
      %dma_wait3A_181 = tpu.memref_slice %arg7[%dma_wait3A_179, %dma_wait3A_180] : memref<40x128xf32, #tpu.memory_space<vmem>> -> memref<40x128xf32, #tpu.memory_space<vmem>>
      %dma_wait3A_182 = arith.constant 0 : i32
      %dma_wait3A_183 = tpu.memref_slice %arg6[%add3A_15, %dma_wait3A_182] : memref<10240x128xf32, #tpu.memory_space<vmem_shared>> -> memref<40x128xf32, #tpu.memory_space<vmem_shared>>
      %dma_wait3A_184 = arith.constant 0 : i32
      %dma_wait3A_185 = tpu.memref_slice %arg6[%add3A_15, %dma_wait3A_184] : memref<10240x128xf32, #tpu.memory_space<vmem_shared>> -> memref<40x128xf32, #tpu.memory_space<vmem_shared>>
      %dma_wait3A_186 = arith.constant 0 : i32
      %dma_wait3A_187 = arith.constant 0 : i32
      %dma_wait3A_188 = tpu.memref_slice %arg7[%dma_wait3A_186, %dma_wait3A_187] : memref<40x128xf32, #tpu.memory_space<vmem>> -> memref<40x128xf32, #tpu.memory_space<vmem>>
      tpu.wait_dma2 semaphore(%run_scoped3A_168 : memref<!tpu.dma_semaphore, #tpu.memory_space<semaphore_mem>>) src(%dma_wait3A_188 : memref<40x128xf32, #tpu.memory_space<vmem>>) dst(%dma_wait3A_185 : memref<40x128xf32, #tpu.memory_space<vmem_shared>>)
      tpu.yield
    }) : () -> ()
    %add3A_16 = arith.constant 120 : i32
    %add3A_17 = arith.addi %mul3A_9, %add3A_16 : i32
    "tpu.region"() ({
      %run_scoped3A_168 = tpu.sem_alloc : memref<!tpu.dma_semaphore, #tpu.memory_space<semaphore_mem>>
      %dma_start3A_169 = arith.constant 0 : i32
      %dma_start3A_170 = arith.constant 0 : i32
      %dma_start3A_171 = tpu.memref_slice %arg7[%dma_start3A_169, %dma_start3A_170] : memref<40x128xf32, #tpu.memory_space<vmem>> -> memref<40x128xf32, #tpu.memory_space<vmem>>
      %dma_start3A_172 = arith.constant 0 : i32
      %dma_start3A_173 = tpu.memref_slice %arg6[%add3A_17, %dma_start3A_172] : memref<10240x128xf32, #tpu.memory_space<vmem_shared>> -> memref<40x128xf32, #tpu.memory_space<vmem_shared>>
      %dma_start3A_174 = arith.constant 0 : i32
      %dma_start3A_175 = tpu.memref_slice %arg6[%add3A_17, %dma_start3A_174] : memref<10240x128xf32, #tpu.memory_space<vmem_shared>> -> memref<40x128xf32, #tpu.memory_space<vmem_shared>>
      %dma_start3A_176 = arith.constant 0 : i32
      %dma_start3A_177 = arith.constant 0 : i32
      %dma_start3A_178 = tpu.memref_slice %arg7[%dma_start3A_176, %dma_start3A_177] : memref<40x128xf32, #tpu.memory_space<vmem>> -> memref<40x128xf32, #tpu.memory_space<vmem>>
      tpu.enqueue_dma source(%dma_start3A_178 : memref<40x128xf32, #tpu.memory_space<vmem>>) target(%dma_start3A_175 : memref<40x128xf32, #tpu.memory_space<vmem_shared>>) target_semaphore(%run_scoped3A_168 : memref<!tpu.dma_semaphore, #tpu.memory_space<semaphore_mem>>)
      %dma_wait3A_179 = arith.constant 0 : i32
      %dma_wait3A_180 = arith.constant 0 : i32
      %dma_wait3A_181 = tpu.memref_slice %arg7[%dma_wait3A_179, %dma_wait3A_180] : memref<40x128xf32, #tpu.memory_space<vmem>> -> memref<40x128xf32, #tpu.memory_space<vmem>>
      %dma_wait3A_182 = arith.constant 0 : i32
      %dma_wait3A_183 = tpu.memref_slice %arg6[%add3A_17, %dma_wait3A_182] : memref<10240x128xf32, #tpu.memory_space<vmem_shared>> -> memref<40x128xf32, #tpu.memory_space<vmem_shared>>
      %dma_wait3A_184 = arith.constant 0 : i32
      %dma_wait3A_185 = tpu.memref_slice %arg6[%add3A_17, %dma_wait3A_184] : memref<10240x128xf32, #tpu.memory_space<vmem_shared>> -> memref<40x128xf32, #tpu.memory_space<vmem_shared>>
      %dma_wait3A_186 = arith.constant 0 : i32
      %dma_wait3A_187 = arith.constant 0 : i32
      %dma_wait3A_188 = tpu.memref_slice %arg7[%dma_wait3A_186, %dma_wait3A_187] : memref<40x128xf32, #tpu.memory_space<vmem>> -> memref<40x128xf32, #tpu.memory_space<vmem>>
      tpu.wait_dma2 semaphore(%run_scoped3A_168 : memref<!tpu.dma_semaphore, #tpu.memory_space<semaphore_mem>>) src(%dma_wait3A_188 : memref<40x128xf32, #tpu.memory_space<vmem>>) dst(%dma_wait3A_185 : memref<40x128xf32, #tpu.memory_space<vmem_shared>>)
      tpu.yield
    }) : () -> ()
    %add3A_18 = arith.constant 160 : i32
    %add3A_19 = arith.addi %mul3A_9, %add3A_18 : i32
    "tpu.region"() ({
      %run_scoped3A_168 = tpu.sem_alloc : memref<!tpu.dma_semaphore, #tpu.memory_space<semaphore_mem>>
      %dma_start3A_169 = arith.constant 0 : i32
      %dma_start3A_170 = arith.constant 0 : i32
      %dma_start3A_171 = tpu.memref_slice %arg7[%dma_start3A_169, %dma_start3A_170] : memref<40x128xf32, #tpu.memory_space<vmem>> -> memref<40x128xf32, #tpu.memory_space<vmem>>
      %dma_start3A_172 = arith.constant 0 : i32
      %dma_start3A_173 = tpu.memref_slice %arg6[%add3A_19, %dma_start3A_172] : memref<10240x128xf32, #tpu.memory_space<vmem_shared>> -> memref<40x128xf32, #tpu.memory_space<vmem_shared>>
      %dma_start3A_174 = arith.constant 0 : i32
      %dma_start3A_175 = tpu.memref_slice %arg6[%add3A_19, %dma_start3A_174] : memref<10240x128xf32, #tpu.memory_space<vmem_shared>> -> memref<40x128xf32, #tpu.memory_space<vmem_shared>>
      %dma_start3A_176 = arith.constant 0 : i32
      %dma_start3A_177 = arith.constant 0 : i32
      %dma_start3A_178 = tpu.memref_slice %arg7[%dma_start3A_176, %dma_start3A_177] : memref<40x128xf32, #tpu.memory_space<vmem>> -> memref<40x128xf32, #tpu.memory_space<vmem>>
      tpu.enqueue_dma source(%dma_start3A_178 : memref<40x128xf32, #tpu.memory_space<vmem>>) target(%dma_start3A_175 : memref<40x128xf32, #tpu.memory_space<vmem_shared>>) target_semaphore(%run_scoped3A_168 : memref<!tpu.dma_semaphore, #tpu.memory_space<semaphore_mem>>)
      %dma_wait3A_179 = arith.constant 0 : i32
      %dma_wait3A_180 = arith.constant 0 : i32
      %dma_wait3A_181 = tpu.memref_slice %arg7[%dma_wait3A_179, %dma_wait3A_180] : memref<40x128xf32, #tpu.memory_space<vmem>> -> memref<40x128xf32, #tpu.memory_space<vmem>>
      %dma_wait3A_182 = arith.constant 0 : i32
      %dma_wait3A_183 = tpu.memref_slice %arg6[%add3A_19, %dma_wait3A_182] : memref<10240x128xf32, #tpu.memory_space<vmem_shared>> -> memref<40x128xf32, #tpu.memory_space<vmem_shared>>
      %dma_wait3A_184 = arith.constant 0 : i32
      %dma_wait3A_185 = tpu.memref_slice %arg6[%add3A_19, %dma_wait3A_184] : memref<10240x128xf32, #tpu.memory_space<vmem_shared>> -> memref<40x128xf32, #tpu.memory_space<vmem_shared>>
      %dma_wait3A_186 = arith.constant 0 : i32
      %dma_wait3A_187 = arith.constant 0 : i32
      %dma_wait3A_188 = tpu.memref_slice %arg7[%dma_wait3A_186, %dma_wait3A_187] : memref<40x128xf32, #tpu.memory_space<vmem>> -> memref<40x128xf32, #tpu.memory_space<vmem>>
      tpu.wait_dma2 semaphore(%run_scoped3A_168 : memref<!tpu.dma_semaphore, #tpu.memory_space<semaphore_mem>>) src(%dma_wait3A_188 : memref<40x128xf32, #tpu.memory_space<vmem>>) dst(%dma_wait3A_185 : memref<40x128xf32, #tpu.memory_space<vmem_shared>>)
      tpu.yield
    }) : () -> ()
    %add3A_20 = arith.constant 200 : i32
    %add3A_21 = arith.addi %mul3A_9, %add3A_20 : i32
    "tpu.region"() ({
      %run_scoped3A_168 = tpu.sem_alloc : memref<!tpu.dma_semaphore, #tpu.memory_space<semaphore_mem>>
      %dma_start3A_169 = arith.constant 0 : i32
      %dma_start3A_170 = arith.constant 0 : i32
      %dma_start3A_171 = tpu.memref_slice %arg7[%dma_start3A_169, %dma_start3A_170] : memref<40x128xf32, #tpu.memory_space<vmem>> -> memref<40x128xf32, #tpu.memory_space<vmem>>
      %dma_start3A_172 = arith.constant 0 : i32
      %dma_start3A_173 = tpu.memref_slice %arg6[%add3A_21, %dma_start3A_172] : memref<10240x128xf32, #tpu.memory_space<vmem_shared>> -> memref<40x128xf32, #tpu.memory_space<vmem_shared>>
      %dma_start3A_174 = arith.constant 0 : i32
      %dma_start3A_175 = tpu.memref_slice %arg6[%add3A_21, %dma_start3A_174] : memref<10240x128xf32, #tpu.memory_space<vmem_shared>> -> memref<40x128xf32, #tpu.memory_space<vmem_shared>>
      %dma_start3A_176 = arith.constant 0 : i32
      %dma_start3A_177 = arith.constant 0 : i32
      %dma_start3A_178 = tpu.memref_slice %arg7[%dma_start3A_176, %dma_start3A_177] : memref<40x128xf32, #tpu.memory_space<vmem>> -> memref<40x128xf32, #tpu.memory_space<vmem>>
      tpu.enqueue_dma source(%dma_start3A_178 : memref<40x128xf32, #tpu.memory_space<vmem>>) target(%dma_start3A_175 : memref<40x128xf32, #tpu.memory_space<vmem_shared>>) target_semaphore(%run_scoped3A_168 : memref<!tpu.dma_semaphore, #tpu.memory_space<semaphore_mem>>)
      %dma_wait3A_179 = arith.constant 0 : i32
      %dma_wait3A_180 = arith.constant 0 : i32
      %dma_wait3A_181 = tpu.memref_slice %arg7[%dma_wait3A_179, %dma_wait3A_180] : memref<40x128xf32, #tpu.memory_space<vmem>> -> memref<40x128xf32, #tpu.memory_space<vmem>>
      %dma_wait3A_182 = arith.constant 0 : i32
      %dma_wait3A_183 = tpu.memref_slice %arg6[%add3A_21, %dma_wait3A_182] : memref<10240x128xf32, #tpu.memory_space<vmem_shared>> -> memref<40x128xf32, #tpu.memory_space<vmem_shared>>
      %dma_wait3A_184 = arith.constant 0 : i32
      %dma_wait3A_185 = tpu.memref_slice %arg6[%add3A_21, %dma_wait3A_184] : memref<10240x128xf32, #tpu.memory_space<vmem_shared>> -> memref<40x128xf32, #tpu.memory_space<vmem_shared>>
      %dma_wait3A_186 = arith.constant 0 : i32
      %dma_wait3A_187 = arith.constant 0 : i32
      %dma_wait3A_188 = tpu.memref_slice %arg7[%dma_wait3A_186, %dma_wait3A_187] : memref<40x128xf32, #tpu.memory_space<vmem>> -> memref<40x128xf32, #tpu.memory_space<vmem>>
      tpu.wait_dma2 semaphore(%run_scoped3A_168 : memref<!tpu.dma_semaphore, #tpu.memory_space<semaphore_mem>>) src(%dma_wait3A_188 : memref<40x128xf32, #tpu.memory_space<vmem>>) dst(%dma_wait3A_185 : memref<40x128xf32, #tpu.memory_space<vmem_shared>>)
      tpu.yield
    }) : () -> ()
    %add3A_22 = arith.constant 240 : i32
    %add3A_23 = arith.addi %mul3A_9, %add3A_22 : i32
    "tpu.region"() ({
      %run_scoped3A_168 = tpu.sem_alloc : memref<!tpu.dma_semaphore, #tpu.memory_space<semaphore_mem>>
      %dma_start3A_169 = arith.constant 0 : i32
      %dma_start3A_170 = arith.constant 0 : i32
      %dma_start3A_171 = tpu.memref_slice %arg7[%dma_start3A_169, %dma_start3A_170] : memref<40x128xf32, #tpu.memory_space<vmem>> -> memref<40x128xf32, #tpu.memory_space<vmem>>
      %dma_start3A_172 = arith.constant 0 : i32
      %dma_start3A_173 = tpu.memref_slice %arg6[%add3A_23, %dma_start3A_172] : memref<10240x128xf32, #tpu.memory_space<vmem_shared>> -> memref<40x128xf32, #tpu.memory_space<vmem_shared>>
      %dma_start3A_174 = arith.constant 0 : i32
      %dma_start3A_175 = tpu.memref_slice %arg6[%add3A_23, %dma_start3A_174] : memref<10240x128xf32, #tpu.memory_space<vmem_shared>> -> memref<40x128xf32, #tpu.memory_space<vmem_shared>>
      %dma_start3A_176 = arith.constant 0 : i32
      %dma_start3A_177 = arith.constant 0 : i32
      %dma_start3A_178 = tpu.memref_slice %arg7[%dma_start3A_176, %dma_start3A_177] : memref<40x128xf32, #tpu.memory_space<vmem>> -> memref<40x128xf32, #tpu.memory_space<vmem>>
      tpu.enqueue_dma source(%dma_start3A_178 : memref<40x128xf32, #tpu.memory_space<vmem>>) target(%dma_start3A_175 : memref<40x128xf32, #tpu.memory_space<vmem_shared>>) target_semaphore(%run_scoped3A_168 : memref<!tpu.dma_semaphore, #tpu.memory_space<semaphore_mem>>)
      %dma_wait3A_179 = arith.constant 0 : i32
      %dma_wait3A_180 = arith.constant 0 : i32
      %dma_wait3A_181 = tpu.memref_slice %arg7[%dma_wait3A_179, %dma_wait3A_180] : memref<40x128xf32, #tpu.memory_space<vmem>> -> memref<40x128xf32, #tpu.memory_space<vmem>>
      %dma_wait3A_182 = arith.constant 0 : i32
      %dma_wait3A_183 = tpu.memref_slice %arg6[%add3A_23, %dma_wait3A_182] : memref<10240x128xf32, #tpu.memory_space<vmem_shared>> -> memref<40x128xf32, #tpu.memory_space<vmem_shared>>
      %dma_wait3A_184 = arith.constant 0 : i32
      %dma_wait3A_185 = tpu.memref_slice %arg6[%add3A_23, %dma_wait3A_184] : memref<10240x128xf32, #tpu.memory_space<vmem_shared>> -> memref<40x128xf32, #tpu.memory_space<vmem_shared>>
      %dma_wait3A_186 = arith.constant 0 : i32
      %dma_wait3A_187 = arith.constant 0 : i32
      %dma_wait3A_188 = tpu.memref_slice %arg7[%dma_wait3A_186, %dma_wait3A_187] : memref<40x128xf32, #tpu.memory_space<vmem>> -> memref<40x128xf32, #tpu.memory_space<vmem>>
      tpu.wait_dma2 semaphore(%run_scoped3A_168 : memref<!tpu.dma_semaphore, #tpu.memory_space<semaphore_mem>>) src(%dma_wait3A_188 : memref<40x128xf32, #tpu.memory_space<vmem>>) dst(%dma_wait3A_185 : memref<40x128xf32, #tpu.memory_space<vmem_shared>>)
      tpu.yield
    }) : () -> ()
    %add3A_24 = arith.constant 280 : i32
    %add3A_25 = arith.addi %mul3A_9, %add3A_24 : i32
    "tpu.region"() ({
      %run_scoped3A_168 = tpu.sem_alloc : memref<!tpu.dma_semaphore, #tpu.memory_space<semaphore_mem>>
      %dma_start3A_169 = arith.constant 0 : i32
      %dma_start3A_170 = arith.constant 0 : i32
      %dma_start3A_171 = tpu.memref_slice %arg7[%dma_start3A_169, %dma_start3A_170] : memref<40x128xf32, #tpu.memory_space<vmem>> -> memref<40x128xf32, #tpu.memory_space<vmem>>
      %dma_start3A_172 = arith.constant 0 : i32
      %dma_start3A_173 = tpu.memref_slice %arg6[%add3A_25, %dma_start3A_172] : memref<10240x128xf32, #tpu.memory_space<vmem_shared>> -> memref<40x128xf32, #tpu.memory_space<vmem_shared>>
      %dma_start3A_174 = arith.constant 0 : i32
      %dma_start3A_175 = tpu.memref_slice %arg6[%add3A_25, %dma_start3A_174] : memref<10240x128xf32, #tpu.memory_space<vmem_shared>> -> memref<40x128xf32, #tpu.memory_space<vmem_shared>>
      %dma_start3A_176 = arith.constant 0 : i32
      %dma_start3A_177 = arith.constant 0 : i32
      %dma_start3A_178 = tpu.memref_slice %arg7[%dma_start3A_176, %dma_start3A_177] : memref<40x128xf32, #tpu.memory_space<vmem>> -> memref<40x128xf32, #tpu.memory_space<vmem>>
      tpu.enqueue_dma source(%dma_start3A_178 : memref<40x128xf32, #tpu.memory_space<vmem>>) target(%dma_start3A_175 : memref<40x128xf32, #tpu.memory_space<vmem_shared>>) target_semaphore(%run_scoped3A_168 : memref<!tpu.dma_semaphore, #tpu.memory_space<semaphore_mem>>)
      %dma_wait3A_179 = arith.constant 0 : i32
      %dma_wait3A_180 = arith.constant 0 : i32
      %dma_wait3A_181 = tpu.memref_slice %arg7[%dma_wait3A_179, %dma_wait3A_180] : memref<40x128xf32, #tpu.memory_space<vmem>> -> memref<40x128xf32, #tpu.memory_space<vmem>>
      %dma_wait3A_182 = arith.constant 0 : i32
      %dma_wait3A_183 = tpu.memref_slice %arg6[%add3A_25, %dma_wait3A_182] : memref<10240x128xf32, #tpu.memory_space<vmem_shared>> -> memref<40x128xf32, #tpu.memory_space<vmem_shared>>
      %dma_wait3A_184 = arith.constant 0 : i32
      %dma_wait3A_185 = tpu.memref_slice %arg6[%add3A_25, %dma_wait3A_184] : memref<10240x128xf32, #tpu.memory_space<vmem_shared>> -> memref<40x128xf32, #tpu.memory_space<vmem_shared>>
      %dma_wait3A_186 = arith.constant 0 : i32
      %dma_wait3A_187 = arith.constant 0 : i32
      %dma_wait3A_188 = tpu.memref_slice %arg7[%dma_wait3A_186, %dma_wait3A_187] : memref<40x128xf32, #tpu.memory_space<vmem>> -> memref<40x128xf32, #tpu.memory_space<vmem>>
      tpu.wait_dma2 semaphore(%run_scoped3A_168 : memref<!tpu.dma_semaphore, #tpu.memory_space<semaphore_mem>>) src(%dma_wait3A_188 : memref<40x128xf32, #tpu.memory_space<vmem>>) dst(%dma_wait3A_185 : memref<40x128xf32, #tpu.memory_space<vmem_shared>>)
      tpu.yield
    }) : () -> ()
    %add3A_26 = arith.constant 320 : i32
    %add3A_27 = arith.addi %mul3A_9, %add3A_26 : i32
    "tpu.region"() ({
      %run_scoped3A_168 = tpu.sem_alloc : memref<!tpu.dma_semaphore, #tpu.memory_space<semaphore_mem>>
      %dma_start3A_169 = arith.constant 0 : i32
      %dma_start3A_170 = arith.constant 0 : i32
      %dma_start3A_171 = tpu.memref_slice %arg7[%dma_start3A_169, %dma_start3A_170] : memref<40x128xf32, #tpu.memory_space<vmem>> -> memref<40x128xf32, #tpu.memory_space<vmem>>
      %dma_start3A_172 = arith.constant 0 : i32
      %dma_start3A_173 = tpu.memref_slice %arg6[%add3A_27, %dma_start3A_172] : memref<10240x128xf32, #tpu.memory_space<vmem_shared>> -> memref<40x128xf32, #tpu.memory_space<vmem_shared>>
      %dma_start3A_174 = arith.constant 0 : i32
      %dma_start3A_175 = tpu.memref_slice %arg6[%add3A_27, %dma_start3A_174] : memref<10240x128xf32, #tpu.memory_space<vmem_shared>> -> memref<40x128xf32, #tpu.memory_space<vmem_shared>>
      %dma_start3A_176 = arith.constant 0 : i32
      %dma_start3A_177 = arith.constant 0 : i32
      %dma_start3A_178 = tpu.memref_slice %arg7[%dma_start3A_176, %dma_start3A_177] : memref<40x128xf32, #tpu.memory_space<vmem>> -> memref<40x128xf32, #tpu.memory_space<vmem>>
      tpu.enqueue_dma source(%dma_start3A_178 : memref<40x128xf32, #tpu.memory_space<vmem>>) target(%dma_start3A_175 : memref<40x128xf32, #tpu.memory_space<vmem_shared>>) target_semaphore(%run_scoped3A_168 : memref<!tpu.dma_semaphore, #tpu.memory_space<semaphore_mem>>)
      %dma_wait3A_179 = arith.constant 0 : i32
      %dma_wait3A_180 = arith.constant 0 : i32
      %dma_wait3A_181 = tpu.memref_slice %arg7[%dma_wait3A_179, %dma_wait3A_180] : memref<40x128xf32, #tpu.memory_space<vmem>> -> memref<40x128xf32, #tpu.memory_space<vmem>>
      %dma_wait3A_182 = arith.constant 0 : i32
      %dma_wait3A_183 = tpu.memref_slice %arg6[%add3A_27, %dma_wait3A_182] : memref<10240x128xf32, #tpu.memory_space<vmem_shared>> -> memref<40x128xf32, #tpu.memory_space<vmem_shared>>
      %dma_wait3A_184 = arith.constant 0 : i32
      %dma_wait3A_185 = tpu.memref_slice %arg6[%add3A_27, %dma_wait3A_184] : memref<10240x128xf32, #tpu.memory_space<vmem_shared>> -> memref<40x128xf32, #tpu.memory_space<vmem_shared>>
      %dma_wait3A_186 = arith.constant 0 : i32
      %dma_wait3A_187 = arith.constant 0 : i32
      %dma_wait3A_188 = tpu.memref_slice %arg7[%dma_wait3A_186, %dma_wait3A_187] : memref<40x128xf32, #tpu.memory_space<vmem>> -> memref<40x128xf32, #tpu.memory_space<vmem>>
      tpu.wait_dma2 semaphore(%run_scoped3A_168 : memref<!tpu.dma_semaphore, #tpu.memory_space<semaphore_mem>>) src(%dma_wait3A_188 : memref<40x128xf32, #tpu.memory_space<vmem>>) dst(%dma_wait3A_185 : memref<40x128xf32, #tpu.memory_space<vmem_shared>>)
      tpu.yield
    }) : () -> ()
    %add3A_28 = arith.constant 360 : i32
    %add3A_29 = arith.addi %mul3A_9, %add3A_28 : i32
    "tpu.region"() ({
      %run_scoped3A_168 = tpu.sem_alloc : memref<!tpu.dma_semaphore, #tpu.memory_space<semaphore_mem>>
      %dma_start3A_169 = arith.constant 0 : i32
      %dma_start3A_170 = arith.constant 0 : i32
      %dma_start3A_171 = tpu.memref_slice %arg7[%dma_start3A_169, %dma_start3A_170] : memref<40x128xf32, #tpu.memory_space<vmem>> -> memref<40x128xf32, #tpu.memory_space<vmem>>
      %dma_start3A_172 = arith.constant 0 : i32
      %dma_start3A_173 = tpu.memref_slice %arg6[%add3A_29, %dma_start3A_172] : memref<10240x128xf32, #tpu.memory_space<vmem_shared>> -> memref<40x128xf32, #tpu.memory_space<vmem_shared>>
      %dma_start3A_174 = arith.constant 0 : i32
      %dma_start3A_175 = tpu.memref_slice %arg6[%add3A_29, %dma_start3A_174] : memref<10240x128xf32, #tpu.memory_space<vmem_shared>> -> memref<40x128xf32, #tpu.memory_space<vmem_shared>>
      %dma_start3A_176 = arith.constant 0 : i32
      %dma_start3A_177 = arith.constant 0 : i32
      %dma_start3A_178 = tpu.memref_slice %arg7[%dma_start3A_176, %dma_start3A_177] : memref<40x128xf32, #tpu.memory_space<vmem>> -> memref<40x128xf32, #tpu.memory_space<vmem>>
      tpu.enqueue_dma source(%dma_start3A_178 : memref<40x128xf32, #tpu.memory_space<vmem>>) target(%dma_start3A_175 : memref<40x128xf32, #tpu.memory_space<vmem_shared>>) target_semaphore(%run_scoped3A_168 : memref<!tpu.dma_semaphore, #tpu.memory_space<semaphore_mem>>)
      %dma_wait3A_179 = arith.constant 0 : i32
      %dma_wait3A_180 = arith.constant 0 : i32
      %dma_wait3A_181 = tpu.memref_slice %arg7[%dma_wait3A_179, %dma_wait3A_180] : memref<40x128xf32, #tpu.memory_space<vmem>> -> memref<40x128xf32, #tpu.memory_space<vmem>>
      %dma_wait3A_182 = arith.constant 0 : i32
      %dma_wait3A_183 = tpu.memref_slice %arg6[%add3A_29, %dma_wait3A_182] : memref<10240x128xf32, #tpu.memory_space<vmem_shared>> -> memref<40x128xf32, #tpu.memory_space<vmem_shared>>
      %dma_wait3A_184 = arith.constant 0 : i32
      %dma_wait3A_185 = tpu.memref_slice %arg6[%add3A_29, %dma_wait3A_184] : memref<10240x128xf32, #tpu.memory_space<vmem_shared>> -> memref<40x128xf32, #tpu.memory_space<vmem_shared>>
      %dma_wait3A_186 = arith.constant 0 : i32
      %dma_wait3A_187 = arith.constant 0 : i32
      %dma_wait3A_188 = tpu.memref_slice %arg7[%dma_wait3A_186, %dma_wait3A_187] : memref<40x128xf32, #tpu.memory_space<vmem>> -> memref<40x128xf32, #tpu.memory_space<vmem>>
      tpu.wait_dma2 semaphore(%run_scoped3A_168 : memref<!tpu.dma_semaphore, #tpu.memory_space<semaphore_mem>>) src(%dma_wait3A_188 : memref<40x128xf32, #tpu.memory_space<vmem>>) dst(%dma_wait3A_185 : memref<40x128xf32, #tpu.memory_space<vmem_shared>>)
      tpu.yield
    }) : () -> ()
    %add3A_30 = arith.constant 400 : i32
    %add3A_31 = arith.addi %mul3A_9, %add3A_30 : i32
    "tpu.region"() ({
      %run_scoped3A_168 = tpu.sem_alloc : memref<!tpu.dma_semaphore, #tpu.memory_space<semaphore_mem>>
      %dma_start3A_169 = arith.constant 0 : i32
      %dma_start3A_170 = arith.constant 0 : i32
      %dma_start3A_171 = tpu.memref_slice %arg7[%dma_start3A_169, %dma_start3A_170] : memref<40x128xf32, #tpu.memory_space<vmem>> -> memref<40x128xf32, #tpu.memory_space<vmem>>
      %dma_start3A_172 = arith.constant 0 : i32
      %dma_start3A_173 = tpu.memref_slice %arg6[%add3A_31, %dma_start3A_172] : memref<10240x128xf32, #tpu.memory_space<vmem_shared>> -> memref<40x128xf32, #tpu.memory_space<vmem_shared>>
      %dma_start3A_174 = arith.constant 0 : i32
      %dma_start3A_175 = tpu.memref_slice %arg6[%add3A_31, %dma_start3A_174] : memref<10240x128xf32, #tpu.memory_space<vmem_shared>> -> memref<40x128xf32, #tpu.memory_space<vmem_shared>>
      %dma_start3A_176 = arith.constant 0 : i32
      %dma_start3A_177 = arith.constant 0 : i32
      %dma_start3A_178 = tpu.memref_slice %arg7[%dma_start3A_176, %dma_start3A_177] : memref<40x128xf32, #tpu.memory_space<vmem>> -> memref<40x128xf32, #tpu.memory_space<vmem>>
      tpu.enqueue_dma source(%dma_start3A_178 : memref<40x128xf32, #tpu.memory_space<vmem>>) target(%dma_start3A_175 : memref<40x128xf32, #tpu.memory_space<vmem_shared>>) target_semaphore(%run_scoped3A_168 : memref<!tpu.dma_semaphore, #tpu.memory_space<semaphore_mem>>)
      %dma_wait3A_179 = arith.constant 0 : i32
      %dma_wait3A_180 = arith.constant 0 : i32
      %dma_wait3A_181 = tpu.memref_slice %arg7[%dma_wait3A_179, %dma_wait3A_180] : memref<40x128xf32, #tpu.memory_space<vmem>> -> memref<40x128xf32, #tpu.memory_space<vmem>>
      %dma_wait3A_182 = arith.constant 0 : i32
      %dma_wait3A_183 = tpu.memref_slice %arg6[%add3A_31, %dma_wait3A_182] : memref<10240x128xf32, #tpu.memory_space<vmem_shared>> -> memref<40x128xf32, #tpu.memory_space<vmem_shared>>
      %dma_wait3A_184 = arith.constant 0 : i32
      %dma_wait3A_185 = tpu.memref_slice %arg6[%add3A_31, %dma_wait3A_184] : memref<10240x128xf32, #tpu.memory_space<vmem_shared>> -> memref<40x128xf32, #tpu.memory_space<vmem_shared>>
      %dma_wait3A_186 = arith.constant 0 : i32
      %dma_wait3A_187 = arith.constant 0 : i32
      %dma_wait3A_188 = tpu.memref_slice %arg7[%dma_wait3A_186, %dma_wait3A_187] : memref<40x128xf32, #tpu.memory_space<vmem>> -> memref<40x128xf32, #tpu.memory_space<vmem>>
      tpu.wait_dma2 semaphore(%run_scoped3A_168 : memref<!tpu.dma_semaphore, #tpu.memory_space<semaphore_mem>>) src(%dma_wait3A_188 : memref<40x128xf32, #tpu.memory_space<vmem>>) dst(%dma_wait3A_185 : memref<40x128xf32, #tpu.memory_space<vmem_shared>>)
      tpu.yield
    }) : () -> ()
    %add3A_32 = arith.constant 440 : i32
    %add3A_33 = arith.addi %mul3A_9, %add3A_32 : i32
    "tpu.region"() ({
      %run_scoped3A_168 = tpu.sem_alloc : memref<!tpu.dma_semaphore, #tpu.memory_space<semaphore_mem>>
      %dma_start3A_169 = arith.constant 0 : i32
      %dma_start3A_170 = arith.constant 0 : i32
      %dma_start3A_171 = tpu.memref_slice %arg7[%dma_start3A_169, %dma_start3A_170] : memref<40x128xf32, #tpu.memory_space<vmem>> -> memref<40x128xf32, #tpu.memory_space<vmem>>
      %dma_start3A_172 = arith.constant 0 : i32
      %dma_start3A_173 = tpu.memref_slice %arg6[%add3A_33, %dma_start3A_172] : memref<10240x128xf32, #tpu.memory_space<vmem_shared>> -> memref<40x128xf32, #tpu.memory_space<vmem_shared>>
      %dma_start3A_174 = arith.constant 0 : i32
      %dma_start3A_175 = tpu.memref_slice %arg6[%add3A_33, %dma_start3A_174] : memref<10240x128xf32, #tpu.memory_space<vmem_shared>> -> memref<40x128xf32, #tpu.memory_space<vmem_shared>>
      %dma_start3A_176 = arith.constant 0 : i32
      %dma_start3A_177 = arith.constant 0 : i32
      %dma_start3A_178 = tpu.memref_slice %arg7[%dma_start3A_176, %dma_start3A_177] : memref<40x128xf32, #tpu.memory_space<vmem>> -> memref<40x128xf32, #tpu.memory_space<vmem>>
      tpu.enqueue_dma source(%dma_start3A_178 : memref<40x128xf32, #tpu.memory_space<vmem>>) target(%dma_start3A_175 : memref<40x128xf32, #tpu.memory_space<vmem_shared>>) target_semaphore(%run_scoped3A_168 : memref<!tpu.dma_semaphore, #tpu.memory_space<semaphore_mem>>)
      %dma_wait3A_179 = arith.constant 0 : i32
      %dma_wait3A_180 = arith.constant 0 : i32
      %dma_wait3A_181 = tpu.memref_slice %arg7[%dma_wait3A_179, %dma_wait3A_180] : memref<40x128xf32, #tpu.memory_space<vmem>> -> memref<40x128xf32, #tpu.memory_space<vmem>>
      %dma_wait3A_182 = arith.constant 0 : i32
      %dma_wait3A_183 = tpu.memref_slice %arg6[%add3A_33, %dma_wait3A_182] : memref<10240x128xf32, #tpu.memory_space<vmem_shared>> -> memref<40x128xf32, #tpu.memory_space<vmem_shared>>
      %dma_wait3A_184 = arith.constant 0 : i32
      %dma_wait3A_185 = tpu.memref_slice %arg6[%add3A_33, %dma_wait3A_184] : memref<10240x128xf32, #tpu.memory_space<vmem_shared>> -> memref<40x128xf32, #tpu.memory_space<vmem_shared>>
      %dma_wait3A_186 = arith.constant 0 : i32
      %dma_wait3A_187 = arith.constant 0 : i32
      %dma_wait3A_188 = tpu.memref_slice %arg7[%dma_wait3A_186, %dma_wait3A_187] : memref<40x128xf32, #tpu.memory_space<vmem>> -> memref<40x128xf32, #tpu.memory_space<vmem>>
      tpu.wait_dma2 semaphore(%run_scoped3A_168 : memref<!tpu.dma_semaphore, #tpu.memory_space<semaphore_mem>>) src(%dma_wait3A_188 : memref<40x128xf32, #tpu.memory_space<vmem>>) dst(%dma_wait3A_185 : memref<40x128xf32, #tpu.memory_space<vmem_shared>>)
      tpu.yield
    }) : () -> ()
    %add3A_34 = arith.constant 480 : i32
    %add3A_35 = arith.addi %mul3A_9, %add3A_34 : i32
    "tpu.region"() ({
      %run_scoped3A_168 = tpu.sem_alloc : memref<!tpu.dma_semaphore, #tpu.memory_space<semaphore_mem>>
      %dma_start3A_169 = arith.constant 0 : i32
      %dma_start3A_170 = arith.constant 0 : i32
      %dma_start3A_171 = tpu.memref_slice %arg7[%dma_start3A_169, %dma_start3A_170] : memref<40x128xf32, #tpu.memory_space<vmem>> -> memref<40x128xf32, #tpu.memory_space<vmem>>
      %dma_start3A_172 = arith.constant 0 : i32
      %dma_start3A_173 = tpu.memref_slice %arg6[%add3A_35, %dma_start3A_172] : memref<10240x128xf32, #tpu.memory_space<vmem_shared>> -> memref<40x128xf32, #tpu.memory_space<vmem_shared>>
      %dma_start3A_174 = arith.constant 0 : i32
      %dma_start3A_175 = tpu.memref_slice %arg6[%add3A_35, %dma_start3A_174] : memref<10240x128xf32, #tpu.memory_space<vmem_shared>> -> memref<40x128xf32, #tpu.memory_space<vmem_shared>>
      %dma_start3A_176 = arith.constant 0 : i32
      %dma_start3A_177 = arith.constant 0 : i32
      %dma_start3A_178 = tpu.memref_slice %arg7[%dma_start3A_176, %dma_start3A_177] : memref<40x128xf32, #tpu.memory_space<vmem>> -> memref<40x128xf32, #tpu.memory_space<vmem>>
      tpu.enqueue_dma source(%dma_start3A_178 : memref<40x128xf32, #tpu.memory_space<vmem>>) target(%dma_start3A_175 : memref<40x128xf32, #tpu.memory_space<vmem_shared>>) target_semaphore(%run_scoped3A_168 : memref<!tpu.dma_semaphore, #tpu.memory_space<semaphore_mem>>)
      %dma_wait3A_179 = arith.constant 0 : i32
      %dma_wait3A_180 = arith.constant 0 : i32
      %dma_wait3A_181 = tpu.memref_slice %arg7[%dma_wait3A_179, %dma_wait3A_180] : memref<40x128xf32, #tpu.memory_space<vmem>> -> memref<40x128xf32, #tpu.memory_space<vmem>>
      %dma_wait3A_182 = arith.constant 0 : i32
      %dma_wait3A_183 = tpu.memref_slice %arg6[%add3A_35, %dma_wait3A_182] : memref<10240x128xf32, #tpu.memory_space<vmem_shared>> -> memref<40x128xf32, #tpu.memory_space<vmem_shared>>
      %dma_wait3A_184 = arith.constant 0 : i32
      %dma_wait3A_185 = tpu.memref_slice %arg6[%add3A_35, %dma_wait3A_184] : memref<10240x128xf32, #tpu.memory_space<vmem_shared>> -> memref<40x128xf32, #tpu.memory_space<vmem_shared>>
      %dma_wait3A_186 = arith.constant 0 : i32
      %dma_wait3A_187 = arith.constant 0 : i32
      %dma_wait3A_188 = tpu.memref_slice %arg7[%dma_wait3A_186, %dma_wait3A_187] : memref<40x128xf32, #tpu.memory_space<vmem>> -> memref<40x128xf32, #tpu.memory_space<vmem>>
      tpu.wait_dma2 semaphore(%run_scoped3A_168 : memref<!tpu.dma_semaphore, #tpu.memory_space<semaphore_mem>>) src(%dma_wait3A_188 : memref<40x128xf32, #tpu.memory_space<vmem>>) dst(%dma_wait3A_185 : memref<40x128xf32, #tpu.memory_space<vmem_shared>>)
      tpu.yield
    }) : () -> ()
    %add3A_36 = arith.constant 520 : i32
    %add3A_37 = arith.addi %mul3A_9, %add3A_36 : i32
    "tpu.region"() ({
      %run_scoped3A_168 = tpu.sem_alloc : memref<!tpu.dma_semaphore, #tpu.memory_space<semaphore_mem>>
      %dma_start3A_169 = arith.constant 0 : i32
      %dma_start3A_170 = arith.constant 0 : i32
      %dma_start3A_171 = tpu.memref_slice %arg7[%dma_start3A_169, %dma_start3A_170] : memref<40x128xf32, #tpu.memory_space<vmem>> -> memref<40x128xf32, #tpu.memory_space<vmem>>
      %dma_start3A_172 = arith.constant 0 : i32
      %dma_start3A_173 = tpu.memref_slice %arg6[%add3A_37, %dma_start3A_172] : memref<10240x128xf32, #tpu.memory_space<vmem_shared>> -> memref<40x128xf32, #tpu.memory_space<vmem_shared>>
      %dma_start3A_174 = arith.constant 0 : i32
      %dma_start3A_175 = tpu.memref_slice %arg6[%add3A_37, %dma_start3A_174] : memref<10240x128xf32, #tpu.memory_space<vmem_shared>> -> memref<40x128xf32, #tpu.memory_space<vmem_shared>>
      %dma_start3A_176 = arith.constant 0 : i32
      %dma_start3A_177 = arith.constant 0 : i32
      %dma_start3A_178 = tpu.memref_slice %arg7[%dma_start3A_176, %dma_start3A_177] : memref<40x128xf32, #tpu.memory_space<vmem>> -> memref<40x128xf32, #tpu.memory_space<vmem>>
      tpu.enqueue_dma source(%dma_start3A_178 : memref<40x128xf32, #tpu.memory_space<vmem>>) target(%dma_start3A_175 : memref<40x128xf32, #tpu.memory_space<vmem_shared>>) target_semaphore(%run_scoped3A_168 : memref<!tpu.dma_semaphore, #tpu.memory_space<semaphore_mem>>)
      %dma_wait3A_179 = arith.constant 0 : i32
      %dma_wait3A_180 = arith.constant 0 : i32
      %dma_wait3A_181 = tpu.memref_slice %arg7[%dma_wait3A_179, %dma_wait3A_180] : memref<40x128xf32, #tpu.memory_space<vmem>> -> memref<40x128xf32, #tpu.memory_space<vmem>>
      %dma_wait3A_182 = arith.constant 0 : i32
      %dma_wait3A_183 = tpu.memref_slice %arg6[%add3A_37, %dma_wait3A_182] : memref<10240x128xf32, #tpu.memory_space<vmem_shared>> -> memref<40x128xf32, #tpu.memory_space<vmem_shared>>
      %dma_wait3A_184 = arith.constant 0 : i32
      %dma_wait3A_185 = tpu.memref_slice %arg6[%add3A_37, %dma_wait3A_184] : memref<10240x128xf32, #tpu.memory_space<vmem_shared>> -> memref<40x128xf32, #tpu.memory_space<vmem_shared>>
      %dma_wait3A_186 = arith.constant 0 : i32
      %dma_wait3A_187 = arith.constant 0 : i32
      %dma_wait3A_188 = tpu.memref_slice %arg7[%dma_wait3A_186, %dma_wait3A_187] : memref<40x128xf32, #tpu.memory_space<vmem>> -> memref<40x128xf32, #tpu.memory_space<vmem>>
      tpu.wait_dma2 semaphore(%run_scoped3A_168 : memref<!tpu.dma_semaphore, #tpu.memory_space<semaphore_mem>>) src(%dma_wait3A_188 : memref<40x128xf32, #tpu.memory_space<vmem>>) dst(%dma_wait3A_185 : memref<40x128xf32, #tpu.memory_space<vmem_shared>>)
      tpu.yield
    }) : () -> ()
    %add3A_38 = arith.constant 560 : i32
    %add3A_39 = arith.addi %mul3A_9, %add3A_38 : i32
    "tpu.region"() ({
      %run_scoped3A_168 = tpu.sem_alloc : memref<!tpu.dma_semaphore, #tpu.memory_space<semaphore_mem>>
      %dma_start3A_169 = arith.constant 0 : i32
      %dma_start3A_170 = arith.constant 0 : i32
      %dma_start3A_171 = tpu.memref_slice %arg7[%dma_start3A_169, %dma_start3A_170] : memref<40x128xf32, #tpu.memory_space<vmem>> -> memref<40x128xf32, #tpu.memory_space<vmem>>
      %dma_start3A_172 = arith.constant 0 : i32
      %dma_start3A_173 = tpu.memref_slice %arg6[%add3A_39, %dma_start3A_172] : memref<10240x128xf32, #tpu.memory_space<vmem_shared>> -> memref<40x128xf32, #tpu.memory_space<vmem_shared>>
      %dma_start3A_174 = arith.constant 0 : i32
      %dma_start3A_175 = tpu.memref_slice %arg6[%add3A_39, %dma_start3A_174] : memref<10240x128xf32, #tpu.memory_space<vmem_shared>> -> memref<40x128xf32, #tpu.memory_space<vmem_shared>>
      %dma_start3A_176 = arith.constant 0 : i32
      %dma_start3A_177 = arith.constant 0 : i32
      %dma_start3A_178 = tpu.memref_slice %arg7[%dma_start3A_176, %dma_start3A_177] : memref<40x128xf32, #tpu.memory_space<vmem>> -> memref<40x128xf32, #tpu.memory_space<vmem>>
      tpu.enqueue_dma source(%dma_start3A_178 : memref<40x128xf32, #tpu.memory_space<vmem>>) target(%dma_start3A_175 : memref<40x128xf32, #tpu.memory_space<vmem_shared>>) target_semaphore(%run_scoped3A_168 : memref<!tpu.dma_semaphore, #tpu.memory_space<semaphore_mem>>)
      %dma_wait3A_179 = arith.constant 0 : i32
      %dma_wait3A_180 = arith.constant 0 : i32
      %dma_wait3A_181 = tpu.memref_slice %arg7[%dma_wait3A_179, %dma_wait3A_180] : memref<40x128xf32, #tpu.memory_space<vmem>> -> memref<40x128xf32, #tpu.memory_space<vmem>>
      %dma_wait3A_182 = arith.constant 0 : i32
      %dma_wait3A_183 = tpu.memref_slice %arg6[%add3A_39, %dma_wait3A_182] : memref<10240x128xf32, #tpu.memory_space<vmem_shared>> -> memref<40x128xf32, #tpu.memory_space<vmem_shared>>
      %dma_wait3A_184 = arith.constant 0 : i32
      %dma_wait3A_185 = tpu.memref_slice %arg6[%add3A_39, %dma_wait3A_184] : memref<10240x128xf32, #tpu.memory_space<vmem_shared>> -> memref<40x128xf32, #tpu.memory_space<vmem_shared>>
      %dma_wait3A_186 = arith.constant 0 : i32
      %dma_wait3A_187 = arith.constant 0 : i32
      %dma_wait3A_188 = tpu.memref_slice %arg7[%dma_wait3A_186, %dma_wait3A_187] : memref<40x128xf32, #tpu.memory_space<vmem>> -> memref<40x128xf32, #tpu.memory_space<vmem>>
      tpu.wait_dma2 semaphore(%run_scoped3A_168 : memref<!tpu.dma_semaphore, #tpu.memory_space<semaphore_mem>>) src(%dma_wait3A_188 : memref<40x128xf32, #tpu.memory_space<vmem>>) dst(%dma_wait3A_185 : memref<40x128xf32, #tpu.memory_space<vmem_shared>>)
      tpu.yield
    }) : () -> ()
    %add3A_40 = arith.constant 600 : i32
    %add3A_41 = arith.addi %mul3A_9, %add3A_40 : i32
    "tpu.region"() ({
      %run_scoped3A_168 = tpu.sem_alloc : memref<!tpu.dma_semaphore, #tpu.memory_space<semaphore_mem>>
      %dma_start3A_169 = arith.constant 0 : i32
      %dma_start3A_170 = arith.constant 0 : i32
      %dma_start3A_171 = tpu.memref_slice %arg7[%dma_start3A_169, %dma_start3A_170] : memref<40x128xf32, #tpu.memory_space<vmem>> -> memref<40x128xf32, #tpu.memory_space<vmem>>
      %dma_start3A_172 = arith.constant 0 : i32
      %dma_start3A_173 = tpu.memref_slice %arg6[%add3A_41, %dma_start3A_172] : memref<10240x128xf32, #tpu.memory_space<vmem_shared>> -> memref<40x128xf32, #tpu.memory_space<vmem_shared>>
      %dma_start3A_174 = arith.constant 0 : i32
      %dma_start3A_175 = tpu.memref_slice %arg6[%add3A_41, %dma_start3A_174] : memref<10240x128xf32, #tpu.memory_space<vmem_shared>> -> memref<40x128xf32, #tpu.memory_space<vmem_shared>>
      %dma_start3A_176 = arith.constant 0 : i32
      %dma_start3A_177 = arith.constant 0 : i32
      %dma_start3A_178 = tpu.memref_slice %arg7[%dma_start3A_176, %dma_start3A_177] : memref<40x128xf32, #tpu.memory_space<vmem>> -> memref<40x128xf32, #tpu.memory_space<vmem>>
      tpu.enqueue_dma source(%dma_start3A_178 : memref<40x128xf32, #tpu.memory_space<vmem>>) target(%dma_start3A_175 : memref<40x128xf32, #tpu.memory_space<vmem_shared>>) target_semaphore(%run_scoped3A_168 : memref<!tpu.dma_semaphore, #tpu.memory_space<semaphore_mem>>)
      %dma_wait3A_179 = arith.constant 0 : i32
      %dma_wait3A_180 = arith.constant 0 : i32
      %dma_wait3A_181 = tpu.memref_slice %arg7[%dma_wait3A_179, %dma_wait3A_180] : memref<40x128xf32, #tpu.memory_space<vmem>> -> memref<40x128xf32, #tpu.memory_space<vmem>>
      %dma_wait3A_182 = arith.constant 0 : i32
      %dma_wait3A_183 = tpu.memref_slice %arg6[%add3A_41, %dma_wait3A_182] : memref<10240x128xf32, #tpu.memory_space<vmem_shared>> -> memref<40x128xf32, #tpu.memory_space<vmem_shared>>
      %dma_wait3A_184 = arith.constant 0 : i32
      %dma_wait3A_185 = tpu.memref_slice %arg6[%add3A_41, %dma_wait3A_184] : memref<10240x128xf32, #tpu.memory_space<vmem_shared>> -> memref<40x128xf32, #tpu.memory_space<vmem_shared>>
      %dma_wait3A_186 = arith.constant 0 : i32
      %dma_wait3A_187 = arith.constant 0 : i32
      %dma_wait3A_188 = tpu.memref_slice %arg7[%dma_wait3A_186, %dma_wait3A_187] : memref<40x128xf32, #tpu.memory_space<vmem>> -> memref<40x128xf32, #tpu.memory_space<vmem>>
      tpu.wait_dma2 semaphore(%run_scoped3A_168 : memref<!tpu.dma_semaphore, #tpu.memory_space<semaphore_mem>>) src(%dma_wait3A_188 : memref<40x128xf32, #tpu.memory_space<vmem>>) dst(%dma_wait3A_185 : memref<40x128xf32, #tpu.memory_space<vmem_shared>>)
      tpu.yield
    }) : () -> ()
    %mul3A_42 = arith.constant 5000 : i32
    %mul3A_43 = arith.muli %add3A, %mul3A_42 : i32
    "tpu.region"() ({
      %run_scoped3A_168 = tpu.sem_alloc : memref<!tpu.dma_semaphore, #tpu.memory_space<semaphore_mem>>
      %dma_start3A_169 = tpu.memref_slice %arg3[%mul3A_43] : memref<160000xi32, #tpu.memory_space<hbm>> -> memref<5000xi32, #tpu.memory_space<hbm>>
      %dma_start3A_170 = tpu.memref_slice %arg3[%mul3A_43] : memref<160000xi32, #tpu.memory_space<hbm>> -> memref<5000xi32, #tpu.memory_space<hbm>>
      tpu.enqueue_dma source(%dma_start3A_170 : memref<5000xi32, #tpu.memory_space<hbm>>) target(%arg11 : memref<5000xi32, #tpu.memory_space<vmem>>) target_semaphore(%run_scoped3A_168 : memref<!tpu.dma_semaphore, #tpu.memory_space<semaphore_mem>>)
      %dma_wait3A_171 = tpu.memref_slice %arg3[%mul3A_43] : memref<160000xi32, #tpu.memory_space<hbm>> -> memref<5000xi32, #tpu.memory_space<hbm>>
      %dma_wait3A_172 = tpu.memref_slice %arg3[%mul3A_43] : memref<160000xi32, #tpu.memory_space<hbm>> -> memref<5000xi32, #tpu.memory_space<hbm>>
      tpu.wait_dma2 semaphore(%run_scoped3A_168 : memref<!tpu.dma_semaphore, #tpu.memory_space<semaphore_mem>>) src(%dma_wait3A_172 : memref<5000xi32, #tpu.memory_space<hbm>>) dst(%arg11 : memref<5000xi32, #tpu.memory_space<vmem>>)
      tpu.yield
    }) : () -> ()
    "tpu.region"() ({
      %run_scoped3A_168 = tpu.sem_alloc : memref<!tpu.dma_semaphore, #tpu.memory_space<semaphore_mem>>
      %dma_start3A_169 = arith.constant 0 : i32
      %dma_start3A_170 = arith.constant 0 : i32
      %dma_start3A_171 = tpu.memref_slice %arg4[%add3A, %dma_start3A_169, %dma_start3A_170] : memref<32x125x40xi32, #tpu.memory_space<hbm>> -> memref<1x125x40xi32, #tpu.memory_space<hbm>>
      %dma_start3A_172 = tpu.memref_squeeze %dma_start3A_171 : memref<1x125x40xi32, #tpu.memory_space<hbm>> -> memref<125x40xi32, #tpu.memory_space<hbm>>
      %dma_start3A_173 = arith.constant 0 : i32
      %dma_start3A_174 = arith.constant 0 : i32
      %dma_start3A_175 = tpu.memref_slice %arg4[%add3A, %dma_start3A_173, %dma_start3A_174] : memref<32x125x40xi32, #tpu.memory_space<hbm>> -> memref<1x125x40xi32, #tpu.memory_space<hbm>>
      %dma_start3A_176 = tpu.memref_squeeze %dma_start3A_175 : memref<1x125x40xi32, #tpu.memory_space<hbm>> -> memref<125x40xi32, #tpu.memory_space<hbm>>
      tpu.enqueue_dma source(%dma_start3A_176 : memref<125x40xi32, #tpu.memory_space<hbm>>) target(%arg12 : memref<125x40xi32, #tpu.memory_space<vmem>>) target_semaphore(%run_scoped3A_168 : memref<!tpu.dma_semaphore, #tpu.memory_space<semaphore_mem>>)
      %dma_wait3A_177 = arith.constant 0 : i32
      %dma_wait3A_178 = arith.constant 0 : i32
      %dma_wait3A_179 = tpu.memref_slice %arg4[%add3A, %dma_wait3A_177, %dma_wait3A_178] : memref<32x125x40xi32, #tpu.memory_space<hbm>> -> memref<1x125x40xi32, #tpu.memory_space<hbm>>
      %dma_wait3A_180 = tpu.memref_squeeze %dma_wait3A_179 : memref<1x125x40xi32, #tpu.memory_space<hbm>> -> memref<125x40xi32, #tpu.memory_space<hbm>>
      %dma_wait3A_181 = arith.constant 0 : i32
      %dma_wait3A_182 = arith.constant 0 : i32
      %dma_wait3A_183 = tpu.memref_slice %arg4[%add3A, %dma_wait3A_181, %dma_wait3A_182] : memref<32x125x40xi32, #tpu.memory_space<hbm>> -> memref<1x125x40xi32, #tpu.memory_space<hbm>>
      %dma_wait3A_184 = tpu.memref_squeeze %dma_wait3A_183 : memref<1x125x40xi32, #tpu.memory_space<hbm>> -> memref<125x40xi32, #tpu.memory_space<hbm>>
      tpu.wait_dma2 semaphore(%run_scoped3A_168 : memref<!tpu.dma_semaphore, #tpu.memory_space<semaphore_mem>>) src(%dma_wait3A_184 : memref<125x40xi32, #tpu.memory_space<hbm>>) dst(%arg12 : memref<125x40xi32, #tpu.memory_space<vmem>>)
      tpu.yield
    }) : () -> ()
    %barrier3A = arith.constant 0 : index
    tpu.barrier barrier_id(%barrier3A)
    %dma_start3A = arith.constant 0 : i32
    %dma_start3A_44 = tpu.memref_slice %arg11[%dma_start3A] : memref<5000xi32, #tpu.memory_space<vmem>> -> memref<40xi32, #tpu.memory_space<vmem>>
    %dma_start3A_45 = arith.constant 0 : i32
    %dma_start3A_46 = arith.constant 0 : i32
    %dma_start3A_47 = tpu.memref_slice %arg2[%dma_start3A_45, %dma_start3A_46] : memref<10000x128xf32, #tpu.memory_space<hbm>> -> memref<10000x128xf32, #tpu.memory_space<hbm>>
    tpu.enqueue_indirect_dma source(%dma_start3A_47 : memref<10000x128xf32, #tpu.memory_space<hbm>>) target(%arg7 : memref<40x128xf32, #tpu.memory_space<vmem>>) offsets(%dma_start3A_44 : memref<40xi32, #tpu.memory_space<vmem>>) semaphore(%arg13 : memref<!tpu.dma_semaphore, #tpu.memory_space<semaphore_mem>>)
    %dma_start3A_48 = arith.constant 40 : i32
    %dma_start3A_49 = tpu.memref_slice %arg11[%dma_start3A_48] : memref<5000xi32, #tpu.memory_space<vmem>> -> memref<40xi32, #tpu.memory_space<vmem>>
    %dma_start3A_50 = arith.constant 0 : i32
    %dma_start3A_51 = arith.constant 0 : i32
    %dma_start3A_52 = tpu.memref_slice %arg2[%dma_start3A_50, %dma_start3A_51] : memref<10000x128xf32, #tpu.memory_space<hbm>> -> memref<10000x128xf32, #tpu.memory_space<hbm>>
    tpu.enqueue_indirect_dma source(%dma_start3A_52 : memref<10000x128xf32, #tpu.memory_space<hbm>>) target(%arg8 : memref<40x128xf32, #tpu.memory_space<vmem>>) offsets(%dma_start3A_49 : memref<40xi32, #tpu.memory_space<vmem>>) semaphore(%arg13 : memref<!tpu.dma_semaphore, #tpu.memory_space<semaphore_mem>>)
    %dma_start3A_53 = arith.constant 80 : i32
    %dma_start3A_54 = tpu.memref_slice %arg11[%dma_start3A_53] : memref<5000xi32, #tpu.memory_space<vmem>> -> memref<40xi32, #tpu.memory_space<vmem>>
    %dma_start3A_55 = arith.constant 0 : i32
    %dma_start3A_56 = arith.constant 0 : i32
    %dma_start3A_57 = tpu.memref_slice %arg2[%dma_start3A_55, %dma_start3A_56] : memref<10000x128xf32, #tpu.memory_space<hbm>> -> memref<10000x128xf32, #tpu.memory_space<hbm>>
    tpu.enqueue_indirect_dma source(%dma_start3A_57 : memref<10000x128xf32, #tpu.memory_space<hbm>>) target(%arg9 : memref<40x128xf32, #tpu.memory_space<vmem>>) offsets(%dma_start3A_54 : memref<40xi32, #tpu.memory_space<vmem>>) semaphore(%arg13 : memref<!tpu.dma_semaphore, #tpu.memory_space<semaphore_mem>>)
    %dma_start3A_58 = arith.constant 120 : i32
    %dma_start3A_59 = tpu.memref_slice %arg11[%dma_start3A_58] : memref<5000xi32, #tpu.memory_space<vmem>> -> memref<40xi32, #tpu.memory_space<vmem>>
    %dma_start3A_60 = arith.constant 0 : i32
    %dma_start3A_61 = arith.constant 0 : i32
    %dma_start3A_62 = tpu.memref_slice %arg2[%dma_start3A_60, %dma_start3A_61] : memref<10000x128xf32, #tpu.memory_space<hbm>> -> memref<10000x128xf32, #tpu.memory_space<hbm>>
    tpu.enqueue_indirect_dma source(%dma_start3A_62 : memref<10000x128xf32, #tpu.memory_space<hbm>>) target(%arg10 : memref<40x128xf32, #tpu.memory_space<vmem>>) offsets(%dma_start3A_59 : memref<40xi32, #tpu.memory_space<vmem>>) semaphore(%arg13 : memref<!tpu.dma_semaphore, #tpu.memory_space<semaphore_mem>>)
    %scan3A_63 = arith.constant 0 : i32
    %scan3A_64 = arith.constant 0 : i32
    %scan3A_65 = arith.constant 30 : i32
    %scan3A_66 = arith.addi %scan3A_64, %scan3A_65 : i32
    %scan3A_67 = arith.constant 1 : i32
    %scan3A_68 = scf.for %scan3A_168 = %scan3A_64 to %scan3A_66 step %scan3A_67 iter_args(%scan3A_169 = %scan3A_63) -> (i32)  : i32 {
      %mul3A_170 = arith.constant 4 : i32
      %mul3A_171 = arith.muli %mul3A_170, %scan3A_168 : i32
      %add3A_172 = arith.constant 0 : i32
      %add3A_173 = arith.addi %mul3A_171, %add3A_172 : i32
      %dma_wait3A_174 = arith.constant 0 : i32
      %dma_wait3A_175 = tpu.memref_slice %arg11[%dma_wait3A_174] : memref<5000xi32, #tpu.memory_space<vmem>> -> memref<40xi32, #tpu.memory_space<vmem>>
      %dma_wait3A_176 = arith.constant 0 : i32
      %dma_wait3A_177 = arith.constant 0 : i32
      %dma_wait3A_178 = tpu.memref_slice %arg2[%dma_wait3A_176, %dma_wait3A_177] : memref<10000x128xf32, #tpu.memory_space<hbm>> -> memref<10000x128xf32, #tpu.memory_space<hbm>>
      tpu.wait_indirect_dma semaphore(%arg13 : memref<!tpu.dma_semaphore, #tpu.memory_space<semaphore_mem>>) src(%dma_wait3A_178 : memref<10000x128xf32, #tpu.memory_space<hbm>>) dst(%arg7 : memref<40x128xf32, #tpu.memory_space<vmem>>)
      "tpu.region"() ({
        %run_scoped3A_241 = tpu.sem_alloc : memref<!tpu.dma_semaphore, #tpu.memory_space<semaphore_mem>>
        %dma_start3A_242 = arith.constant 0 : i32
        %dma_start3A_243 = tpu.memref_slice %arg12[%add3A_173, %dma_start3A_242] : memref<125x40xi32, #tpu.memory_space<vmem>> -> memref<1x40xi32, #tpu.memory_space<vmem>>
        %dma_start3A_244 = tpu.memref_squeeze %dma_start3A_243 : memref<1x40xi32, #tpu.memory_space<vmem>> -> memref<40xi32, #tpu.memory_space<vmem>>
        %dma_start3A_245 = arith.constant 0 : i32
        %dma_start3A_246 = arith.constant 0 : i32
        %dma_start3A_247 = tpu.memref_slice %arg6[%dma_start3A_245, %dma_start3A_246] : memref<10240x128xf32, #tpu.memory_space<vmem_shared>> -> memref<10240x128xf32, #tpu.memory_space<vmem_shared>>
        tpu.enqueue_indirect_dma source(%arg7 : memref<40x128xf32, #tpu.memory_space<vmem>>) target(%dma_start3A_247 : memref<10240x128xf32, #tpu.memory_space<vmem_shared>>) offsets(%dma_start3A_244 : memref<40xi32, #tpu.memory_space<vmem>>) semaphore(%run_scoped3A_241 : memref<!tpu.dma_semaphore, #tpu.memory_space<semaphore_mem>>) {add = true}
        %dma_wait3A_248 = arith.constant 0 : i32
        %dma_wait3A_249 = tpu.memref_slice %arg12[%add3A_173, %dma_wait3A_248] : memref<125x40xi32, #tpu.memory_space<vmem>> -> memref<1x40xi32, #tpu.memory_space<vmem>>
        %dma_wait3A_250 = tpu.memref_squeeze %dma_wait3A_249 : memref<1x40xi32, #tpu.memory_space<vmem>> -> memref<40xi32, #tpu.memory_space<vmem>>
        %dma_wait3A_251 = arith.constant 0 : i32
        %dma_wait3A_252 = arith.constant 0 : i32
        %dma_wait3A_253 = tpu.memref_slice %arg6[%dma_wait3A_251, %dma_wait3A_252] : memref<10240x128xf32, #tpu.memory_space<vmem_shared>> -> memref<10240x128xf32, #tpu.memory_space<vmem_shared>>
        tpu.wait_indirect_dma semaphore(%run_scoped3A_241 : memref<!tpu.dma_semaphore, #tpu.memory_space<semaphore_mem>>) src(%arg7 : memref<40x128xf32, #tpu.memory_space<vmem>>) dst(%dma_wait3A_253 : memref<10240x128xf32, #tpu.memory_space<vmem_shared>>)
        tpu.yield
      }) : () -> ()
      %add3A_179 = arith.constant 4 : i32
      %add3A_180 = arith.addi %mul3A_171, %add3A_179 : i32
      %add3A_181 = arith.constant 0 : i32
      %add3A_182 = arith.addi %add3A_180, %add3A_181 : i32
      %mul3A_183 = arith.constant 40 : i32
      %mul3A_184 = arith.muli %add3A_182, %mul3A_183 : i32
      %dma_start3A_185 = tpu.memref_slice %arg11[%mul3A_184] : memref<5000xi32, #tpu.memory_space<vmem>> -> memref<40xi32, #tpu.memory_space<vmem>>
      %dma_start3A_186 = arith.constant 0 : i32
      %dma_start3A_187 = arith.constant 0 : i32
      %dma_start3A_188 = tpu.memref_slice %arg2[%dma_start3A_186, %dma_start3A_187] : memref<10000x128xf32, #tpu.memory_space<hbm>> -> memref<10000x128xf32, #tpu.memory_space<hbm>>
      tpu.enqueue_indirect_dma source(%dma_start3A_188 : memref<10000x128xf32, #tpu.memory_space<hbm>>) target(%arg7 : memref<40x128xf32, #tpu.memory_space<vmem>>) offsets(%dma_start3A_185 : memref<40xi32, #tpu.memory_space<vmem>>) semaphore(%arg13 : memref<!tpu.dma_semaphore, #tpu.memory_space<semaphore_mem>>)
      %add3A_189 = arith.constant 1 : i32
      %add3A_190 = arith.addi %mul3A_171, %add3A_189 : i32
      %dma_wait3A_191 = arith.constant 0 : i32
      %dma_wait3A_192 = tpu.memref_slice %arg11[%dma_wait3A_191] : memref<5000xi32, #tpu.memory_space<vmem>> -> memref<40xi32, #tpu.memory_space<vmem>>
      %dma_wait3A_193 = arith.constant 0 : i32
      %dma_wait3A_194 = arith.constant 0 : i32
      %dma_wait3A_195 = tpu.memref_slice %arg2[%dma_wait3A_193, %dma_wait3A_194] : memref<10000x128xf32, #tpu.memory_space<hbm>> -> memref<10000x128xf32, #tpu.memory_space<hbm>>
      tpu.wait_indirect_dma semaphore(%arg13 : memref<!tpu.dma_semaphore, #tpu.memory_space<semaphore_mem>>) src(%dma_wait3A_195 : memref<10000x128xf32, #tpu.memory_space<hbm>>) dst(%arg8 : memref<40x128xf32, #tpu.memory_space<vmem>>)
      "tpu.region"() ({
        %run_scoped3A_241 = tpu.sem_alloc : memref<!tpu.dma_semaphore, #tpu.memory_space<semaphore_mem>>
        %dma_start3A_242 = arith.constant 0 : i32
        %dma_start3A_243 = tpu.memref_slice %arg12[%add3A_190, %dma_start3A_242] : memref<125x40xi32, #tpu.memory_space<vmem>> -> memref<1x40xi32, #tpu.memory_space<vmem>>
        %dma_start3A_244 = tpu.memref_squeeze %dma_start3A_243 : memref<1x40xi32, #tpu.memory_space<vmem>> -> memref<40xi32, #tpu.memory_space<vmem>>
        %dma_start3A_245 = arith.constant 0 : i32
        %dma_start3A_246 = arith.constant 0 : i32
        %dma_start3A_247 = tpu.memref_slice %arg6[%dma_start3A_245, %dma_start3A_246] : memref<10240x128xf32, #tpu.memory_space<vmem_shared>> -> memref<10240x128xf32, #tpu.memory_space<vmem_shared>>
        tpu.enqueue_indirect_dma source(%arg8 : memref<40x128xf32, #tpu.memory_space<vmem>>) target(%dma_start3A_247 : memref<10240x128xf32, #tpu.memory_space<vmem_shared>>) offsets(%dma_start3A_244 : memref<40xi32, #tpu.memory_space<vmem>>) semaphore(%run_scoped3A_241 : memref<!tpu.dma_semaphore, #tpu.memory_space<semaphore_mem>>) {add = true}
        %dma_wait3A_248 = arith.constant 0 : i32
        %dma_wait3A_249 = tpu.memref_slice %arg12[%add3A_190, %dma_wait3A_248] : memref<125x40xi32, #tpu.memory_space<vmem>> -> memref<1x40xi32, #tpu.memory_space<vmem>>
        %dma_wait3A_250 = tpu.memref_squeeze %dma_wait3A_249 : memref<1x40xi32, #tpu.memory_space<vmem>> -> memref<40xi32, #tpu.memory_space<vmem>>
        %dma_wait3A_251 = arith.constant 0 : i32
        %dma_wait3A_252 = arith.constant 0 : i32
        %dma_wait3A_253 = tpu.memref_slice %arg6[%dma_wait3A_251, %dma_wait3A_252] : memref<10240x128xf32, #tpu.memory_space<vmem_shared>> -> memref<10240x128xf32, #tpu.memory_space<vmem_shared>>
        tpu.wait_indirect_dma semaphore(%run_scoped3A_241 : memref<!tpu.dma_semaphore, #tpu.memory_space<semaphore_mem>>) src(%arg8 : memref<40x128xf32, #tpu.memory_space<vmem>>) dst(%dma_wait3A_253 : memref<10240x128xf32, #tpu.memory_space<vmem_shared>>)
        tpu.yield
      }) : () -> ()
      %add3A_196 = arith.constant 4 : i32
      %add3A_197 = arith.addi %mul3A_171, %add3A_196 : i32
      %add3A_198 = arith.constant 1 : i32
      %add3A_199 = arith.addi %add3A_197, %add3A_198 : i32
      %mul3A_200 = arith.constant 40 : i32
      %mul3A_201 = arith.muli %add3A_199, %mul3A_200 : i32
      %dma_start3A_202 = tpu.memref_slice %arg11[%mul3A_201] : memref<5000xi32, #tpu.memory_space<vmem>> -> memref<40xi32, #tpu.memory_space<vmem>>
      %dma_start3A_203 = arith.constant 0 : i32
      %dma_start3A_204 = arith.constant 0 : i32
      %dma_start3A_205 = tpu.memref_slice %arg2[%dma_start3A_203, %dma_start3A_204] : memref<10000x128xf32, #tpu.memory_space<hbm>> -> memref<10000x128xf32, #tpu.memory_space<hbm>>
      tpu.enqueue_indirect_dma source(%dma_start3A_205 : memref<10000x128xf32, #tpu.memory_space<hbm>>) target(%arg8 : memref<40x128xf32, #tpu.memory_space<vmem>>) offsets(%dma_start3A_202 : memref<40xi32, #tpu.memory_space<vmem>>) semaphore(%arg13 : memref<!tpu.dma_semaphore, #tpu.memory_space<semaphore_mem>>)
      %add3A_206 = arith.constant 2 : i32
      %add3A_207 = arith.addi %mul3A_171, %add3A_206 : i32
      %dma_wait3A_208 = arith.constant 0 : i32
      %dma_wait3A_209 = tpu.memref_slice %arg11[%dma_wait3A_208] : memref<5000xi32, #tpu.memory_space<vmem>> -> memref<40xi32, #tpu.memory_space<vmem>>
      %dma_wait3A_210 = arith.constant 0 : i32
      %dma_wait3A_211 = arith.constant 0 : i32
      %dma_wait3A_212 = tpu.memref_slice %arg2[%dma_wait3A_210, %dma_wait3A_211] : memref<10000x128xf32, #tpu.memory_space<hbm>> -> memref<10000x128xf32, #tpu.memory_space<hbm>>
      tpu.wait_indirect_dma semaphore(%arg13 : memref<!tpu.dma_semaphore, #tpu.memory_space<semaphore_mem>>) src(%dma_wait3A_212 : memref<10000x128xf32, #tpu.memory_space<hbm>>) dst(%arg9 : memref<40x128xf32, #tpu.memory_space<vmem>>)
      "tpu.region"() ({
        %run_scoped3A_241 = tpu.sem_alloc : memref<!tpu.dma_semaphore, #tpu.memory_space<semaphore_mem>>
        %dma_start3A_242 = arith.constant 0 : i32
        %dma_start3A_243 = tpu.memref_slice %arg12[%add3A_207, %dma_start3A_242] : memref<125x40xi32, #tpu.memory_space<vmem>> -> memref<1x40xi32, #tpu.memory_space<vmem>>
        %dma_start3A_244 = tpu.memref_squeeze %dma_start3A_243 : memref<1x40xi32, #tpu.memory_space<vmem>> -> memref<40xi32, #tpu.memory_space<vmem>>
        %dma_start3A_245 = arith.constant 0 : i32
        %dma_start3A_246 = arith.constant 0 : i32
        %dma_start3A_247 = tpu.memref_slice %arg6[%dma_start3A_245, %dma_start3A_246] : memref<10240x128xf32, #tpu.memory_space<vmem_shared>> -> memref<10240x128xf32, #tpu.memory_space<vmem_shared>>
        tpu.enqueue_indirect_dma source(%arg9 : memref<40x128xf32, #tpu.memory_space<vmem>>) target(%dma_start3A_247 : memref<10240x128xf32, #tpu.memory_space<vmem_shared>>) offsets(%dma_start3A_244 : memref<40xi32, #tpu.memory_space<vmem>>) semaphore(%run_scoped3A_241 : memref<!tpu.dma_semaphore, #tpu.memory_space<semaphore_mem>>) {add = true}
        %dma_wait3A_248 = arith.constant 0 : i32
        %dma_wait3A_249 = tpu.memref_slice %arg12[%add3A_207, %dma_wait3A_248] : memref<125x40xi32, #tpu.memory_space<vmem>> -> memref<1x40xi32, #tpu.memory_space<vmem>>
        %dma_wait3A_250 = tpu.memref_squeeze %dma_wait3A_249 : memref<1x40xi32, #tpu.memory_space<vmem>> -> memref<40xi32, #tpu.memory_space<vmem>>
        %dma_wait3A_251 = arith.constant 0 : i32
        %dma_wait3A_252 = arith.constant 0 : i32
        %dma_wait3A_253 = tpu.memref_slice %arg6[%dma_wait3A_251, %dma_wait3A_252] : memref<10240x128xf32, #tpu.memory_space<vmem_shared>> -> memref<10240x128xf32, #tpu.memory_space<vmem_shared>>
        tpu.wait_indirect_dma semaphore(%run_scoped3A_241 : memref<!tpu.dma_semaphore, #tpu.memory_space<semaphore_mem>>) src(%arg9 : memref<40x128xf32, #tpu.memory_space<vmem>>) dst(%dma_wait3A_253 : memref<10240x128xf32, #tpu.memory_space<vmem_shared>>)
        tpu.yield
      }) : () -> ()
      %add3A_213 = arith.constant 4 : i32
      %add3A_214 = arith.addi %mul3A_171, %add3A_213 : i32
      %add3A_215 = arith.constant 2 : i32
      %add3A_216 = arith.addi %add3A_214, %add3A_215 : i32
      %mul3A_217 = arith.constant 40 : i32
      %mul3A_218 = arith.muli %add3A_216, %mul3A_217 : i32
      %dma_start3A_219 = tpu.memref_slice %arg11[%mul3A_218] : memref<5000xi32, #tpu.memory_space<vmem>> -> memref<40xi32, #tpu.memory_space<vmem>>
      %dma_start3A_220 = arith.constant 0 : i32
      %dma_start3A_221 = arith.constant 0 : i32
      %dma_start3A_222 = tpu.memref_slice %arg2[%dma_start3A_220, %dma_start3A_221] : memref<10000x128xf32, #tpu.memory_space<hbm>> -> memref<10000x128xf32, #tpu.memory_space<hbm>>
      tpu.enqueue_indirect_dma source(%dma_start3A_222 : memref<10000x128xf32, #tpu.memory_space<hbm>>) target(%arg9 : memref<40x128xf32, #tpu.memory_space<vmem>>) offsets(%dma_start3A_219 : memref<40xi32, #tpu.memory_space<vmem>>) semaphore(%arg13 : memref<!tpu.dma_semaphore, #tpu.memory_space<semaphore_mem>>)
      %add3A_223 = arith.constant 3 : i32
      %add3A_224 = arith.addi %mul3A_171, %add3A_223 : i32
      %dma_wait3A_225 = arith.constant 0 : i32
      %dma_wait3A_226 = tpu.memref_slice %arg11[%dma_wait3A_225] : memref<5000xi32, #tpu.memory_space<vmem>> -> memref<40xi32, #tpu.memory_space<vmem>>
      %dma_wait3A_227 = arith.constant 0 : i32
      %dma_wait3A_228 = arith.constant 0 : i32
      %dma_wait3A_229 = tpu.memref_slice %arg2[%dma_wait3A_227, %dma_wait3A_228] : memref<10000x128xf32, #tpu.memory_space<hbm>> -> memref<10000x128xf32, #tpu.memory_space<hbm>>
      tpu.wait_indirect_dma semaphore(%arg13 : memref<!tpu.dma_semaphore, #tpu.memory_space<semaphore_mem>>) src(%dma_wait3A_229 : memref<10000x128xf32, #tpu.memory_space<hbm>>) dst(%arg10 : memref<40x128xf32, #tpu.memory_space<vmem>>)
      "tpu.region"() ({
        %run_scoped3A_241 = tpu.sem_alloc : memref<!tpu.dma_semaphore, #tpu.memory_space<semaphore_mem>>
        %dma_start3A_242 = arith.constant 0 : i32
        %dma_start3A_243 = tpu.memref_slice %arg12[%add3A_224, %dma_start3A_242] : memref<125x40xi32, #tpu.memory_space<vmem>> -> memref<1x40xi32, #tpu.memory_space<vmem>>
        %dma_start3A_244 = tpu.memref_squeeze %dma_start3A_243 : memref<1x40xi32, #tpu.memory_space<vmem>> -> memref<40xi32, #tpu.memory_space<vmem>>
        %dma_start3A_245 = arith.constant 0 : i32
        %dma_start3A_246 = arith.constant 0 : i32
        %dma_start3A_247 = tpu.memref_slice %arg6[%dma_start3A_245, %dma_start3A_246] : memref<10240x128xf32, #tpu.memory_space<vmem_shared>> -> memref<10240x128xf32, #tpu.memory_space<vmem_shared>>
        tpu.enqueue_indirect_dma source(%arg10 : memref<40x128xf32, #tpu.memory_space<vmem>>) target(%dma_start3A_247 : memref<10240x128xf32, #tpu.memory_space<vmem_shared>>) offsets(%dma_start3A_244 : memref<40xi32, #tpu.memory_space<vmem>>) semaphore(%run_scoped3A_241 : memref<!tpu.dma_semaphore, #tpu.memory_space<semaphore_mem>>) {add = true}
        %dma_wait3A_248 = arith.constant 0 : i32
        %dma_wait3A_249 = tpu.memref_slice %arg12[%add3A_224, %dma_wait3A_248] : memref<125x40xi32, #tpu.memory_space<vmem>> -> memref<1x40xi32, #tpu.memory_space<vmem>>
        %dma_wait3A_250 = tpu.memref_squeeze %dma_wait3A_249 : memref<1x40xi32, #tpu.memory_space<vmem>> -> memref<40xi32, #tpu.memory_space<vmem>>
        %dma_wait3A_251 = arith.constant 0 : i32
        %dma_wait3A_252 = arith.constant 0 : i32
        %dma_wait3A_253 = tpu.memref_slice %arg6[%dma_wait3A_251, %dma_wait3A_252] : memref<10240x128xf32, #tpu.memory_space<vmem_shared>> -> memref<10240x128xf32, #tpu.memory_space<vmem_shared>>
        tpu.wait_indirect_dma semaphore(%run_scoped3A_241 : memref<!tpu.dma_semaphore, #tpu.memory_space<semaphore_mem>>) src(%arg10 : memref<40x128xf32, #tpu.memory_space<vmem>>) dst(%dma_wait3A_253 : memref<10240x128xf32, #tpu.memory_space<vmem_shared>>)
        tpu.yield
      }) : () -> ()
      %add3A_230 = arith.constant 4 : i32
      %add3A_231 = arith.addi %mul3A_171, %add3A_230 : i32
      %add3A_232 = arith.constant 3 : i32
      %add3A_233 = arith.addi %add3A_231, %add3A_232 : i32
      %mul3A_234 = arith.constant 40 : i32
      %mul3A_235 = arith.muli %add3A_233, %mul3A_234 : i32
      %dma_start3A_236 = tpu.memref_slice %arg11[%mul3A_235] : memref<5000xi32, #tpu.memory_space<vmem>> -> memref<40xi32, #tpu.memory_space<vmem>>
      %dma_start3A_237 = arith.constant 0 : i32
      %dma_start3A_238 = arith.constant 0 : i32
      %dma_start3A_239 = tpu.memref_slice %arg2[%dma_start3A_237, %dma_start3A_238] : memref<10000x128xf32, #tpu.memory_space<hbm>> -> memref<10000x128xf32, #tpu.memory_space<hbm>>
      tpu.enqueue_indirect_dma source(%dma_start3A_239 : memref<10000x128xf32, #tpu.memory_space<hbm>>) target(%arg10 : memref<40x128xf32, #tpu.memory_space<vmem>>) offsets(%dma_start3A_236 : memref<40xi32, #tpu.memory_space<vmem>>) semaphore(%arg13 : memref<!tpu.dma_semaphore, #tpu.memory_space<semaphore_mem>>)
      %scan3A_240 = arith.constant 0 : i32
      scf.yield %scan3A_240 : i32
    }
    %scan3A_69 = arith.constant 30 : i32
    %dma_wait3A = arith.constant 0 : i32
    %dma_wait3A_70 = tpu.memref_slice %arg11[%dma_wait3A] : memref<5000xi32, #tpu.memory_space<vmem>> -> memref<40xi32, #tpu.memory_space<vmem>>
    %dma_wait3A_71 = arith.constant 0 : i32
    %dma_wait3A_72 = arith.constant 0 : i32
    %dma_wait3A_73 = tpu.memref_slice %arg2[%dma_wait3A_71, %dma_wait3A_72] : memref<10000x128xf32, #tpu.memory_space<hbm>> -> memref<10000x128xf32, #tpu.memory_space<hbm>>
    tpu.wait_indirect_dma semaphore(%arg13 : memref<!tpu.dma_semaphore, #tpu.memory_space<semaphore_mem>>) src(%dma_wait3A_73 : memref<10000x128xf32, #tpu.memory_space<hbm>>) dst(%arg7 : memref<40x128xf32, #tpu.memory_space<vmem>>)
    %run_scoped3A = arith.constant 120 : i32
    "tpu.region"() ({
      %run_scoped3A_168 = tpu.sem_alloc : memref<!tpu.dma_semaphore, #tpu.memory_space<semaphore_mem>>
      %dma_start3A_169 = arith.constant 0 : i32
      %dma_start3A_170 = tpu.memref_slice %arg12[%run_scoped3A, %dma_start3A_169] : memref<125x40xi32, #tpu.memory_space<vmem>> -> memref<1x40xi32, #tpu.memory_space<vmem>>
      %dma_start3A_171 = tpu.memref_squeeze %dma_start3A_170 : memref<1x40xi32, #tpu.memory_space<vmem>> -> memref<40xi32, #tpu.memory_space<vmem>>
      %dma_start3A_172 = arith.constant 0 : i32
      %dma_start3A_173 = arith.constant 0 : i32
      %dma_start3A_174 = tpu.memref_slice %arg6[%dma_start3A_172, %dma_start3A_173] : memref<10240x128xf32, #tpu.memory_space<vmem_shared>> -> memref<10240x128xf32, #tpu.memory_space<vmem_shared>>
      tpu.enqueue_indirect_dma source(%arg7 : memref<40x128xf32, #tpu.memory_space<vmem>>) target(%dma_start3A_174 : memref<10240x128xf32, #tpu.memory_space<vmem_shared>>) offsets(%dma_start3A_171 : memref<40xi32, #tpu.memory_space<vmem>>) semaphore(%run_scoped3A_168 : memref<!tpu.dma_semaphore, #tpu.memory_space<semaphore_mem>>) {add = true}
      %dma_wait3A_175 = arith.constant 0 : i32
      %dma_wait3A_176 = tpu.memref_slice %arg12[%run_scoped3A, %dma_wait3A_175] : memref<125x40xi32, #tpu.memory_space<vmem>> -> memref<1x40xi32, #tpu.memory_space<vmem>>
      %dma_wait3A_177 = tpu.memref_squeeze %dma_wait3A_176 : memref<1x40xi32, #tpu.memory_space<vmem>> -> memref<40xi32, #tpu.memory_space<vmem>>
      %dma_wait3A_178 = arith.constant 0 : i32
      %dma_wait3A_179 = arith.constant 0 : i32
      %dma_wait3A_180 = tpu.memref_slice %arg6[%dma_wait3A_178, %dma_wait3A_179] : memref<10240x128xf32, #tpu.memory_space<vmem_shared>> -> memref<10240x128xf32, #tpu.memory_space<vmem_shared>>
      tpu.wait_indirect_dma semaphore(%run_scoped3A_168 : memref<!tpu.dma_semaphore, #tpu.memory_space<semaphore_mem>>) src(%arg7 : memref<40x128xf32, #tpu.memory_space<vmem>>) dst(%dma_wait3A_180 : memref<10240x128xf32, #tpu.memory_space<vmem_shared>>)
      tpu.yield
    }) : () -> ()
    %dma_wait3A_74 = arith.constant 0 : i32
    %dma_wait3A_75 = tpu.memref_slice %arg11[%dma_wait3A_74] : memref<5000xi32, #tpu.memory_space<vmem>> -> memref<40xi32, #tpu.memory_space<vmem>>
    %dma_wait3A_76 = arith.constant 0 : i32
    %dma_wait3A_77 = arith.constant 0 : i32
    %dma_wait3A_78 = tpu.memref_slice %arg2[%dma_wait3A_76, %dma_wait3A_77] : memref<10000x128xf32, #tpu.memory_space<hbm>> -> memref<10000x128xf32, #tpu.memory_space<hbm>>
    tpu.wait_indirect_dma semaphore(%arg13 : memref<!tpu.dma_semaphore, #tpu.memory_space<semaphore_mem>>) src(%dma_wait3A_78 : memref<10000x128xf32, #tpu.memory_space<hbm>>) dst(%arg8 : memref<40x128xf32, #tpu.memory_space<vmem>>)
    %run_scoped3A_79 = arith.constant 121 : i32
    "tpu.region"() ({
      %run_scoped3A_168 = tpu.sem_alloc : memref<!tpu.dma_semaphore, #tpu.memory_space<semaphore_mem>>
      %dma_start3A_169 = arith.constant 0 : i32
      %dma_start3A_170 = tpu.memref_slice %arg12[%run_scoped3A_79, %dma_start3A_169] : memref<125x40xi32, #tpu.memory_space<vmem>> -> memref<1x40xi32, #tpu.memory_space<vmem>>
      %dma_start3A_171 = tpu.memref_squeeze %dma_start3A_170 : memref<1x40xi32, #tpu.memory_space<vmem>> -> memref<40xi32, #tpu.memory_space<vmem>>
      %dma_start3A_172 = arith.constant 0 : i32
      %dma_start3A_173 = arith.constant 0 : i32
      %dma_start3A_174 = tpu.memref_slice %arg6[%dma_start3A_172, %dma_start3A_173] : memref<10240x128xf32, #tpu.memory_space<vmem_shared>> -> memref<10240x128xf32, #tpu.memory_space<vmem_shared>>
      tpu.enqueue_indirect_dma source(%arg8 : memref<40x128xf32, #tpu.memory_space<vmem>>) target(%dma_start3A_174 : memref<10240x128xf32, #tpu.memory_space<vmem_shared>>) offsets(%dma_start3A_171 : memref<40xi32, #tpu.memory_space<vmem>>) semaphore(%run_scoped3A_168 : memref<!tpu.dma_semaphore, #tpu.memory_space<semaphore_mem>>) {add = true}
      %dma_wait3A_175 = arith.constant 0 : i32
      %dma_wait3A_176 = tpu.memref_slice %arg12[%run_scoped3A_79, %dma_wait3A_175] : memref<125x40xi32, #tpu.memory_space<vmem>> -> memref<1x40xi32, #tpu.memory_space<vmem>>
      %dma_wait3A_177 = tpu.memref_squeeze %dma_wait3A_176 : memref<1x40xi32, #tpu.memory_space<vmem>> -> memref<40xi32, #tpu.memory_space<vmem>>
      %dma_wait3A_178 = arith.constant 0 : i32
      %dma_wait3A_179 = arith.constant 0 : i32
      %dma_wait3A_180 = tpu.memref_slice %arg6[%dma_wait3A_178, %dma_wait3A_179] : memref<10240x128xf32, #tpu.memory_space<vmem_shared>> -> memref<10240x128xf32, #tpu.memory_space<vmem_shared>>
      tpu.wait_indirect_dma semaphore(%run_scoped3A_168 : memref<!tpu.dma_semaphore, #tpu.memory_space<semaphore_mem>>) src(%arg8 : memref<40x128xf32, #tpu.memory_space<vmem>>) dst(%dma_wait3A_180 : memref<10240x128xf32, #tpu.memory_space<vmem_shared>>)
      tpu.yield
    }) : () -> ()
    %dma_wait3A_80 = arith.constant 0 : i32
    %dma_wait3A_81 = tpu.memref_slice %arg11[%dma_wait3A_80] : memref<5000xi32, #tpu.memory_space<vmem>> -> memref<40xi32, #tpu.memory_space<vmem>>
    %dma_wait3A_82 = arith.constant 0 : i32
    %dma_wait3A_83 = arith.constant 0 : i32
    %dma_wait3A_84 = tpu.memref_slice %arg2[%dma_wait3A_82, %dma_wait3A_83] : memref<10000x128xf32, #tpu.memory_space<hbm>> -> memref<10000x128xf32, #tpu.memory_space<hbm>>
    tpu.wait_indirect_dma semaphore(%arg13 : memref<!tpu.dma_semaphore, #tpu.memory_space<semaphore_mem>>) src(%dma_wait3A_84 : memref<10000x128xf32, #tpu.memory_space<hbm>>) dst(%arg9 : memref<40x128xf32, #tpu.memory_space<vmem>>)
    %run_scoped3A_85 = arith.constant 122 : i32
    "tpu.region"() ({
      %run_scoped3A_168 = tpu.sem_alloc : memref<!tpu.dma_semaphore, #tpu.memory_space<semaphore_mem>>
      %dma_start3A_169 = arith.constant 0 : i32
      %dma_start3A_170 = tpu.memref_slice %arg12[%run_scoped3A_85, %dma_start3A_169] : memref<125x40xi32, #tpu.memory_space<vmem>> -> memref<1x40xi32, #tpu.memory_space<vmem>>
      %dma_start3A_171 = tpu.memref_squeeze %dma_start3A_170 : memref<1x40xi32, #tpu.memory_space<vmem>> -> memref<40xi32, #tpu.memory_space<vmem>>
      %dma_start3A_172 = arith.constant 0 : i32
      %dma_start3A_173 = arith.constant 0 : i32
      %dma_start3A_174 = tpu.memref_slice %arg6[%dma_start3A_172, %dma_start3A_173] : memref<10240x128xf32, #tpu.memory_space<vmem_shared>> -> memref<10240x128xf32, #tpu.memory_space<vmem_shared>>
      tpu.enqueue_indirect_dma source(%arg9 : memref<40x128xf32, #tpu.memory_space<vmem>>) target(%dma_start3A_174 : memref<10240x128xf32, #tpu.memory_space<vmem_shared>>) offsets(%dma_start3A_171 : memref<40xi32, #tpu.memory_space<vmem>>) semaphore(%run_scoped3A_168 : memref<!tpu.dma_semaphore, #tpu.memory_space<semaphore_mem>>) {add = true}
      %dma_wait3A_175 = arith.constant 0 : i32
      %dma_wait3A_176 = tpu.memref_slice %arg12[%run_scoped3A_85, %dma_wait3A_175] : memref<125x40xi32, #tpu.memory_space<vmem>> -> memref<1x40xi32, #tpu.memory_space<vmem>>
      %dma_wait3A_177 = tpu.memref_squeeze %dma_wait3A_176 : memref<1x40xi32, #tpu.memory_space<vmem>> -> memref<40xi32, #tpu.memory_space<vmem>>
      %dma_wait3A_178 = arith.constant 0 : i32
      %dma_wait3A_179 = arith.constant 0 : i32
      %dma_wait3A_180 = tpu.memref_slice %arg6[%dma_wait3A_178, %dma_wait3A_179] : memref<10240x128xf32, #tpu.memory_space<vmem_shared>> -> memref<10240x128xf32, #tpu.memory_space<vmem_shared>>
      tpu.wait_indirect_dma semaphore(%run_scoped3A_168 : memref<!tpu.dma_semaphore, #tpu.memory_space<semaphore_mem>>) src(%arg9 : memref<40x128xf32, #tpu.memory_space<vmem>>) dst(%dma_wait3A_180 : memref<10240x128xf32, #tpu.memory_space<vmem_shared>>)
      tpu.yield
    }) : () -> ()
    %dma_wait3A_86 = arith.constant 0 : i32
    %dma_wait3A_87 = tpu.memref_slice %arg11[%dma_wait3A_86] : memref<5000xi32, #tpu.memory_space<vmem>> -> memref<40xi32, #tpu.memory_space<vmem>>
    %dma_wait3A_88 = arith.constant 0 : i32
    %dma_wait3A_89 = arith.constant 0 : i32
    %dma_wait3A_90 = tpu.memref_slice %arg2[%dma_wait3A_88, %dma_wait3A_89] : memref<10000x128xf32, #tpu.memory_space<hbm>> -> memref<10000x128xf32, #tpu.memory_space<hbm>>
    tpu.wait_indirect_dma semaphore(%arg13 : memref<!tpu.dma_semaphore, #tpu.memory_space<semaphore_mem>>) src(%dma_wait3A_90 : memref<10000x128xf32, #tpu.memory_space<hbm>>) dst(%arg10 : memref<40x128xf32, #tpu.memory_space<vmem>>)
    %run_scoped3A_91 = arith.constant 123 : i32
    "tpu.region"() ({
      %run_scoped3A_168 = tpu.sem_alloc : memref<!tpu.dma_semaphore, #tpu.memory_space<semaphore_mem>>
      %dma_start3A_169 = arith.constant 0 : i32
      %dma_start3A_170 = tpu.memref_slice %arg12[%run_scoped3A_91, %dma_start3A_169] : memref<125x40xi32, #tpu.memory_space<vmem>> -> memref<1x40xi32, #tpu.memory_space<vmem>>
      %dma_start3A_171 = tpu.memref_squeeze %dma_start3A_170 : memref<1x40xi32, #tpu.memory_space<vmem>> -> memref<40xi32, #tpu.memory_space<vmem>>
      %dma_start3A_172 = arith.constant 0 : i32
      %dma_start3A_173 = arith.constant 0 : i32
      %dma_start3A_174 = tpu.memref_slice %arg6[%dma_start3A_172, %dma_start3A_173] : memref<10240x128xf32, #tpu.memory_space<vmem_shared>> -> memref<10240x128xf32, #tpu.memory_space<vmem_shared>>
      tpu.enqueue_indirect_dma source(%arg10 : memref<40x128xf32, #tpu.memory_space<vmem>>) target(%dma_start3A_174 : memref<10240x128xf32, #tpu.memory_space<vmem_shared>>) offsets(%dma_start3A_171 : memref<40xi32, #tpu.memory_space<vmem>>) semaphore(%run_scoped3A_168 : memref<!tpu.dma_semaphore, #tpu.memory_space<semaphore_mem>>) {add = true}
      %dma_wait3A_175 = arith.constant 0 : i32
      %dma_wait3A_176 = tpu.memref_slice %arg12[%run_scoped3A_91, %dma_wait3A_175] : memref<125x40xi32, #tpu.memory_space<vmem>> -> memref<1x40xi32, #tpu.memory_space<vmem>>
      %dma_wait3A_177 = tpu.memref_squeeze %dma_wait3A_176 : memref<1x40xi32, #tpu.memory_space<vmem>> -> memref<40xi32, #tpu.memory_space<vmem>>
      %dma_wait3A_178 = arith.constant 0 : i32
      %dma_wait3A_179 = arith.constant 0 : i32
      %dma_wait3A_180 = tpu.memref_slice %arg6[%dma_wait3A_178, %dma_wait3A_179] : memref<10240x128xf32, #tpu.memory_space<vmem_shared>> -> memref<10240x128xf32, #tpu.memory_space<vmem_shared>>
      tpu.wait_indirect_dma semaphore(%run_scoped3A_168 : memref<!tpu.dma_semaphore, #tpu.memory_space<semaphore_mem>>) src(%arg10 : memref<40x128xf32, #tpu.memory_space<vmem>>) dst(%dma_wait3A_180 : memref<10240x128xf32, #tpu.memory_space<vmem_shared>>)
      tpu.yield
    }) : () -> ()
    %dma_start3A_92 = arith.constant 4960 : i32
    %dma_start3A_93 = tpu.memref_slice %arg11[%dma_start3A_92] : memref<5000xi32, #tpu.memory_space<vmem>> -> memref<40xi32, #tpu.memory_space<vmem>>
    %dma_start3A_94 = arith.constant 0 : i32
    %dma_start3A_95 = arith.constant 0 : i32
    %dma_start3A_96 = tpu.memref_slice %arg2[%dma_start3A_94, %dma_start3A_95] : memref<10000x128xf32, #tpu.memory_space<hbm>> -> memref<10000x128xf32, #tpu.memory_space<hbm>>
    tpu.enqueue_indirect_dma source(%dma_start3A_96 : memref<10000x128xf32, #tpu.memory_space<hbm>>) target(%arg7 : memref<40x128xf32, #tpu.memory_space<vmem>>) offsets(%dma_start3A_93 : memref<40xi32, #tpu.memory_space<vmem>>) semaphore(%arg13 : memref<!tpu.dma_semaphore, #tpu.memory_space<semaphore_mem>>)
    %dma_wait3A_97 = arith.constant 0 : i32
    %dma_wait3A_98 = tpu.memref_slice %arg11[%dma_wait3A_97] : memref<5000xi32, #tpu.memory_space<vmem>> -> memref<40xi32, #tpu.memory_space<vmem>>
    %dma_wait3A_99 = arith.constant 0 : i32
    %dma_wait3A_100 = arith.constant 0 : i32
    %dma_wait3A_101 = tpu.memref_slice %arg2[%dma_wait3A_99, %dma_wait3A_100] : memref<10000x128xf32, #tpu.memory_space<hbm>> -> memref<10000x128xf32, #tpu.memory_space<hbm>>
    tpu.wait_indirect_dma semaphore(%arg13 : memref<!tpu.dma_semaphore, #tpu.memory_space<semaphore_mem>>) src(%dma_wait3A_101 : memref<10000x128xf32, #tpu.memory_space<hbm>>) dst(%arg7 : memref<40x128xf32, #tpu.memory_space<vmem>>)
    %run_scoped3A_102 = arith.constant 124 : i32
    "tpu.region"() ({
      %run_scoped3A_168 = tpu.sem_alloc : memref<!tpu.dma_semaphore, #tpu.memory_space<semaphore_mem>>
      %dma_start3A_169 = arith.constant 0 : i32
      %dma_start3A_170 = tpu.memref_slice %arg12[%run_scoped3A_102, %dma_start3A_169] : memref<125x40xi32, #tpu.memory_space<vmem>> -> memref<1x40xi32, #tpu.memory_space<vmem>>
      %dma_start3A_171 = tpu.memref_squeeze %dma_start3A_170 : memref<1x40xi32, #tpu.memory_space<vmem>> -> memref<40xi32, #tpu.memory_space<vmem>>
      %dma_start3A_172 = arith.constant 0 : i32
      %dma_start3A_173 = arith.constant 0 : i32
      %dma_start3A_174 = tpu.memref_slice %arg6[%dma_start3A_172, %dma_start3A_173] : memref<10240x128xf32, #tpu.memory_space<vmem_shared>> -> memref<10240x128xf32, #tpu.memory_space<vmem_shared>>
      tpu.enqueue_indirect_dma source(%arg7 : memref<40x128xf32, #tpu.memory_space<vmem>>) target(%dma_start3A_174 : memref<10240x128xf32, #tpu.memory_space<vmem_shared>>) offsets(%dma_start3A_171 : memref<40xi32, #tpu.memory_space<vmem>>) semaphore(%run_scoped3A_168 : memref<!tpu.dma_semaphore, #tpu.memory_space<semaphore_mem>>) {add = true}
      %dma_wait3A_175 = arith.constant 0 : i32
      %dma_wait3A_176 = tpu.memref_slice %arg12[%run_scoped3A_102, %dma_wait3A_175] : memref<125x40xi32, #tpu.memory_space<vmem>> -> memref<1x40xi32, #tpu.memory_space<vmem>>
      %dma_wait3A_177 = tpu.memref_squeeze %dma_wait3A_176 : memref<1x40xi32, #tpu.memory_space<vmem>> -> memref<40xi32, #tpu.memory_space<vmem>>
      %dma_wait3A_178 = arith.constant 0 : i32
      %dma_wait3A_179 = arith.constant 0 : i32
      %dma_wait3A_180 = tpu.memref_slice %arg6[%dma_wait3A_178, %dma_wait3A_179] : memref<10240x128xf32, #tpu.memory_space<vmem_shared>> -> memref<10240x128xf32, #tpu.memory_space<vmem_shared>>
      tpu.wait_indirect_dma semaphore(%run_scoped3A_168 : memref<!tpu.dma_semaphore, #tpu.memory_space<semaphore_mem>>) src(%arg7 : memref<40x128xf32, #tpu.memory_space<vmem>>) dst(%dma_wait3A_180 : memref<10240x128xf32, #tpu.memory_space<vmem_shared>>)
      tpu.yield
    }) : () -> ()
    %barrier3A_103 = arith.constant 0 : index
    tpu.barrier barrier_id(%barrier3A_103)
    %add3A_104 = arith.constant 0 : i32
    %add3A_105 = arith.addi %mul3A_9, %add3A_104 : i32
    %add3A_106 = arith.constant 0 : i32
    %add3A_107 = arith.addi %mul3A_9, %add3A_106 : i32
    "tpu.region"() ({
      %run_scoped3A_168 = tpu.sem_alloc : memref<!tpu.dma_semaphore, #tpu.memory_space<semaphore_mem>>
      %dma_start3A_169 = arith.constant 0 : i32
      %dma_start3A_170 = tpu.memref_slice %arg5[%arg0, %add3A_107, %dma_start3A_169] : memref<2x10240x128xf32, #tpu.memory_space<hbm>> -> memref<1x40x128xf32, #tpu.memory_space<hbm>>
      %dma_start3A_171 = tpu.memref_squeeze %dma_start3A_170 : memref<1x40x128xf32, #tpu.memory_space<hbm>> -> memref<40x128xf32, #tpu.memory_space<hbm>>
      %dma_start3A_172 = arith.constant 0 : i32
      %dma_start3A_173 = tpu.memref_slice %arg6[%add3A_105, %dma_start3A_172] : memref<10240x128xf32, #tpu.memory_space<vmem_shared>> -> memref<40x128xf32, #tpu.memory_space<vmem_shared>>
      tpu.enqueue_dma source(%dma_start3A_173 : memref<40x128xf32, #tpu.memory_space<vmem_shared>>) target(%dma_start3A_171 : memref<40x128xf32, #tpu.memory_space<hbm>>) target_semaphore(%run_scoped3A_168 : memref<!tpu.dma_semaphore, #tpu.memory_space<semaphore_mem>>)
      %dma_wait3A_174 = arith.constant 0 : i32
      %dma_wait3A_175 = tpu.memref_slice %arg5[%arg0, %add3A_107, %dma_wait3A_174] : memref<2x10240x128xf32, #tpu.memory_space<hbm>> -> memref<1x40x128xf32, #tpu.memory_space<hbm>>
      %dma_wait3A_176 = tpu.memref_squeeze %dma_wait3A_175 : memref<1x40x128xf32, #tpu.memory_space<hbm>> -> memref<40x128xf32, #tpu.memory_space<hbm>>
      %dma_wait3A_177 = arith.constant 0 : i32
      %dma_wait3A_178 = tpu.memref_slice %arg6[%add3A_105, %dma_wait3A_177] : memref<10240x128xf32, #tpu.memory_space<vmem_shared>> -> memref<40x128xf32, #tpu.memory_space<vmem_shared>>
      tpu.wait_dma2 semaphore(%run_scoped3A_168 : memref<!tpu.dma_semaphore, #tpu.memory_space<semaphore_mem>>) src(%dma_wait3A_178 : memref<40x128xf32, #tpu.memory_space<vmem_shared>>) dst(%dma_wait3A_176 : memref<40x128xf32, #tpu.memory_space<hbm>>)
      tpu.yield
    }) : () -> ()
    %add3A_108 = arith.constant 40 : i32
    %add3A_109 = arith.addi %mul3A_9, %add3A_108 : i32
    %add3A_110 = arith.constant 40 : i32
    %add3A_111 = arith.addi %mul3A_9, %add3A_110 : i32
    "tpu.region"() ({
      %run_scoped3A_168 = tpu.sem_alloc : memref<!tpu.dma_semaphore, #tpu.memory_space<semaphore_mem>>
      %dma_start3A_169 = arith.constant 0 : i32
      %dma_start3A_170 = tpu.memref_slice %arg5[%arg0, %add3A_111, %dma_start3A_169] : memref<2x10240x128xf32, #tpu.memory_space<hbm>> -> memref<1x40x128xf32, #tpu.memory_space<hbm>>
      %dma_start3A_171 = tpu.memref_squeeze %dma_start3A_170 : memref<1x40x128xf32, #tpu.memory_space<hbm>> -> memref<40x128xf32, #tpu.memory_space<hbm>>
      %dma_start3A_172 = arith.constant 0 : i32
      %dma_start3A_173 = tpu.memref_slice %arg6[%add3A_109, %dma_start3A_172] : memref<10240x128xf32, #tpu.memory_space<vmem_shared>> -> memref<40x128xf32, #tpu.memory_space<vmem_shared>>
      tpu.enqueue_dma source(%dma_start3A_173 : memref<40x128xf32, #tpu.memory_space<vmem_shared>>) target(%dma_start3A_171 : memref<40x128xf32, #tpu.memory_space<hbm>>) target_semaphore(%run_scoped3A_168 : memref<!tpu.dma_semaphore, #tpu.memory_space<semaphore_mem>>)
      %dma_wait3A_174 = arith.constant 0 : i32
      %dma_wait3A_175 = tpu.memref_slice %arg5[%arg0, %add3A_111, %dma_wait3A_174] : memref<2x10240x128xf32, #tpu.memory_space<hbm>> -> memref<1x40x128xf32, #tpu.memory_space<hbm>>
      %dma_wait3A_176 = tpu.memref_squeeze %dma_wait3A_175 : memref<1x40x128xf32, #tpu.memory_space<hbm>> -> memref<40x128xf32, #tpu.memory_space<hbm>>
      %dma_wait3A_177 = arith.constant 0 : i32
      %dma_wait3A_178 = tpu.memref_slice %arg6[%add3A_109, %dma_wait3A_177] : memref<10240x128xf32, #tpu.memory_space<vmem_shared>> -> memref<40x128xf32, #tpu.memory_space<vmem_shared>>
      tpu.wait_dma2 semaphore(%run_scoped3A_168 : memref<!tpu.dma_semaphore, #tpu.memory_space<semaphore_mem>>) src(%dma_wait3A_178 : memref<40x128xf32, #tpu.memory_space<vmem_shared>>) dst(%dma_wait3A_176 : memref<40x128xf32, #tpu.memory_space<hbm>>)
      tpu.yield
    }) : () -> ()
    %add3A_112 = arith.constant 80 : i32
    %add3A_113 = arith.addi %mul3A_9, %add3A_112 : i32
    %add3A_114 = arith.constant 80 : i32
    %add3A_115 = arith.addi %mul3A_9, %add3A_114 : i32
    "tpu.region"() ({
      %run_scoped3A_168 = tpu.sem_alloc : memref<!tpu.dma_semaphore, #tpu.memory_space<semaphore_mem>>
      %dma_start3A_169 = arith.constant 0 : i32
      %dma_start3A_170 = tpu.memref_slice %arg5[%arg0, %add3A_115, %dma_start3A_169] : memref<2x10240x128xf32, #tpu.memory_space<hbm>> -> memref<1x40x128xf32, #tpu.memory_space<hbm>>
      %dma_start3A_171 = tpu.memref_squeeze %dma_start3A_170 : memref<1x40x128xf32, #tpu.memory_space<hbm>> -> memref<40x128xf32, #tpu.memory_space<hbm>>
      %dma_start3A_172 = arith.constant 0 : i32
      %dma_start3A_173 = tpu.memref_slice %arg6[%add3A_113, %dma_start3A_172] : memref<10240x128xf32, #tpu.memory_space<vmem_shared>> -> memref<40x128xf32, #tpu.memory_space<vmem_shared>>
      tpu.enqueue_dma source(%dma_start3A_173 : memref<40x128xf32, #tpu.memory_space<vmem_shared>>) target(%dma_start3A_171 : memref<40x128xf32, #tpu.memory_space<hbm>>) target_semaphore(%run_scoped3A_168 : memref<!tpu.dma_semaphore, #tpu.memory_space<semaphore_mem>>)
      %dma_wait3A_174 = arith.constant 0 : i32
      %dma_wait3A_175 = tpu.memref_slice %arg5[%arg0, %add3A_115, %dma_wait3A_174] : memref<2x10240x128xf32, #tpu.memory_space<hbm>> -> memref<1x40x128xf32, #tpu.memory_space<hbm>>
      %dma_wait3A_176 = tpu.memref_squeeze %dma_wait3A_175 : memref<1x40x128xf32, #tpu.memory_space<hbm>> -> memref<40x128xf32, #tpu.memory_space<hbm>>
      %dma_wait3A_177 = arith.constant 0 : i32
      %dma_wait3A_178 = tpu.memref_slice %arg6[%add3A_113, %dma_wait3A_177] : memref<10240x128xf32, #tpu.memory_space<vmem_shared>> -> memref<40x128xf32, #tpu.memory_space<vmem_shared>>
      tpu.wait_dma2 semaphore(%run_scoped3A_168 : memref<!tpu.dma_semaphore, #tpu.memory_space<semaphore_mem>>) src(%dma_wait3A_178 : memref<40x128xf32, #tpu.memory_space<vmem_shared>>) dst(%dma_wait3A_176 : memref<40x128xf32, #tpu.memory_space<hbm>>)
      tpu.yield
    }) : () -> ()
    %add3A_116 = arith.constant 120 : i32
    %add3A_117 = arith.addi %mul3A_9, %add3A_116 : i32
    %add3A_118 = arith.constant 120 : i32
    %add3A_119 = arith.addi %mul3A_9, %add3A_118 : i32
    "tpu.region"() ({
      %run_scoped3A_168 = tpu.sem_alloc : memref<!tpu.dma_semaphore, #tpu.memory_space<semaphore_mem>>
      %dma_start3A_169 = arith.constant 0 : i32
      %dma_start3A_170 = tpu.memref_slice %arg5[%arg0, %add3A_119, %dma_start3A_169] : memref<2x10240x128xf32, #tpu.memory_space<hbm>> -> memref<1x40x128xf32, #tpu.memory_space<hbm>>
      %dma_start3A_171 = tpu.memref_squeeze %dma_start3A_170 : memref<1x40x128xf32, #tpu.memory_space<hbm>> -> memref<40x128xf32, #tpu.memory_space<hbm>>
      %dma_start3A_172 = arith.constant 0 : i32
      %dma_start3A_173 = tpu.memref_slice %arg6[%add3A_117, %dma_start3A_172] : memref<10240x128xf32, #tpu.memory_space<vmem_shared>> -> memref<40x128xf32, #tpu.memory_space<vmem_shared>>
      tpu.enqueue_dma source(%dma_start3A_173 : memref<40x128xf32, #tpu.memory_space<vmem_shared>>) target(%dma_start3A_171 : memref<40x128xf32, #tpu.memory_space<hbm>>) target_semaphore(%run_scoped3A_168 : memref<!tpu.dma_semaphore, #tpu.memory_space<semaphore_mem>>)
      %dma_wait3A_174 = arith.constant 0 : i32
      %dma_wait3A_175 = tpu.memref_slice %arg5[%arg0, %add3A_119, %dma_wait3A_174] : memref<2x10240x128xf32, #tpu.memory_space<hbm>> -> memref<1x40x128xf32, #tpu.memory_space<hbm>>
      %dma_wait3A_176 = tpu.memref_squeeze %dma_wait3A_175 : memref<1x40x128xf32, #tpu.memory_space<hbm>> -> memref<40x128xf32, #tpu.memory_space<hbm>>
      %dma_wait3A_177 = arith.constant 0 : i32
      %dma_wait3A_178 = tpu.memref_slice %arg6[%add3A_117, %dma_wait3A_177] : memref<10240x128xf32, #tpu.memory_space<vmem_shared>> -> memref<40x128xf32, #tpu.memory_space<vmem_shared>>
      tpu.wait_dma2 semaphore(%run_scoped3A_168 : memref<!tpu.dma_semaphore, #tpu.memory_space<semaphore_mem>>) src(%dma_wait3A_178 : memref<40x128xf32, #tpu.memory_space<vmem_shared>>) dst(%dma_wait3A_176 : memref<40x128xf32, #tpu.memory_space<hbm>>)
      tpu.yield
    }) : () -> ()
    %add3A_120 = arith.constant 160 : i32
    %add3A_121 = arith.addi %mul3A_9, %add3A_120 : i32
    %add3A_122 = arith.constant 160 : i32
    %add3A_123 = arith.addi %mul3A_9, %add3A_122 : i32
    "tpu.region"() ({
      %run_scoped3A_168 = tpu.sem_alloc : memref<!tpu.dma_semaphore, #tpu.memory_space<semaphore_mem>>
      %dma_start3A_169 = arith.constant 0 : i32
      %dma_start3A_170 = tpu.memref_slice %arg5[%arg0, %add3A_123, %dma_start3A_169] : memref<2x10240x128xf32, #tpu.memory_space<hbm>> -> memref<1x40x128xf32, #tpu.memory_space<hbm>>
      %dma_start3A_171 = tpu.memref_squeeze %dma_start3A_170 : memref<1x40x128xf32, #tpu.memory_space<hbm>> -> memref<40x128xf32, #tpu.memory_space<hbm>>
      %dma_start3A_172 = arith.constant 0 : i32
      %dma_start3A_173 = tpu.memref_slice %arg6[%add3A_121, %dma_start3A_172] : memref<10240x128xf32, #tpu.memory_space<vmem_shared>> -> memref<40x128xf32, #tpu.memory_space<vmem_shared>>
      tpu.enqueue_dma source(%dma_start3A_173 : memref<40x128xf32, #tpu.memory_space<vmem_shared>>) target(%dma_start3A_171 : memref<40x128xf32, #tpu.memory_space<hbm>>) target_semaphore(%run_scoped3A_168 : memref<!tpu.dma_semaphore, #tpu.memory_space<semaphore_mem>>)
      %dma_wait3A_174 = arith.constant 0 : i32
      %dma_wait3A_175 = tpu.memref_slice %arg5[%arg0, %add3A_123, %dma_wait3A_174] : memref<2x10240x128xf32, #tpu.memory_space<hbm>> -> memref<1x40x128xf32, #tpu.memory_space<hbm>>
      %dma_wait3A_176 = tpu.memref_squeeze %dma_wait3A_175 : memref<1x40x128xf32, #tpu.memory_space<hbm>> -> memref<40x128xf32, #tpu.memory_space<hbm>>
      %dma_wait3A_177 = arith.constant 0 : i32
      %dma_wait3A_178 = tpu.memref_slice %arg6[%add3A_121, %dma_wait3A_177] : memref<10240x128xf32, #tpu.memory_space<vmem_shared>> -> memref<40x128xf32, #tpu.memory_space<vmem_shared>>
      tpu.wait_dma2 semaphore(%run_scoped3A_168 : memref<!tpu.dma_semaphore, #tpu.memory_space<semaphore_mem>>) src(%dma_wait3A_178 : memref<40x128xf32, #tpu.memory_space<vmem_shared>>) dst(%dma_wait3A_176 : memref<40x128xf32, #tpu.memory_space<hbm>>)
      tpu.yield
    }) : () -> ()
    %add3A_124 = arith.constant 200 : i32
    %add3A_125 = arith.addi %mul3A_9, %add3A_124 : i32
    %add3A_126 = arith.constant 200 : i32
    %add3A_127 = arith.addi %mul3A_9, %add3A_126 : i32
    "tpu.region"() ({
      %run_scoped3A_168 = tpu.sem_alloc : memref<!tpu.dma_semaphore, #tpu.memory_space<semaphore_mem>>
      %dma_start3A_169 = arith.constant 0 : i32
      %dma_start3A_170 = tpu.memref_slice %arg5[%arg0, %add3A_127, %dma_start3A_169] : memref<2x10240x128xf32, #tpu.memory_space<hbm>> -> memref<1x40x128xf32, #tpu.memory_space<hbm>>
      %dma_start3A_171 = tpu.memref_squeeze %dma_start3A_170 : memref<1x40x128xf32, #tpu.memory_space<hbm>> -> memref<40x128xf32, #tpu.memory_space<hbm>>
      %dma_start3A_172 = arith.constant 0 : i32
      %dma_start3A_173 = tpu.memref_slice %arg6[%add3A_125, %dma_start3A_172] : memref<10240x128xf32, #tpu.memory_space<vmem_shared>> -> memref<40x128xf32, #tpu.memory_space<vmem_shared>>
      tpu.enqueue_dma source(%dma_start3A_173 : memref<40x128xf32, #tpu.memory_space<vmem_shared>>) target(%dma_start3A_171 : memref<40x128xf32, #tpu.memory_space<hbm>>) target_semaphore(%run_scoped3A_168 : memref<!tpu.dma_semaphore, #tpu.memory_space<semaphore_mem>>)
      %dma_wait3A_174 = arith.constant 0 : i32
      %dma_wait3A_175 = tpu.memref_slice %arg5[%arg0, %add3A_127, %dma_wait3A_174] : memref<2x10240x128xf32, #tpu.memory_space<hbm>> -> memref<1x40x128xf32, #tpu.memory_space<hbm>>
      %dma_wait3A_176 = tpu.memref_squeeze %dma_wait3A_175 : memref<1x40x128xf32, #tpu.memory_space<hbm>> -> memref<40x128xf32, #tpu.memory_space<hbm>>
      %dma_wait3A_177 = arith.constant 0 : i32
      %dma_wait3A_178 = tpu.memref_slice %arg6[%add3A_125, %dma_wait3A_177] : memref<10240x128xf32, #tpu.memory_space<vmem_shared>> -> memref<40x128xf32, #tpu.memory_space<vmem_shared>>
      tpu.wait_dma2 semaphore(%run_scoped3A_168 : memref<!tpu.dma_semaphore, #tpu.memory_space<semaphore_mem>>) src(%dma_wait3A_178 : memref<40x128xf32, #tpu.memory_space<vmem_shared>>) dst(%dma_wait3A_176 : memref<40x128xf32, #tpu.memory_space<hbm>>)
      tpu.yield
    }) : () -> ()
    %add3A_128 = arith.constant 240 : i32
    %add3A_129 = arith.addi %mul3A_9, %add3A_128 : i32
    %add3A_130 = arith.constant 240 : i32
    %add3A_131 = arith.addi %mul3A_9, %add3A_130 : i32
    "tpu.region"() ({
      %run_scoped3A_168 = tpu.sem_alloc : memref<!tpu.dma_semaphore, #tpu.memory_space<semaphore_mem>>
      %dma_start3A_169 = arith.constant 0 : i32
      %dma_start3A_170 = tpu.memref_slice %arg5[%arg0, %add3A_131, %dma_start3A_169] : memref<2x10240x128xf32, #tpu.memory_space<hbm>> -> memref<1x40x128xf32, #tpu.memory_space<hbm>>
      %dma_start3A_171 = tpu.memref_squeeze %dma_start3A_170 : memref<1x40x128xf32, #tpu.memory_space<hbm>> -> memref<40x128xf32, #tpu.memory_space<hbm>>
      %dma_start3A_172 = arith.constant 0 : i32
      %dma_start3A_173 = tpu.memref_slice %arg6[%add3A_129, %dma_start3A_172] : memref<10240x128xf32, #tpu.memory_space<vmem_shared>> -> memref<40x128xf32, #tpu.memory_space<vmem_shared>>
      tpu.enqueue_dma source(%dma_start3A_173 : memref<40x128xf32, #tpu.memory_space<vmem_shared>>) target(%dma_start3A_171 : memref<40x128xf32, #tpu.memory_space<hbm>>) target_semaphore(%run_scoped3A_168 : memref<!tpu.dma_semaphore, #tpu.memory_space<semaphore_mem>>)
      %dma_wait3A_174 = arith.constant 0 : i32
      %dma_wait3A_175 = tpu.memref_slice %arg5[%arg0, %add3A_131, %dma_wait3A_174] : memref<2x10240x128xf32, #tpu.memory_space<hbm>> -> memref<1x40x128xf32, #tpu.memory_space<hbm>>
      %dma_wait3A_176 = tpu.memref_squeeze %dma_wait3A_175 : memref<1x40x128xf32, #tpu.memory_space<hbm>> -> memref<40x128xf32, #tpu.memory_space<hbm>>
      %dma_wait3A_177 = arith.constant 0 : i32
      %dma_wait3A_178 = tpu.memref_slice %arg6[%add3A_129, %dma_wait3A_177] : memref<10240x128xf32, #tpu.memory_space<vmem_shared>> -> memref<40x128xf32, #tpu.memory_space<vmem_shared>>
      tpu.wait_dma2 semaphore(%run_scoped3A_168 : memref<!tpu.dma_semaphore, #tpu.memory_space<semaphore_mem>>) src(%dma_wait3A_178 : memref<40x128xf32, #tpu.memory_space<vmem_shared>>) dst(%dma_wait3A_176 : memref<40x128xf32, #tpu.memory_space<hbm>>)
      tpu.yield
    }) : () -> ()
    %add3A_132 = arith.constant 280 : i32
    %add3A_133 = arith.addi %mul3A_9, %add3A_132 : i32
    %add3A_134 = arith.constant 280 : i32
    %add3A_135 = arith.addi %mul3A_9, %add3A_134 : i32
    "tpu.region"() ({
      %run_scoped3A_168 = tpu.sem_alloc : memref<!tpu.dma_semaphore, #tpu.memory_space<semaphore_mem>>
      %dma_start3A_169 = arith.constant 0 : i32
      %dma_start3A_170 = tpu.memref_slice %arg5[%arg0, %add3A_135, %dma_start3A_169] : memref<2x10240x128xf32, #tpu.memory_space<hbm>> -> memref<1x40x128xf32, #tpu.memory_space<hbm>>
      %dma_start3A_171 = tpu.memref_squeeze %dma_start3A_170 : memref<1x40x128xf32, #tpu.memory_space<hbm>> -> memref<40x128xf32, #tpu.memory_space<hbm>>
      %dma_start3A_172 = arith.constant 0 : i32
      %dma_start3A_173 = tpu.memref_slice %arg6[%add3A_133, %dma_start3A_172] : memref<10240x128xf32, #tpu.memory_space<vmem_shared>> -> memref<40x128xf32, #tpu.memory_space<vmem_shared>>
      tpu.enqueue_dma source(%dma_start3A_173 : memref<40x128xf32, #tpu.memory_space<vmem_shared>>) target(%dma_start3A_171 : memref<40x128xf32, #tpu.memory_space<hbm>>) target_semaphore(%run_scoped3A_168 : memref<!tpu.dma_semaphore, #tpu.memory_space<semaphore_mem>>)
      %dma_wait3A_174 = arith.constant 0 : i32
      %dma_wait3A_175 = tpu.memref_slice %arg5[%arg0, %add3A_135, %dma_wait3A_174] : memref<2x10240x128xf32, #tpu.memory_space<hbm>> -> memref<1x40x128xf32, #tpu.memory_space<hbm>>
      %dma_wait3A_176 = tpu.memref_squeeze %dma_wait3A_175 : memref<1x40x128xf32, #tpu.memory_space<hbm>> -> memref<40x128xf32, #tpu.memory_space<hbm>>
      %dma_wait3A_177 = arith.constant 0 : i32
      %dma_wait3A_178 = tpu.memref_slice %arg6[%add3A_133, %dma_wait3A_177] : memref<10240x128xf32, #tpu.memory_space<vmem_shared>> -> memref<40x128xf32, #tpu.memory_space<vmem_shared>>
      tpu.wait_dma2 semaphore(%run_scoped3A_168 : memref<!tpu.dma_semaphore, #tpu.memory_space<semaphore_mem>>) src(%dma_wait3A_178 : memref<40x128xf32, #tpu.memory_space<vmem_shared>>) dst(%dma_wait3A_176 : memref<40x128xf32, #tpu.memory_space<hbm>>)
      tpu.yield
    }) : () -> ()
    %add3A_136 = arith.constant 320 : i32
    %add3A_137 = arith.addi %mul3A_9, %add3A_136 : i32
    %add3A_138 = arith.constant 320 : i32
    %add3A_139 = arith.addi %mul3A_9, %add3A_138 : i32
    "tpu.region"() ({
      %run_scoped3A_168 = tpu.sem_alloc : memref<!tpu.dma_semaphore, #tpu.memory_space<semaphore_mem>>
      %dma_start3A_169 = arith.constant 0 : i32
      %dma_start3A_170 = tpu.memref_slice %arg5[%arg0, %add3A_139, %dma_start3A_169] : memref<2x10240x128xf32, #tpu.memory_space<hbm>> -> memref<1x40x128xf32, #tpu.memory_space<hbm>>
      %dma_start3A_171 = tpu.memref_squeeze %dma_start3A_170 : memref<1x40x128xf32, #tpu.memory_space<hbm>> -> memref<40x128xf32, #tpu.memory_space<hbm>>
      %dma_start3A_172 = arith.constant 0 : i32
      %dma_start3A_173 = tpu.memref_slice %arg6[%add3A_137, %dma_start3A_172] : memref<10240x128xf32, #tpu.memory_space<vmem_shared>> -> memref<40x128xf32, #tpu.memory_space<vmem_shared>>
      tpu.enqueue_dma source(%dma_start3A_173 : memref<40x128xf32, #tpu.memory_space<vmem_shared>>) target(%dma_start3A_171 : memref<40x128xf32, #tpu.memory_space<hbm>>) target_semaphore(%run_scoped3A_168 : memref<!tpu.dma_semaphore, #tpu.memory_space<semaphore_mem>>)
      %dma_wait3A_174 = arith.constant 0 : i32
      %dma_wait3A_175 = tpu.memref_slice %arg5[%arg0, %add3A_139, %dma_wait3A_174] : memref<2x10240x128xf32, #tpu.memory_space<hbm>> -> memref<1x40x128xf32, #tpu.memory_space<hbm>>
      %dma_wait3A_176 = tpu.memref_squeeze %dma_wait3A_175 : memref<1x40x128xf32, #tpu.memory_space<hbm>> -> memref<40x128xf32, #tpu.memory_space<hbm>>
      %dma_wait3A_177 = arith.constant 0 : i32
      %dma_wait3A_178 = tpu.memref_slice %arg6[%add3A_137, %dma_wait3A_177] : memref<10240x128xf32, #tpu.memory_space<vmem_shared>> -> memref<40x128xf32, #tpu.memory_space<vmem_shared>>
      tpu.wait_dma2 semaphore(%run_scoped3A_168 : memref<!tpu.dma_semaphore, #tpu.memory_space<semaphore_mem>>) src(%dma_wait3A_178 : memref<40x128xf32, #tpu.memory_space<vmem_shared>>) dst(%dma_wait3A_176 : memref<40x128xf32, #tpu.memory_space<hbm>>)
      tpu.yield
    }) : () -> ()
    %add3A_140 = arith.constant 360 : i32
    %add3A_141 = arith.addi %mul3A_9, %add3A_140 : i32
    %add3A_142 = arith.constant 360 : i32
    %add3A_143 = arith.addi %mul3A_9, %add3A_142 : i32
    "tpu.region"() ({
      %run_scoped3A_168 = tpu.sem_alloc : memref<!tpu.dma_semaphore, #tpu.memory_space<semaphore_mem>>
      %dma_start3A_169 = arith.constant 0 : i32
      %dma_start3A_170 = tpu.memref_slice %arg5[%arg0, %add3A_143, %dma_start3A_169] : memref<2x10240x128xf32, #tpu.memory_space<hbm>> -> memref<1x40x128xf32, #tpu.memory_space<hbm>>
      %dma_start3A_171 = tpu.memref_squeeze %dma_start3A_170 : memref<1x40x128xf32, #tpu.memory_space<hbm>> -> memref<40x128xf32, #tpu.memory_space<hbm>>
      %dma_start3A_172 = arith.constant 0 : i32
      %dma_start3A_173 = tpu.memref_slice %arg6[%add3A_141, %dma_start3A_172] : memref<10240x128xf32, #tpu.memory_space<vmem_shared>> -> memref<40x128xf32, #tpu.memory_space<vmem_shared>>
      tpu.enqueue_dma source(%dma_start3A_173 : memref<40x128xf32, #tpu.memory_space<vmem_shared>>) target(%dma_start3A_171 : memref<40x128xf32, #tpu.memory_space<hbm>>) target_semaphore(%run_scoped3A_168 : memref<!tpu.dma_semaphore, #tpu.memory_space<semaphore_mem>>)
      %dma_wait3A_174 = arith.constant 0 : i32
      %dma_wait3A_175 = tpu.memref_slice %arg5[%arg0, %add3A_143, %dma_wait3A_174] : memref<2x10240x128xf32, #tpu.memory_space<hbm>> -> memref<1x40x128xf32, #tpu.memory_space<hbm>>
      %dma_wait3A_176 = tpu.memref_squeeze %dma_wait3A_175 : memref<1x40x128xf32, #tpu.memory_space<hbm>> -> memref<40x128xf32, #tpu.memory_space<hbm>>
      %dma_wait3A_177 = arith.constant 0 : i32
      %dma_wait3A_178 = tpu.memref_slice %arg6[%add3A_141, %dma_wait3A_177] : memref<10240x128xf32, #tpu.memory_space<vmem_shared>> -> memref<40x128xf32, #tpu.memory_space<vmem_shared>>
      tpu.wait_dma2 semaphore(%run_scoped3A_168 : memref<!tpu.dma_semaphore, #tpu.memory_space<semaphore_mem>>) src(%dma_wait3A_178 : memref<40x128xf32, #tpu.memory_space<vmem_shared>>) dst(%dma_wait3A_176 : memref<40x128xf32, #tpu.memory_space<hbm>>)
      tpu.yield
    }) : () -> ()
    %add3A_144 = arith.constant 400 : i32
    %add3A_145 = arith.addi %mul3A_9, %add3A_144 : i32
    %add3A_146 = arith.constant 400 : i32
    %add3A_147 = arith.addi %mul3A_9, %add3A_146 : i32
    "tpu.region"() ({
      %run_scoped3A_168 = tpu.sem_alloc : memref<!tpu.dma_semaphore, #tpu.memory_space<semaphore_mem>>
      %dma_start3A_169 = arith.constant 0 : i32
      %dma_start3A_170 = tpu.memref_slice %arg5[%arg0, %add3A_147, %dma_start3A_169] : memref<2x10240x128xf32, #tpu.memory_space<hbm>> -> memref<1x40x128xf32, #tpu.memory_space<hbm>>
      %dma_start3A_171 = tpu.memref_squeeze %dma_start3A_170 : memref<1x40x128xf32, #tpu.memory_space<hbm>> -> memref<40x128xf32, #tpu.memory_space<hbm>>
      %dma_start3A_172 = arith.constant 0 : i32
      %dma_start3A_173 = tpu.memref_slice %arg6[%add3A_145, %dma_start3A_172] : memref<10240x128xf32, #tpu.memory_space<vmem_shared>> -> memref<40x128xf32, #tpu.memory_space<vmem_shared>>
      tpu.enqueue_dma source(%dma_start3A_173 : memref<40x128xf32, #tpu.memory_space<vmem_shared>>) target(%dma_start3A_171 : memref<40x128xf32, #tpu.memory_space<hbm>>) target_semaphore(%run_scoped3A_168 : memref<!tpu.dma_semaphore, #tpu.memory_space<semaphore_mem>>)
      %dma_wait3A_174 = arith.constant 0 : i32
      %dma_wait3A_175 = tpu.memref_slice %arg5[%arg0, %add3A_147, %dma_wait3A_174] : memref<2x10240x128xf32, #tpu.memory_space<hbm>> -> memref<1x40x128xf32, #tpu.memory_space<hbm>>
      %dma_wait3A_176 = tpu.memref_squeeze %dma_wait3A_175 : memref<1x40x128xf32, #tpu.memory_space<hbm>> -> memref<40x128xf32, #tpu.memory_space<hbm>>
      %dma_wait3A_177 = arith.constant 0 : i32
      %dma_wait3A_178 = tpu.memref_slice %arg6[%add3A_145, %dma_wait3A_177] : memref<10240x128xf32, #tpu.memory_space<vmem_shared>> -> memref<40x128xf32, #tpu.memory_space<vmem_shared>>
      tpu.wait_dma2 semaphore(%run_scoped3A_168 : memref<!tpu.dma_semaphore, #tpu.memory_space<semaphore_mem>>) src(%dma_wait3A_178 : memref<40x128xf32, #tpu.memory_space<vmem_shared>>) dst(%dma_wait3A_176 : memref<40x128xf32, #tpu.memory_space<hbm>>)
      tpu.yield
    }) : () -> ()
    %add3A_148 = arith.constant 440 : i32
    %add3A_149 = arith.addi %mul3A_9, %add3A_148 : i32
    %add3A_150 = arith.constant 440 : i32
    %add3A_151 = arith.addi %mul3A_9, %add3A_150 : i32
    "tpu.region"() ({
      %run_scoped3A_168 = tpu.sem_alloc : memref<!tpu.dma_semaphore, #tpu.memory_space<semaphore_mem>>
      %dma_start3A_169 = arith.constant 0 : i32
      %dma_start3A_170 = tpu.memref_slice %arg5[%arg0, %add3A_151, %dma_start3A_169] : memref<2x10240x128xf32, #tpu.memory_space<hbm>> -> memref<1x40x128xf32, #tpu.memory_space<hbm>>
      %dma_start3A_171 = tpu.memref_squeeze %dma_start3A_170 : memref<1x40x128xf32, #tpu.memory_space<hbm>> -> memref<40x128xf32, #tpu.memory_space<hbm>>
      %dma_start3A_172 = arith.constant 0 : i32
      %dma_start3A_173 = tpu.memref_slice %arg6[%add3A_149, %dma_start3A_172] : memref<10240x128xf32, #tpu.memory_space<vmem_shared>> -> memref<40x128xf32, #tpu.memory_space<vmem_shared>>
      tpu.enqueue_dma source(%dma_start3A_173 : memref<40x128xf32, #tpu.memory_space<vmem_shared>>) target(%dma_start3A_171 : memref<40x128xf32, #tpu.memory_space<hbm>>) target_semaphore(%run_scoped3A_168 : memref<!tpu.dma_semaphore, #tpu.memory_space<semaphore_mem>>)
      %dma_wait3A_174 = arith.constant 0 : i32
      %dma_wait3A_175 = tpu.memref_slice %arg5[%arg0, %add3A_151, %dma_wait3A_174] : memref<2x10240x128xf32, #tpu.memory_space<hbm>> -> memref<1x40x128xf32, #tpu.memory_space<hbm>>
      %dma_wait3A_176 = tpu.memref_squeeze %dma_wait3A_175 : memref<1x40x128xf32, #tpu.memory_space<hbm>> -> memref<40x128xf32, #tpu.memory_space<hbm>>
      %dma_wait3A_177 = arith.constant 0 : i32
      %dma_wait3A_178 = tpu.memref_slice %arg6[%add3A_149, %dma_wait3A_177] : memref<10240x128xf32, #tpu.memory_space<vmem_shared>> -> memref<40x128xf32, #tpu.memory_space<vmem_shared>>
      tpu.wait_dma2 semaphore(%run_scoped3A_168 : memref<!tpu.dma_semaphore, #tpu.memory_space<semaphore_mem>>) src(%dma_wait3A_178 : memref<40x128xf32, #tpu.memory_space<vmem_shared>>) dst(%dma_wait3A_176 : memref<40x128xf32, #tpu.memory_space<hbm>>)
      tpu.yield
    }) : () -> ()
    %add3A_152 = arith.constant 480 : i32
    %add3A_153 = arith.addi %mul3A_9, %add3A_152 : i32
    %add3A_154 = arith.constant 480 : i32
    %add3A_155 = arith.addi %mul3A_9, %add3A_154 : i32
    "tpu.region"() ({
      %run_scoped3A_168 = tpu.sem_alloc : memref<!tpu.dma_semaphore, #tpu.memory_space<semaphore_mem>>
      %dma_start3A_169 = arith.constant 0 : i32
      %dma_start3A_170 = tpu.memref_slice %arg5[%arg0, %add3A_155, %dma_start3A_169] : memref<2x10240x128xf32, #tpu.memory_space<hbm>> -> memref<1x40x128xf32, #tpu.memory_space<hbm>>
      %dma_start3A_171 = tpu.memref_squeeze %dma_start3A_170 : memref<1x40x128xf32, #tpu.memory_space<hbm>> -> memref<40x128xf32, #tpu.memory_space<hbm>>
      %dma_start3A_172 = arith.constant 0 : i32
      %dma_start3A_173 = tpu.memref_slice %arg6[%add3A_153, %dma_start3A_172] : memref<10240x128xf32, #tpu.memory_space<vmem_shared>> -> memref<40x128xf32, #tpu.memory_space<vmem_shared>>
      tpu.enqueue_dma source(%dma_start3A_173 : memref<40x128xf32, #tpu.memory_space<vmem_shared>>) target(%dma_start3A_171 : memref<40x128xf32, #tpu.memory_space<hbm>>) target_semaphore(%run_scoped3A_168 : memref<!tpu.dma_semaphore, #tpu.memory_space<semaphore_mem>>)
      %dma_wait3A_174 = arith.constant 0 : i32
      %dma_wait3A_175 = tpu.memref_slice %arg5[%arg0, %add3A_155, %dma_wait3A_174] : memref<2x10240x128xf32, #tpu.memory_space<hbm>> -> memref<1x40x128xf32, #tpu.memory_space<hbm>>
      %dma_wait3A_176 = tpu.memref_squeeze %dma_wait3A_175 : memref<1x40x128xf32, #tpu.memory_space<hbm>> -> memref<40x128xf32, #tpu.memory_space<hbm>>
      %dma_wait3A_177 = arith.constant 0 : i32
      %dma_wait3A_178 = tpu.memref_slice %arg6[%add3A_153, %dma_wait3A_177] : memref<10240x128xf32, #tpu.memory_space<vmem_shared>> -> memref<40x128xf32, #tpu.memory_space<vmem_shared>>
      tpu.wait_dma2 semaphore(%run_scoped3A_168 : memref<!tpu.dma_semaphore, #tpu.memory_space<semaphore_mem>>) src(%dma_wait3A_178 : memref<40x128xf32, #tpu.memory_space<vmem_shared>>) dst(%dma_wait3A_176 : memref<40x128xf32, #tpu.memory_space<hbm>>)
      tpu.yield
    }) : () -> ()
    %add3A_156 = arith.constant 520 : i32
    %add3A_157 = arith.addi %mul3A_9, %add3A_156 : i32
    %add3A_158 = arith.constant 520 : i32
    %add3A_159 = arith.addi %mul3A_9, %add3A_158 : i32
    "tpu.region"() ({
      %run_scoped3A_168 = tpu.sem_alloc : memref<!tpu.dma_semaphore, #tpu.memory_space<semaphore_mem>>
      %dma_start3A_169 = arith.constant 0 : i32
      %dma_start3A_170 = tpu.memref_slice %arg5[%arg0, %add3A_159, %dma_start3A_169] : memref<2x10240x128xf32, #tpu.memory_space<hbm>> -> memref<1x40x128xf32, #tpu.memory_space<hbm>>
      %dma_start3A_171 = tpu.memref_squeeze %dma_start3A_170 : memref<1x40x128xf32, #tpu.memory_space<hbm>> -> memref<40x128xf32, #tpu.memory_space<hbm>>
      %dma_start3A_172 = arith.constant 0 : i32
      %dma_start3A_173 = tpu.memref_slice %arg6[%add3A_157, %dma_start3A_172] : memref<10240x128xf32, #tpu.memory_space<vmem_shared>> -> memref<40x128xf32, #tpu.memory_space<vmem_shared>>
      tpu.enqueue_dma source(%dma_start3A_173 : memref<40x128xf32, #tpu.memory_space<vmem_shared>>) target(%dma_start3A_171 : memref<40x128xf32, #tpu.memory_space<hbm>>) target_semaphore(%run_scoped3A_168 : memref<!tpu.dma_semaphore, #tpu.memory_space<semaphore_mem>>)
      %dma_wait3A_174 = arith.constant 0 : i32
      %dma_wait3A_175 = tpu.memref_slice %arg5[%arg0, %add3A_159, %dma_wait3A_174] : memref<2x10240x128xf32, #tpu.memory_space<hbm>> -> memref<1x40x128xf32, #tpu.memory_space<hbm>>
      %dma_wait3A_176 = tpu.memref_squeeze %dma_wait3A_175 : memref<1x40x128xf32, #tpu.memory_space<hbm>> -> memref<40x128xf32, #tpu.memory_space<hbm>>
      %dma_wait3A_177 = arith.constant 0 : i32
      %dma_wait3A_178 = tpu.memref_slice %arg6[%add3A_157, %dma_wait3A_177] : memref<10240x128xf32, #tpu.memory_space<vmem_shared>> -> memref<40x128xf32, #tpu.memory_space<vmem_shared>>
      tpu.wait_dma2 semaphore(%run_scoped3A_168 : memref<!tpu.dma_semaphore, #tpu.memory_space<semaphore_mem>>) src(%dma_wait3A_178 : memref<40x128xf32, #tpu.memory_space<vmem_shared>>) dst(%dma_wait3A_176 : memref<40x128xf32, #tpu.memory_space<hbm>>)
      tpu.yield
    }) : () -> ()
    %add3A_160 = arith.constant 560 : i32
    %add3A_161 = arith.addi %mul3A_9, %add3A_160 : i32
    %add3A_162 = arith.constant 560 : i32
    %add3A_163 = arith.addi %mul3A_9, %add3A_162 : i32
    "tpu.region"() ({
      %run_scoped3A_168 = tpu.sem_alloc : memref<!tpu.dma_semaphore, #tpu.memory_space<semaphore_mem>>
      %dma_start3A_169 = arith.constant 0 : i32
      %dma_start3A_170 = tpu.memref_slice %arg5[%arg0, %add3A_163, %dma_start3A_169] : memref<2x10240x128xf32, #tpu.memory_space<hbm>> -> memref<1x40x128xf32, #tpu.memory_space<hbm>>
      %dma_start3A_171 = tpu.memref_squeeze %dma_start3A_170 : memref<1x40x128xf32, #tpu.memory_space<hbm>> -> memref<40x128xf32, #tpu.memory_space<hbm>>
      %dma_start3A_172 = arith.constant 0 : i32
      %dma_start3A_173 = tpu.memref_slice %arg6[%add3A_161, %dma_start3A_172] : memref<10240x128xf32, #tpu.memory_space<vmem_shared>> -> memref<40x128xf32, #tpu.memory_space<vmem_shared>>
      tpu.enqueue_dma source(%dma_start3A_173 : memref<40x128xf32, #tpu.memory_space<vmem_shared>>) target(%dma_start3A_171 : memref<40x128xf32, #tpu.memory_space<hbm>>) target_semaphore(%run_scoped3A_168 : memref<!tpu.dma_semaphore, #tpu.memory_space<semaphore_mem>>)
      %dma_wait3A_174 = arith.constant 0 : i32
      %dma_wait3A_175 = tpu.memref_slice %arg5[%arg0, %add3A_163, %dma_wait3A_174] : memref<2x10240x128xf32, #tpu.memory_space<hbm>> -> memref<1x40x128xf32, #tpu.memory_space<hbm>>
      %dma_wait3A_176 = tpu.memref_squeeze %dma_wait3A_175 : memref<1x40x128xf32, #tpu.memory_space<hbm>> -> memref<40x128xf32, #tpu.memory_space<hbm>>
      %dma_wait3A_177 = arith.constant 0 : i32
      %dma_wait3A_178 = tpu.memref_slice %arg6[%add3A_161, %dma_wait3A_177] : memref<10240x128xf32, #tpu.memory_space<vmem_shared>> -> memref<40x128xf32, #tpu.memory_space<vmem_shared>>
      tpu.wait_dma2 semaphore(%run_scoped3A_168 : memref<!tpu.dma_semaphore, #tpu.memory_space<semaphore_mem>>) src(%dma_wait3A_178 : memref<40x128xf32, #tpu.memory_space<vmem_shared>>) dst(%dma_wait3A_176 : memref<40x128xf32, #tpu.memory_space<hbm>>)
      tpu.yield
    }) : () -> ()
    %add3A_164 = arith.constant 600 : i32
    %add3A_165 = arith.addi %mul3A_9, %add3A_164 : i32
    %add3A_166 = arith.constant 600 : i32
    %add3A_167 = arith.addi %mul3A_9, %add3A_166 : i32
    "tpu.region"() ({
      %run_scoped3A_168 = tpu.sem_alloc : memref<!tpu.dma_semaphore, #tpu.memory_space<semaphore_mem>>
      %dma_start3A_169 = arith.constant 0 : i32
      %dma_start3A_170 = tpu.memref_slice %arg5[%arg0, %add3A_167, %dma_start3A_169] : memref<2x10240x128xf32, #tpu.memory_space<hbm>> -> memref<1x40x128xf32, #tpu.memory_space<hbm>>
      %dma_start3A_171 = tpu.memref_squeeze %dma_start3A_170 : memref<1x40x128xf32, #tpu.memory_space<hbm>> -> memref<40x128xf32, #tpu.memory_space<hbm>>
      %dma_start3A_172 = arith.constant 0 : i32
      %dma_start3A_173 = tpu.memref_slice %arg6[%add3A_165, %dma_start3A_172] : memref<10240x128xf32, #tpu.memory_space<vmem_shared>> -> memref<40x128xf32, #tpu.memory_space<vmem_shared>>
      tpu.enqueue_dma source(%dma_start3A_173 : memref<40x128xf32, #tpu.memory_space<vmem_shared>>) target(%dma_start3A_171 : memref<40x128xf32, #tpu.memory_space<hbm>>) target_semaphore(%run_scoped3A_168 : memref<!tpu.dma_semaphore, #tpu.memory_space<semaphore_mem>>)
      %dma_wait3A_174 = arith.constant 0 : i32
      %dma_wait3A_175 = tpu.memref_slice %arg5[%arg0, %add3A_167, %dma_wait3A_174] : memref<2x10240x128xf32, #tpu.memory_space<hbm>> -> memref<1x40x128xf32, #tpu.memory_space<hbm>>
      %dma_wait3A_176 = tpu.memref_squeeze %dma_wait3A_175 : memref<1x40x128xf32, #tpu.memory_space<hbm>> -> memref<40x128xf32, #tpu.memory_space<hbm>>
      %dma_wait3A_177 = arith.constant 0 : i32
      %dma_wait3A_178 = tpu.memref_slice %arg6[%add3A_165, %dma_wait3A_177] : memref<10240x128xf32, #tpu.memory_space<vmem_shared>> -> memref<40x128xf32, #tpu.memory_space<vmem_shared>>
      tpu.wait_dma2 semaphore(%run_scoped3A_168 : memref<!tpu.dma_semaphore, #tpu.memory_space<semaphore_mem>>) src(%dma_wait3A_178 : memref<40x128xf32, #tpu.memory_space<vmem_shared>>) dst(%dma_wait3A_176 : memref<40x128xf32, #tpu.memory_space<hbm>>)
      tpu.yield
    }) : () -> ()
    return
  }
}

module attributes {stable_mosaic.version = 14 : i64} {
  func.func @body(%arg0: i32, %arg1: memref<2x1000x128xf32, #tpu.memory_space<vmem>>, %arg2: memref<2x1000x128xf32, #tpu.memory_space<vmem>>, %arg3: memref<128x128xf32, #tpu.memory_space<vmem>>, %arg4: memref<128x128xf32, #tpu.memory_space<vmem>>, %arg5: memref<16x128xf32, #tpu.memory_space<vmem>>, %arg6: memref<1x128xf32, #tpu.memory_space<vmem>>, %arg7: memref<1x128xf32, #tpu.memory_space<vmem>>, %arg8: memref<1x128xf32, #tpu.memory_space<vmem>>, %arg9: memref<1000x128xf32, #tpu.memory_space<vmem>>) attributes {dimension_semantics = [#tpu.dimension_semantics<arbitrary>], iteration_bounds = array<i64: 10>, scalar_prefetch = 0 : i64, scratch_operands = 0 : i64, tpu.core_type = #tpu.core_type<tc>, window_params = [{transform_indices = @transform_0, window_bounds = array<i64: 2, 1000, 128>}, {transform_indices = @transform_1, window_bounds = array<i64: 2, 1000, 128>}, {pipeline_mode = #tpu.pipeline_mode<synchronous>, transform_indices = @transform_2, window_bounds = array<i64: 128, 128>}, {pipeline_mode = #tpu.pipeline_mode<synchronous>, transform_indices = @transform_3, window_bounds = array<i64: 128, 128>}, {pipeline_mode = #tpu.pipeline_mode<synchronous>, transform_indices = @transform_4, window_bounds = array<i64: 16, 128>}, {pipeline_mode = #tpu.pipeline_mode<synchronous>, transform_indices = @transform_5, window_bounds = array<i64: 1, 128>}, {pipeline_mode = #tpu.pipeline_mode<synchronous>, transform_indices = @transform_6, window_bounds = array<i64: 1, 128>}, {pipeline_mode = #tpu.pipeline_mode<synchronous>, transform_indices = @transform_7, window_bounds = array<i64: 1, 128>}, {transform_indices = @transform_8, window_bounds = array<i64: 1000, 128>}]} {
    %get3A = arith.constant 0 : index
    %get3A_0 = arith.constant 0 : index
    %get3A_1 = arith.constant 0 : index
    %get3A_2 = vector.load %arg1[%get3A, %get3A_0, %get3A_1] : memref<2x1000x128xf32, #tpu.memory_space<vmem>>, vector<1x1000x128xf32>
    %get3A_3 = vector.shape_cast %get3A_2 : vector<1x1000x128xf32> to vector<1000x128xf32>
    %get3A_4 = arith.constant 1 : index
    %get3A_5 = arith.constant 0 : index
    %get3A_6 = arith.constant 0 : index
    %get3A_7 = vector.load %arg1[%get3A_4, %get3A_5, %get3A_6] : memref<2x1000x128xf32, #tpu.memory_space<vmem>>, vector<1x1000x128xf32>
    %get3A_8 = vector.shape_cast %get3A_7 : vector<1x1000x128xf32> to vector<1000x128xf32>
    %add3A = arith.addf %get3A_3, %get3A_8 : vector<1000x128xf32>
    %get3A_9 = arith.constant 0 : index
    %get3A_10 = arith.constant 0 : index
    %get3A_11 = arith.constant 0 : index
    %get3A_12 = vector.load %arg2[%get3A_9, %get3A_10, %get3A_11] : memref<2x1000x128xf32, #tpu.memory_space<vmem>>, vector<1x1000x128xf32>
    %get3A_13 = vector.shape_cast %get3A_12 : vector<1x1000x128xf32> to vector<1000x128xf32>
    %get3A_14 = arith.constant 1 : index
    %get3A_15 = arith.constant 0 : index
    %get3A_16 = arith.constant 0 : index
    %get3A_17 = vector.load %arg2[%get3A_14, %get3A_15, %get3A_16] : memref<2x1000x128xf32, #tpu.memory_space<vmem>>, vector<1x1000x128xf32>
    %get3A_18 = vector.shape_cast %get3A_17 : vector<1x1000x128xf32> to vector<1000x128xf32>
    %add3A_19 = arith.addf %get3A_13, %get3A_18 : vector<1000x128xf32>
    %slice3A = vector.extract_strided_slice %add3A_19 {offsets = [0, 0], sizes = [1000, 16], strides = [1, 1]} : vector<1000x128xf32> to vector<1000x16xf32>
    %slice3A_20 = vector.extract_strided_slice %add3A_19 {offsets = [0, 16], sizes = [1000, 1], strides = [1, 1]} : vector<1000x128xf32> to vector<1000x1xf32>
    %get3A_21 = arith.constant 0 : index
    %get3A_22 = arith.constant 0 : index
    %get3A_23 = vector.load %arg4[%get3A_21, %get3A_22] : memref<128x128xf32, #tpu.memory_space<vmem>>, vector<128x128xf32>
    %get3A_24 = arith.constant 0 : index
    %get3A_25 = arith.constant 0 : index
    %get3A_26 = vector.load %arg3[%get3A_24, %get3A_25] : memref<128x128xf32, #tpu.memory_space<vmem>>, vector<128x128xf32>
    %dot_general3A = arith.constant dense<0.000000e+00> : vector<128x128xf32>
    %dot_general3A_27 = tpu.matmul %get3A_26, %get3A_23, %dot_general3A {dimension_numbers = #tpu.dot_dimension_numbers<[1], [0], [0], [1], [0, 0, 1, 1], [], []>, transpose_lhs_hint = false} : vector<128x128xf32>, vector<128x128xf32>, vector<128x128xf32> -> vector<128x128xf32>
    %get3A_28 = arith.constant 0 : index
    %get3A_29 = arith.constant 0 : index
    %get3A_30 = vector.load %arg5[%get3A_28, %get3A_29] : memref<16x128xf32, #tpu.memory_space<vmem>>, vector<16x128xf32>
    %dot_general3A_31 = arith.constant dense<0.000000e+00> : vector<16x128xf32>
    %dot_general3A_32 = tpu.matmul %get3A_30, %get3A_23, %dot_general3A_31 {dimension_numbers = #tpu.dot_dimension_numbers<[1], [0], [0], [1], [0, 0, 1, 1], [], []>, transpose_lhs_hint = false} : vector<16x128xf32>, vector<128x128xf32>, vector<16x128xf32> -> vector<16x128xf32>
    %get3A_33 = arith.constant 0 : index
    %get3A_34 = arith.constant 0 : index
    %get3A_35 = vector.load %arg6[%get3A_33, %get3A_34] : memref<1x128xf32, #tpu.memory_space<vmem>>, vector<1x128xf32>
    %get3A_36 = arith.constant 0 : index
    %get3A_37 = arith.constant 0 : index
    %get3A_38 = vector.load %arg7[%get3A_36, %get3A_37] : memref<1x128xf32, #tpu.memory_space<vmem>>, vector<1x128xf32>
    %add3A_39 = arith.addf %get3A_35, %get3A_38 : vector<1x128xf32>
    %dot_general3A_40 = arith.constant dense<0.000000e+00> : vector<1x128xf32>
    %dot_general3A_41 = tpu.matmul %add3A_39, %get3A_23, %dot_general3A_40 {dimension_numbers = #tpu.dot_dimension_numbers<[1], [0], [0], [1], [0, 0, 1, 1], [], []>, transpose_lhs_hint = false} : vector<1x128xf32>, vector<128x128xf32>, vector<1x128xf32> -> vector<1x128xf32>
    %get3A_42 = arith.constant 0 : index
    %get3A_43 = arith.constant 0 : index
    %get3A_44 = vector.load %arg8[%get3A_42, %get3A_43] : memref<1x128xf32, #tpu.memory_space<vmem>>, vector<1x128xf32>
    %add3A_45 = arith.addf %dot_general3A_41, %get3A_44 : vector<1x128xf32>
    %dot_general3A_46 = arith.constant dense<0.000000e+00> : vector<1000x128xf32>
    %dot_general3A_47 = tpu.matmul %add3A, %dot_general3A_27, %dot_general3A_46 {dimension_numbers = #tpu.dot_dimension_numbers<[1], [0], [0], [1], [0, 0, 1, 1], [], []>, transpose_lhs_hint = false} : vector<1000x128xf32>, vector<128x128xf32>, vector<1000x128xf32> -> vector<1000x128xf32>
    %dot_general3A_48 = arith.constant dense<0.000000e+00> : vector<1000x128xf32>
    %dot_general3A_49 = tpu.matmul %slice3A, %dot_general3A_32, %dot_general3A_48 {dimension_numbers = #tpu.dot_dimension_numbers<[1], [0], [0], [1], [0, 0, 1, 1], [], []>, transpose_lhs_hint = false} : vector<1000x16xf32>, vector<16x128xf32>, vector<1000x128xf32> -> vector<1000x128xf32>
    %add3A_50 = arith.addf %dot_general3A_47, %dot_general3A_49 : vector<1000x128xf32>
    %mul3A = vector.broadcast %slice3A_20 : vector<1000x1xf32> to vector<1000x128xf32>
    %mul3A_51 = vector.broadcast %add3A_45 : vector<1x128xf32> to vector<1000x128xf32>
    %mul3A_52 = arith.mulf %mul3A, %mul3A_51 : vector<1000x128xf32>
    %add3A_53 = arith.addf %add3A_50, %mul3A_52 : vector<1000x128xf32>
    %jit3A = arith.constant 1.000000e+00 : f32
    %max3A = vector.broadcast %jit3A : f32 to vector<1000x1xf32>
    %max3A_54 = arith.maximumf %max3A, %slice3A_20 : vector<1000x1xf32>
    %div3A = vector.broadcast %max3A_54 : vector<1000x1xf32> to vector<1000x128xf32>
    %div3A_55 = arith.divf %add3A_53, %div3A : vector<1000x128xf32>
    %max3A_56 = arith.constant 0.000000e+00 : f32
    %max3A_57 = vector.broadcast %max3A_56 : f32 to vector<1000x128xf32>
    %max3A_58 = arith.maximumf %div3A_55, %max3A_57 : vector<1000x128xf32>
    %swap3A = arith.constant 0 : index
    %swap3A_59 = arith.constant 0 : index
    %swap3A_60 = vector.load %arg9[%swap3A, %swap3A_59] : memref<1000x128xf32, #tpu.memory_space<vmem>>, vector<1000x128xf32>
    tpu.vector_store %arg9[%swap3A, %swap3A_59], %max3A_58 {strides = array<i32>} : memref<1000x128xf32, #tpu.memory_space<vmem>>, vector<1000x128xf32>,
    return
  }
  func.func @transform_0(%arg0: i32) -> (i32, i32, i32) {
    %c0_i32 = arith.constant 0 : i32
    %c0_i32_0 = arith.constant 0 : i32
    %c0_i32_1 = arith.constant 0 : i32
    return %c0_i32, %arg0, %c0_i32_0 : i32, i32, i32
  }
  func.func @transform_1(%arg0: i32) -> (i32, i32, i32) {
    %c0_i32 = arith.constant 0 : i32
    %c0_i32_0 = arith.constant 0 : i32
    %c0_i32_1 = arith.constant 0 : i32
    return %c0_i32, %arg0, %c0_i32_0 : i32, i32, i32
  }
  func.func @transform_2(%arg0: i32) -> (i32, i32) {
    %c0_i32 = arith.constant 0 : i32
    %c0_i32_0 = arith.constant 0 : i32
    %c0_i32_1 = arith.constant 0 : i32
    return %c0_i32, %c0_i32_0 : i32, i32
  }
  func.func @transform_3(%arg0: i32) -> (i32, i32) {
    %c0_i32 = arith.constant 0 : i32
    %c0_i32_0 = arith.constant 0 : i32
    %c0_i32_1 = arith.constant 0 : i32
    return %c0_i32, %c0_i32_0 : i32, i32
  }
  func.func @transform_4(%arg0: i32) -> (i32, i32) {
    %c0_i32 = arith.constant 0 : i32
    %c0_i32_0 = arith.constant 0 : i32
    %c0_i32_1 = arith.constant 0 : i32
    return %c0_i32, %c0_i32_0 : i32, i32
  }
  func.func @transform_5(%arg0: i32) -> (i32, i32) {
    %c0_i32 = arith.constant 0 : i32
    %c0_i32_0 = arith.constant 0 : i32
    %c0_i32_1 = arith.constant 0 : i32
    return %c0_i32, %c0_i32_0 : i32, i32
  }
  func.func @transform_6(%arg0: i32) -> (i32, i32) {
    %c0_i32 = arith.constant 0 : i32
    %c0_i32_0 = arith.constant 0 : i32
    %c0_i32_1 = arith.constant 0 : i32
    return %c0_i32, %c0_i32_0 : i32, i32
  }
  func.func @transform_7(%arg0: i32) -> (i32, i32) {
    %c0_i32 = arith.constant 0 : i32
    %c0_i32_0 = arith.constant 0 : i32
    %c0_i32_1 = arith.constant 0 : i32
    return %c0_i32, %c0_i32_0 : i32, i32
  }
  func.func @transform_8(%arg0: i32) -> (i32, i32) {
    %c0_i32 = arith.constant 0 : i32
    %c0_i32_0 = arith.constant 0 : i32
    return %arg0, %c0_i32 : i32, i32
  }
}

module attributes {stable_mosaic.version = 14 : i64} {
  func.func @body(%arg0: i32, %arg1: memref<2x1000x128xf32, #tpu.memory_space<vmem>>, %arg2: memref<2x1000x128xf32, #tpu.memory_space<vmem>>, %arg3: memref<128x64xf32, #tpu.memory_space<vmem>>, %arg4: memref<1x64xf32, #tpu.memory_space<vmem>>, %arg5: memref<16x64xf32, #tpu.memory_space<vmem>>, %arg6: memref<1x64xf32, #tpu.memory_space<vmem>>, %arg7: memref<64x64xf32, #tpu.memory_space<vmem>>, %arg8: memref<1x64xf32, #tpu.memory_space<vmem>>, %arg9: memref<1000x64xf32, #tpu.memory_space<vmem>>) attributes {dimension_semantics = [#tpu.dimension_semantics<arbitrary>], iteration_bounds = array<i64: 10>, scalar_prefetch = 0 : i64, scratch_operands = 0 : i64, tpu.core_type = #tpu.core_type<tc>, window_params = [{transform_indices = @transform_0, window_bounds = array<i64: 2, 1000, 128>}, {transform_indices = @transform_1, window_bounds = array<i64: 2, 1000, 128>}, {pipeline_mode = #tpu.pipeline_mode<synchronous>, transform_indices = @transform_2, window_bounds = array<i64: 128, 64>}, {pipeline_mode = #tpu.pipeline_mode<synchronous>, transform_indices = @transform_3, window_bounds = array<i64: 1, 64>}, {pipeline_mode = #tpu.pipeline_mode<synchronous>, transform_indices = @transform_4, window_bounds = array<i64: 16, 64>}, {pipeline_mode = #tpu.pipeline_mode<synchronous>, transform_indices = @transform_5, window_bounds = array<i64: 1, 64>}, {pipeline_mode = #tpu.pipeline_mode<synchronous>, transform_indices = @transform_6, window_bounds = array<i64: 64, 64>}, {pipeline_mode = #tpu.pipeline_mode<synchronous>, transform_indices = @transform_7, window_bounds = array<i64: 1, 64>}, {transform_indices = @transform_8, window_bounds = array<i64: 1000, 64>}]} {
    %get3A = arith.constant 0 : index
    %get3A_0 = arith.constant 0 : index
    %get3A_1 = arith.constant 0 : index
    %get3A_2 = vector.load %arg1[%get3A, %get3A_0, %get3A_1] : memref<2x1000x128xf32, #tpu.memory_space<vmem>>, vector<1x1000x128xf32>
    %get3A_3 = vector.shape_cast %get3A_2 : vector<1x1000x128xf32> to vector<1000x128xf32>
    %get3A_4 = arith.constant 1 : index
    %get3A_5 = arith.constant 0 : index
    %get3A_6 = arith.constant 0 : index
    %get3A_7 = vector.load %arg1[%get3A_4, %get3A_5, %get3A_6] : memref<2x1000x128xf32, #tpu.memory_space<vmem>>, vector<1x1000x128xf32>
    %get3A_8 = vector.shape_cast %get3A_7 : vector<1x1000x128xf32> to vector<1000x128xf32>
    %add3A = arith.addf %get3A_3, %get3A_8 : vector<1000x128xf32>
    %get3A_9 = arith.constant 0 : index
    %get3A_10 = arith.constant 0 : index
    %get3A_11 = arith.constant 0 : index
    %get3A_12 = vector.load %arg2[%get3A_9, %get3A_10, %get3A_11] : memref<2x1000x128xf32, #tpu.memory_space<vmem>>, vector<1x1000x128xf32>
    %get3A_13 = vector.shape_cast %get3A_12 : vector<1x1000x128xf32> to vector<1000x128xf32>
    %get3A_14 = arith.constant 1 : index
    %get3A_15 = arith.constant 0 : index
    %get3A_16 = arith.constant 0 : index
    %get3A_17 = vector.load %arg2[%get3A_14, %get3A_15, %get3A_16] : memref<2x1000x128xf32, #tpu.memory_space<vmem>>, vector<1x1000x128xf32>
    %get3A_18 = vector.shape_cast %get3A_17 : vector<1x1000x128xf32> to vector<1000x128xf32>
    %add3A_19 = arith.addf %get3A_13, %get3A_18 : vector<1000x128xf32>
    %slice3A = vector.extract_strided_slice %add3A_19 {offsets = [0, 0], sizes = [1000, 16], strides = [1, 1]} : vector<1000x128xf32> to vector<1000x16xf32>
    %slice3A_20 = vector.extract_strided_slice %add3A_19 {offsets = [0, 16], sizes = [1000, 1], strides = [1, 1]} : vector<1000x128xf32> to vector<1000x1xf32>
    %get3A_21 = arith.constant 0 : index
    %get3A_22 = arith.constant 0 : index
    %get3A_23 = vector.load %arg7[%get3A_21, %get3A_22] : memref<64x64xf32, #tpu.memory_space<vmem>>, vector<64x64xf32>
    %get3A_24 = arith.constant 0 : index
    %get3A_25 = arith.constant 0 : index
    %get3A_26 = vector.load %arg3[%get3A_24, %get3A_25] : memref<128x64xf32, #tpu.memory_space<vmem>>, vector<128x64xf32>
    %dot_general3A = arith.constant dense<0.000000e+00> : vector<128x64xf32>
    %dot_general3A_27 = tpu.matmul %get3A_26, %get3A_23, %dot_general3A {dimension_numbers = #tpu.dot_dimension_numbers<[1], [0], [0], [1], [0, 0, 1, 1], [], []>, transpose_lhs_hint = false} : vector<128x64xf32>, vector<64x64xf32>, vector<128x64xf32> -> vector<128x64xf32>
    %get3A_28 = arith.constant 0 : index
    %get3A_29 = arith.constant 0 : index
    %get3A_30 = vector.load %arg5[%get3A_28, %get3A_29] : memref<16x64xf32, #tpu.memory_space<vmem>>, vector<16x64xf32>
    %dot_general3A_31 = arith.constant dense<0.000000e+00> : vector<16x64xf32>
    %dot_general3A_32 = tpu.matmul %get3A_30, %get3A_23, %dot_general3A_31 {dimension_numbers = #tpu.dot_dimension_numbers<[1], [0], [0], [1], [0, 0, 1, 1], [], []>, transpose_lhs_hint = false} : vector<16x64xf32>, vector<64x64xf32>, vector<16x64xf32> -> vector<16x64xf32>
    %get3A_33 = arith.constant 0 : index
    %get3A_34 = arith.constant 0 : index
    %get3A_35 = vector.load %arg4[%get3A_33, %get3A_34] : memref<1x64xf32, #tpu.memory_space<vmem>>, vector<1x64xf32>
    %get3A_36 = arith.constant 0 : index
    %get3A_37 = arith.constant 0 : index
    %get3A_38 = vector.load %arg6[%get3A_36, %get3A_37] : memref<1x64xf32, #tpu.memory_space<vmem>>, vector<1x64xf32>
    %add3A_39 = arith.addf %get3A_35, %get3A_38 : vector<1x64xf32>
    %dot_general3A_40 = arith.constant dense<0.000000e+00> : vector<1x64xf32>
    %dot_general3A_41 = tpu.matmul %add3A_39, %get3A_23, %dot_general3A_40 {dimension_numbers = #tpu.dot_dimension_numbers<[1], [0], [0], [1], [0, 0, 1, 1], [], []>, transpose_lhs_hint = false} : vector<1x64xf32>, vector<64x64xf32>, vector<1x64xf32> -> vector<1x64xf32>
    %get3A_42 = arith.constant 0 : index
    %get3A_43 = arith.constant 0 : index
    %get3A_44 = vector.load %arg8[%get3A_42, %get3A_43] : memref<1x64xf32, #tpu.memory_space<vmem>>, vector<1x64xf32>
    %add3A_45 = arith.addf %dot_general3A_41, %get3A_44 : vector<1x64xf32>
    %dot_general3A_46 = arith.constant dense<0.000000e+00> : vector<1000x64xf32>
    %dot_general3A_47 = tpu.matmul %add3A, %dot_general3A_27, %dot_general3A_46 {dimension_numbers = #tpu.dot_dimension_numbers<[1], [0], [0], [1], [0, 0, 1, 1], [], []>, transpose_lhs_hint = false} : vector<1000x128xf32>, vector<128x64xf32>, vector<1000x64xf32> -> vector<1000x64xf32>
    %dot_general3A_48 = arith.constant dense<0.000000e+00> : vector<1000x64xf32>
    %dot_general3A_49 = tpu.matmul %slice3A, %dot_general3A_32, %dot_general3A_48 {dimension_numbers = #tpu.dot_dimension_numbers<[1], [0], [0], [1], [0, 0, 1, 1], [], []>, transpose_lhs_hint = false} : vector<1000x16xf32>, vector<16x64xf32>, vector<1000x64xf32> -> vector<1000x64xf32>
    %add3A_50 = arith.addf %dot_general3A_47, %dot_general3A_49 : vector<1000x64xf32>
    %mul3A = vector.broadcast %slice3A_20 : vector<1000x1xf32> to vector<1000x64xf32>
    %mul3A_51 = vector.broadcast %add3A_45 : vector<1x64xf32> to vector<1000x64xf32>
    %mul3A_52 = arith.mulf %mul3A, %mul3A_51 : vector<1000x64xf32>
    %add3A_53 = arith.addf %add3A_50, %mul3A_52 : vector<1000x64xf32>
    %jit3A = arith.constant 1.000000e+00 : f32
    %max3A = vector.broadcast %jit3A : f32 to vector<1000x1xf32>
    %max3A_54 = arith.maximumf %max3A, %slice3A_20 : vector<1000x1xf32>
    %div3A = vector.broadcast %max3A_54 : vector<1000x1xf32> to vector<1000x64xf32>
    %div3A_55 = arith.divf %add3A_53, %div3A : vector<1000x64xf32>
    %swap3A = arith.constant 0 : index
    %swap3A_56 = arith.constant 0 : index
    %swap3A_57 = vector.load %arg9[%swap3A, %swap3A_56] : memref<1000x64xf32, #tpu.memory_space<vmem>>, vector<1000x64xf32>
    tpu.vector_store %arg9[%swap3A, %swap3A_56], %div3A_55 {strides = array<i32>} : memref<1000x64xf32, #tpu.memory_space<vmem>>, vector<1000x64xf32>,
    return
  }
  func.func @transform_0(%arg0: i32) -> (i32, i32, i32) {
    %c0_i32 = arith.constant 0 : i32
    %c0_i32_0 = arith.constant 0 : i32
    %c0_i32_1 = arith.constant 0 : i32
    return %c0_i32, %arg0, %c0_i32_0 : i32, i32, i32
  }
  func.func @transform_1(%arg0: i32) -> (i32, i32, i32) {
    %c0_i32 = arith.constant 0 : i32
    %c0_i32_0 = arith.constant 0 : i32
    %c0_i32_1 = arith.constant 0 : i32
    return %c0_i32, %arg0, %c0_i32_0 : i32, i32, i32
  }
  func.func @transform_2(%arg0: i32) -> (i32, i32) {
    %c0_i32 = arith.constant 0 : i32
    %c0_i32_0 = arith.constant 0 : i32
    %c0_i32_1 = arith.constant 0 : i32
    return %c0_i32, %c0_i32_0 : i32, i32
  }
  func.func @transform_3(%arg0: i32) -> (i32, i32) {
    %c0_i32 = arith.constant 0 : i32
    %c0_i32_0 = arith.constant 0 : i32
    %c0_i32_1 = arith.constant 0 : i32
    return %c0_i32, %c0_i32_0 : i32, i32
  }
  func.func @transform_4(%arg0: i32) -> (i32, i32) {
    %c0_i32 = arith.constant 0 : i32
    %c0_i32_0 = arith.constant 0 : i32
    %c0_i32_1 = arith.constant 0 : i32
    return %c0_i32, %c0_i32_0 : i32, i32
  }
  func.func @transform_5(%arg0: i32) -> (i32, i32) {
    %c0_i32 = arith.constant 0 : i32
    %c0_i32_0 = arith.constant 0 : i32
    %c0_i32_1 = arith.constant 0 : i32
    return %c0_i32, %c0_i32_0 : i32, i32
  }
  func.func @transform_6(%arg0: i32) -> (i32, i32) {
    %c0_i32 = arith.constant 0 : i32
    %c0_i32_0 = arith.constant 0 : i32
    %c0_i32_1 = arith.constant 0 : i32
    return %c0_i32, %c0_i32_0 : i32, i32
  }
  func.func @transform_7(%arg0: i32) -> (i32, i32) {
    %c0_i32 = arith.constant 0 : i32
    %c0_i32_0 = arith.constant 0 : i32
    %c0_i32_1 = arith.constant 0 : i32
    return %c0_i32, %c0_i32_0 : i32, i32
  }
  func.func @transform_8(%arg0: i32) -> (i32, i32) {
    %c0_i32 = arith.constant 0 : i32
    %c0_i32_0 = arith.constant 0 : i32
    return %arg0, %c0_i32 : i32, i32
  }
}

module attributes {stable_mosaic.version = 14 : i64} {
  func.func @body(%arg0: i32, %arg1: memref<400x64xf32, #tpu.memory_space<vmem>>, %arg2: memref<10000x64xf32, #tpu.memory_space<vmem>>, %arg3: memref<400x10000xf32, #tpu.memory_space<vmem>>) attributes {dimension_semantics = [#tpu.dimension_semantics<arbitrary>], iteration_bounds = array<i64: 25>, scalar_prefetch = 0 : i64, scratch_operands = 0 : i64, tpu.core_type = #tpu.core_type<tc>, window_params = [{transform_indices = @transform_0, window_bounds = array<i64: 400, 64>}, {pipeline_mode = #tpu.pipeline_mode<synchronous>, transform_indices = @transform_1, window_bounds = array<i64: 10000, 64>}, {transform_indices = @transform_2, window_bounds = array<i64: 400, 10000>}]} {
    %get3A = arith.constant 0 : index
    %get3A_0 = arith.constant 0 : index
    %get3A_1 = vector.load %arg1[%get3A, %get3A_0] : memref<400x64xf32, #tpu.memory_space<vmem>>, vector<400x64xf32>
    %get3A_2 = arith.constant 0 : index
    %get3A_3 = arith.constant 0 : index
    %get3A_4 = vector.load %arg2[%get3A_2, %get3A_3] : memref<10000x64xf32, #tpu.memory_space<vmem>>, vector<10000x64xf32>
    %dot_general3A = arith.constant dense<0.000000e+00> : vector<400x10000xf32>
    %dot_general3A_5 = tpu.matmul %get3A_1, %get3A_4, %dot_general3A {dimension_numbers = #tpu.dot_dimension_numbers<[1], [1], [0], [0], [0, 0, 1, 0], [], []>, transpose_lhs_hint = false} : vector<400x64xf32>, vector<10000x64xf32>, vector<400x10000xf32> -> vector<400x10000xf32>
    %logistic3A = arith.negf %dot_general3A_5 : vector<400x10000xf32>
    %logistic3A_6 = math.exp %logistic3A : vector<400x10000xf32>
    %logistic3A_7 = arith.constant 1.000000e+00 : f32
    %logistic3A_8 = vector.broadcast %logistic3A_7 : f32 to vector<400x10000xf32>
    %logistic3A_9 = arith.addf %logistic3A_8, %logistic3A_6 : vector<400x10000xf32>
    %logistic3A_10 = arith.divf %logistic3A_8, %logistic3A_9 : vector<400x10000xf32>
    %swap3A = arith.constant 0 : index
    %swap3A_11 = arith.constant 0 : index
    %swap3A_12 = vector.load %arg3[%swap3A, %swap3A_11] : memref<400x10000xf32, #tpu.memory_space<vmem>>, vector<400x10000xf32>
    tpu.vector_store %arg3[%swap3A, %swap3A_11], %logistic3A_10 {strides = array<i32>} : memref<400x10000xf32, #tpu.memory_space<vmem>>, vector<400x10000xf32>,
    return
  }
  func.func @transform_0(%arg0: i32) -> (i32, i32) {
    %c0_i32 = arith.constant 0 : i32
    %c0_i32_0 = arith.constant 0 : i32
    return %arg0, %c0_i32 : i32, i32
  }
  func.func @transform_1(%arg0: i32) -> (i32, i32) {
    %c0_i32 = arith.constant 0 : i32
    %c0_i32_0 = arith.constant 0 : i32
    %c0_i32_1 = arith.constant 0 : i32
    return %c0_i32, %c0_i32_0 : i32, i32
  }
  func.func @transform_2(%arg0: i32) -> (i32, i32) {
    %c0_i32 = arith.constant 0 : i32
    %c0_i32_0 = arith.constant 0 : i32
    return %arg0, %c0_i32 : i32, i32
  }
}

</mosaic_0001>

<sc_bundles>
// kernel: kernel.11.cloned.1.call-start
scs
__scs_entry_jumppad:
0x0: {  	(pc) =	sbr.rel $0x88, $3  }
0x1: {  	(tag) =	ssettag $0x0;
	lr =	simm.s32 $0x1  }
0x2: {  	[smem:$0x3F92] =	sst lr;
	_ =	strace $0xD0000000  }
0x3: {  	_ = 	snop  }
0x4: {  	_ = 	snop  }
0x5: {  	_ = 	snop  }
0x6: {  	_ = 	snop  }
0x7: {  	_ = 	snop  }
__scs_overlays_trampoline_lowered:
0x8: {  	[smem:$0x3FA1] =	sst s0  }
0x9: {  	[smem:$0x3FA2] =	sst s1  }
0xa: {  	[smem:$0x3FA3] =	sst s2  }
0xb: {  	[smem:$0x3FA4] =	sst s3  }
0xc: {  	[smem:$0x3FA5] =	sst s4  }
0xd: {  	[smem:$0x3FA6] =	sst s5  }
0xe: {  	[smem:$0x3FA7] =	sst s6  }
0xf: {  	[smem:$0x3FA8] =	sst s7  }
0x10: {  	[smem:$0x3FA9] =	sst s8  }
0x11: {  	[smem:$0x3FAA] =	sst s9;
	s0 =	simm.s32 @!p0 $0x0  }
0x12: {  	s1 =	sld [smem:$0x3F90];
	s0 =	simm.s32 @p0 $0x1  }
0x13: {  	[smem:$0x3FAB] =	sst s0;
	s0 =	simm.s32 @!p1 $0x0  }
0x14: {  	s2 =	sld [smem:$0x3F8F];
	s0 =	simm.s32 @p1 $0x1  }
0x15: {  	[smem:$0x3FAC] =	sst s0;
	s0 =	simm.s32 @!p2 $0x0  }
0x16: {  	s3 =	sld [smem:$0x3FDB];
	s0 =	simm.s32 @p2 $0x1  }
0x17: {  	s4 =	simm.s32 $0x1BF5;
	[smem:$0x3FAE] =	sst s0  }
0x18: {  	s0 =	sld [smem:$0x3F91];
	_ =	swait.ge [sflag:s4], $0x0  }
0x19: {  	s7 =	sld [smem:$0x3F92]  }
0x1a: {  	s8 =	sadd.s32 $0xFFFFE003, lr  }
0x1b: {  	s9 =	sadd.s32 $0xFFFFFEF7, lr;
	s5 =	simm.s32 $0xFFFFFFFF;
	p2 =	slt.u32 s8, $0xFFFFF086  }
0x1c: {  	p1 =	slt.u32 s9, $0xF7A;
	s5 =	simm.s32 @!p2 $0x0  }
0x1d: {  	s5 =	simm.s32 @p1 $0x1;
	p0 =	seq.s32 s7, s2  }
0x1e: {  	s7 =	smul.u32 @!p0 $0xF7A, s2;
	p2 =	seq.s32 @!p0 s5, $0x0  }
0x1f: {  	s9 =	smul.u32 $0xF7A, s1;
	s8 =	simm.s32 @!p0 $0x1BF5;
	p2 =	por !p2, p0  }
0x20: {  	[sflag:s8] =	ssyncset.s32 @!p0 $0xFFFFF086;
	s6 =	sadd.s32 @!p0 s3, s7;
	s7 =	simm.s32 @!p0 $0x108  }
0x21: {  	s3 =	sadd.s32 s3, s9;
	s6 =	sadd.s32 @!p0 $0x88, s6;
	s7 =	simm.s32 @p2 $0x1082  }
0x22: {  	[simem:s7], [sflag:s8] =	dma.local @!p0 [hbm:s6], $0xF7A  }
0x23: {  	s9 =	sor.u32 $0xD0000000, s2;
	s6 =	simm.s32 $0x108;
	_ =	swait.ge @!p0 [sflag:s8], $0x0  }
0x24: {  	s3 =	sadd.s32 $0x88, s3;
	s6 =	simm.s32 @!p1 $0x1082;
	[sflag:s4] =	ssyncset.s32 $0xFFFFF086  }
0x25: {  	[simem:s6], [sflag:s4] =	dma.local [hbm:s3], $0xF7A  }
0x26: {  	[smem:$0x3F92] =	sst s1;
	(tag) =	ssettag s2;
	_ =	strace s9  }
0x27: {  	s1 =	sld [smem:$0x3FA2]  }
0x28: {  	s2 =	sld [smem:$0x3FA3]  }
0x29: {  	s4 =	sld [smem:$0x3FA5]  }
0x2a: {  	p0 =	seq.s32 s5, $0x0;
	s5 =	sld [smem:$0x3FA6]  }
0x2b: {  	s6 =	sld [smem:$0x3FA7]  }
0x2c: {  	s7 =	sld [smem:$0x3FA8]  }
0x2d: {  	s3 =	simm.s32 $0x108;
	s8 =	sld [smem:$0x3FA9]  }
0x2e: {  	s3 =	simm.s32 @!p0 $0x1082;
	s9 =	sld [smem:$0x3FAA]  }
0x2f: {  	lr =	sadd.s32 s0, s3;
	s0 =	sld [smem:$0x3FA1]  }
0x30: {  	s3 =	sld [smem:$0x3FA4]  }
0x31: {  	[smem:$0x3FAD] =	sst s10  }
0x32: {  	s10 =	sld [smem:$0x3FAB];
	_ =	sdelay $0x3  }
0x33: {  	p0 =	seq.s32 s10, $0x1;
	s10 =	sld [smem:$0x3FAD];
	_ =	sdelay $0x3  }
0x34: {  	[smem:$0x3FAD] =	sst s10  }
0x35: {  	s10 =	sld [smem:$0x3FAC];
	_ =	sdelay $0x3  }
0x36: {  	p1 =	seq.s32 s10, $0x1;
	s10 =	sld [smem:$0x3FAD];
	_ =	sdelay $0x3  }
0x37: {  	[smem:$0x3FAD] =	sst s10  }
0x38: {  	s10 =	sld [smem:$0x3FAE]  }
0x39: {  	_ = 	snop;
	(pc) =	sbr.ind lr, $3  }
0x3a: {  	_ = 	snop  }
0x3b: {  	_ = 	snop  }
0x3c: {  	p2 =	seq.s32 s10, $0x1;
	s10 =	sld [smem:$0x3FAD]  }
0x3d: {  	_ =	shalt  }
0x3e: {  	_ =	shalt  }
0x3f: {  	_ =	shalt  }
0x40: {  	_ =	shalt  }
0x41: {  	_ =	shalt  }
0x42: {  	_ =	shalt  }
0x43: {  	_ =	shalt  }
0x44: {  	_ =	shalt  }
0x45: {  	_ =	shalt  }
0x46: {  	_ =	shalt  }
0x47: {  	_ =	shalt  }
0x48: {  	_ =	shalt  }
0x49: {  	_ =	shalt  }
0x4a: {  	_ =	shalt  }
0x4b: {  	_ =	shalt  }
0x4c: {  	_ =	shalt  }
0x4d: {  	_ =	shalt  }
0x4e: {  	_ =	shalt  }
0x4f: {  	_ =	shalt  }
0x50: {  	_ =	shalt  }
0x51: {  	_ =	shalt  }
0x52: {  	_ =	shalt  }
0x53: {  	_ =	shalt  }
0x54: {  	_ =	shalt  }
0x55: {  	_ =	shalt  }
0x56: {  	_ =	shalt  }
0x57: {  	_ =	shalt  }
0x58: {  	_ =	shalt  }
0x59: {  	_ =	shalt  }
0x5a: {  	_ =	shalt  }
0x5b: {  	_ =	shalt  }
0x5c: {  	_ =	shalt  }
0x5d: {  	_ =	shalt  }
0x5e: {  	_ =	shalt  }
0x5f: {  	_ =	shalt  }
0x60: {  	_ =	shalt  }
0x61: {  	_ =	shalt  }
0x62: {  	_ =	shalt  }
0x63: {  	_ =	shalt  }
0x64: {  	_ =	shalt  }
0x65: {  	_ =	shalt  }
0x66: {  	_ =	shalt  }
0x67: {  	_ =	shalt  }
0x68: {  	_ =	shalt  }
0x69: {  	_ =	shalt  }
0x6a: {  	_ =	shalt  }
0x6b: {  	_ =	shalt  }
0x6c: {  	_ =	shalt  }
0x6d: {  	_ =	shalt  }
0x6e: {  	_ =	shalt  }
0x6f: {  	_ =	shalt  }
0x70: {  	_ =	shalt  }
0x71: {  	_ =	shalt  }
0x72: {  	_ =	shalt  }
0x73: {  	_ =	shalt  }
0x74: {  	_ =	shalt  }
0x75: {  	_ =	shalt  }
0x76: {  	_ =	shalt  }
0x77: {  	_ =	shalt  }
0x78: {  	_ =	shalt  }
0x79: {  	_ =	shalt  }
0x7a: {  	_ =	shalt  }
0x7b: {  	_ =	shalt  }
0x7c: {  	_ =	shalt  }
0x7d: {  	_ =	shalt  }
0x7e: {  	_ =	shalt  }
0x7f: {  	_ =	shalt  }
0x80: {  	_ =	shalt  }
0x81: {  	_ =	shalt  }
0x82: {  	_ =	shalt  }
0x83: {  	_ =	shalt  }
0x84: {  	_ =	shalt  }
0x85: {  	_ =	shalt  }
0x86: {  	_ =	shalt  }
0x87: {  	_ =	shalt  }
.Lfunc_end0:
.L_simem_size_0:
called_computation.1_lowered:
.L_overlay_start_0:
0x88: {  	s2 =	sld [smem:$0x3FD9]  }
0x89: {  	s3 =	sld [smem:$0x3FFE];
	_ =	sdelay $0x1  }
0x8a: {  	s1 =	srdreg.scid  }
0x8b: {  	s0 =	sand.u32 $0x1, s1  }
0x8c: {  	s14 =	sshll.u32 s0, $0xA;
	s2 =	sadd.s32 s3, s2  }
0x8d: {  	s2 =	sadd.s32 s2, s14  }
0x8e: {  	[smem:$0x3FB9] =	sst s2  }
0x8f: {  	_ = 	snop  }
0x90: {  	s2 =	sld [smem:$0x3FD0];
	_ =	sdelay $0x2  }
0x91: {  	s4 =	simm.s32 $0xB;
	s5 =	simm.s32 $0x10;
	s15 =	sld [smem:$0x3FC9]  }
0x92: {  	[smem:s5], [sflag:s4] =	dma.local [hbm:s2], $0x1  }
0x93: {  	_ =	swait.eq [sflag:s4], $0x1  }
0x94: {  	[sflag:s4] =	ssyncset.done $0x0  }
0x95: {  	[sflag:s4] =	ssyncadd.s32 $0xFFFFFFFF  }
0x96: {  	s16 =	sld [smem:$0x10];
	(tm) =	ssettm $0x1  }
0x97: {  	s17 =	sld [smem:$0x3FFB];
	_ =	sdelay $0x3  }
0x98: {  	_ =	strace s17  }
0x99: {  	s4 =	sld [smem:$0x3FFC];
	_ =	sdelay $0x3  }
0x9a: {  	_ =	strace s4  }
0x9b: {  	s4 =	sld [smem:$0x3FFD];
	_ =	sdelay $0x3  }
0x9c: {  	_ =	strace s4  }
0x9d: {  	_ =	strace $0x8FFFFFFF  }
0x9e: {  	s18 =	sld [smem:$0x3FDB];
	_ =	sdelay $0x1  }
0x9f: {  	s19 =	simm.s32 $_scs_section_size  }
0xa0: {  	s6 =	simm.s32 $_size__tile_overlayer_lowered;
	s7 =	simm.s32 $_tile_overlayer_lowered  }
0xa1: {  	s22 =	simm.s32 $0x1BFF;
	s21 =	sshll.u32 s7, $0x1;
	s4 =	sadd.s32 s19, s18  }
0xa2: {  	s8 =	simm.s32 $0x0;
	s20 =	sshll.u32 s6, $0x1;
	s6 =	sadd.s32 s21, s4  }
0xa3: {  	[timem:s8], [sflag:s22] =	dma.local [hbm:s6], s20  }
0xa4: {  	_ =	swait.ge [sflag:s22], s20  }
0xa5: {  	s5 =	ssub.s32 $0x0, s20;
	[sflag:s22] =	ssyncset.done $0x0  }
0xa6: {  	[sflag:s22] =	ssyncadd.s32 s5;
	_ =	sdelay $0x1  }
0xa7: {  	s23 =	simm.s32 $0x1B8B  }
0xa8: {  	_ =	swait.ge [sflag:s23], $0x1  }
0xa9: {  	[sflag:s23] =	ssyncset.done $0x0  }
0xaa: {  	s25 =	simm.s32 $0x1B8E;
	s24 =	sld [smem:$0x3FFE];
	[sflag:s23] =	ssyncadd.s32 $0xFFFFFFFF  }
0xab: {  	s26 =	simm.s32 $execute0_lowered;
	[smem:$0x3FD2] =	sst s25  }
0xac: {  	s6 =	sshll.u32 s26, $0x1;
	_ =	strace $0x80000046;
	[dreg:$0x1] =	wrdreg $0xFFFFFFFF  }
0xad: {  	s28 =	simm.s32 $_size_execute0_lowered;
	s4 =	sadd.s32 s4, s6;
	[dreg:$0x0] =	wrdreg $0x0  }
0xae: {  	s6 =	sshll.u32 s28, $0x1;
	[dreg:$0x2] =	wrdreg s4  }
0xaf: {  	[dreg:$0x3] =	wrdreg s6  }
0xb0: {  	[dreg:$0x4] =	wrdreg $0xC0  }
0xb1: {  	_ =	task [dreg:s8], $0x5FFFF  }
0xb2: {  	[dreg:$0x1] =	wrdreg $0xFFFFFFFF  }
0xb3: {  	[dreg:$0x0] =	wrdreg $0x60  }
0xb4: {  	[dreg:$0x2] =	wrdreg s15  }
0xb5: {  	[dreg:$0x3] =	wrdreg s24  }
0xb6: {  	[dreg:$0x4] =	wrdreg s16  }
0xb7: {  	[dreg:$0x5] =	wrdreg $0x0  }
0xb8: {  	[dreg:$0x6] =	wrdreg $0xA  }
0xb9: {  	_ =	task.clear_ibuf [dreg:s8], $0x7FFFF;
	_ =	strace $0x90000046  }
0xba: {  	s29 =	simm.s32 $0xA;
	_ =	strace $0x80000048  }
0xbb: {  	_ =	swait.ge [sflag:s29], $0x1  }
0xbc: {  	[sflag:s29] =	ssyncadd.s32 $0xFFFFFFFF  }
0xbd: {  	_ =	strace $0x90000048  }
0xbe: {  	_ =	sfence  }
0xbf: {  	s30 =	sld [smem:$0x0];
	_ =	sdelay $0x2  }
0xc0: {  	s31 =	sshll.u32 s1, $0xD;
	s1 =	sshrl.u32 s1, $0x2  }
0xc1: {  	s3 =	sand.u32 $0x4000, s31;
	s1 =	sadd.s32 s1, s30  }
0xc2: {  	s0 =	sor.u32 s3, s0;
	s1 =	sshll.u32 s1, $0x11  }
0xc3: {  	s0 =	sor.u32 s1, s0  }
0xc4: {  	s0 =	sadd.s32 $0x8F2B, s0  }
0xc5: {  	[sflag:s0] =	ssyncadd.remote.s32 $0x1  }
0xc6: {  	_ =	sfence.sel $0xFFFF  }
0xc7: {  	[dreg:$0x0] =	wrdreg $0xFFFFFFFF;
	(pc) =	sbr.abs _section_cstart, $3  }
0xc8: {  	[dreg:$0x1] =	wrdreg $0xFFFFFFFF  }
0xc9: {  	_ =	task.clear_ibuf [dreg:s8], $0x2FFFF;
	_ =	strace $0x9FFFFFFF  }
0xca: {  	(tm) =	ssettm $0x7FFFFFFF  }
0xcb: {  	_ =	shalt  }
tec
execute0_lowered:
.L_overlay_start_1:
0x0: {  	(tag) =	ssettag $0x1  }
0x1: {  	s0 =	srdreg.scid;
	s2 =	rddreg [dreg:$0x1]  }
0x2: {  	s23 =	stileid.u32;
	s18 =	rddreg [dreg:$0x2]  }
0x3: {  	s1 =	simm.s32 $0x0;
	s14 =	sand.u32 $0x1, s0;
	s21 =	smul.u32 $0x14000, s23  }
0x4: {  	s24 =	sshll.u32 s23, $0x1;
	[smem:$0x7FF] =	sst s1;
	s23 =	smul.u32 $0x50000, s23  }
0x5: {  	s19 =	sor.u32 s14, s24;
	s3 =	ssub.s32 $0x2, s14;
	s22 =	smul.u32 $0x140000, s14  }
0x6: {  	s17 =	sadd.s32 $0x7E00, s2;
	s0 =	smul.u32 $0x271, s19;
	s4 =	sshrl.u32 s3, $0x1  }
0x7: {  	s5 =	sadd.s32 $0x6400, s21;
	s6 =	sadd.s32 $0x7800, s21;
	s9 =	sadd.s32 $0x8C00, s21  }
0x8: {  	s10 =	sadd.s32 $0xA000, s21;
	s11 =	sadd.s32 $0xB400, s21;
	s12 =	sadd.s32 $0xC800, s21  }
0x9: {  	s13 =	sadd.s32 $0xDC00, s21;
	s14 =	sadd.s32 $0xF000, s21;
	s15 =	sadd.s32 $0x10400, s21  }
0xa: {  	s16 =	sadd.s32 $0x11800, s21;
	s20 =	sadd.s32 $0x12C00, s21;
	s19 =	sshll.u32 s19, $0xB  }
0xb: {  	s8 =	ssub.s32 s3, s4;
	s3 =	sor.u32 $0x3C00, s21;
	s4 =	sadd.s32 $0x5000, s21  }
0xc: {  	s18 =	sadd.s32 s18, s19;
	s7 =	sadd.s32 s0, s2;
	s0 =	sor.u32 $0x1400, s21  }
0xd: {  	s2 =	sor.u32 $0x2800, s21;
	s21 =	sadd.s32 s21, s22;
	[dreg:$0x5] =	wrdreg s18  }
0xe: {  	s25 =	sshrl.u32 s21, $0x3;
	s26 =	sadd.s32 s22, s0;
	s24 =	sadd.s32 s22, s2  }
0xf: {  	s18 =	sadd.s32 s17, s25;
	s21 =	sshrl.u32 s26, $0x3;
	s25 =	sshrl.u32 s24, $0x3  }
0x10: {  	s26 =	sadd.s32 s22, s3;
	s24 =	sadd.s32 s22, s4;
	[dreg:$0x6] =	wrdreg s18  }
0x11: {  	s18 =	sadd.s32 s17, s21;
	s21 =	sshrl.u32 s26, $0x3;
	s26 =	sadd.s32 s22, s5  }
0x12: {  	[dreg:$0x7] =	wrdreg s18;
	s18 =	sadd.s32 s17, s25;
	s25 =	sshrl.u32 s24, $0x3  }
0x13: {  	s24 =	sadd.s32 s22, s6;
	[dreg:$0x8] =	wrdreg s18;
	s18 =	sadd.s32 s17, s21  }
0x14: {  	s21 =	sshrl.u32 s26, $0x3;
	s26 =	sadd.s32 s22, s9;
	[dreg:$0x9] =	wrdreg s18  }
0x15: {  	s18 =	sadd.s32 s17, s25;
	s25 =	sshrl.u32 s24, $0x3;
	s24 =	sadd.s32 s22, s10  }
0x16: {  	[dreg:$0xa] =	wrdreg s18;
	s18 =	sadd.s32 s17, s21;
	s21 =	sshrl.u32 s26, $0x3  }
0x17: {  	s26 =	sadd.s32 s22, s11;
	[dreg:$0xb] =	wrdreg s18;
	s18 =	sadd.s32 s17, s25  }
0x18: {  	s25 =	sshrl.u32 s24, $0x3;
	s24 =	sadd.s32 s22, s12;
	[dreg:$0xc] =	wrdreg s18  }
0x19: {  	s18 =	sadd.s32 s17, s21;
	s21 =	sshrl.u32 s26, $0x3;
	s26 =	sadd.s32 s22, s13  }
0x1a: {  	[dreg:$0xd] =	wrdreg s18;
	s18 =	sadd.s32 s17, s25;
	s25 =	sshrl.u32 s24, $0x3  }
0x1b: {  	s24 =	sadd.s32 s22, s14;
	[dreg:$0xe] =	wrdreg s18;
	s18 =	sadd.s32 s17, s21  }
0x1c: {  	s21 =	sshrl.u32 s26, $0x3;
	[dreg:$0xf] =	wrdreg s18;
	s18 =	sadd.s32 s17, s25  }
0x1d: {  	s25 =	sshrl.u32 s24, $0x3;
	[dreg:$0x10] =	wrdreg s18;
	s18 =	sadd.s32 s17, s21  }
0x1e: {  	s26 =	sadd.s32 s22, s15;
	[dreg:$0x11] =	wrdreg s18;
	s18 =	sadd.s32 s17, s25  }
0x1f: {  	s8 =	smax.u32 s8, $0x1;
	s19 =	sshrl.u32 s26, $0x3;
	[dreg:$0x12] =	wrdreg s18  }
0x20: {  	s21 =	sadd.s32 s22, s16;
	s18 =	sadd.s32 s17, s19;
	s19 =	rddreg [dreg:$0x3]  }
0x21: {  	s22 =	sadd.s32 s22, s20;
	s24 =	sshrl.u32 s21, $0x3;
	[dreg:$0x13] =	wrdreg s18  }
0x22: {  	s25 =	sshrl.u32 s22, $0x3;
	s21 =	sadd.s32 s17, s24;
	s18 =	rddreg [dreg:$0x0]  }
0x23: {  	s26 =	sshrl.u32 s23, $0x2;
	s17 =	sadd.s32 s17, s25;
	[dreg:$0x14] =	wrdreg s21  }
0x24: {  	s7 =	sadd.s32 $0x2E00, s7;
	[dreg:$0x15] =	wrdreg s17;
	s22 =	sadd.s32 s26, s19  }
0x25: {  	s23 =	sadd.s32 s0, s19;
	s24 =	sadd.s32 s2, s19;
	s25 =	sadd.s32 s3, s19  }
0x26: {  	s26 =	sadd.s32 s4, s19;
	s28 =	sadd.s32 s5, s19;
	s29 =	sadd.s32 s6, s19  }
0x27: {  	s30 =	sadd.s32 s9, s19;
	s31 =	sadd.s32 s10, s19;
	s17 =	sadd.s32 s11, s19  }
0x28: {  	s0 =	sadd.s32 s12, s19;
	s2 =	sadd.s32 s13, s19;
	s3 =	sadd.s32 s14, s19  }
0x29: {  	s4 =	sadd.s32 s15, s19;
	s5 =	sadd.s32 s16, s19;
	s6 =	sadd.s32 s20, s19  }
0x2a: {  	s9 =	simm.s32 $0x14000;
	s10 =	simm.s32 $0x2;
	s12 =	simm.s32 $0x28  }
0x2b: {  	s13 =	simm.s32 $0x15400;
	s14 =	simm.s32 $0x16800;
	s15 =	simm.s32 $0x17C00  }
0x2c: {  	v0 =	vimm.f32 $0.0e+00;
	s16 =	simm.s32 $0x1;
	_ =	strace $0x80000047;
	[dreg:$0x16] =	wrdreg s7  }
.LBB2_1:
0x2d: {  	s20 =	simm.s32 $0x0;
	s21 =	simm.s32 $0x200  }
.LBB2_2:
0x2e: {  	p0 =	sne.s32 s21, $0x4E00;
	[tilespmem:s20+$0x14070] =	vst v0  }
0x2f: {  	[tilespmem:s20+$0x14000] =	vst v0  }
0x30: {  	[tilespmem:s20+$0x14010] =	vst v0  }
.Ltmp0:
0x31: {  	[tilespmem:s20+$0x14020] =	vst v0;
	(pc) =	sbr.rel @p0 .LBB2_2-.Ltmp0, $4  }
0x32: {  	[tilespmem:s20+$0x14030] =	vst v0  }
0x33: {  	[tilespmem:s20+$0x14040] =	vst v0  }
0x34: {  	[tilespmem:s20+$0x14050] =	vst v0  }
0x35: {  	[tilespmem:s20+$0x14060] =	vst v0;
	s20 =	sshra.s32 s21, $0x2;
	s21 =	sadd.s32 $0x200, s21  }
0x36: {  	[tilespmem:s20+$0x14070] =	vst v0  }
0x37: {  	[tilespmem:s20+$0x14000] =	vst v0  }
0x38: {  	[tilespmem:s20+$0x14010] =	vst v0  }
0x39: {  	[tilespmem:s20+$0x14020] =	vst v0  }
0x3a: {  	[tilespmem:s20+$0x14030] =	vst v0  }
0x3b: {  	[tilespmem:s20+$0x14040] =	vst v0  }
0x3c: {  	[tilespmem:s20+$0x14050] =	vst v0  }
0x3d: {  	[tilespmem:s20+$0x14060] =	vst v0  }
0x3e: {  	[spmem:s22] =	stream.linear.scatter [tilespmem:s9], [sflag:$0x2], $0x1400, $0x38;
	[tilespmem:$0x1E400] =	vst v63  }
0x3f: {  	_ =	swait.ge [sflag:s10], $0x1400  }
0x40: {  	[sflag:s10] =	ssyncset.done $0x0  }
0x41: {  	[sflag:s10] =	ssyncadd.s32 $0xFFFFEC00  }
0x42: {  	[spmem:s23] =	stream.linear.scatter [tilespmem:s9], [sflag:$0x2], $0x1400, $0x38;
	[tilespmem:$0x1E400] =	vst v63  }
0x43: {  	_ =	swait.ge [sflag:s10], $0x1400  }
0x44: {  	[sflag:s10] =	ssyncset.done $0x0  }
0x45: {  	[sflag:s10] =	ssyncadd.s32 $0xFFFFEC00  }
0x46: {  	[spmem:s24] =	stream.linear.scatter [tilespmem:s9], [sflag:$0x2], $0x1400, $0x38;
	[tilespmem:$0x1E400] =	vst v63  }
0x47: {  	_ =	swait.ge [sflag:s10], $0x1400  }
0x48: {  	[sflag:s10] =	ssyncset.done $0x0  }
0x49: {  	[sflag:s10] =	ssyncadd.s32 $0xFFFFEC00  }
0x4a: {  	[spmem:s25] =	stream.linear.scatter [tilespmem:s9], [sflag:$0x2], $0x1400, $0x38;
	[tilespmem:$0x1E400] =	vst v63  }
0x4b: {  	_ =	swait.ge [sflag:s10], $0x1400  }
0x4c: {  	[sflag:s10] =	ssyncset.done $0x0  }
0x4d: {  	[sflag:s10] =	ssyncadd.s32 $0xFFFFEC00  }
0x4e: {  	[spmem:s26] =	stream.linear.scatter [tilespmem:s9], [sflag:$0x2], $0x1400, $0x38;
	[tilespmem:$0x1E400] =	vst v63  }
0x4f: {  	_ =	swait.ge [sflag:s10], $0x1400  }
0x50: {  	[sflag:s10] =	ssyncset.done $0x0  }
0x51: {  	[sflag:s10] =	ssyncadd.s32 $0xFFFFEC00  }
0x52: {  	[spmem:s28] =	stream.linear.scatter [tilespmem:s9], [sflag:$0x2], $0x1400, $0x38;
	[tilespmem:$0x1E400] =	vst v63  }
0x53: {  	_ =	swait.ge [sflag:s10], $0x1400  }
0x54: {  	[sflag:s10] =	ssyncset.done $0x0  }
0x55: {  	[sflag:s10] =	ssyncadd.s32 $0xFFFFEC00  }
0x56: {  	[spmem:s29] =	stream.linear.scatter [tilespmem:s9], [sflag:$0x2], $0x1400, $0x38;
	[tilespmem:$0x1E400] =	vst v63  }
0x57: {  	_ =	swait.ge [sflag:s10], $0x1400  }
0x58: {  	[sflag:s10] =	ssyncset.done $0x0  }
0x59: {  	[sflag:s10] =	ssyncadd.s32 $0xFFFFEC00  }
0x5a: {  	[spmem:s30] =	stream.linear.scatter [tilespmem:s9], [sflag:$0x2], $0x1400, $0x38;
	[tilespmem:$0x1E400] =	vst v63  }
0x5b: {  	_ =	swait.ge [sflag:s10], $0x1400  }
0x5c: {  	[sflag:s10] =	ssyncset.done $0x0  }
0x5d: {  	[sflag:s10] =	ssyncadd.s32 $0xFFFFEC00  }
0x5e: {  	[spmem:s31] =	stream.linear.scatter [tilespmem:s9], [sflag:$0x2], $0x1400, $0x38;
	[tilespmem:$0x1E400] =	vst v63  }
0x5f: {  	_ =	swait.ge [sflag:s10], $0x1400  }
0x60: {  	[sflag:s10] =	ssyncset.done $0x0  }
0x61: {  	[sflag:s10] =	ssyncadd.s32 $0xFFFFEC00  }
0x62: {  	[spmem:s17] =	stream.linear.scatter [tilespmem:s9], [sflag:$0x2], $0x1400, $0x38;
	[tilespmem:$0x1E400] =	vst v63  }
0x63: {  	_ =	swait.ge [sflag:s10], $0x1400  }
0x64: {  	[sflag:s10] =	ssyncset.done $0x0  }
0x65: {  	[sflag:s10] =	ssyncadd.s32 $0xFFFFEC00  }
0x66: {  	[spmem:s0] =	stream.linear.scatter [tilespmem:s9], [sflag:$0x2], $0x1400, $0x38;
	[tilespmem:$0x1E400] =	vst v63  }
0x67: {  	_ =	swait.ge [sflag:s10], $0x1400  }
0x68: {  	[sflag:s10] =	ssyncset.done $0x0  }
0x69: {  	[sflag:s10] =	ssyncadd.s32 $0xFFFFEC00  }
0x6a: {  	[spmem:s2] =	stream.linear.scatter [tilespmem:s9], [sflag:$0x2], $0x1400, $0x38;
	[tilespmem:$0x1E400] =	vst v63  }
0x6b: {  	_ =	swait.ge [sflag:s10], $0x1400  }
0x6c: {  	[sflag:s10] =	ssyncset.done $0x0  }
0x6d: {  	[sflag:s10] =	ssyncadd.s32 $0xFFFFEC00  }
0x6e: {  	[spmem:s3] =	stream.linear.scatter [tilespmem:s9], [sflag:$0x2], $0x1400, $0x38;
	[tilespmem:$0x1E400] =	vst v63  }
0x6f: {  	_ =	swait.ge [sflag:s10], $0x1400  }
0x70: {  	[sflag:s10] =	ssyncset.done $0x0  }
0x71: {  	[sflag:s10] =	ssyncadd.s32 $0xFFFFEC00  }
0x72: {  	[spmem:s4] =	stream.linear.scatter [tilespmem:s9], [sflag:$0x2], $0x1400, $0x38;
	[tilespmem:$0x1E400] =	vst v63  }
0x73: {  	_ =	swait.ge [sflag:s10], $0x1400  }
0x74: {  	[sflag:s10] =	ssyncset.done $0x0  }
0x75: {  	[sflag:s10] =	ssyncadd.s32 $0xFFFFEC00  }
0x76: {  	[spmem:s5] =	stream.linear.scatter [tilespmem:s9], [sflag:$0x2], $0x1400, $0x38;
	[tilespmem:$0x1E400] =	vst v63  }
0x77: {  	_ =	swait.ge [sflag:s10], $0x1400  }
0x78: {  	[sflag:s10] =	ssyncset.done $0x0  }
0x79: {  	[sflag:s10] =	ssyncadd.s32 $0xFFFFEC00  }
0x7a: {  	[spmem:s6] =	stream.linear.scatter [tilespmem:s9], [sflag:$0x2], $0x1400, $0x38;
	[tilespmem:$0x1E400] =	vst v63  }
0x7b: {  	_ =	swait.ge [sflag:s10], $0x1400  }
0x7c: {  	s11 =	simm.s32 $0x0;
	[sflag:s10] =	ssyncset.done $0x0  }
0x7d: {  	s20 =	simm.s32 $0x19000;
	s7 =	rddreg [dreg:$0x16];
	[sflag:s10] =	ssyncadd.s32 $0xFFFFEC00  }
0x7e: {  	[tilespmem:s20], [sflag:$0x2] =	stream.linear.gather [hbm4b:s7+s11], $0x1388, $0x38;
	[tilespmem:$0x1E400] =	vst v63  }
0x7f: {  	_ =	swait.ge [sflag:s10], $0x1388  }
0x80: {  	[sflag:s10] =	ssyncset.done $0x0  }
0x81: {  	s21 =	simm.s32 $0x1A400;
	s7 =	rddreg [dreg:$0x5];
	[sflag:s10] =	ssyncadd.s32 $0xFFFFEC78  }
0x82: {  	[tilespmem:s21], [sflag:$0x2] =	stream.linear.gather [hbm4b:s7+s11], $0x3E80, $0x38;
	[tilespmem:$0x1E400] =	vst v63  }
0x83: {  	_ =	swait.ge [sflag:s10], $0x3E80  }
0x84: {  	[sflag:s10] =	ssyncset.done $0x0  }
0x85: {  	[sflag:s10] =	ssyncadd.s32 $0xFFFFC180  }
0x86: {  	[bflag:$0x0] =	sbarrier.arrive $0xFFFF  }
0x87: {  	[tilespmem:s9], [sflag:$0x1] =	stream.indirect.gather [hbm4b:s18+s12], $0x80, s20, s12, $0xb8;
	[tilespmem:$0x1E400] =	vst v63  }
0x88: {  	s21 =	simm.s32 $0x19028  }
0x89: {  	[tilespmem:s13], [sflag:$0x1] =	stream.indirect.gather [hbm4b:s18+s12], $0x80, s21, s12, $0xb8;
	[tilespmem:$0x1E400] =	vst v63  }
0x8a: {  	s11 =	simm.s32 $0x19050  }
0x8b: {  	[tilespmem:s14], [sflag:$0x1] =	stream.indirect.gather [hbm4b:s18+s12], $0x80, s11, s12, $0xb8;
	[tilespmem:$0x1E400] =	vst v63  }
0x8c: {  	s20 =	simm.s32 $0x19078  }
0x8d: {  	[tilespmem:s15], [sflag:$0x1] =	stream.indirect.gather [hbm4b:s18+s12], $0x80, s20, s12, $0xb8;
	[tilespmem:$0x1E400] =	vst v63  }
0x8e: {  	_ =	swait.ge [sflag:s16], $0x1400  }
0x8f: {  	[sflag:s16] =	ssyncset.done $0x0  }
0x90: {  	s21 =	simm.s32 $0x1A400;
	[sflag:s16] =	ssyncadd.s32 $0xFFFFEC00  }
0x91: {  	[spmem:s19] =	stream.indirect.scatter.add.f32 [tilespmem:s9], [sflag:$0x2], $0x80, s21, s12, $0xb8;
	[tilespmem:$0x1E400] =	vst v63  }
0x92: {  	_ =	swait.ge [sflag:s10], $0x1400  }
0x93: {  	[sflag:s10] =	ssyncset.done $0x0  }
0x94: {  	s7 =	simm.s32 $0x190A0;
	[sflag:s10] =	ssyncadd.s32 $0xFFFFEC00  }
0x95: {  	[tilespmem:s9], [sflag:$0x1] =	stream.indirect.gather [hbm4b:s18+s12], $0x80, s7, s12, $0xb8;
	[tilespmem:$0x1E400] =	vst v63  }
0x96: {  	_ =	swait.ge [sflag:s16], $0x1400  }
0x97: {  	[sflag:s16] =	ssyncset.done $0x0  }
0x98: {  	s20 =	simm.s32 $0x1A480;
	[sflag:s16] =	ssyncadd.s32 $0xFFFFEC00  }
0x99: {  	[spmem:s19] =	stream.indirect.scatter.add.f32 [tilespmem:s13], [sflag:$0x2], $0x80, s20, s12, $0xb8;
	[tilespmem:$0x1E400] =	vst v63  }
0x9a: {  	_ =	swait.ge [sflag:s10], $0x1400  }
0x9b: {  	[sflag:s10] =	ssyncset.done $0x0  }
0x9c: {  	s21 =	simm.s32 $0x190C8;
	[sflag:s10] =	ssyncadd.s32 $0xFFFFEC00  }
0x9d: {  	[tilespmem:s13], [sflag:$0x1] =	stream.indirect.gather [hbm4b:s18+s12], $0x80, s21, s12, $0xb8;
	[tilespmem:$0x1E400] =	vst v63  }
0x9e: {  	_ =	swait.ge [sflag:s16], $0x1400  }
0x9f: {  	[sflag:s16] =	ssyncset.done $0x0  }
0xa0: {  	s7 =	simm.s32 $0x1A500;
	[sflag:s16] =	ssyncadd.s32 $0xFFFFEC00  }
0xa1: {  	[spmem:s19] =	stream.indirect.scatter.add.f32 [tilespmem:s14], [sflag:$0x2], $0x80, s7, s12, $0xb8;
	[tilespmem:$0x1E400] =	vst v63  }
0xa2: {  	_ =	swait.ge [sflag:s10], $0x1400  }
0xa3: {  	[sflag:s10] =	ssyncset.done $0x0  }
0xa4: {  	s20 =	simm.s32 $0x190F0;
	[sflag:s10] =	ssyncadd.s32 $0xFFFFEC00  }
0xa5: {  	[tilespmem:s14], [sflag:$0x1] =	stream.indirect.gather [hbm4b:s18+s12], $0x80, s20, s12, $0xb8;
	[tilespmem:$0x1E400] =	vst v63  }
0xa6: {  	_ =	swait.ge [sflag:s16], $0x1400  }
0xa7: {  	[sflag:s16] =	ssyncset.done $0x0  }
0xa8: {  	s21 =	simm.s32 $0x1A580;
	[sflag:s16] =	ssyncadd.s32 $0xFFFFEC00  }
0xa9: {  	[spmem:s19] =	stream.indirect.scatter.add.f32 [tilespmem:s15], [sflag:$0x2], $0x80, s21, s12, $0xb8;
	[tilespmem:$0x1E400] =	vst v63  }
0xaa: {  	_ =	swait.ge [sflag:s10], $0x1400  }
0xab: {  	s11 =	simm.s32 $0x19118;
	[sflag:s10] =	ssyncset.done $0x0  }
0xac: {  	s20 =	simm.s32 $0x280;
	s21 =	simm.s32 $0x1A780;
	[sflag:s10] =	ssyncadd.s32 $0xFFFFEC00  }
.LBB2_4:
0xad: {  	[tilespmem:s15], [sflag:$0x1] =	stream.indirect.gather [hbm4b:s18+s12], $0x80, s11, s12, $0xb8;
	[tilespmem:$0x1E400] =	vst v63  }
0xae: {  	s11 =	smov.u32 s20  }
0xaf: {  	p0 =	sne.s32 s20, $0x4880;
	s20 =	sadd.s32 $0x280, s20;
	_ =	swait.ge [sflag:s16], $0x1400  }
0xb0: {  	[sflag:s16] =	ssyncset.done $0x0  }
0xb1: {  	s7 =	sadd.s32 $0xFFFFFE80, s21;
	[sflag:s16] =	ssyncadd.s32 $0xFFFFEC00  }
0xb2: {  	[spmem:s19] =	stream.indirect.scatter.add.f32 [tilespmem:s9], [sflag:$0x2], $0x80, s7, s12, $0xb8;
	[tilespmem:$0x1E400] =	vst v63  }
0xb3: {  	_ =	swait.ge [sflag:s10], $0x1400  }
0xb4: {  	s7 =	sshra.s32 s11, $0x2;
	[sflag:s10] =	ssyncset.done $0x0  }
0xb5: {  	s11 =	sadd.s32 $0x190A0, s7;
	[sflag:s10] =	ssyncadd.s32 $0xFFFFEC00  }
0xb6: {  	[tilespmem:s9], [sflag:$0x1] =	stream.indirect.gather [hbm4b:s18+s12], $0x80, s11, s12, $0xb8;
	[tilespmem:$0x1E400] =	vst v63  }
0xb7: {  	_ =	swait.ge [sflag:s16], $0x1400  }
0xb8: {  	[sflag:s16] =	ssyncset.done $0x0  }
0xb9: {  	s11 =	sadd.s32 $0xFFFFFF00, s21;
	[sflag:s16] =	ssyncadd.s32 $0xFFFFEC00  }
0xba: {  	[spmem:s19] =	stream.indirect.scatter.add.f32 [tilespmem:s13], [sflag:$0x2], $0x80, s11, s12, $0xb8;
	[tilespmem:$0x1E400] =	vst v63  }
0xbb: {  	_ =	swait.ge [sflag:s10], $0x1400  }
0xbc: {  	[sflag:s10] =	ssyncset.done $0x0  }
0xbd: {  	s11 =	sadd.s32 $0x190C8, s7;
	[sflag:s10] =	ssyncadd.s32 $0xFFFFEC00  }
0xbe: {  	[tilespmem:s13], [sflag:$0x1] =	stream.indirect.gather [hbm4b:s18+s12], $0x80, s11, s12, $0xb8;
	[tilespmem:$0x1E400] =	vst v63  }
0xbf: {  	_ =	swait.ge [sflag:s16], $0x1400  }
0xc0: {  	[sflag:s16] =	ssyncset.done $0x0  }
0xc1: {  	s11 =	sadd.s32 $0xFFFFFF80, s21;
	[sflag:s16] =	ssyncadd.s32 $0xFFFFEC00  }
0xc2: {  	[spmem:s19] =	stream.indirect.scatter.add.f32 [tilespmem:s14], [sflag:$0x2], $0x80, s11, s12, $0xb8;
	[tilespmem:$0x1E400] =	vst v63  }
0xc3: {  	_ =	swait.ge [sflag:s10], $0x1400  }
0xc4: {  	[sflag:s10] =	ssyncset.done $0x0  }
0xc5: {  	s11 =	sadd.s32 $0x190F0, s7;
	[sflag:s10] =	ssyncadd.s32 $0xFFFFEC00  }
0xc6: {  	[tilespmem:s14], [sflag:$0x1] =	stream.indirect.gather [hbm4b:s18+s12], $0x80, s11, s12, $0xb8;
	[tilespmem:$0x1E400] =	vst v63  }
0xc7: {  	_ =	swait.ge [sflag:s16], $0x1400  }
0xc8: {  	[sflag:s16] =	ssyncset.done $0x0  }
.Ltmp1:
0xc9: {  	[sflag:s16] =	ssyncadd.s32 $0xFFFFEC00;
	(pc) =	sbr.rel @p0 .LBB2_4-.Ltmp1, $4  }
0xca: {  	[spmem:s19] =	stream.indirect.scatter.add.f32 [tilespmem:s15], [sflag:$0x2], $0x80, s21, s12, $0xb8;
	[tilespmem:$0x1E400] =	vst v63  }
0xcb: {  	_ =	swait.ge [sflag:s10], $0x1400  }
0xcc: {  	[sflag:s10] =	ssyncset.done $0x0  }
0xcd: {  	s11 =	sadd.s32 $0x19118, s7;
	s21 =	sadd.s32 $0x200, s21;
	[sflag:s10] =	ssyncadd.s32 $0xFFFFEC00  }
0xce: {  	[tilespmem:s15], [sflag:$0x1] =	stream.indirect.gather [hbm4b:s18+s12], $0x80, s11, s12, $0xb8;
	[tilespmem:$0x1E400] =	vst v63  }
0xcf: {  	_ =	swait.ge [sflag:s16], $0x1400  }
0xd0: {  	[sflag:s16] =	ssyncset.done $0x0  }
0xd1: {  	s7 =	simm.s32 $0x1E000;
	[sflag:s16] =	ssyncadd.s32 $0xFFFFEC00  }
0xd2: {  	[spmem:s19] =	stream.indirect.scatter.add.f32 [tilespmem:s9], [sflag:$0x2], $0x80, s7, s12, $0xb8;
	[tilespmem:$0x1E400] =	vst v63  }
0xd3: {  	_ =	swait.ge [sflag:s10], $0x1400  }
0xd4: {  	[sflag:s10] =	ssyncset.done $0x0  }
0xd5: {  	[sflag:s10] =	ssyncadd.s32 $0xFFFFEC00  }
0xd6: {  	_ =	swait.ge [sflag:s16], $0x1400  }
0xd7: {  	[sflag:s16] =	ssyncset.done $0x0  }
0xd8: {  	s11 =	simm.s32 $0x1E080;
	[sflag:s16] =	ssyncadd.s32 $0xFFFFEC00  }
0xd9: {  	[spmem:s19] =	stream.indirect.scatter.add.f32 [tilespmem:s13], [sflag:$0x2], $0x80, s11, s12, $0xb8;
	[tilespmem:$0x1E400] =	vst v63  }
0xda: {  	_ =	swait.ge [sflag:s10], $0x1400  }
0xdb: {  	[sflag:s10] =	ssyncset.done $0x0  }
0xdc: {  	[sflag:s10] =	ssyncadd.s32 $0xFFFFEC00  }
0xdd: {  	_ =	swait.ge [sflag:s16], $0x1400  }
0xde: {  	[sflag:s16] =	ssyncset.done $0x0  }
0xdf: {  	s20 =	simm.s32 $0x1E100;
	[sflag:s16] =	ssyncadd.s32 $0xFFFFEC00  }
0xe0: {  	[spmem:s19] =	stream.indirect.scatter.add.f32 [tilespmem:s14], [sflag:$0x2], $0x80, s20, s12, $0xb8;
	[tilespmem:$0x1E400] =	vst v63  }
0xe1: {  	_ =	swait.ge [sflag:s10], $0x1400  }
0xe2: {  	[sflag:s10] =	ssyncset.done $0x0  }
0xe3: {  	[sflag:s10] =	ssyncadd.s32 $0xFFFFEC00  }
0xe4: {  	_ =	swait.ge [sflag:s16], $0x1400  }
0xe5: {  	[sflag:s16] =	ssyncset.done $0x0  }
0xe6: {  	s21 =	simm.s32 $0x1E180;
	[sflag:s16] =	ssyncadd.s32 $0xFFFFEC00  }
0xe7: {  	[spmem:s19] =	stream.indirect.scatter.add.f32 [tilespmem:s15], [sflag:$0x2], $0x80, s21, s12, $0xb8;
	[tilespmem:$0x1E400] =	vst v63  }
0xe8: {  	_ =	swait.ge [sflag:s10], $0x1400  }
0xe9: {  	[sflag:s10] =	ssyncset.done $0x0  }
0xea: {  	s11 =	simm.s32 $0x1A360;
	[sflag:s10] =	ssyncadd.s32 $0xFFFFEC00  }
0xeb: {  	[tilespmem:s9], [sflag:$0x1] =	stream.indirect.gather [hbm4b:s18+s12], $0x80, s11, s12, $0xb8;
	[tilespmem:$0x1E400] =	vst v63  }
0xec: {  	_ =	swait.ge [sflag:s16], $0x1400  }
0xed: {  	[sflag:s16] =	ssyncset.done $0x0  }
0xee: {  	s20 =	simm.s32 $0x1E200;
	[sflag:s16] =	ssyncadd.s32 $0xFFFFEC00  }
0xef: {  	[spmem:s19] =	stream.indirect.scatter.add.f32 [tilespmem:s9], [sflag:$0x2], $0x80, s20, s12, $0xb8;
	[tilespmem:$0x1E400] =	vst v63  }
0xf0: {  	_ =	swait.ge [sflag:s10], $0x1400  }
0xf1: {  	[sflag:s10] =	ssyncset.done $0x0  }
0xf2: {  	s21 =	stileid.u32;
	[sflag:s10] =	ssyncadd.s32 $0xFFFFEC00  }
0xf3: {  	s7 =	sshll.u32 s21, $0x6;
	[bflag:$0x0] =	sbarrier.arrive $0xFFFF  }
0xf4: {  	s11 =	sshrl.u32 s22, $0x3;
	s20 =	sor.u32 $0x1C02, s7;
	s21 =	rddreg [dreg:$0x6]  }
0xf5: {  	[hbm:s21], [sflag:s20] =	dma.local [spmem:s11], $0x280  }
0xf6: {  	_ =	swait.ge [sflag:s10], $0x280  }
0xf7: {  	[sflag:s10] =	ssyncset.done $0x0  }
0xf8: {  	s11 =	sshrl.u32 s23, $0x3;
	s21 =	rddreg [dreg:$0x7];
	[sflag:s10] =	ssyncadd.s32 $0xFFFFFD80  }
0xf9: {  	[hbm:s21], [sflag:s20] =	dma.local [spmem:s11], $0x280  }
0xfa: {  	_ =	swait.ge [sflag:s10], $0x280  }
0xfb: {  	[sflag:s10] =	ssyncset.done $0x0  }
0xfc: {  	s11 =	sshrl.u32 s24, $0x3;
	s21 =	rddreg [dreg:$0x8];
	[sflag:s10] =	ssyncadd.s32 $0xFFFFFD80  }
0xfd: {  	[hbm:s21], [sflag:s20] =	dma.local [spmem:s11], $0x280  }
0xfe: {  	_ =	swait.ge [sflag:s10], $0x280  }
0xff: {  	[sflag:s10] =	ssyncset.done $0x0  }
0x100: {  	s11 =	sshrl.u32 s25, $0x3;
	s21 =	rddreg [dreg:$0x9];
	[sflag:s10] =	ssyncadd.s32 $0xFFFFFD80  }
0x101: {  	[hbm:s21], [sflag:s20] =	dma.local [spmem:s11], $0x280  }
0x102: {  	_ =	swait.ge [sflag:s10], $0x280  }
0x103: {  	[sflag:s10] =	ssyncset.done $0x0  }
0x104: {  	s11 =	sshrl.u32 s26, $0x3;
	s21 =	rddreg [dreg:$0xa];
	[sflag:s10] =	ssyncadd.s32 $0xFFFFFD80  }
0x105: {  	[hbm:s21], [sflag:s20] =	dma.local [spmem:s11], $0x280  }
0x106: {  	_ =	swait.ge [sflag:s10], $0x280  }
0x107: {  	[sflag:s10] =	ssyncset.done $0x0  }
0x108: {  	s11 =	sshrl.u32 s28, $0x3;
	s21 =	rddreg [dreg:$0xb];
	[sflag:s10] =	ssyncadd.s32 $0xFFFFFD80  }
0x109: {  	[hbm:s21], [sflag:s20] =	dma.local [spmem:s11], $0x280  }
0x10a: {  	_ =	swait.ge [sflag:s10], $0x280  }
0x10b: {  	[sflag:s10] =	ssyncset.done $0x0  }
0x10c: {  	s11 =	sshrl.u32 s29, $0x3;
	s21 =	rddreg [dreg:$0xc];
	[sflag:s10] =	ssyncadd.s32 $0xFFFFFD80  }
0x10d: {  	[hbm:s21], [sflag:s20] =	dma.local [spmem:s11], $0x280  }
0x10e: {  	_ =	swait.ge [sflag:s10], $0x280  }
0x10f: {  	[sflag:s10] =	ssyncset.done $0x0  }
0x110: {  	s11 =	sshrl.u32 s30, $0x3;
	s21 =	rddreg [dreg:$0xd];
	[sflag:s10] =	ssyncadd.s32 $0xFFFFFD80  }
0x111: {  	[hbm:s21], [sflag:s20] =	dma.local [spmem:s11], $0x280  }
0x112: {  	_ =	swait.ge [sflag:s10], $0x280  }
0x113: {  	[sflag:s10] =	ssyncset.done $0x0  }
0x114: {  	s11 =	sshrl.u32 s31, $0x3;
	s21 =	rddreg [dreg:$0xe];
	[sflag:s10] =	ssyncadd.s32 $0xFFFFFD80  }
0x115: {  	[hbm:s21], [sflag:s20] =	dma.local [spmem:s11], $0x280  }
0x116: {  	_ =	swait.ge [sflag:s10], $0x280  }
0x117: {  	[sflag:s10] =	ssyncset.done $0x0  }
0x118: {  	s11 =	sshrl.u32 s17, $0x3;
	s21 =	rddreg [dreg:$0xf];
	[sflag:s10] =	ssyncadd.s32 $0xFFFFFD80  }
0x119: {  	[hbm:s21], [sflag:s20] =	dma.local [spmem:s11], $0x280  }
0x11a: {  	_ =	swait.ge [sflag:s10], $0x280  }
0x11b: {  	[sflag:s10] =	ssyncset.done $0x0  }
0x11c: {  	s11 =	sshrl.u32 s0, $0x3;
	s21 =	rddreg [dreg:$0x10];
	[sflag:s10] =	ssyncadd.s32 $0xFFFFFD80  }
0x11d: {  	[hbm:s21], [sflag:s20] =	dma.local [spmem:s11], $0x280  }
0x11e: {  	_ =	swait.ge [sflag:s10], $0x280  }
0x11f: {  	[sflag:s10] =	ssyncset.done $0x0  }
0x120: {  	s11 =	sshrl.u32 s2, $0x3;
	s21 =	rddreg [dreg:$0x11];
	[sflag:s10] =	ssyncadd.s32 $0xFFFFFD80  }
0x121: {  	[hbm:s21], [sflag:s20] =	dma.local [spmem:s11], $0x280  }
0x122: {  	_ =	swait.ge [sflag:s10], $0x280  }
0x123: {  	[sflag:s10] =	ssyncset.done $0x0  }
0x124: {  	s11 =	sshrl.u32 s3, $0x3;
	s21 =	rddreg [dreg:$0x12];
	[sflag:s10] =	ssyncadd.s32 $0xFFFFFD80  }
0x125: {  	[hbm:s21], [sflag:s20] =	dma.local [spmem:s11], $0x280  }
0x126: {  	_ =	swait.ge [sflag:s10], $0x280  }
0x127: {  	[sflag:s10] =	ssyncset.done $0x0  }
0x128: {  	s11 =	sshrl.u32 s4, $0x3;
	s21 =	rddreg [dreg:$0x13];
	[sflag:s10] =	ssyncadd.s32 $0xFFFFFD80  }
0x129: {  	[hbm:s21], [sflag:s20] =	dma.local [spmem:s11], $0x280  }
0x12a: {  	_ =	swait.ge [sflag:s10], $0x280  }
0x12b: {  	[sflag:s10] =	ssyncset.done $0x0  }
0x12c: {  	s11 =	sshrl.u32 s5, $0x3;
	s21 =	rddreg [dreg:$0x14];
	[sflag:s10] =	ssyncadd.s32 $0xFFFFFD80  }
0x12d: {  	[hbm:s21], [sflag:s20] =	dma.local [spmem:s11], $0x280  }
0x12e: {  	s1 =	sadd.s32 $0x1, s1;
	_ =	swait.ge [sflag:s10], $0x280  }
0x12f: {  	p0 =	sne.s32 s1, s8;
	s11 =	sshrl.u32 s6, $0x3;
	[sflag:s10] =	ssyncset.done $0x0  }
.Ltmp2:
0x130: {  	s21 =	rddreg [dreg:$0x15];
	[sflag:s10] =	ssyncadd.s32 $0xFFFFFD80;
	(pc) =	sbr.rel @p0 .LBB2_1-.Ltmp2, $4  }
0x131: {  	[hbm:s21], [sflag:s20] =	dma.local [spmem:s11], $0x280  }
0x132: {  	_ =	swait.ge [sflag:s10], $0x280  }
0x133: {  	[sflag:s10] =	ssyncset.done $0x0  }
0x134: {  	[sflag:s10] =	ssyncadd.s32 $0xFFFFFD80  }
0x135: {  	_ =	sfence.sel $0x180000  }
0x136: {  	[bflag:$0x0] =	sbarrier.arrive $0xFFFF  }
0x137: {  	_ =	strace $0x90000047  }
0x138: {  	s0 =	stileid.u32;
	[bflag:$0x2] =	sbarrier.arrive $0xFFFF  }
0x139: {  	p0 =	sne.s32 s0, $0x0;
	s0 =	rddreg [dreg:$0x4]  }
0x13a: {  	s0 =	sadd.s32 @!p0 $0x100000, s0  }
0x13b: {  	[sflag:s0] =	ssyncadd.tile.s32 @!p0 $0x1;
	_ =	shalt  }
.Lfunc_end2:
_tile_overlayer_lowered:
.L_overlay_start_2:
0x13c: {  	(tag) =	ssettag $0x2  }
0x13d: {  	s0 =	rddreg [dreg:$0x0];
	s2 =	stileid.u32  }
0x13e: {  	s1 =	rddreg [dreg:$0x1];
	p0 =	sne.s32 s2, $0x0  }
0x13f: {  	s3 =	rddreg [dreg:$0x2];
	[bflag:$0x3] =	sbarrier.arrive $0xFFFF;
	s2 =	simm.s32 @!p0 $0x1C02  }
0x140: {  	[timem:s3], [sflag:s2] =	dma.local @!p0 [hbm:s0], s1  }
0x141: {  	s0 =	simm.s32 @!p0 $0x2  }
0x142: {  	_ =	swait.ge @!p0 [sflag:s0], s1  }
0x143: {  	s1 =	ssub.s32 @!p0 $0x0, s1;
	[sflag:s0] =	ssyncset.done @!p0 $0x0  }
0x144: {  	[sflag:s0] =	ssyncadd.s32 @!p0 s1  }
0x145: {  	[bflag:$0x3] =	sbarrier.arrive $0xFFFF  }
0x146: {  	_ =	shalt  }

// kernel: kernel.14.cloned.1.call-start
scs
__scs_entry_jumppad:
0x0: {  	(pc) =	sbr.rel $0x88, $3  }
0x1: {  	(tag) =	ssettag $0x0;
	lr =	simm.s32 $0x1  }
0x2: {  	[smem:$0x3F92] =	sst lr;
	_ =	strace $0xD0000000  }
0x3: {  	_ = 	snop  }
0x4: {  	_ = 	snop  }
0x5: {  	_ = 	snop  }
0x6: {  	_ = 	snop  }
0x7: {  	_ = 	snop  }
__scs_overlays_trampoline_lowered:
0x8: {  	[smem:$0x3FA1] =	sst s0  }
0x9: {  	[smem:$0x3FA2] =	sst s1  }
0xa: {  	[smem:$0x3FA3] =	sst s2  }
0xb: {  	[smem:$0x3FA4] =	sst s3  }
0xc: {  	[smem:$0x3FA5] =	sst s4  }
0xd: {  	[smem:$0x3FA6] =	sst s5  }
0xe: {  	[smem:$0x3FA7] =	sst s6  }
0xf: {  	[smem:$0x3FA8] =	sst s7  }
0x10: {  	[smem:$0x3FA9] =	sst s8  }
0x11: {  	[smem:$0x3FAA] =	sst s9;
	s0 =	simm.s32 @!p0 $0x0  }
0x12: {  	s1 =	sld [smem:$0x3F90];
	s0 =	simm.s32 @p0 $0x1  }
0x13: {  	[smem:$0x3FAB] =	sst s0;
	s0 =	simm.s32 @!p1 $0x0  }
0x14: {  	s2 =	sld [smem:$0x3F8F];
	s0 =	simm.s32 @p1 $0x1  }
0x15: {  	[smem:$0x3FAC] =	sst s0;
	s0 =	simm.s32 @!p2 $0x0  }
0x16: {  	s3 =	sld [smem:$0x3FDB];
	s0 =	simm.s32 @p2 $0x1  }
0x17: {  	s4 =	simm.s32 $0x1BF5;
	[smem:$0x3FAE] =	sst s0  }
0x18: {  	s0 =	sld [smem:$0x3F91];
	_ =	swait.ge [sflag:s4], $0x0  }
0x19: {  	s7 =	sld [smem:$0x3F92]  }
0x1a: {  	s8 =	sadd.s32 $0xFFFFE003, lr  }
0x1b: {  	s9 =	sadd.s32 $0xFFFFFEF7, lr;
	s5 =	simm.s32 $0xFFFFFFFF;
	p2 =	slt.u32 s8, $0xFFFFF086  }
0x1c: {  	p1 =	slt.u32 s9, $0xF7A;
	s5 =	simm.s32 @!p2 $0x0  }
0x1d: {  	s5 =	simm.s32 @p1 $0x1;
	p0 =	seq.s32 s7, s2  }
0x1e: {  	s7 =	smul.u32 @!p0 $0xF7A, s2;
	p2 =	seq.s32 @!p0 s5, $0x0  }
0x1f: {  	s9 =	smul.u32 $0xF7A, s1;
	s8 =	simm.s32 @!p0 $0x1BF5;
	p2 =	por !p2, p0  }
0x20: {  	[sflag:s8] =	ssyncset.s32 @!p0 $0xFFFFF086;
	s6 =	sadd.s32 @!p0 s3, s7;
	s7 =	simm.s32 @!p0 $0x108  }
0x21: {  	s3 =	sadd.s32 s3, s9;
	s6 =	sadd.s32 @!p0 $0x88, s6;
	s7 =	simm.s32 @p2 $0x1082  }
0x22: {  	[simem:s7], [sflag:s8] =	dma.local @!p0 [hbm:s6], $0xF7A  }
0x23: {  	s9 =	sor.u32 $0xD0000000, s2;
	s6 =	simm.s32 $0x108;
	_ =	swait.ge @!p0 [sflag:s8], $0x0  }
0x24: {  	s3 =	sadd.s32 $0x88, s3;
	s6 =	simm.s32 @!p1 $0x1082;
	[sflag:s4] =	ssyncset.s32 $0xFFFFF086  }
0x25: {  	[simem:s6], [sflag:s4] =	dma.local [hbm:s3], $0xF7A  }
0x26: {  	[smem:$0x3F92] =	sst s1;
	(tag) =	ssettag s2;
	_ =	strace s9  }
0x27: {  	s1 =	sld [smem:$0x3FA2]  }
0x28: {  	s2 =	sld [smem:$0x3FA3]  }
0x29: {  	s4 =	sld [smem:$0x3FA5]  }
0x2a: {  	p0 =	seq.s32 s5, $0x0;
	s5 =	sld [smem:$0x3FA6]  }
0x2b: {  	s6 =	sld [smem:$0x3FA7]  }
0x2c: {  	s7 =	sld [smem:$0x3FA8]  }
0x2d: {  	s3 =	simm.s32 $0x108;
	s8 =	sld [smem:$0x3FA9]  }
0x2e: {  	s3 =	simm.s32 @!p0 $0x1082;
	s9 =	sld [smem:$0x3FAA]  }
0x2f: {  	lr =	sadd.s32 s0, s3;
	s0 =	sld [smem:$0x3FA1]  }
0x30: {  	s3 =	sld [smem:$0x3FA4]  }
0x31: {  	[smem:$0x3FAD] =	sst s10  }
0x32: {  	s10 =	sld [smem:$0x3FAB];
	_ =	sdelay $0x3  }
0x33: {  	p0 =	seq.s32 s10, $0x1;
	s10 =	sld [smem:$0x3FAD];
	_ =	sdelay $0x3  }
0x34: {  	[smem:$0x3FAD] =	sst s10  }
0x35: {  	s10 =	sld [smem:$0x3FAC];
	_ =	sdelay $0x3  }
0x36: {  	p1 =	seq.s32 s10, $0x1;
	s10 =	sld [smem:$0x3FAD];
	_ =	sdelay $0x3  }
0x37: {  	[smem:$0x3FAD] =	sst s10  }
0x38: {  	s10 =	sld [smem:$0x3FAE]  }
0x39: {  	_ = 	snop;
	(pc) =	sbr.ind lr, $3  }
0x3a: {  	_ = 	snop  }
0x3b: {  	_ = 	snop  }
0x3c: {  	p2 =	seq.s32 s10, $0x1;
	s10 =	sld [smem:$0x3FAD]  }
0x3d: {  	_ =	shalt  }
0x3e: {  	_ =	shalt  }
0x3f: {  	_ =	shalt  }
0x40: {  	_ =	shalt  }
0x41: {  	_ =	shalt  }
0x42: {  	_ =	shalt  }
0x43: {  	_ =	shalt  }
0x44: {  	_ =	shalt  }
0x45: {  	_ =	shalt  }
0x46: {  	_ =	shalt  }
0x47: {  	_ =	shalt  }
0x48: {  	_ =	shalt  }
0x49: {  	_ =	shalt  }
0x4a: {  	_ =	shalt  }
0x4b: {  	_ =	shalt  }
0x4c: {  	_ =	shalt  }
0x4d: {  	_ =	shalt  }
0x4e: {  	_ =	shalt  }
0x4f: {  	_ =	shalt  }
0x50: {  	_ =	shalt  }
0x51: {  	_ =	shalt  }
0x52: {  	_ =	shalt  }
0x53: {  	_ =	shalt  }
0x54: {  	_ =	shalt  }
0x55: {  	_ =	shalt  }
0x56: {  	_ =	shalt  }
0x57: {  	_ =	shalt  }
0x58: {  	_ =	shalt  }
0x59: {  	_ =	shalt  }
0x5a: {  	_ =	shalt  }
0x5b: {  	_ =	shalt  }
0x5c: {  	_ =	shalt  }
0x5d: {  	_ =	shalt  }
0x5e: {  	_ =	shalt  }
0x5f: {  	_ =	shalt  }
0x60: {  	_ =	shalt  }
0x61: {  	_ =	shalt  }
0x62: {  	_ =	shalt  }
0x63: {  	_ =	shalt  }
0x64: {  	_ =	shalt  }
0x65: {  	_ =	shalt  }
0x66: {  	_ =	shalt  }
0x67: {  	_ =	shalt  }
0x68: {  	_ =	shalt  }
0x69: {  	_ =	shalt  }
0x6a: {  	_ =	shalt  }
0x6b: {  	_ =	shalt  }
0x6c: {  	_ =	shalt  }
0x6d: {  	_ =	shalt  }
0x6e: {  	_ =	shalt  }
0x6f: {  	_ =	shalt  }
0x70: {  	_ =	shalt  }
0x71: {  	_ =	shalt  }
0x72: {  	_ =	shalt  }
0x73: {  	_ =	shalt  }
0x74: {  	_ =	shalt  }
0x75: {  	_ =	shalt  }
0x76: {  	_ =	shalt  }
0x77: {  	_ =	shalt  }
0x78: {  	_ =	shalt  }
0x79: {  	_ =	shalt  }
0x7a: {  	_ =	shalt  }
0x7b: {  	_ =	shalt  }
0x7c: {  	_ =	shalt  }
0x7d: {  	_ =	shalt  }
0x7e: {  	_ =	shalt  }
0x7f: {  	_ =	shalt  }
0x80: {  	_ =	shalt  }
0x81: {  	_ =	shalt  }
0x82: {  	_ =	shalt  }
0x83: {  	_ =	shalt  }
0x84: {  	_ =	shalt  }
0x85: {  	_ =	shalt  }
0x86: {  	_ =	shalt  }
0x87: {  	_ =	shalt  }
.Lfunc_end0:
.L_simem_size_0:
called_computation.2_lowered:
.L_overlay_start_0:
0x88: {  	s2 =	sld [smem:$0x3FD9]  }
0x89: {  	s3 =	sld [smem:$0x3FFE];
	_ =	sdelay $0x1  }
0x8a: {  	s1 =	srdreg.scid  }
0x8b: {  	s0 =	sand.u32 $0x1, s1  }
0x8c: {  	s14 =	sshll.u32 s0, $0xA;
	s2 =	sadd.s32 s3, s2  }
0x8d: {  	s2 =	sadd.s32 s2, s14  }
0x8e: {  	[smem:$0x3FB9] =	sst s2  }
0x8f: {  	_ = 	snop  }
0x90: {  	s2 =	sld [smem:$0x3FD0];
	_ =	sdelay $0x2  }
0x91: {  	s15 =	simm.s32 $0xB;
	s4 =	simm.s32 $0x10  }
0x92: {  	[smem:s4], [sflag:s15] =	dma.local [hbm:s2], $0x1  }
0x93: {  	_ =	swait.eq [sflag:s15], $0x1  }
0x94: {  	[sflag:s15] =	ssyncset.done $0x0  }
0x95: {  	s16 =	sld [smem:$0x10];
	[sflag:s15] =	ssyncadd.s32 $0xFFFFFFFF  }
0x96: {  	s17 =	sld [smem:$0x11];
	(tm) =	ssettm $0x1  }
0x97: {  	s18 =	sld [smem:$0x3FFB];
	_ =	sdelay $0x3  }
0x98: {  	_ =	strace s18  }
0x99: {  	s4 =	sld [smem:$0x3FFC];
	_ =	sdelay $0x3  }
0x9a: {  	_ =	strace s4  }
0x9b: {  	s4 =	sld [smem:$0x3FFD];
	_ =	sdelay $0x3  }
0x9c: {  	_ =	strace s4  }
0x9d: {  	_ =	strace $0x8FFFFFFF  }
0x9e: {  	s19 =	sld [smem:$0x3FDB];
	_ =	sdelay $0x1  }
0x9f: {  	s5 =	simm.s32 $_scs_section_size  }
0xa0: {  	s6 =	simm.s32 $_size__tile_overlayer_lowered;
	s7 =	simm.s32 $_tile_overlayer_lowered  }
0xa1: {  	s22 =	simm.s32 $0x1BFF;
	s21 =	sshll.u32 s7, $0x1;
	s4 =	sadd.s32 s5, s19  }
0xa2: {  	s8 =	simm.s32 $0x0;
	s20 =	sshll.u32 s6, $0x1;
	s6 =	sadd.s32 s21, s4  }
0xa3: {  	[timem:s8], [sflag:s22] =	dma.local [hbm:s6], s20  }
0xa4: {  	_ =	swait.ge [sflag:s22], s20  }
0xa5: {  	s5 =	ssub.s32 $0x0, s20;
	[sflag:s22] =	ssyncset.done $0x0  }
0xa6: {  	[sflag:s22] =	ssyncadd.s32 s5;
	_ =	sdelay $0x1  }
0xa7: {  	s23 =	simm.s32 $0x1B8B  }
0xa8: {  	_ =	swait.ge [sflag:s23], $0x1  }
0xa9: {  	[sflag:s23] =	ssyncset.done $0x0  }
0xaa: {  	s25 =	simm.s32 $0x1B8E;
	s24 =	sld [smem:$0x3FFE];
	[sflag:s23] =	ssyncadd.s32 $0xFFFFFFFF  }
0xab: {  	s26 =	simm.s32 $execute0_lowered;
	[smem:$0x3FD2] =	sst s25  }
0xac: {  	s6 =	sshll.u32 s26, $0x1;
	_ =	strace $0x8000004C;
	[dreg:$0x1] =	wrdreg $0xFFFFFFFF  }
0xad: {  	s28 =	simm.s32 $_size_execute0_lowered;
	s4 =	sadd.s32 s4, s6;
	[dreg:$0x0] =	wrdreg $0x0  }
0xae: {  	s6 =	sshll.u32 s28, $0x1;
	[dreg:$0x2] =	wrdreg s4  }
0xaf: {  	[dreg:$0x3] =	wrdreg s6  }
0xb0: {  	[dreg:$0x4] =	wrdreg $0xC0  }
0xb1: {  	_ =	task [dreg:s8], $0x5FFFF  }
0xb2: {  	[dreg:$0x1] =	wrdreg $0xFFFFFFFF  }
0xb3: {  	[dreg:$0x0] =	wrdreg $0x60  }
0xb4: {  	[dreg:$0x2] =	wrdreg s24  }
0xb5: {  	[dreg:$0x3] =	wrdreg s16  }
0xb6: {  	[dreg:$0x4] =	wrdreg s17  }
0xb7: {  	[dreg:$0x5] =	wrdreg $0x0  }
0xb8: {  	[dreg:$0x6] =	wrdreg $0x9  }
0xb9: {  	_ =	task.clear_ibuf [dreg:s8], $0x7FFFF;
	_ =	strace $0x9000004C  }
0xba: {  	s29 =	simm.s32 $0x9;
	_ =	strace $0x8000004E  }
0xbb: {  	_ =	swait.ge [sflag:s29], $0x1  }
0xbc: {  	[sflag:s29] =	ssyncadd.s32 $0xFFFFFFFF  }
0xbd: {  	_ =	strace $0x9000004E  }
0xbe: {  	_ =	sfence  }
0xbf: {  	s30 =	sld [smem:$0x0];
	_ =	sdelay $0x2  }
0xc0: {  	s31 =	sshll.u32 s1, $0xD;
	s1 =	sshrl.u32 s1, $0x2  }
0xc1: {  	s3 =	sand.u32 $0x4000, s31;
	s1 =	sadd.s32 s1, s30  }
0xc2: {  	s0 =	sor.u32 s3, s0;
	s1 =	sshll.u32 s1, $0x11  }
0xc3: {  	s0 =	sor.u32 s1, s0  }
0xc4: {  	s0 =	sadd.s32 $0x8F2B, s0  }
0xc5: {  	[sflag:s0] =	ssyncadd.remote.s32 $0x1  }
0xc6: {  	_ =	sfence.sel $0xFFFF  }
0xc7: {  	[dreg:$0x0] =	wrdreg $0xFFFFFFFF;
	(pc) =	sbr.abs _section_cstart, $3  }
0xc8: {  	[dreg:$0x1] =	wrdreg $0xFFFFFFFF  }
0xc9: {  	_ =	task.clear_ibuf [dreg:s8], $0x2FFFF;
	_ =	strace $0x9FFFFFFF  }
0xca: {  	(tm) =	ssettm $0x7FFFFFFF  }
0xcb: {  	_ =	shalt  }
tec
execute0_lowered:
.L_overlay_start_1:
0x0: {  	(tag) =	ssettag $0x1  }
0x1: {  	s17 =	rddreg [dreg:$0x1]  }
0x2: {  	s0 =	rddreg [dreg:$0x2]  }
0x3: {  	s2 =	srdreg.scid;
	s24 =	stileid.u32  }
0x4: {  	s14 =	sand.u32 $0x1, s2;
	s15 =	sshll.u32 s24, $0x1;
	s21 =	smul.u32 $0x14000, s24  }
0x5: {  	s1 =	simm.s32 $0x0;
	s18 =	sor.u32 s14, s15;
	s22 =	smul.u32 $0x140000, s14  }
0x6: {  	[smem:$0x7FF] =	sst s1;
	s16 =	ssub.s32 $0x2, s14;
	s13 =	smul.u32 $0x271, s18  }
0x7: {  	s3 =	sshrl.u32 s16, $0x1;
	s2 =	sor.u32 $0x1400, s21;
	s4 =	sor.u32 $0x3C00, s21  }
0x8: {  	s5 =	sadd.s32 $0x5000, s21;
	s6 =	sadd.s32 $0x6400, s21;
	s7 =	sadd.s32 $0x7800, s21  }
0x9: {  	s9 =	sadd.s32 $0x8C00, s21;
	s10 =	sadd.s32 $0xA000, s21;
	s11 =	sadd.s32 $0xB400, s21  }
0xa: {  	s12 =	sadd.s32 $0xC800, s21;
	s14 =	sadd.s32 $0xDC00, s21;
	s15 =	sadd.s32 $0xF000, s21  }
0xb: {  	s19 =	sadd.s32 $0x11800, s21;
	s20 =	sadd.s32 $0x12C00, s21;
	s18 =	sshll.u32 s18, $0xB  }
0xc: {  	s8 =	ssub.s32 s16, s3;
	s3 =	sor.u32 $0x2800, s21;
	s16 =	sadd.s32 $0x10400, s21  }
0xd: {  	s21 =	sadd.s32 s21, s22;
	s23 =	sadd.s32 s22, s2;
	s17 =	sadd.s32 s17, s18  }
0xe: {  	s25 =	sadd.s32 s22, s4;
	s26 =	sadd.s32 s22, s5;
	s21 =	sshrl.u32 s21, $0x3  }
0xf: {  	[dreg:$0x5] =	wrdreg s17;
	s8 =	smax.u32 s8, $0x1;
	s18 =	sadd.s32 s0, s21  }
0x10: {  	s21 =	sshrl.u32 s23, $0x3;
	s23 =	sadd.s32 s22, s3;
	[dreg:$0x6] =	wrdreg s18  }
0x11: {  	s17 =	sadd.s32 s0, s21;
	s18 =	sshrl.u32 s25, $0x3;
	s21 =	sshrl.u32 s26, $0x3  }
0x12: {  	s25 =	sadd.s32 s22, s7;
	s26 =	sadd.s32 s22, s9;
	[dreg:$0x7] =	wrdreg s17  }
0x13: {  	s17 =	sshrl.u32 s23, $0x3;
	s18 =	sadd.s32 s0, s18;
	s23 =	sadd.s32 s22, s6  }
0x14: {  	s17 =	sadd.s32 s0, s17;
	[dreg:$0x9] =	wrdreg s18;
	s18 =	sshrl.u32 s25, $0x3  }
0x15: {  	s25 =	sadd.s32 s22, s11;
	[dreg:$0x8] =	wrdreg s17;
	s17 =	sadd.s32 s0, s21  }
0x16: {  	s18 =	sadd.s32 s0, s18;
	s21 =	sshrl.u32 s26, $0x3;
	[dreg:$0xa] =	wrdreg s17  }
0x17: {  	s26 =	sadd.s32 s22, s12;
	s17 =	sshrl.u32 s23, $0x3;
	[dreg:$0xc] =	wrdreg s18  }
0x18: {  	s23 =	sadd.s32 s22, s10;
	s18 =	sshrl.u32 s25, $0x3;
	s17 =	sadd.s32 s0, s17  }
0x19: {  	s25 =	sadd.s32 s22, s15;
	s18 =	sadd.s32 s0, s18;
	[dreg:$0xb] =	wrdreg s17  }
0x1a: {  	s17 =	sadd.s32 s0, s21;
	[dreg:$0xf] =	wrdreg s18;
	s18 =	sshrl.u32 s25, $0x3  }
0x1b: {  	s21 =	sshrl.u32 s26, $0x3;
	[dreg:$0xd] =	wrdreg s17;
	s18 =	sadd.s32 s0, s18  }
0x1c: {  	s26 =	sadd.s32 s22, s16;
	s17 =	sshrl.u32 s23, $0x3;
	[dreg:$0x12] =	wrdreg s18  }
0x1d: {  	s23 =	sadd.s32 s22, s14;
	s17 =	sadd.s32 s0, s17;
	s18 =	rddreg [dreg:$0x3]  }
0x1e: {  	[dreg:$0xe] =	wrdreg s17;
	s17 =	sadd.s32 s0, s21;
	s21 =	sshrl.u32 s26, $0x3  }
0x1f: {  	s26 =	smul.u32 $0x50000, s24;
	s24 =	sadd.s32 s3, s18;
	s28 =	sadd.s32 s6, s18  }
0x20: {  	s29 =	sadd.s32 s7, s18;
	s30 =	sadd.s32 s9, s18;
	s31 =	sadd.s32 s10, s18  }
0x21: {  	s3 =	sadd.s32 s15, s18;
	s6 =	sadd.s32 s20, s18;
	s9 =	simm.s32 $0x14000  }
0x22: {  	s10 =	simm.s32 $0x2;
	s15 =	simm.s32 $0x17C00;
	[dreg:$0x10] =	wrdreg s17  }
0x23: {  	s17 =	sshrl.u32 s23, $0x3;
	s23 =	sadd.s32 s22, s19;
	s22 =	sadd.s32 s22, s20  }
0x24: {  	s17 =	sadd.s32 s0, s17;
	s25 =	sshrl.u32 s23, $0x3;
	s22 =	sshrl.u32 s22, $0x3  }
0x25: {  	s23 =	sadd.s32 s2, s18;
	[dreg:$0x11] =	wrdreg s17;
	s17 =	sadd.s32 s0, s21  }
0x26: {  	s2 =	sadd.s32 s14, s18;
	s14 =	simm.s32 $0x16800;
	[dreg:$0x13] =	wrdreg s17  }
0x27: {  	s21 =	sadd.s32 s0, s25;
	s0 =	sadd.s32 s0, s22;
	s17 =	rddreg [dreg:$0x0]  }
0x28: {  	s25 =	sadd.s32 s4, s18;
	s4 =	sadd.s32 s16, s18;
	[dreg:$0x14] =	wrdreg s21  }
0x29: {  	s16 =	simm.s32 $0x1;
	[dreg:$0x15] =	wrdreg s0;
	s0 =	sadd.s32 s12, s18  }
0x2a: {  	s12 =	simm.s32 $0x28;
	_ =	strace $0x8000004D;
	s13 =	sadd.s32 s13, s17  }
0x2b: {  	s21 =	sadd.s32 $0x7E00, s17;
	s17 =	sshrl.u32 s26, $0x2;
	s26 =	sadd.s32 s5, s18  }
0x2c: {  	s5 =	sadd.s32 s19, s18;
	s22 =	sadd.s32 s17, s18;
	s20 =	sadd.s32 $0x2E00, s13  }
0x2d: {  	v0 =	vimm.f32 $0.0e+00;
	s17 =	sadd.s32 s11, s18;
	s13 =	simm.s32 $0x15400;
	[dreg:$0x16] =	wrdreg s20  }
.LBB2_1:
0x2e: {  	s19 =	simm.s32 $0x0;
	s20 =	simm.s32 $0x200  }
.LBB2_2:
0x2f: {  	p0 =	sne.s32 s20, $0x4E00;
	[tilespmem:s19+$0x14070] =	vst v0  }
0x30: {  	[tilespmem:s19+$0x14000] =	vst v0  }
0x31: {  	[tilespmem:s19+$0x14010] =	vst v0  }
.Ltmp0:
0x32: {  	[tilespmem:s19+$0x14020] =	vst v0;
	(pc) =	sbr.rel @p0 .LBB2_2-.Ltmp0, $4  }
0x33: {  	[tilespmem:s19+$0x14030] =	vst v0  }
0x34: {  	[tilespmem:s19+$0x14040] =	vst v0  }
0x35: {  	[tilespmem:s19+$0x14050] =	vst v0  }
0x36: {  	[tilespmem:s19+$0x14060] =	vst v0;
	s19 =	sshra.s32 s20, $0x2;
	s20 =	sadd.s32 $0x200, s20  }
0x37: {  	[tilespmem:s19+$0x14070] =	vst v0  }
0x38: {  	[tilespmem:s19+$0x14000] =	vst v0  }
0x39: {  	[tilespmem:s19+$0x14010] =	vst v0  }
0x3a: {  	[tilespmem:s19+$0x14020] =	vst v0  }
0x3b: {  	[tilespmem:s19+$0x14030] =	vst v0  }
0x3c: {  	[tilespmem:s19+$0x14040] =	vst v0  }
0x3d: {  	[tilespmem:s19+$0x14050] =	vst v0  }
0x3e: {  	[tilespmem:s19+$0x14060] =	vst v0  }
0x3f: {  	[spmem:s22] =	stream.linear.scatter [tilespmem:s9], [sflag:$0x2], $0x1400, $0x38;
	[tilespmem:$0x1E400] =	vst v63  }
0x40: {  	_ =	swait.ge [sflag:s10], $0x1400  }
0x41: {  	[sflag:s10] =	ssyncset.done $0x0  }
0x42: {  	[sflag:s10] =	ssyncadd.s32 $0xFFFFEC00  }
0x43: {  	[spmem:s23] =	stream.linear.scatter [tilespmem:s9], [sflag:$0x2], $0x1400, $0x38;
	[tilespmem:$0x1E400] =	vst v63  }
0x44: {  	_ =	swait.ge [sflag:s10], $0x1400  }
0x45: {  	[sflag:s10] =	ssyncset.done $0x0  }
0x46: {  	[sflag:s10] =	ssyncadd.s32 $0xFFFFEC00  }
0x47: {  	[spmem:s24] =	stream.linear.scatter [tilespmem:s9], [sflag:$0x2], $0x1400, $0x38;
	[tilespmem:$0x1E400] =	vst v63  }
0x48: {  	_ =	swait.ge [sflag:s10], $0x1400  }
0x49: {  	[sflag:s10] =	ssyncset.done $0x0  }
0x4a: {  	[sflag:s10] =	ssyncadd.s32 $0xFFFFEC00  }
0x4b: {  	[spmem:s25] =	stream.linear.scatter [tilespmem:s9], [sflag:$0x2], $0x1400, $0x38;
	[tilespmem:$0x1E400] =	vst v63  }
0x4c: {  	_ =	swait.ge [sflag:s10], $0x1400  }
0x4d: {  	[sflag:s10] =	ssyncset.done $0x0  }
0x4e: {  	[sflag:s10] =	ssyncadd.s32 $0xFFFFEC00  }
0x4f: {  	[spmem:s26] =	stream.linear.scatter [tilespmem:s9], [sflag:$0x2], $0x1400, $0x38;
	[tilespmem:$0x1E400] =	vst v63  }
0x50: {  	_ =	swait.ge [sflag:s10], $0x1400  }
0x51: {  	[sflag:s10] =	ssyncset.done $0x0  }
0x52: {  	[sflag:s10] =	ssyncadd.s32 $0xFFFFEC00  }
0x53: {  	[spmem:s28] =	stream.linear.scatter [tilespmem:s9], [sflag:$0x2], $0x1400, $0x38;
	[tilespmem:$0x1E400] =	vst v63  }
0x54: {  	_ =	swait.ge [sflag:s10], $0x1400  }
0x55: {  	[sflag:s10] =	ssyncset.done $0x0  }
0x56: {  	[sflag:s10] =	ssyncadd.s32 $0xFFFFEC00  }
0x57: {  	[spmem:s29] =	stream.linear.scatter [tilespmem:s9], [sflag:$0x2], $0x1400, $0x38;
	[tilespmem:$0x1E400] =	vst v63  }
0x58: {  	_ =	swait.ge [sflag:s10], $0x1400  }
0x59: {  	[sflag:s10] =	ssyncset.done $0x0  }
0x5a: {  	[sflag:s10] =	ssyncadd.s32 $0xFFFFEC00  }
0x5b: {  	[spmem:s30] =	stream.linear.scatter [tilespmem:s9], [sflag:$0x2], $0x1400, $0x38;
	[tilespmem:$0x1E400] =	vst v63  }
0x5c: {  	_ =	swait.ge [sflag:s10], $0x1400  }
0x5d: {  	[sflag:s10] =	ssyncset.done $0x0  }
0x5e: {  	[sflag:s10] =	ssyncadd.s32 $0xFFFFEC00  }
0x5f: {  	[spmem:s31] =	stream.linear.scatter [tilespmem:s9], [sflag:$0x2], $0x1400, $0x38;
	[tilespmem:$0x1E400] =	vst v63  }
0x60: {  	_ =	swait.ge [sflag:s10], $0x1400  }
0x61: {  	[sflag:s10] =	ssyncset.done $0x0  }
0x62: {  	[sflag:s10] =	ssyncadd.s32 $0xFFFFEC00  }
0x63: {  	[spmem:s17] =	stream.linear.scatter [tilespmem:s9], [sflag:$0x2], $0x1400, $0x38;
	[tilespmem:$0x1E400] =	vst v63  }
0x64: {  	_ =	swait.ge [sflag:s10], $0x1400  }
0x65: {  	[sflag:s10] =	ssyncset.done $0x0  }
0x66: {  	[sflag:s10] =	ssyncadd.s32 $0xFFFFEC00  }
0x67: {  	[spmem:s0] =	stream.linear.scatter [tilespmem:s9], [sflag:$0x2], $0x1400, $0x38;
	[tilespmem:$0x1E400] =	vst v63  }
0x68: {  	_ =	swait.ge [sflag:s10], $0x1400  }
0x69: {  	[sflag:s10] =	ssyncset.done $0x0  }
0x6a: {  	[sflag:s10] =	ssyncadd.s32 $0xFFFFEC00  }
0x6b: {  	[spmem:s2] =	stream.linear.scatter [tilespmem:s9], [sflag:$0x2], $0x1400, $0x38;
	[tilespmem:$0x1E400] =	vst v63  }
0x6c: {  	_ =	swait.ge [sflag:s10], $0x1400  }
0x6d: {  	[sflag:s10] =	ssyncset.done $0x0  }
0x6e: {  	[sflag:s10] =	ssyncadd.s32 $0xFFFFEC00  }
0x6f: {  	[spmem:s3] =	stream.linear.scatter [tilespmem:s9], [sflag:$0x2], $0x1400, $0x38;
	[tilespmem:$0x1E400] =	vst v63  }
0x70: {  	_ =	swait.ge [sflag:s10], $0x1400  }
0x71: {  	[sflag:s10] =	ssyncset.done $0x0  }
0x72: {  	[sflag:s10] =	ssyncadd.s32 $0xFFFFEC00  }
0x73: {  	[spmem:s4] =	stream.linear.scatter [tilespmem:s9], [sflag:$0x2], $0x1400, $0x38;
	[tilespmem:$0x1E400] =	vst v63  }
0x74: {  	_ =	swait.ge [sflag:s10], $0x1400  }
0x75: {  	[sflag:s10] =	ssyncset.done $0x0  }
0x76: {  	[sflag:s10] =	ssyncadd.s32 $0xFFFFEC00  }
0x77: {  	[spmem:s5] =	stream.linear.scatter [tilespmem:s9], [sflag:$0x2], $0x1400, $0x38;
	[tilespmem:$0x1E400] =	vst v63  }
0x78: {  	_ =	swait.ge [sflag:s10], $0x1400  }
0x79: {  	[sflag:s10] =	ssyncset.done $0x0  }
0x7a: {  	[sflag:s10] =	ssyncadd.s32 $0xFFFFEC00  }
0x7b: {  	[spmem:s6] =	stream.linear.scatter [tilespmem:s9], [sflag:$0x2], $0x1400, $0x38;
	[tilespmem:$0x1E400] =	vst v63  }
0x7c: {  	_ =	swait.ge [sflag:s10], $0x1400  }
0x7d: {  	s11 =	simm.s32 $0x0;
	[sflag:s10] =	ssyncset.done $0x0  }
0x7e: {  	s19 =	simm.s32 $0x19000;
	s7 =	rddreg [dreg:$0x16];
	[sflag:s10] =	ssyncadd.s32 $0xFFFFEC00  }
0x7f: {  	[tilespmem:s19], [sflag:$0x2] =	stream.linear.gather [hbm4b:s7+s11], $0x1388, $0x38;
	[tilespmem:$0x1E400] =	vst v63  }
0x80: {  	_ =	swait.ge [sflag:s10], $0x1388  }
0x81: {  	[sflag:s10] =	ssyncset.done $0x0  }
0x82: {  	s20 =	simm.s32 $0x1A400;
	s7 =	rddreg [dreg:$0x5];
	[sflag:s10] =	ssyncadd.s32 $0xFFFFEC78  }
0x83: {  	[tilespmem:s20], [sflag:$0x2] =	stream.linear.gather [hbm4b:s7+s11], $0x3E80, $0x38;
	[tilespmem:$0x1E400] =	vst v63  }
0x84: {  	_ =	swait.ge [sflag:s10], $0x3E80  }
0x85: {  	[sflag:s10] =	ssyncset.done $0x0  }
0x86: {  	[sflag:s10] =	ssyncadd.s32 $0xFFFFC180  }
0x87: {  	[bflag:$0x0] =	sbarrier.arrive $0xFFFF  }
0x88: {  	[tilespmem:s9], [sflag:$0x1] =	stream.indirect.gather [hbm4b:s21+s12], $0x80, s19, s12, $0xb8;
	[tilespmem:$0x1E400] =	vst v63  }
0x89: {  	s20 =	simm.s32 $0x19028  }
0x8a: {  	[tilespmem:s13], [sflag:$0x1] =	stream.indirect.gather [hbm4b:s21+s12], $0x80, s20, s12, $0xb8;
	[tilespmem:$0x1E400] =	vst v63  }
0x8b: {  	s11 =	simm.s32 $0x19050  }
0x8c: {  	[tilespmem:s14], [sflag:$0x1] =	stream.indirect.gather [hbm4b:s21+s12], $0x80, s11, s12, $0xb8;
	[tilespmem:$0x1E400] =	vst v63  }
0x8d: {  	s19 =	simm.s32 $0x19078  }
0x8e: {  	[tilespmem:s15], [sflag:$0x1] =	stream.indirect.gather [hbm4b:s21+s12], $0x80, s19, s12, $0xb8;
	[tilespmem:$0x1E400] =	vst v63  }
0x8f: {  	_ =	swait.ge [sflag:s16], $0x1400  }
0x90: {  	[sflag:s16] =	ssyncset.done $0x0  }
0x91: {  	s20 =	simm.s32 $0x1A400;
	[sflag:s16] =	ssyncadd.s32 $0xFFFFEC00  }
0x92: {  	[spmem:s18] =	stream.indirect.scatter.add.f32 [tilespmem:s9], [sflag:$0x2], $0x80, s20, s12, $0xb8;
	[tilespmem:$0x1E400] =	vst v63  }
0x93: {  	_ =	swait.ge [sflag:s10], $0x1400  }
0x94: {  	[sflag:s10] =	ssyncset.done $0x0  }
0x95: {  	s7 =	simm.s32 $0x190A0;
	[sflag:s10] =	ssyncadd.s32 $0xFFFFEC00  }
0x96: {  	[tilespmem:s9], [sflag:$0x1] =	stream.indirect.gather [hbm4b:s21+s12], $0x80, s7, s12, $0xb8;
	[tilespmem:$0x1E400] =	vst v63  }
0x97: {  	_ =	swait.ge [sflag:s16], $0x1400  }
0x98: {  	[sflag:s16] =	ssyncset.done $0x0  }
0x99: {  	s19 =	simm.s32 $0x1A480;
	[sflag:s16] =	ssyncadd.s32 $0xFFFFEC00  }
0x9a: {  	[spmem:s18] =	stream.indirect.scatter.add.f32 [tilespmem:s13], [sflag:$0x2], $0x80, s19, s12, $0xb8;
	[tilespmem:$0x1E400] =	vst v63  }
0x9b: {  	_ =	swait.ge [sflag:s10], $0x1400  }
0x9c: {  	[sflag:s10] =	ssyncset.done $0x0  }
0x9d: {  	s20 =	simm.s32 $0x190C8;
	[sflag:s10] =	ssyncadd.s32 $0xFFFFEC00  }
0x9e: {  	[tilespmem:s13], [sflag:$0x1] =	stream.indirect.gather [hbm4b:s21+s12], $0x80, s20, s12, $0xb8;
	[tilespmem:$0x1E400] =	vst v63  }
0x9f: {  	_ =	swait.ge [sflag:s16], $0x1400  }
0xa0: {  	[sflag:s16] =	ssyncset.done $0x0  }
0xa1: {  	s7 =	simm.s32 $0x1A500;
	[sflag:s16] =	ssyncadd.s32 $0xFFFFEC00  }
0xa2: {  	[spmem:s18] =	stream.indirect.scatter.add.f32 [tilespmem:s14], [sflag:$0x2], $0x80, s7, s12, $0xb8;
	[tilespmem:$0x1E400] =	vst v63  }
0xa3: {  	_ =	swait.ge [sflag:s10], $0x1400  }
0xa4: {  	[sflag:s10] =	ssyncset.done $0x0  }
0xa5: {  	s19 =	simm.s32 $0x190F0;
	[sflag:s10] =	ssyncadd.s32 $0xFFFFEC00  }
0xa6: {  	[tilespmem:s14], [sflag:$0x1] =	stream.indirect.gather [hbm4b:s21+s12], $0x80, s19, s12, $0xb8;
	[tilespmem:$0x1E400] =	vst v63  }
0xa7: {  	_ =	swait.ge [sflag:s16], $0x1400  }
0xa8: {  	[sflag:s16] =	ssyncset.done $0x0  }
0xa9: {  	s20 =	simm.s32 $0x1A580;
	[sflag:s16] =	ssyncadd.s32 $0xFFFFEC00  }
0xaa: {  	[spmem:s18] =	stream.indirect.scatter.add.f32 [tilespmem:s15], [sflag:$0x2], $0x80, s20, s12, $0xb8;
	[tilespmem:$0x1E400] =	vst v63  }
0xab: {  	_ =	swait.ge [sflag:s10], $0x1400  }
0xac: {  	s11 =	simm.s32 $0x19118;
	[sflag:s10] =	ssyncset.done $0x0  }
0xad: {  	s19 =	simm.s32 $0x280;
	s20 =	simm.s32 $0x1A780;
	[sflag:s10] =	ssyncadd.s32 $0xFFFFEC00  }
.LBB2_4:
0xae: {  	[tilespmem:s15], [sflag:$0x1] =	stream.indirect.gather [hbm4b:s21+s12], $0x80, s11, s12, $0xb8;
	[tilespmem:$0x1E400] =	vst v63  }
0xaf: {  	s11 =	smov.u32 s19  }
0xb0: {  	p0 =	sne.s32 s19, $0x4880;
	s19 =	sadd.s32 $0x280, s19;
	_ =	swait.ge [sflag:s16], $0x1400  }
0xb1: {  	[sflag:s16] =	ssyncset.done $0x0  }
0xb2: {  	s7 =	sadd.s32 $0xFFFFFE80, s20;
	[sflag:s16] =	ssyncadd.s32 $0xFFFFEC00  }
0xb3: {  	[spmem:s18] =	stream.indirect.scatter.add.f32 [tilespmem:s9], [sflag:$0x2], $0x80, s7, s12, $0xb8;
	[tilespmem:$0x1E400] =	vst v63  }
0xb4: {  	_ =	swait.ge [sflag:s10], $0x1400  }
0xb5: {  	s7 =	sshra.s32 s11, $0x2;
	[sflag:s10] =	ssyncset.done $0x0  }
0xb6: {  	s11 =	sadd.s32 $0x190A0, s7;
	[sflag:s10] =	ssyncadd.s32 $0xFFFFEC00  }
0xb7: {  	[tilespmem:s9], [sflag:$0x1] =	stream.indirect.gather [hbm4b:s21+s12], $0x80, s11, s12, $0xb8;
	[tilespmem:$0x1E400] =	vst v63  }
0xb8: {  	_ =	swait.ge [sflag:s16], $0x1400  }
0xb9: {  	[sflag:s16] =	ssyncset.done $0x0  }
0xba: {  	s11 =	sadd.s32 $0xFFFFFF00, s20;
	[sflag:s16] =	ssyncadd.s32 $0xFFFFEC00  }
0xbb: {  	[spmem:s18] =	stream.indirect.scatter.add.f32 [tilespmem:s13], [sflag:$0x2], $0x80, s11, s12, $0xb8;
	[tilespmem:$0x1E400] =	vst v63  }
0xbc: {  	_ =	swait.ge [sflag:s10], $0x1400  }
0xbd: {  	[sflag:s10] =	ssyncset.done $0x0  }
0xbe: {  	s11 =	sadd.s32 $0x190C8, s7;
	[sflag:s10] =	ssyncadd.s32 $0xFFFFEC00  }
0xbf: {  	[tilespmem:s13], [sflag:$0x1] =	stream.indirect.gather [hbm4b:s21+s12], $0x80, s11, s12, $0xb8;
	[tilespmem:$0x1E400] =	vst v63  }
0xc0: {  	_ =	swait.ge [sflag:s16], $0x1400  }
0xc1: {  	[sflag:s16] =	ssyncset.done $0x0  }
0xc2: {  	s11 =	sadd.s32 $0xFFFFFF80, s20;
	[sflag:s16] =	ssyncadd.s32 $0xFFFFEC00  }
0xc3: {  	[spmem:s18] =	stream.indirect.scatter.add.f32 [tilespmem:s14], [sflag:$0x2], $0x80, s11, s12, $0xb8;
	[tilespmem:$0x1E400] =	vst v63  }
0xc4: {  	_ =	swait.ge [sflag:s10], $0x1400  }
0xc5: {  	[sflag:s10] =	ssyncset.done $0x0  }
0xc6: {  	s11 =	sadd.s32 $0x190F0, s7;
	[sflag:s10] =	ssyncadd.s32 $0xFFFFEC00  }
0xc7: {  	[tilespmem:s14], [sflag:$0x1] =	stream.indirect.gather [hbm4b:s21+s12], $0x80, s11, s12, $0xb8;
	[tilespmem:$0x1E400] =	vst v63  }
0xc8: {  	_ =	swait.ge [sflag:s16], $0x1400  }
0xc9: {  	[sflag:s16] =	ssyncset.done $0x0  }
.Ltmp1:
0xca: {  	[sflag:s16] =	ssyncadd.s32 $0xFFFFEC00;
	(pc) =	sbr.rel @p0 .LBB2_4-.Ltmp1, $4  }
0xcb: {  	[spmem:s18] =	stream.indirect.scatter.add.f32 [tilespmem:s15], [sflag:$0x2], $0x80, s20, s12, $0xb8;
	[tilespmem:$0x1E400] =	vst v63  }
0xcc: {  	_ =	swait.ge [sflag:s10], $0x1400  }
0xcd: {  	[sflag:s10] =	ssyncset.done $0x0  }
0xce: {  	s11 =	sadd.s32 $0x19118, s7;
	s20 =	sadd.s32 $0x200, s20;
	[sflag:s10] =	ssyncadd.s32 $0xFFFFEC00  }
0xcf: {  	[tilespmem:s15], [sflag:$0x1] =	stream.indirect.gather [hbm4b:s21+s12], $0x80, s11, s12, $0xb8;
	[tilespmem:$0x1E400] =	vst v63  }
0xd0: {  	_ =	swait.ge [sflag:s16], $0x1400  }
0xd1: {  	[sflag:s16] =	ssyncset.done $0x0  }
0xd2: {  	s7 =	simm.s32 $0x1E000;
	[sflag:s16] =	ssyncadd.s32 $0xFFFFEC00  }
0xd3: {  	[spmem:s18] =	stream.indirect.scatter.add.f32 [tilespmem:s9], [sflag:$0x2], $0x80, s7, s12, $0xb8;
	[tilespmem:$0x1E400] =	vst v63  }
0xd4: {  	_ =	swait.ge [sflag:s10], $0x1400  }
0xd5: {  	[sflag:s10] =	ssyncset.done $0x0  }
0xd6: {  	[sflag:s10] =	ssyncadd.s32 $0xFFFFEC00  }
0xd7: {  	_ =	swait.ge [sflag:s16], $0x1400  }
0xd8: {  	[sflag:s16] =	ssyncset.done $0x0  }
0xd9: {  	s11 =	simm.s32 $0x1E080;
	[sflag:s16] =	ssyncadd.s32 $0xFFFFEC00  }
0xda: {  	[spmem:s18] =	stream.indirect.scatter.add.f32 [tilespmem:s13], [sflag:$0x2], $0x80, s11, s12, $0xb8;
	[tilespmem:$0x1E400] =	vst v63  }
0xdb: {  	_ =	swait.ge [sflag:s10], $0x1400  }
0xdc: {  	[sflag:s10] =	ssyncset.done $0x0  }
0xdd: {  	[sflag:s10] =	ssyncadd.s32 $0xFFFFEC00  }
0xde: {  	_ =	swait.ge [sflag:s16], $0x1400  }
0xdf: {  	[sflag:s16] =	ssyncset.done $0x0  }
0xe0: {  	s19 =	simm.s32 $0x1E100;
	[sflag:s16] =	ssyncadd.s32 $0xFFFFEC00  }
0xe1: {  	[spmem:s18] =	stream.indirect.scatter.add.f32 [tilespmem:s14], [sflag:$0x2], $0x80, s19, s12, $0xb8;
	[tilespmem:$0x1E400] =	vst v63  }
0xe2: {  	_ =	swait.ge [sflag:s10], $0x1400  }
0xe3: {  	[sflag:s10] =	ssyncset.done $0x0  }
0xe4: {  	[sflag:s10] =	ssyncadd.s32 $0xFFFFEC00  }
0xe5: {  	_ =	swait.ge [sflag:s16], $0x1400  }
0xe6: {  	[sflag:s16] =	ssyncset.done $0x0  }
0xe7: {  	s20 =	simm.s32 $0x1E180;
	[sflag:s16] =	ssyncadd.s32 $0xFFFFEC00  }
0xe8: {  	[spmem:s18] =	stream.indirect.scatter.add.f32 [tilespmem:s15], [sflag:$0x2], $0x80, s20, s12, $0xb8;
	[tilespmem:$0x1E400] =	vst v63  }
0xe9: {  	_ =	swait.ge [sflag:s10], $0x1400  }
0xea: {  	[sflag:s10] =	ssyncset.done $0x0  }
0xeb: {  	s11 =	simm.s32 $0x1A360;
	[sflag:s10] =	ssyncadd.s32 $0xFFFFEC00  }
0xec: {  	[tilespmem:s9], [sflag:$0x1] =	stream.indirect.gather [hbm4b:s21+s12], $0x80, s11, s12, $0xb8;
	[tilespmem:$0x1E400] =	vst v63  }
0xed: {  	_ =	swait.ge [sflag:s16], $0x1400  }
0xee: {  	[sflag:s16] =	ssyncset.done $0x0  }
0xef: {  	s19 =	simm.s32 $0x1E200;
	[sflag:s16] =	ssyncadd.s32 $0xFFFFEC00  }
0xf0: {  	[spmem:s18] =	stream.indirect.scatter.add.f32 [tilespmem:s9], [sflag:$0x2], $0x80, s19, s12, $0xb8;
	[tilespmem:$0x1E400] =	vst v63  }
0xf1: {  	_ =	swait.ge [sflag:s10], $0x1400  }
0xf2: {  	[sflag:s10] =	ssyncset.done $0x0  }
0xf3: {  	s20 =	stileid.u32;
	[sflag:s10] =	ssyncadd.s32 $0xFFFFEC00  }
0xf4: {  	s7 =	sshll.u32 s20, $0x6;
	[bflag:$0x0] =	sbarrier.arrive $0xFFFF  }
0xf5: {  	s11 =	sshrl.u32 s22, $0x3;
	s19 =	sor.u32 $0x1C02, s7;
	s20 =	rddreg [dreg:$0x6]  }
0xf6: {  	[hbm:s20], [sflag:s19] =	dma.local [spmem:s11], $0x280  }
0xf7: {  	_ =	swait.ge [sflag:s10], $0x280  }
0xf8: {  	[sflag:s10] =	ssyncset.done $0x0  }
0xf9: {  	s11 =	sshrl.u32 s23, $0x3;
	s20 =	rddreg [dreg:$0x7];
	[sflag:s10] =	ssyncadd.s32 $0xFFFFFD80  }
0xfa: {  	[hbm:s20], [sflag:s19] =	dma.local [spmem:s11], $0x280  }
0xfb: {  	_ =	swait.ge [sflag:s10], $0x280  }
0xfc: {  	[sflag:s10] =	ssyncset.done $0x0  }
0xfd: {  	s11 =	sshrl.u32 s24, $0x3;
	s20 =	rddreg [dreg:$0x8];
	[sflag:s10] =	ssyncadd.s32 $0xFFFFFD80  }
0xfe: {  	[hbm:s20], [sflag:s19] =	dma.local [spmem:s11], $0x280  }
0xff: {  	_ =	swait.ge [sflag:s10], $0x280  }
0x100: {  	[sflag:s10] =	ssyncset.done $0x0  }
0x101: {  	s11 =	sshrl.u32 s25, $0x3;
	s20 =	rddreg [dreg:$0x9];
	[sflag:s10] =	ssyncadd.s32 $0xFFFFFD80  }
0x102: {  	[hbm:s20], [sflag:s19] =	dma.local [spmem:s11], $0x280  }
0x103: {  	_ =	swait.ge [sflag:s10], $0x280  }
0x104: {  	[sflag:s10] =	ssyncset.done $0x0  }
0x105: {  	s11 =	sshrl.u32 s26, $0x3;
	s20 =	rddreg [dreg:$0xa];
	[sflag:s10] =	ssyncadd.s32 $0xFFFFFD80  }
0x106: {  	[hbm:s20], [sflag:s19] =	dma.local [spmem:s11], $0x280  }
0x107: {  	_ =	swait.ge [sflag:s10], $0x280  }
0x108: {  	[sflag:s10] =	ssyncset.done $0x0  }
0x109: {  	s11 =	sshrl.u32 s28, $0x3;
	s20 =	rddreg [dreg:$0xb];
	[sflag:s10] =	ssyncadd.s32 $0xFFFFFD80  }
0x10a: {  	[hbm:s20], [sflag:s19] =	dma.local [spmem:s11], $0x280  }
0x10b: {  	_ =	swait.ge [sflag:s10], $0x280  }
0x10c: {  	[sflag:s10] =	ssyncset.done $0x0  }
0x10d: {  	s11 =	sshrl.u32 s29, $0x3;
	s20 =	rddreg [dreg:$0xc];
	[sflag:s10] =	ssyncadd.s32 $0xFFFFFD80  }
0x10e: {  	[hbm:s20], [sflag:s19] =	dma.local [spmem:s11], $0x280  }
0x10f: {  	_ =	swait.ge [sflag:s10], $0x280  }
0x110: {  	[sflag:s10] =	ssyncset.done $0x0  }
0x111: {  	s11 =	sshrl.u32 s30, $0x3;
	s20 =	rddreg [dreg:$0xd];
	[sflag:s10] =	ssyncadd.s32 $0xFFFFFD80  }
0x112: {  	[hbm:s20], [sflag:s19] =	dma.local [spmem:s11], $0x280  }
0x113: {  	_ =	swait.ge [sflag:s10], $0x280  }
0x114: {  	[sflag:s10] =	ssyncset.done $0x0  }
0x115: {  	s11 =	sshrl.u32 s31, $0x3;
	s20 =	rddreg [dreg:$0xe];
	[sflag:s10] =	ssyncadd.s32 $0xFFFFFD80  }
0x116: {  	[hbm:s20], [sflag:s19] =	dma.local [spmem:s11], $0x280  }
0x117: {  	_ =	swait.ge [sflag:s10], $0x280  }
0x118: {  	[sflag:s10] =	ssyncset.done $0x0  }
0x119: {  	s11 =	sshrl.u32 s17, $0x3;
	s20 =	rddreg [dreg:$0xf];
	[sflag:s10] =	ssyncadd.s32 $0xFFFFFD80  }
0x11a: {  	[hbm:s20], [sflag:s19] =	dma.local [spmem:s11], $0x280  }
0x11b: {  	_ =	swait.ge [sflag:s10], $0x280  }
0x11c: {  	[sflag:s10] =	ssyncset.done $0x0  }
0x11d: {  	s11 =	sshrl.u32 s0, $0x3;
	s20 =	rddreg [dreg:$0x10];
	[sflag:s10] =	ssyncadd.s32 $0xFFFFFD80  }
0x11e: {  	[hbm:s20], [sflag:s19] =	dma.local [spmem:s11], $0x280  }
0x11f: {  	_ =	swait.ge [sflag:s10], $0x280  }
0x120: {  	[sflag:s10] =	ssyncset.done $0x0  }
0x121: {  	s11 =	sshrl.u32 s2, $0x3;
	s20 =	rddreg [dreg:$0x11];
	[sflag:s10] =	ssyncadd.s32 $0xFFFFFD80  }
0x122: {  	[hbm:s20], [sflag:s19] =	dma.local [spmem:s11], $0x280  }
0x123: {  	_ =	swait.ge [sflag:s10], $0x280  }
0x124: {  	[sflag:s10] =	ssyncset.done $0x0  }
0x125: {  	s11 =	sshrl.u32 s3, $0x3;
	s20 =	rddreg [dreg:$0x12];
	[sflag:s10] =	ssyncadd.s32 $0xFFFFFD80  }
0x126: {  	[hbm:s20], [sflag:s19] =	dma.local [spmem:s11], $0x280  }
0x127: {  	_ =	swait.ge [sflag:s10], $0x280  }
0x128: {  	[sflag:s10] =	ssyncset.done $0x0  }
0x129: {  	s11 =	sshrl.u32 s4, $0x3;
	s20 =	rddreg [dreg:$0x13];
	[sflag:s10] =	ssyncadd.s32 $0xFFFFFD80  }
0x12a: {  	[hbm:s20], [sflag:s19] =	dma.local [spmem:s11], $0x280  }
0x12b: {  	_ =	swait.ge [sflag:s10], $0x280  }
0x12c: {  	[sflag:s10] =	ssyncset.done $0x0  }
0x12d: {  	s11 =	sshrl.u32 s5, $0x3;
	s20 =	rddreg [dreg:$0x14];
	[sflag:s10] =	ssyncadd.s32 $0xFFFFFD80  }
0x12e: {  	[hbm:s20], [sflag:s19] =	dma.local [spmem:s11], $0x280  }
0x12f: {  	s1 =	sadd.s32 $0x1, s1;
	_ =	swait.ge [sflag:s10], $0x280  }
0x130: {  	p0 =	sne.s32 s1, s8;
	s11 =	sshrl.u32 s6, $0x3;
	[sflag:s10] =	ssyncset.done $0x0  }
.Ltmp2:
0x131: {  	s20 =	rddreg [dreg:$0x15];
	[sflag:s10] =	ssyncadd.s32 $0xFFFFFD80;
	(pc) =	sbr.rel @p0 .LBB2_1-.Ltmp2, $4  }
0x132: {  	[hbm:s20], [sflag:s19] =	dma.local [spmem:s11], $0x280  }
0x133: {  	_ =	swait.ge [sflag:s10], $0x280  }
0x134: {  	[sflag:s10] =	ssyncset.done $0x0  }
0x135: {  	[sflag:s10] =	ssyncadd.s32 $0xFFFFFD80  }
0x136: {  	_ =	sfence.sel $0x180000  }
0x137: {  	[bflag:$0x0] =	sbarrier.arrive $0xFFFF  }
0x138: {  	_ =	strace $0x9000004D  }
0x139: {  	s0 =	stileid.u32;
	[bflag:$0x2] =	sbarrier.arrive $0xFFFF  }
0x13a: {  	p0 =	sne.s32 s0, $0x0;
	s0 =	rddreg [dreg:$0x4]  }
0x13b: {  	s0 =	sadd.s32 @!p0 $0x100000, s0  }
0x13c: {  	[sflag:s0] =	ssyncadd.tile.s32 @!p0 $0x1;
	_ =	shalt  }
.Lfunc_end2:
_tile_overlayer_lowered:
.L_overlay_start_2:
0x13d: {  	(tag) =	ssettag $0x2  }
0x13e: {  	s0 =	rddreg [dreg:$0x0];
	s2 =	stileid.u32  }
0x13f: {  	s1 =	rddreg [dreg:$0x1];
	p0 =	sne.s32 s2, $0x0  }
0x140: {  	s3 =	rddreg [dreg:$0x2];
	[bflag:$0x3] =	sbarrier.arrive $0xFFFF;
	s2 =	simm.s32 @!p0 $0x1C02  }
0x141: {  	[timem:s3], [sflag:s2] =	dma.local @!p0 [hbm:s0], s1  }
0x142: {  	s0 =	simm.s32 @!p0 $0x2  }
0x143: {  	_ =	swait.ge @!p0 [sflag:s0], s1  }
0x144: {  	s1 =	ssub.s32 @!p0 $0x0, s1;
	[sflag:s0] =	ssyncset.done @!p0 $0x0  }
0x145: {  	[sflag:s0] =	ssyncadd.s32 @!p0 s1  }
0x146: {  	[bflag:$0x3] =	sbarrier.arrive $0xFFFF  }
0x147: {  	_ =	shalt  }

// kernel: kernel.8.cloned.1.call-start
scs
__scs_entry_jumppad:
0x0: {  	(pc) =	sbr.rel $0x88, $3  }
0x1: {  	(tag) =	ssettag $0x0;
	lr =	simm.s32 $0x1  }
0x2: {  	[smem:$0x3F92] =	sst lr;
	_ =	strace $0xD0000000  }
0x3: {  	_ = 	snop  }
0x4: {  	_ = 	snop  }
0x5: {  	_ = 	snop  }
0x6: {  	_ = 	snop  }
0x7: {  	_ = 	snop  }
__scs_overlays_trampoline_lowered:
0x8: {  	[smem:$0x3FA1] =	sst s0  }
0x9: {  	[smem:$0x3FA2] =	sst s1  }
0xa: {  	[smem:$0x3FA3] =	sst s2  }
0xb: {  	[smem:$0x3FA4] =	sst s3  }
0xc: {  	[smem:$0x3FA5] =	sst s4  }
0xd: {  	[smem:$0x3FA6] =	sst s5  }
0xe: {  	[smem:$0x3FA7] =	sst s6  }
0xf: {  	[smem:$0x3FA8] =	sst s7  }
0x10: {  	[smem:$0x3FA9] =	sst s8  }
0x11: {  	[smem:$0x3FAA] =	sst s9;
	s0 =	simm.s32 @!p0 $0x0  }
0x12: {  	s1 =	sld [smem:$0x3F90];
	s0 =	simm.s32 @p0 $0x1  }
0x13: {  	[smem:$0x3FAB] =	sst s0;
	s0 =	simm.s32 @!p1 $0x0  }
0x14: {  	s2 =	sld [smem:$0x3F8F];
	s0 =	simm.s32 @p1 $0x1  }
0x15: {  	[smem:$0x3FAC] =	sst s0;
	s0 =	simm.s32 @!p2 $0x0  }
0x16: {  	s3 =	sld [smem:$0x3FDB];
	s0 =	simm.s32 @p2 $0x1  }
0x17: {  	s4 =	simm.s32 $0x1BF5;
	[smem:$0x3FAE] =	sst s0  }
0x18: {  	s0 =	sld [smem:$0x3F91];
	_ =	swait.ge [sflag:s4], $0x0  }
0x19: {  	s7 =	sld [smem:$0x3F92]  }
0x1a: {  	s8 =	sadd.s32 $0xFFFFE003, lr  }
0x1b: {  	s9 =	sadd.s32 $0xFFFFFEF7, lr;
	s5 =	simm.s32 $0xFFFFFFFF;
	p2 =	slt.u32 s8, $0xFFFFF086  }
0x1c: {  	p1 =	slt.u32 s9, $0xF7A;
	s5 =	simm.s32 @!p2 $0x0  }
0x1d: {  	s5 =	simm.s32 @p1 $0x1;
	p0 =	seq.s32 s7, s2  }
0x1e: {  	s7 =	smul.u32 @!p0 $0xF7A, s2;
	p2 =	seq.s32 @!p0 s5, $0x0  }
0x1f: {  	s9 =	smul.u32 $0xF7A, s1;
	s8 =	simm.s32 @!p0 $0x1BF5;
	p2 =	por !p2, p0  }
0x20: {  	[sflag:s8] =	ssyncset.s32 @!p0 $0xFFFFF086;
	s6 =	sadd.s32 @!p0 s3, s7;
	s7 =	simm.s32 @!p0 $0x108  }
0x21: {  	s3 =	sadd.s32 s3, s9;
	s6 =	sadd.s32 @!p0 $0x88, s6;
	s7 =	simm.s32 @p2 $0x1082  }
0x22: {  	[simem:s7], [sflag:s8] =	dma.local @!p0 [hbm:s6], $0xF7A  }
0x23: {  	s9 =	sor.u32 $0xD0000000, s2;
	s6 =	simm.s32 $0x108;
	_ =	swait.ge @!p0 [sflag:s8], $0x0  }
0x24: {  	s3 =	sadd.s32 $0x88, s3;
	s6 =	simm.s32 @!p1 $0x1082;
	[sflag:s4] =	ssyncset.s32 $0xFFFFF086  }
0x25: {  	[simem:s6], [sflag:s4] =	dma.local [hbm:s3], $0xF7A  }
0x26: {  	[smem:$0x3F92] =	sst s1;
	(tag) =	ssettag s2;
	_ =	strace s9  }
0x27: {  	s1 =	sld [smem:$0x3FA2]  }
0x28: {  	s2 =	sld [smem:$0x3FA3]  }
0x29: {  	s4 =	sld [smem:$0x3FA5]  }
0x2a: {  	p0 =	seq.s32 s5, $0x0;
	s5 =	sld [smem:$0x3FA6]  }
0x2b: {  	s6 =	sld [smem:$0x3FA7]  }
0x2c: {  	s7 =	sld [smem:$0x3FA8]  }
0x2d: {  	s3 =	simm.s32 $0x108;
	s8 =	sld [smem:$0x3FA9]  }
0x2e: {  	s3 =	simm.s32 @!p0 $0x1082;
	s9 =	sld [smem:$0x3FAA]  }
0x2f: {  	lr =	sadd.s32 s0, s3;
	s0 =	sld [smem:$0x3FA1]  }
0x30: {  	s3 =	sld [smem:$0x3FA4]  }
0x31: {  	[smem:$0x3FAD] =	sst s10  }
0x32: {  	s10 =	sld [smem:$0x3FAB];
	_ =	sdelay $0x3  }
0x33: {  	p0 =	seq.s32 s10, $0x1;
	s10 =	sld [smem:$0x3FAD];
	_ =	sdelay $0x3  }
0x34: {  	[smem:$0x3FAD] =	sst s10  }
0x35: {  	s10 =	sld [smem:$0x3FAC];
	_ =	sdelay $0x3  }
0x36: {  	p1 =	seq.s32 s10, $0x1;
	s10 =	sld [smem:$0x3FAD];
	_ =	sdelay $0x3  }
0x37: {  	[smem:$0x3FAD] =	sst s10  }
0x38: {  	s10 =	sld [smem:$0x3FAE]  }
0x39: {  	_ = 	snop;
	(pc) =	sbr.ind lr, $3  }
0x3a: {  	_ = 	snop  }
0x3b: {  	_ = 	snop  }
0x3c: {  	p2 =	seq.s32 s10, $0x1;
	s10 =	sld [smem:$0x3FAD]  }
0x3d: {  	_ =	shalt  }
0x3e: {  	_ =	shalt  }
0x3f: {  	_ =	shalt  }
0x40: {  	_ =	shalt  }
0x41: {  	_ =	shalt  }
0x42: {  	_ =	shalt  }
0x43: {  	_ =	shalt  }
0x44: {  	_ =	shalt  }
0x45: {  	_ =	shalt  }
0x46: {  	_ =	shalt  }
0x47: {  	_ =	shalt  }
0x48: {  	_ =	shalt  }
0x49: {  	_ =	shalt  }
0x4a: {  	_ =	shalt  }
0x4b: {  	_ =	shalt  }
0x4c: {  	_ =	shalt  }
0x4d: {  	_ =	shalt  }
0x4e: {  	_ =	shalt  }
0x4f: {  	_ =	shalt  }
0x50: {  	_ =	shalt  }
0x51: {  	_ =	shalt  }
0x52: {  	_ =	shalt  }
0x53: {  	_ =	shalt  }
0x54: {  	_ =	shalt  }
0x55: {  	_ =	shalt  }
0x56: {  	_ =	shalt  }
0x57: {  	_ =	shalt  }
0x58: {  	_ =	shalt  }
0x59: {  	_ =	shalt  }
0x5a: {  	_ =	shalt  }
0x5b: {  	_ =	shalt  }
0x5c: {  	_ =	shalt  }
0x5d: {  	_ =	shalt  }
0x5e: {  	_ =	shalt  }
0x5f: {  	_ =	shalt  }
0x60: {  	_ =	shalt  }
0x61: {  	_ =	shalt  }
0x62: {  	_ =	shalt  }
0x63: {  	_ =	shalt  }
0x64: {  	_ =	shalt  }
0x65: {  	_ =	shalt  }
0x66: {  	_ =	shalt  }
0x67: {  	_ =	shalt  }
0x68: {  	_ =	shalt  }
0x69: {  	_ =	shalt  }
0x6a: {  	_ =	shalt  }
0x6b: {  	_ =	shalt  }
0x6c: {  	_ =	shalt  }
0x6d: {  	_ =	shalt  }
0x6e: {  	_ =	shalt  }
0x6f: {  	_ =	shalt  }
0x70: {  	_ =	shalt  }
0x71: {  	_ =	shalt  }
0x72: {  	_ =	shalt  }
0x73: {  	_ =	shalt  }
0x74: {  	_ =	shalt  }
0x75: {  	_ =	shalt  }
0x76: {  	_ =	shalt  }
0x77: {  	_ =	shalt  }
0x78: {  	_ =	shalt  }
0x79: {  	_ =	shalt  }
0x7a: {  	_ =	shalt  }
0x7b: {  	_ =	shalt  }
0x7c: {  	_ =	shalt  }
0x7d: {  	_ =	shalt  }
0x7e: {  	_ =	shalt  }
0x7f: {  	_ =	shalt  }
0x80: {  	_ =	shalt  }
0x81: {  	_ =	shalt  }
0x82: {  	_ =	shalt  }
0x83: {  	_ =	shalt  }
0x84: {  	_ =	shalt  }
0x85: {  	_ =	shalt  }
0x86: {  	_ =	shalt  }
0x87: {  	_ =	shalt  }
.Lfunc_end0:
.L_simem_size_0:
called_computation_lowered:
.L_overlay_start_0:
0x88: {  	s2 =	sld [smem:$0x3FD9]  }
0x89: {  	s3 =	sld [smem:$0x3FFE];
	_ =	sdelay $0x1  }
0x8a: {  	s1 =	srdreg.scid  }
0x8b: {  	s0 =	sand.u32 $0x1, s1  }
0x8c: {  	s15 =	sshll.u32 s0, $0xA;
	s2 =	sadd.s32 s3, s2  }
0x8d: {  	s2 =	sadd.s32 s2, s15  }
0x8e: {  	[smem:$0x3FB9] =	sst s2  }
0x8f: {  	_ = 	snop  }
0x90: {  	s2 =	sld [smem:$0x3FD0];
	_ =	sdelay $0x2  }
0x91: {  	s4 =	simm.s32 $0xB;
	s16 =	simm.s32 $0x10  }
0x92: {  	[smem:s16], [sflag:s4] =	dma.local [hbm:s2], $0x1  }
0x93: {  	_ =	swait.eq [sflag:s4], $0x1  }
0x94: {  	[sflag:s4] =	ssyncset.done $0x0  }
0x95: {  	s17 =	sld [smem:$0x10];
	[sflag:s4] =	ssyncadd.s32 $0xFFFFFFFF  }
0x96: {  	s18 =	sld [smem:$0x11];
	(tm) =	ssettm $0x1  }
0x97: {  	s19 =	sld [smem:$0x3FFB];
	_ =	sdelay $0x3  }
0x98: {  	_ =	strace s19  }
0x99: {  	s2 =	sld [smem:$0x3FFC];
	_ =	sdelay $0x3  }
0x9a: {  	_ =	strace s2  }
0x9b: {  	s2 =	sld [smem:$0x3FFD];
	_ =	sdelay $0x3  }
0x9c: {  	_ =	strace s2  }
0x9d: {  	_ =	strace $0x8FFFFFFF  }
0x9e: {  	s20 =	sld [smem:$0x3FDB];
	_ =	sdelay $0x1  }
0x9f: {  	s5 =	simm.s32 $_scs_section_size  }
0xa0: {  	s6 =	simm.s32 $_size__tile_overlayer_lowered;
	s7 =	simm.s32 $_tile_overlayer_lowered  }
0xa1: {  	s8 =	simm.s32 $0x1BFF;
	s21 =	sshll.u32 s7, $0x1;
	s5 =	sadd.s32 s5, s20  }
0xa2: {  	s22 =	simm.s32 $0x0;
	s6 =	sshll.u32 s6, $0x1;
	s7 =	sadd.s32 s21, s5  }
0xa3: {  	[timem:s22], [sflag:s8] =	dma.local [hbm:s7], s6  }
0xa4: {  	_ =	swait.ge [sflag:s8], s6  }
0xa5: {  	s6 =	ssub.s32 $0x0, s6;
	[sflag:s8] =	ssyncset.done $0x0  }
0xa6: {  	[sflag:s8] =	ssyncadd.s32 s6;
	_ =	sdelay $0x1  }
0xa7: {  	s23 =	simm.s32 $0x1B8B  }
0xa8: {  	_ =	swait.ge [sflag:s23], $0x1  }
0xa9: {  	[sflag:s23] =	ssyncset.done $0x0  }
0xaa: {  	[sflag:s23] =	ssyncadd.s32 $0xFFFFFFFF  }
0xab: {  	s6 =	sld [smem:$0x0]  }
0xac: {  	s7 =	sand.u32 $0xFFFFFFFE, s1  }
0xad: {  	p0 =	sne.s32 s1, s7  }
0xae: {  	s7 =	sshll.u32 @p0 s7, $0xE  }
0xaf: {  	s7 =	sadd.s32 @p0 $0x11B8D, s7;
	s8 =	sshll.u32 @p0 s6, $0x11  }
0xb0: {  	s7 =	sor.u32 @p0 s8, s7  }
0xb1: {  	[sflag:s7] =	ssyncadd.remote.s32 @p0 $0x1;
	_ =	sdelay $0x1  }
0xb2: {  	s7 =	simm.s32 @p0 $0x1B8D  }
0xb3: {  	_ =	swait.eq @p0 [sflag:s7], $0x1  }
0xb4: {  	[sflag:s7] =	ssyncadd.s32 @p0 $0xFFFFFFFF  }
0xb5: {  	s8 =	sshll.u32 @!p0 s1, $0xE  }
0xb6: {  	s8 =	sor.u32 @!p0 $0x4000, s8;
	s7 =	simm.s32 @!p0 $0x1B8D  }
0xb7: {  	s6 =	sshll.u32 @!p0 s6, $0x11;
	s8 =	sadd.s32 @!p0 $0x11B8D, s8;
	_ =	swait.eq @!p0 [sflag:s7], $0x1  }
0xb8: {  	s6 =	sor.u32 @!p0 s6, s8;
	[sflag:s7] =	ssyncadd.s32 @!p0 $0xFFFFFFFF  }
0xb9: {  	s25 =	simm.s32 $0x1B8E;
	s24 =	sld [smem:$0x3FFE];
	[sflag:s6] =	ssyncadd.remote.s32 @!p0 $0x1  }
0xba: {  	s26 =	simm.s32 $execute0_lowered;
	[smem:$0x3FD2] =	sst s25  }
0xbb: {  	s7 =	sshll.u32 s26, $0x1;
	_ =	strace $0x80000049;
	[dreg:$0x1] =	wrdreg $0xFFFFFFFF  }
0xbc: {  	s28 =	simm.s32 $_size_execute0_lowered;
	s5 =	sadd.s32 s5, s7;
	[dreg:$0x0] =	wrdreg $0x0  }
0xbd: {  	s7 =	sshll.u32 s28, $0x1;
	[dreg:$0x2] =	wrdreg s5  }
0xbe: {  	[dreg:$0x3] =	wrdreg s7  }
0xbf: {  	[dreg:$0x4] =	wrdreg $0xC0  }
0xc0: {  	_ =	task [dreg:s22], $0x5FFFF  }
0xc1: {  	[dreg:$0x1] =	wrdreg $0xFFFFFFFF  }
0xc2: {  	[dreg:$0x0] =	wrdreg $0x60  }
0xc3: {  	[dreg:$0x2] =	wrdreg s18  }
0xc4: {  	[dreg:$0x3] =	wrdreg s17  }
0xc5: {  	[dreg:$0x4] =	wrdreg s24  }
0xc6: {  	[dreg:$0x5] =	wrdreg $0x0  }
0xc7: {  	[dreg:$0x6] =	wrdreg $0x9  }
0xc8: {  	_ =	task.clear_ibuf [dreg:s22], $0x7FFFF;
	_ =	strace $0x90000049  }
0xc9: {  	s29 =	simm.s32 $0x9;
	_ =	strace $0x8000004B  }
0xca: {  	_ =	swait.ge [sflag:s29], $0x1  }
0xcb: {  	[sflag:s29] =	ssyncadd.s32 $0xFFFFFFFF  }
0xcc: {  	_ =	strace $0x9000004B  }
0xcd: {  	_ =	sfence  }
0xce: {  	s30 =	sld [smem:$0x0];
	_ =	sdelay $0x2  }
0xcf: {  	s31 =	sshll.u32 s1, $0xD;
	s1 =	sshrl.u32 s1, $0x2  }
0xd0: {  	s4 =	sand.u32 $0x4000, s31;
	s1 =	sadd.s32 s1, s30  }
0xd1: {  	s0 =	sor.u32 s4, s0;
	s1 =	sshll.u32 s1, $0x11  }
0xd2: {  	s0 =	sor.u32 s1, s0  }
0xd3: {  	s0 =	sadd.s32 $0x8F2B, s0  }
0xd4: {  	[sflag:s0] =	ssyncadd.remote.s32 $0x1  }
0xd5: {  	_ =	sfence.sel $0xFFFF  }
0xd6: {  	[dreg:$0x0] =	wrdreg $0xFFFFFFFF;
	(pc) =	sbr.abs _section_cstart, $3  }
0xd7: {  	[dreg:$0x1] =	wrdreg $0xFFFFFFFF  }
0xd8: {  	_ =	task.clear_ibuf [dreg:s22], $0x2FFFF;
	_ =	strace $0x9FFFFFFF  }
0xd9: {  	(tm) =	ssettm $0x7FFFFFFF  }
tec
execute0_lowered:
.L_overlay_start_1:
0x0: {  	(tag) =	ssettag $0x1  }
0x1: {  	s17 =	rddreg [dreg:$0x1]  }
0x2: {  	s0 =	srdreg.scid;
	s2 =	rddreg [dreg:$0x2]  }
0x3: {  	s1 =	simm.s32 $0x0;
	s23 =	stileid.u32;
	s7 =	sand.u32 $0x1, s0  }
0x4: {  	[smem:$0x7FF] =	sst s1;
	s20 =	smul.u32 $0x14000, s23;
	s22 =	sshll.u32 s23, $0x1  }
0x5: {  	s18 =	sadd.s32 $0x57E00, s2;
	s0 =	ssub.s32 $0x2, s7;
	s6 =	sor.u32 s7, s22  }
0x6: {  	s21 =	smul.u32 $0x140000, s7;
	s3 =	sshrl.u32 s0, $0x1;
	s2 =	sor.u32 $0x2800, s20  }
0x7: {  	s5 =	sadd.s32 $0x5000, s20;
	s8 =	sadd.s32 $0x6400, s20;
	s10 =	sadd.s32 $0x7800, s20  }
0x8: {  	s11 =	sadd.s32 $0x8C00, s20;
	s12 =	sadd.s32 $0xA000, s20;
	s13 =	sadd.s32 $0xB400, s20  }
0x9: {  	s14 =	sadd.s32 $0xC800, s20;
	s15 =	sadd.s32 $0xDC00, s20;
	s16 =	sadd.s32 $0xF000, s20  }
0xa: {  	s4 =	sadd.s32 $0x10400, s20;
	s19 =	sadd.s32 $0x11800, s20;
	s7 =	sadd.s32 $0x12C00, s20  }
0xb: {  	s22 =	sshll.u32 s6, $0xB;
	s9 =	ssub.s32 s0, s3;
	s0 =	sor.u32 $0x1400, s20  }
0xc: {  	s3 =	sor.u32 $0x3C00, s20;
	s17 =	sadd.s32 s17, s22;
	s24 =	sadd.s32 s20, s21  }
0xd: {  	s26 =	sadd.s32 s21, s2;
	[dreg:$0x5] =	wrdreg s17;
	s25 =	sadd.s32 s21, s0  }
0xe: {  	s17 =	sshrl.u32 s24, $0x3;
	s22 =	sshrl.u32 s26, $0x3;
	s24 =	sadd.s32 s21, s3  }
0xf: {  	s26 =	sadd.s32 s21, s8;
	s20 =	sshrl.u32 s25, $0x3;
	s17 =	sadd.s32 s18, s17  }
0x10: {  	s25 =	sadd.s32 s21, s5;
	[dreg:$0x6] =	wrdreg s17;
	s20 =	sadd.s32 s18, s20  }
0x11: {  	s17 =	sadd.s32 s18, s22;
	s22 =	sshrl.u32 s26, $0x3;
	[dreg:$0x7] =	wrdreg s20  }
0x12: {  	s26 =	sadd.s32 s21, s12;
	[dreg:$0x8] =	wrdreg s17;
	s17 =	sshrl.u32 s24, $0x3  }
0x13: {  	s20 =	sshrl.u32 s25, $0x3;
	s24 =	sadd.s32 s21, s10;
	s17 =	sadd.s32 s18, s17  }
0x14: {  	s25 =	sadd.s32 s21, s11;
	s20 =	sadd.s32 s18, s20;
	[dreg:$0x9] =	wrdreg s17  }
0x15: {  	[dreg:$0xa] =	wrdreg s20;
	s17 =	sadd.s32 s18, s22;
	s20 =	sshrl.u32 s25, $0x3  }
0x16: {  	s22 =	sshrl.u32 s26, $0x3;
	s25 =	sadd.s32 s21, s14;
	s26 =	sadd.s32 s21, s15  }
0x17: {  	[dreg:$0xb] =	wrdreg s17;
	s17 =	sshrl.u32 s24, $0x3;
	s20 =	sadd.s32 s18, s20  }
0x18: {  	s24 =	sadd.s32 s21, s13;
	s17 =	sadd.s32 s18, s17;
	[dreg:$0xd] =	wrdreg s20  }
0x19: {  	s20 =	sshrl.u32 s25, $0x3;
	s25 =	sadd.s32 s21, s4;
	[dreg:$0xc] =	wrdreg s17  }
0x1a: {  	s17 =	sadd.s32 s18, s22;
	s20 =	sadd.s32 s18, s20;
	s22 =	sshrl.u32 s26, $0x3  }
0x1b: {  	s26 =	sadd.s32 s21, s19;
	[dreg:$0xe] =	wrdreg s17;
	s17 =	sshrl.u32 s24, $0x3  }
0x1c: {  	[dreg:$0x10] =	wrdreg s20;
	s24 =	sadd.s32 s21, s16;
	s17 =	sadd.s32 s18, s17  }
0x1d: {  	s20 =	sshrl.u32 s25, $0x3;
	[dreg:$0xf] =	wrdreg s17;
	s17 =	sadd.s32 s18, s22  }
0x1e: {  	s20 =	sadd.s32 s18, s20;
	[dreg:$0x11] =	wrdreg s17;
	s17 =	sshrl.u32 s24, $0x3  }
0x1f: {  	s21 =	sadd.s32 s21, s7;
	[dreg:$0x13] =	wrdreg s20;
	s17 =	sadd.s32 s18, s17  }
0x20: {  	s25 =	smul.u32 $0x50000, s23;
	s24 =	sshrl.u32 s26, $0x3;
	[dreg:$0x12] =	wrdreg s17  }
0x21: {  	s21 =	sshrl.u32 s21, $0x3;
	s20 =	sadd.s32 s18, s24;
	s17 =	rddreg [dreg:$0x0]  }
0x22: {  	s23 =	smul.u32 $0x13880, s6;
	s18 =	sadd.s32 s18, s21;
	[dreg:$0x14] =	wrdreg s20  }
0x23: {  	s6 =	smul.u32 $0x1388, s6;
	s26 =	sshrl.u32 s25, $0x2;
	[dreg:$0x15] =	wrdreg s18  }
0x24: {  	s24 =	smax.u32 s9, $0x1;
	s20 =	rddreg [dreg:$0x3];
	_ =	strace $0x8000004A  }
0x25: {  	s21 =	sadd.s32 s26, s20;
	s22 =	sadd.s32 s0, s20;
	s18 =	sadd.s32 s2, s20  }
0x26: {  	s25 =	sadd.s32 s3, s20;
	s26 =	sadd.s32 s5, s20;
	s28 =	sadd.s32 s8, s20  }
0x27: {  	s29 =	sadd.s32 s10, s20;
	s30 =	sadd.s32 s11, s20;
	s31 =	sadd.s32 s12, s20  }
0x28: {  	s0 =	sadd.s32 s14, s20;
	s2 =	sadd.s32 s15, s20;
	s3 =	sadd.s32 s16, s20  }
0x29: {  	s4 =	sadd.s32 s4, s20;
	s5 =	sadd.s32 s19, s20;
	s7 =	sadd.s32 s7, s20  }
0x2a: {  	s8 =	sadd.s32 s17, s23;
	[dreg:$0x18] =	wrdreg s24;
	s10 =	sadd.s32 $0x50, s6  }
0x2b: {  	s11 =	simm.s32 $0x14000;
	s12 =	simm.s32 $0x2;
	s14 =	simm.s32 $0x16800  }
0x2c: {  	s15 =	simm.s32 $0x1;
	s16 =	simm.s32 $0x28;
	[dreg:$0x16] =	wrdreg s18  }
0x2d: {  	v0 =	vimm.f32 $0.0e+00;
	v1 =	vimm.f32 $1.000000000e+00;
	s18 =	sadd.s32 s13, s20;
	[dreg:$0x17] =	wrdreg s8;
	s13 =	simm.s32 $0x15400  }
.LBB2_1:
0x2e: {  	s8 =	simm.s32 $0x0;
	s19 =	simm.s32 $0x200  }
.LBB2_2:
0x2f: {  	p0 =	sne.s32 s19, $0x4E00;
	[tilespmem:s8+$0x14070] =	vst v0  }
0x30: {  	[tilespmem:s8+$0x14000] =	vst v0  }
0x31: {  	[tilespmem:s8+$0x14010] =	vst v0  }
.Ltmp0:
0x32: {  	[tilespmem:s8+$0x14020] =	vst v0;
	(pc) =	sbr.rel @p0 .LBB2_2-.Ltmp0, $4  }
0x33: {  	[tilespmem:s8+$0x14030] =	vst v0  }
0x34: {  	[tilespmem:s8+$0x14040] =	vst v0  }
0x35: {  	[tilespmem:s8+$0x14050] =	vst v0  }
0x36: {  	[tilespmem:s8+$0x14060] =	vst v0;
	s8 =	sshra.s32 s19, $0x2;
	s19 =	sadd.s32 $0x200, s19  }
0x37: {  	[tilespmem:s8+$0x14070] =	vst v0  }
0x38: {  	[tilespmem:s8+$0x14000] =	vst v0  }
0x39: {  	[tilespmem:s8+$0x14010] =	vst v0  }
0x3a: {  	[tilespmem:s8+$0x14020] =	vst v0  }
0x3b: {  	[tilespmem:s8+$0x14030] =	vst v0  }
0x3c: {  	[tilespmem:s8+$0x14040] =	vst v0  }
0x3d: {  	[tilespmem:s8+$0x14050] =	vst v0  }
0x3e: {  	[tilespmem:s8+$0x14060] =	vst v0  }
0x3f: {  	[spmem:s21] =	stream.linear.scatter [tilespmem:s11], [sflag:$0x2], $0x1400, $0x38;
	[tilespmem:$0x1BC00] =	vst v63  }
0x40: {  	_ =	swait.ge [sflag:s12], $0x1400  }
0x41: {  	[sflag:s12] =	ssyncset.done $0x0  }
0x42: {  	[sflag:s12] =	ssyncadd.s32 $0xFFFFEC00  }
0x43: {  	[spmem:s22] =	stream.linear.scatter [tilespmem:s11], [sflag:$0x2], $0x1400, $0x38;
	[tilespmem:$0x1BC00] =	vst v63  }
0x44: {  	_ =	swait.ge [sflag:s12], $0x1400  }
0x45: {  	[sflag:s12] =	ssyncset.done $0x0  }
0x46: {  	s19 =	rddreg [dreg:$0x16];
	[sflag:s12] =	ssyncadd.s32 $0xFFFFEC00  }
0x47: {  	[spmem:s19] =	stream.linear.scatter [tilespmem:s11], [sflag:$0x2], $0x1400, $0x38;
	[tilespmem:$0x1BC00] =	vst v63  }
0x48: {  	_ =	swait.ge [sflag:s12], $0x1400  }
0x49: {  	[sflag:s12] =	ssyncset.done $0x0  }
0x4a: {  	[sflag:s12] =	ssyncadd.s32 $0xFFFFEC00  }
0x4b: {  	[spmem:s25] =	stream.linear.scatter [tilespmem:s11], [sflag:$0x2], $0x1400, $0x38;
	[tilespmem:$0x1BC00] =	vst v63  }
0x4c: {  	_ =	swait.ge [sflag:s12], $0x1400  }
0x4d: {  	[sflag:s12] =	ssyncset.done $0x0  }
0x4e: {  	[sflag:s12] =	ssyncadd.s32 $0xFFFFEC00  }
0x4f: {  	[spmem:s26] =	stream.linear.scatter [tilespmem:s11], [sflag:$0x2], $0x1400, $0x38;
	[tilespmem:$0x1BC00] =	vst v63  }
0x50: {  	_ =	swait.ge [sflag:s12], $0x1400  }
0x51: {  	[sflag:s12] =	ssyncset.done $0x0  }
0x52: {  	[sflag:s12] =	ssyncadd.s32 $0xFFFFEC00  }
0x53: {  	[spmem:s28] =	stream.linear.scatter [tilespmem:s11], [sflag:$0x2], $0x1400, $0x38;
	[tilespmem:$0x1BC00] =	vst v63  }
0x54: {  	_ =	swait.ge [sflag:s12], $0x1400  }
0x55: {  	[sflag:s12] =	ssyncset.done $0x0  }
0x56: {  	[sflag:s12] =	ssyncadd.s32 $0xFFFFEC00  }
0x57: {  	[spmem:s29] =	stream.linear.scatter [tilespmem:s11], [sflag:$0x2], $0x1400, $0x38;
	[tilespmem:$0x1BC00] =	vst v63  }
0x58: {  	_ =	swait.ge [sflag:s12], $0x1400  }
0x59: {  	[sflag:s12] =	ssyncset.done $0x0  }
0x5a: {  	[sflag:s12] =	ssyncadd.s32 $0xFFFFEC00  }
0x5b: {  	[spmem:s30] =	stream.linear.scatter [tilespmem:s11], [sflag:$0x2], $0x1400, $0x38;
	[tilespmem:$0x1BC00] =	vst v63  }
0x5c: {  	_ =	swait.ge [sflag:s12], $0x1400  }
0x5d: {  	[sflag:s12] =	ssyncset.done $0x0  }
0x5e: {  	[sflag:s12] =	ssyncadd.s32 $0xFFFFEC00  }
0x5f: {  	[spmem:s31] =	stream.linear.scatter [tilespmem:s11], [sflag:$0x2], $0x1400, $0x38;
	[tilespmem:$0x1BC00] =	vst v63  }
0x60: {  	_ =	swait.ge [sflag:s12], $0x1400  }
0x61: {  	[sflag:s12] =	ssyncset.done $0x0  }
0x62: {  	[sflag:s12] =	ssyncadd.s32 $0xFFFFEC00  }
0x63: {  	[spmem:s18] =	stream.linear.scatter [tilespmem:s11], [sflag:$0x2], $0x1400, $0x38;
	[tilespmem:$0x1BC00] =	vst v63  }
0x64: {  	_ =	swait.ge [sflag:s12], $0x1400  }
0x65: {  	[sflag:s12] =	ssyncset.done $0x0  }
0x66: {  	[sflag:s12] =	ssyncadd.s32 $0xFFFFEC00  }
0x67: {  	[spmem:s0] =	stream.linear.scatter [tilespmem:s11], [sflag:$0x2], $0x1400, $0x38;
	[tilespmem:$0x1BC00] =	vst v63  }
0x68: {  	_ =	swait.ge [sflag:s12], $0x1400  }
0x69: {  	[sflag:s12] =	ssyncset.done $0x0  }
0x6a: {  	[sflag:s12] =	ssyncadd.s32 $0xFFFFEC00  }
0x6b: {  	[spmem:s2] =	stream.linear.scatter [tilespmem:s11], [sflag:$0x2], $0x1400, $0x38;
	[tilespmem:$0x1BC00] =	vst v63  }
0x6c: {  	_ =	swait.ge [sflag:s12], $0x1400  }
0x6d: {  	[sflag:s12] =	ssyncset.done $0x0  }
0x6e: {  	[sflag:s12] =	ssyncadd.s32 $0xFFFFEC00  }
0x6f: {  	[spmem:s3] =	stream.linear.scatter [tilespmem:s11], [sflag:$0x2], $0x1400, $0x38;
	[tilespmem:$0x1BC00] =	vst v63  }
0x70: {  	_ =	swait.ge [sflag:s12], $0x1400  }
0x71: {  	[sflag:s12] =	ssyncset.done $0x0  }
0x72: {  	[sflag:s12] =	ssyncadd.s32 $0xFFFFEC00  }
0x73: {  	[spmem:s4] =	stream.linear.scatter [tilespmem:s11], [sflag:$0x2], $0x1400, $0x38;
	[tilespmem:$0x1BC00] =	vst v63  }
0x74: {  	_ =	swait.ge [sflag:s12], $0x1400  }
0x75: {  	[sflag:s12] =	ssyncset.done $0x0  }
0x76: {  	[sflag:s12] =	ssyncadd.s32 $0xFFFFEC00  }
0x77: {  	[spmem:s5] =	stream.linear.scatter [tilespmem:s11], [sflag:$0x2], $0x1400, $0x38;
	[tilespmem:$0x1BC00] =	vst v63  }
0x78: {  	_ =	swait.ge [sflag:s12], $0x1400  }
0x79: {  	[sflag:s12] =	ssyncset.done $0x0  }
0x7a: {  	[sflag:s12] =	ssyncadd.s32 $0xFFFFEC00  }
0x7b: {  	[spmem:s7] =	stream.linear.scatter [tilespmem:s11], [sflag:$0x2], $0x1400, $0x38;
	[tilespmem:$0x1BC00] =	vst v63  }
0x7c: {  	_ =	swait.ge [sflag:s12], $0x1400  }
0x7d: {  	[sflag:s12] =	ssyncset.done $0x0  }
0x7e: {  	[sflag:s12] =	ssyncadd.s32 $0xFFFFEC00  }
0x7f: {  	[tilespmem:$0x14010] =	vst v1  }
0x80: {  	[tilespmem:$0x14090] =	vst v1  }
0x81: {  	[tilespmem:$0x14110] =	vst v1  }
0x82: {  	[tilespmem:$0x14190] =	vst v1  }
0x83: {  	[tilespmem:$0x14210] =	vst v1  }
0x84: {  	[tilespmem:$0x14290] =	vst v1  }
0x85: {  	[tilespmem:$0x14310] =	vst v1  }
0x86: {  	[tilespmem:$0x14390] =	vst v1  }
0x87: {  	[tilespmem:$0x14410] =	vst v1  }
0x88: {  	[tilespmem:$0x14490] =	vst v1  }
0x89: {  	[tilespmem:$0x14510] =	vst v1  }
0x8a: {  	[tilespmem:$0x14590] =	vst v1  }
0x8b: {  	[tilespmem:$0x14610] =	vst v1  }
0x8c: {  	[tilespmem:$0x14690] =	vst v1  }
0x8d: {  	[tilespmem:$0x14710] =	vst v1  }
0x8e: {  	[tilespmem:$0x14790] =	vst v1  }
0x8f: {  	[tilespmem:$0x14810] =	vst v1  }
0x90: {  	[tilespmem:$0x14890] =	vst v1  }
0x91: {  	[tilespmem:$0x14910] =	vst v1  }
0x92: {  	[tilespmem:$0x14990] =	vst v1  }
0x93: {  	[tilespmem:$0x14A10] =	vst v1  }
0x94: {  	[tilespmem:$0x14A90] =	vst v1  }
0x95: {  	[tilespmem:$0x14B10] =	vst v1  }
0x96: {  	[tilespmem:$0x14B90] =	vst v1  }
0x97: {  	[tilespmem:$0x14C10] =	vst v1  }
0x98: {  	[tilespmem:$0x14C90] =	vst v1  }
0x99: {  	[tilespmem:$0x14D10] =	vst v1  }
0x9a: {  	[tilespmem:$0x14D90] =	vst v1  }
0x9b: {  	[tilespmem:$0x14E10] =	vst v1  }
0x9c: {  	[tilespmem:$0x14E90] =	vst v1  }
0x9d: {  	[tilespmem:$0x14F10] =	vst v1  }
0x9e: {  	[tilespmem:$0x14F90] =	vst v1  }
0x9f: {  	[tilespmem:$0x15010] =	vst v1  }
0xa0: {  	[tilespmem:$0x15090] =	vst v1  }
0xa1: {  	[tilespmem:$0x15110] =	vst v1  }
0xa2: {  	[tilespmem:$0x15190] =	vst v1  }
0xa3: {  	[tilespmem:$0x15210] =	vst v1  }
0xa4: {  	[tilespmem:$0x15290] =	vst v1  }
0xa5: {  	s23 =	smov.u32 s21;
	[tilespmem:$0x15310] =	vst v1  }
0xa6: {  	s9 =	simm.s32 $0x17C00;
	s19 =	simm.s32 $0x0;
	s21 =	rddreg [dreg:$0x5];
	[tilespmem:$0x15390] =	vst v1  }
0xa7: {  	[tilespmem:s9], [sflag:$0x2] =	stream.linear.gather [hbm4b:s21+s19], $0x3E80, $0x38;
	[tilespmem:$0x1BC00] =	vst v63  }
0xa8: {  	_ =	swait.ge [sflag:s12], $0x3E80  }
0xa9: {  	[sflag:s12] =	ssyncset.done $0x0  }
0xaa: {  	[sflag:s12] =	ssyncadd.s32 $0xFFFFC180  }
0xab: {  	[bflag:$0x0] =	sbarrier.arrive $0xFFFF  }
0xac: {  	s24 =	smov.u32 s22;
	s21 =	simm.s32 $0x0;
	s22 =	rddreg [dreg:$0x17]  }
0xad: {  	[tilespmem:s13], [sflag:$0x1] =	stream.linear.gather [hbm4b:s22+s19], $0x1400, $0x38;
	[tilespmem:$0x1BC00] =	vst v63  }
.LBB2_4:
0xae: {  	s8 =	sshllo.u32 s21, $0x1  }
0xaf: {  	s9 =	smul.u32 $0x28, s8;
	_ =	sdelay $0x1  }
0xb0: {  	s9 =	sadd.s32 s6, s9  }
0xb1: {  	s9 =	sshll.u32 s9, $0x4  }
0xb2: {  	s9 =	sadd.s32 s17, s9  }
0xb3: {  	[tilespmem:s14], [sflag:$0x1] =	stream.linear.gather [hbm4b:s9+s19], $0x1400, $0x38;
	[tilespmem:$0x1BC00] =	vst v63  }
0xb4: {  	_ =	swait.ge [sflag:s15], $0x1400  }
0xb5: {  	[sflag:s15] =	ssyncset.done $0x0  }
0xb6: {  	s9 =	simm.s32 $0x0;
	[sflag:s15] =	ssyncadd.s32 $0xFFFFEC00  }
0xb7: {  	s22 =	simm.s32 $0x200;
	v2 =	vld [tilespmem:s9+$0x15400]  }
.LBB2_5:
0xb8: {  	p0 =	sne.s32 s22, $0x4E00  }
.Ltmp1:
0xb9: {  	_ = 	snop;
	(pc) =	sbr.rel @p0 .LBB2_5-.Ltmp1, $3  }
0xba: {  	_ =	sdelay $0x1  }
0xbb: {  	[tilespmem:s9+$0x14000] =	vst v2;
	s9 =	sshra.s32 s22, $0x2;
	s22 =	sadd.s32 $0x200, s22  }
0xbc: {  	v2 =	vld [tilespmem:s9+$0x15400]  }
0xbd: {  	_ =	sdelay $0x1  }
0xbe: {  	s22 =	sshll.u32 s21, $0x8  }
0xbf: {  	s22 =	sand.u32 $0x3FFFFF00, s22  }
0xc0: {  	[tilespmem:s9+$0x14000] =	vst v2;
	s9 =	sadd.s32 $0x17C00, s22;
	s22 =	smul.u32 $0x50, s21  }
0xc1: {  	[spmem:s20] =	stream.indirect.scatter.add.f32 [tilespmem:s11], [sflag:$0x2], $0x80, s9, s16, $0xb8;
	[tilespmem:$0x1BC00] =	vst v63  }
0xc2: {  	_ =	swait.ge [sflag:s12], $0x1400;
	s22 =	sadd.s32 s22, s10  }
0xc3: {  	[sflag:s12] =	ssyncset.done $0x0;
	s9 =	sshll.u32 s22, $0x4  }
0xc4: {  	s22 =	simm.s32 $0x0;
	[sflag:s12] =	ssyncadd.s32 $0xFFFFEC00;
	s9 =	sadd.s32 s17, s9  }
0xc5: {  	[tilespmem:s13], [sflag:$0x1] =	stream.linear.gather [hbm4b:s9+s22], $0x1400, $0x38;
	[tilespmem:$0x1BC00] =	vst v63  }
0xc6: {  	_ =	swait.ge [sflag:s15], $0x1400  }
0xc7: {  	[sflag:s15] =	ssyncset.done $0x0  }
0xc8: {  	s9 =	simm.s32 $0x0;
	[sflag:s15] =	ssyncadd.s32 $0xFFFFEC00  }
0xc9: {  	s22 =	simm.s32 $0x200;
	v2 =	vld [tilespmem:s9+$0x16800]  }
.LBB2_7:
0xca: {  	p0 =	sne.s32 s22, $0x4E00  }
.Ltmp2:
0xcb: {  	_ = 	snop;
	(pc) =	sbr.rel @p0 .LBB2_7-.Ltmp2, $3  }
0xcc: {  	_ =	sdelay $0x1  }
0xcd: {  	[tilespmem:s9+$0x14000] =	vst v2;
	s9 =	sshra.s32 s22, $0x2;
	s22 =	sadd.s32 $0x200, s22  }
0xce: {  	v2 =	vld [tilespmem:s9+$0x16800]  }
0xcf: {  	_ =	sdelay $0x1  }
0xd0: {  	s8 =	sshll.u32 s8, $0x7;
	s21 =	sadd.s32 $0x1, s21  }
0xd1: {  	s8 =	sand.u32 $0x3FFFFF80, s8;
	p0 =	sne.s32 s21, $0x3E  }
.Ltmp3:
0xd2: {  	s8 =	sadd.s32 $0x17C00, s8;
	[tilespmem:s9+$0x14000] =	vst v2;
	(pc) =	sbr.rel @p0 .LBB2_4-.Ltmp3, $4  }
0xd3: {  	[spmem:s20] =	stream.indirect.scatter.add.f32 [tilespmem:s11], [sflag:$0x2], $0x80, s8, s16, $0xb8;
	[tilespmem:$0x1BC00] =	vst v63  }
0xd4: {  	_ =	swait.ge [sflag:s12], $0x1400  }
0xd5: {  	[sflag:s12] =	ssyncset.done $0x0  }
0xd6: {  	[sflag:s12] =	ssyncadd.s32 $0xFFFFEC00  }
0xd7: {  	_ =	swait.ge [sflag:s15], $0x1400  }
0xd8: {  	[sflag:s15] =	ssyncset.done $0x0  }
0xd9: {  	s8 =	simm.s32 $0x0;
	[sflag:s15] =	ssyncadd.s32 $0xFFFFEC00  }
0xda: {  	s9 =	simm.s32 $0x200;
	v2 =	vld [tilespmem:s8+$0x15400]  }
.LBB2_10:
0xdb: {  	p0 =	sne.s32 s9, $0x4E00  }
.Ltmp4:
0xdc: {  	_ = 	snop;
	(pc) =	sbr.rel @p0 .LBB2_10-.Ltmp4, $3  }
0xdd: {  	_ =	sdelay $0x1  }
0xde: {  	[tilespmem:s8+$0x14000] =	vst v2;
	s8 =	sshra.s32 s9, $0x2;
	s9 =	sadd.s32 $0x200, s9  }
0xdf: {  	v2 =	vld [tilespmem:s8+$0x15400]  }
0xe0: {  	_ =	sdelay $0x3  }
0xe1: {  	s19 =	simm.s32 $0x1BA00;
	[tilespmem:s8+$0x14000] =	vst v2  }
0xe2: {  	[spmem:s20] =	stream.indirect.scatter.add.f32 [tilespmem:s11], [sflag:$0x2], $0x80, s19, s16, $0xb8;
	[tilespmem:$0x1BC00] =	vst v63  }
0xe3: {  	_ =	swait.ge [sflag:s12], $0x1400  }
0xe4: {  	[sflag:s12] =	ssyncset.done $0x0  }
0xe5: {  	s21 =	stileid.u32;
	[sflag:s12] =	ssyncadd.s32 $0xFFFFEC00  }
0xe6: {  	s8 =	sshll.u32 s21, $0x6;
	[bflag:$0x0] =	sbarrier.arrive $0xFFFF  }
0xe7: {  	s22 =	sshrl.u32 s23, $0x3;
	s19 =	sor.u32 $0x1C02, s8;
	s9 =	rddreg [dreg:$0x6]  }
0xe8: {  	[hbm:s9], [sflag:s19] =	dma.local [spmem:s22], $0x280  }
0xe9: {  	_ =	swait.ge [sflag:s12], $0x280  }
0xea: {  	s21 =	smov.u32 s23;
	s23 =	sshrl.u32 s24, $0x3;
	[sflag:s12] =	ssyncset.done $0x0  }
0xeb: {  	s22 =	smov.u32 s24;
	s24 =	rddreg [dreg:$0x7];
	[sflag:s12] =	ssyncadd.s32 $0xFFFFFD80  }
0xec: {  	[hbm:s24], [sflag:s19] =	dma.local [spmem:s23], $0x280  }
0xed: {  	_ =	swait.ge [sflag:s12], $0x280  }
0xee: {  	[sflag:s12] =	ssyncset.done $0x0;
	s23 =	rddreg [dreg:$0x16]  }
0xef: {  	s24 =	rddreg [dreg:$0x8];
	[sflag:s12] =	ssyncadd.s32 $0xFFFFFD80;
	s8 =	sshrl.u32 s23, $0x3  }
0xf0: {  	[hbm:s24], [sflag:s19] =	dma.local [spmem:s8], $0x280  }
0xf1: {  	_ =	swait.ge [sflag:s12], $0x280  }
0xf2: {  	[sflag:s12] =	ssyncset.done $0x0  }
0xf3: {  	s23 =	sshrl.u32 s25, $0x3;
	s24 =	rddreg [dreg:$0x9];
	[sflag:s12] =	ssyncadd.s32 $0xFFFFFD80  }
0xf4: {  	[hbm:s24], [sflag:s19] =	dma.local [spmem:s23], $0x280  }
0xf5: {  	_ =	swait.ge [sflag:s12], $0x280  }
0xf6: {  	[sflag:s12] =	ssyncset.done $0x0  }
0xf7: {  	s23 =	sshrl.u32 s26, $0x3;
	s24 =	rddreg [dreg:$0xa];
	[sflag:s12] =	ssyncadd.s32 $0xFFFFFD80  }
0xf8: {  	[hbm:s24], [sflag:s19] =	dma.local [spmem:s23], $0x280  }
0xf9: {  	_ =	swait.ge [sflag:s12], $0x280  }
0xfa: {  	[sflag:s12] =	ssyncset.done $0x0  }
0xfb: {  	s23 =	sshrl.u32 s28, $0x3;
	s24 =	rddreg [dreg:$0xb];
	[sflag:s12] =	ssyncadd.s32 $0xFFFFFD80  }
0xfc: {  	[hbm:s24], [sflag:s19] =	dma.local [spmem:s23], $0x280  }
0xfd: {  	_ =	swait.ge [sflag:s12], $0x280  }
0xfe: {  	[sflag:s12] =	ssyncset.done $0x0  }
0xff: {  	s23 =	sshrl.u32 s29, $0x3;
	s24 =	rddreg [dreg:$0xc];
	[sflag:s12] =	ssyncadd.s32 $0xFFFFFD80  }
0x100: {  	[hbm:s24], [sflag:s19] =	dma.local [spmem:s23], $0x280  }
0x101: {  	_ =	swait.ge [sflag:s12], $0x280  }
0x102: {  	[sflag:s12] =	ssyncset.done $0x0  }
0x103: {  	s23 =	sshrl.u32 s30, $0x3;
	s24 =	rddreg [dreg:$0xd];
	[sflag:s12] =	ssyncadd.s32 $0xFFFFFD80  }
0x104: {  	[hbm:s24], [sflag:s19] =	dma.local [spmem:s23], $0x280  }
0x105: {  	_ =	swait.ge [sflag:s12], $0x280  }
0x106: {  	[sflag:s12] =	ssyncset.done $0x0  }
0x107: {  	s23 =	sshrl.u32 s31, $0x3;
	s24 =	rddreg [dreg:$0xe];
	[sflag:s12] =	ssyncadd.s32 $0xFFFFFD80  }
0x108: {  	[hbm:s24], [sflag:s19] =	dma.local [spmem:s23], $0x280  }
0x109: {  	_ =	swait.ge [sflag:s12], $0x280  }
0x10a: {  	[sflag:s12] =	ssyncset.done $0x0  }
0x10b: {  	s23 =	sshrl.u32 s18, $0x3;
	s24 =	rddreg [dreg:$0xf];
	[sflag:s12] =	ssyncadd.s32 $0xFFFFFD80  }
0x10c: {  	[hbm:s24], [sflag:s19] =	dma.local [spmem:s23], $0x280  }
0x10d: {  	_ =	swait.ge [sflag:s12], $0x280  }
0x10e: {  	[sflag:s12] =	ssyncset.done $0x0  }
0x10f: {  	s23 =	sshrl.u32 s0, $0x3;
	s24 =	rddreg [dreg:$0x10];
	[sflag:s12] =	ssyncadd.s32 $0xFFFFFD80  }
0x110: {  	[hbm:s24], [sflag:s19] =	dma.local [spmem:s23], $0x280  }
0x111: {  	_ =	swait.ge [sflag:s12], $0x280  }
0x112: {  	[sflag:s12] =	ssyncset.done $0x0  }
0x113: {  	s23 =	sshrl.u32 s2, $0x3;
	s24 =	rddreg [dreg:$0x11];
	[sflag:s12] =	ssyncadd.s32 $0xFFFFFD80  }
0x114: {  	[hbm:s24], [sflag:s19] =	dma.local [spmem:s23], $0x280  }
0x115: {  	_ =	swait.ge [sflag:s12], $0x280  }
0x116: {  	[sflag:s12] =	ssyncset.done $0x0  }
0x117: {  	s23 =	sshrl.u32 s3, $0x3;
	s24 =	rddreg [dreg:$0x12];
	[sflag:s12] =	ssyncadd.s32 $0xFFFFFD80  }
0x118: {  	[hbm:s24], [sflag:s19] =	dma.local [spmem:s23], $0x280  }
0x119: {  	_ =	swait.ge [sflag:s12], $0x280  }
0x11a: {  	[sflag:s12] =	ssyncset.done $0x0  }
0x11b: {  	s23 =	sshrl.u32 s4, $0x3;
	s24 =	rddreg [dreg:$0x13];
	[sflag:s12] =	ssyncadd.s32 $0xFFFFFD80  }
0x11c: {  	[hbm:s24], [sflag:s19] =	dma.local [spmem:s23], $0x280  }
0x11d: {  	_ =	swait.ge [sflag:s12], $0x280  }
0x11e: {  	[sflag:s12] =	ssyncset.done $0x0  }
0x11f: {  	s23 =	sshrl.u32 s5, $0x3;
	s24 =	rddreg [dreg:$0x14];
	[sflag:s12] =	ssyncadd.s32 $0xFFFFFD80  }
0x120: {  	[hbm:s24], [sflag:s19] =	dma.local [spmem:s23], $0x280  }
0x121: {  	_ =	swait.ge [sflag:s12], $0x280  }
0x122: {  	[sflag:s12] =	ssyncset.done $0x0  }
0x123: {  	s9 =	sshrl.u32 s7, $0x3;
	s23 =	rddreg [dreg:$0x15];
	[sflag:s12] =	ssyncadd.s32 $0xFFFFFD80  }
0x124: {  	[hbm:s23], [sflag:s19] =	dma.local [spmem:s9], $0x280  }
0x125: {  	_ =	swait.ge [sflag:s12], $0x280  }
0x126: {  	s1 =	sadd.s32 $0x1, s1;
	s24 =	rddreg [dreg:$0x18]  }
0x127: {  	p0 =	sne.s32 s1, s24  }
.Ltmp5:
0x128: {  	_ = 	snop;
	(pc) =	sbr.rel @p0 .LBB2_1-.Ltmp5, $3  }
0x129: {  	_ =	sdelay $0x1  }
0x12a: {  	[sflag:s12] =	ssyncset.done $0x0  }
0x12b: {  	[sflag:s12] =	ssyncadd.s32 $0xFFFFFD80  }
0x12c: {  	_ =	sfence.sel $0x180000  }
0x12d: {  	[bflag:$0x0] =	sbarrier.arrive $0xFFFF  }
0x12e: {  	_ =	strace $0x9000004A  }
0x12f: {  	s0 =	stileid.u32;
	[bflag:$0x2] =	sbarrier.arrive $0xFFFF  }
0x130: {  	p0 =	sne.s32 s0, $0x0;
	s0 =	rddreg [dreg:$0x4]  }
0x131: {  	s0 =	sadd.s32 @!p0 $0x100000, s0  }
0x132: {  	[sflag:s0] =	ssyncadd.tile.s32 @!p0 $0x1;
	_ =	shalt  }
.Lfunc_end2:
_tile_overlayer_lowered:
.L_overlay_start_2:
0x133: {  	(tag) =	ssettag $0x2  }
0x134: {  	s0 =	rddreg [dreg:$0x0];
	s2 =	stileid.u32  }
0x135: {  	s1 =	rddreg [dreg:$0x1];
	p0 =	sne.s32 s2, $0x0  }
0x136: {  	s3 =	rddreg [dreg:$0x2];
	[bflag:$0x3] =	sbarrier.arrive $0xFFFF;
	s2 =	simm.s32 @!p0 $0x1C02  }
0x137: {  	[timem:s3], [sflag:s2] =	dma.local @!p0 [hbm:s0], s1  }
0x138: {  	s0 =	simm.s32 @!p0 $0x2  }
0x139: {  	_ =	swait.ge @!p0 [sflag:s0], s1  }
0x13a: {  	s1 =	ssub.s32 @!p0 $0x0, s1;
	[sflag:s0] =	ssyncset.done @!p0 $0x0  }
0x13b: {  	[sflag:s0] =	ssyncadd.s32 @!p0 s1  }
0x13c: {  	[bflag:$0x3] =	sbarrier.arrive $0xFFFF  }
0x13d: {  	_ =	shalt  }

</sc_bundles>
